<compile_context>
chip_gen: v7x
topology: tpu7x:2x2x1
jax: 0.10.2.dev20260603
libtpu: 0.0.44.dev20260713+nightly
codegen_flags: <defaults>
</compile_context>

<pallas_src>
import functools
import math

import jax
import jax.numpy as jnp
from jax import lax
from jax.experimental import pallas as pl
from jax.experimental.pallas import tpu as pltpu
from jax.experimental.pallas import tpu_sc as plsc

B, C, H, W = 8, 3, 256, 256
NCH = B * C
N = H * W
NB = 8192
VMAX = 6.6
SCALE = NB / VMAX
BINW = VMAX / NB
WIN = 4096
NWIN = N // WIN
WROWS = WIN // 128
L = 16
COS02 = math.cos(0.2 * math.pi)
COS03 = math.cos(0.3 * math.pi)


_NROW = 16


def _blocked_scan(tab, nelem, zero, inclusive, bias):
    row = nelem // _NROW
    nit = row // L

    def scan_body(i, carry):
        news = []
        for r in range(_NROW):
            sl = pl.ds(r * row + i * L, L)
            v = tab[sl]
            s = jnp.sum(v)
            c = plsc.cumsum(v)
            tab[sl] = (c if inclusive else c - v) + (carry[r] + bias)
            news.append(carry[r] + s)
        return tuple(news)

    finals = lax.fori_loop(0, nit, scan_body, (zero,) * _NROW)
    offs = [zero]
    for r in range(_NROW - 1):
        offs.append(offs[-1] + finals[r])
    total = offs[-1] + finals[-1]
    for r in range(1, _NROW):
        o = offs[r]

        @plsc.parallel_loop(0, nit, 1, unroll=4)
        def _fix(i, _r=r, _o=o):
            sl = pl.ds(_r * row + i * L, L)
            tab[sl] = tab[sl] + _o
    return total


def _sc_body(content_hbm, style_hbm, out_hbm, xbuf0, ybuf0, xbuf1, ybuf1,
             obuf0, obuf1, cs, ct, inv, semx0, semy0, semx1, semy1,
             semo0, semo1):
    wid = lax.axis_index("s") * 2 + lax.axis_index("c")

    @pl.when(wid < NCH)
    def _work():
        ch = wid
        ones_f = jnp.zeros((L,), jnp.float32) + 1.0
        ones_i = jnp.zeros((L,), jnp.int32) + 1
        zeros_f = jnp.zeros((L,), jnp.float32)
        zeros_i = jnp.zeros((L,), jnp.int32)

        @plsc.parallel_loop(0, (NB + L) // L, 1, unroll=4)
        def _z_tab(i):
            cs[pl.ds(i * L, L)] = zeros_f
            ct[pl.ds(i * L, L)] = zeros_f

        @plsc.parallel_loop(0, N // L, 1, unroll=4)
        def _z_inv(i):
            inv[pl.ds(i * L, L)] = zeros_i

        def in_start(w, xb, yb, sx, sy):
            pltpu.make_async_copy(
                content_hbm.at[ch, pl.ds(w * WROWS, WROWS)], xb, sx).start()
            pltpu.make_async_copy(
                style_hbm.at[ch, pl.ds(w * WROWS, WROWS)], yb, sy).start()

        def in_wait(w, xb, yb, sx, sy):
            pltpu.make_async_copy(
                content_hbm.at[ch, pl.ds(w * WROWS, WROWS)], xb, sx).wait()
            pltpu.make_async_copy(
                style_hbm.at[ch, pl.ds(w * WROWS, WROWS)], yb, sy).wait()


        def hist_window(xb, yb):
            @plsc.parallel_loop(0, WIN // L, 1, unroll=8)
            def _hist_vec(j):
                x = xb[j >> 3, pl.ds((j & 7) * L, L)]
                y = yb[j >> 3, pl.ds((j & 7) * L, L)]
                bs = jnp.clip((jnp.abs(x) * SCALE).astype(jnp.int32), 0, NB - 1)
                bt = jnp.clip((jnp.abs(y) * SCALE).astype(jnp.int32), 0, NB - 1)
                plsc.addupdate_scatter(cs, [bs], ones_f)
                plsc.addupdate_scatter(ct, [bt], ones_f)

        in_start(0, xbuf0, ybuf0, semx0, semy0)

        def hist_pair(g, _):
            w0 = 2 * g
            in_start(w0 + 1, xbuf1, ybuf1, semx1, semy1)
            in_wait(w0, xbuf0, ybuf0, semx0, semy0)
            hist_window(xbuf0, ybuf0)

            @pl.when(g < NWIN // 2 - 1)
            def _prefetch():
                in_start(w0 + 2, xbuf0, ybuf0, semx0, semy0)
            in_wait(w0 + 1, xbuf1, ybuf1, semx1, semy1)
            hist_window(xbuf1, ybuf1)
            return _
        lax.fori_loop(0, NWIN // 2, hist_pair, None)

        tot_s = _blocked_scan(cs, NB, jnp.float32(0.0), False, jnp.float32(0.0))
        cs[pl.ds(NB, L)] = zeros_f + tot_s
        tot_t = _blocked_scan(ct, NB, jnp.float32(0.0), False, jnp.float32(0.0))
        ct[pl.ds(NB, L)] = zeros_f + tot_t

        @plsc.parallel_loop(0, NB // L, 1, unroll=2)
        def _scat_cdf(i):
            c = ct[pl.ds(i * L, L)]
            idx = jnp.clip(c.astype(jnp.int32), 0, N - 1)
            m = c < float(N)
            plsc.addupdate_scatter(inv, [idx], ones_i, mask=m)

        _blocked_scan(inv, N, jnp.int32(0), True, jnp.int32(-1))

        iota_f = lax.iota(jnp.int32, L).astype(jnp.float32)

        @plsc.parallel_loop(0, N // L, 1, unroll=4)
        def _tval(i):
            sl = pl.ds(i * L, L)
            j = inv[sl]
            c0 = plsc.load_gather(ct, [j])
            c1 = plsc.load_gather(ct, [j + 1])
            rank = (i * L).astype(jnp.float32) + iota_f
            t = jnp.clip((rank - c0) / jnp.maximum(c1 - c0, 1.0), 0.0, 1.0)
            inv[sl] = plsc.bitcast((j.astype(jnp.float32) + t) * BINW,
                                   jnp.int32)


        def map_window(xb, yb, ob):
            @plsc.parallel_loop(0, WIN // L, 1, unroll=8)
            def _map_vec(j):
                x = xb[j >> 3, pl.ds((j & 7) * L, L)]
                y = yb[j >> 3, pl.ds((j & 7) * L, L)]
                mb = jnp.abs(x) * SCALE
                bs = jnp.clip(mb.astype(jnp.int32), 0, NB - 1)
                frac = mb - bs.astype(jnp.float32)
                g0 = plsc.load_gather(cs, [bs])
                g1 = plsc.load_gather(cs, [bs + 1])
                r = g0 + (g1 - g0) * frac
                ri = jnp.clip(r.astype(jnp.int32), 0, N - 1)
                val = plsc.bitcast(plsc.load_gather(inv, [ri]), jnp.float32)
                neg_x = x < 0.0
                neg_y = y < 0.0
                f = jnp.where(neg_x, -1.0, 1.0) * jnp.where(
                    neg_x != neg_y, jnp.float32(COS02), jnp.float32(1.0))
                ob[j >> 3, pl.ds((j & 7) * L, L)] = val * f

        def out_start(w, ob, so):
            pltpu.make_async_copy(
                ob, out_hbm.at[ch, pl.ds(w * WROWS, WROWS)], so).start()

        def out_wait(w, ob, so):
            pltpu.make_async_copy(
                ob, out_hbm.at[ch, pl.ds(w * WROWS, WROWS)], so).wait()

        in_start(0, xbuf0, ybuf0, semx0, semy0)

        def map_pair(g, _):
            w0 = 2 * g
            in_start(w0 + 1, xbuf1, ybuf1, semx1, semy1)
            in_wait(w0, xbuf0, ybuf0, semx0, semy0)

            @pl.when(g > 0)
            def _wo0():
                out_wait(w0 - 2, obuf0, semo0)
            map_window(xbuf0, ybuf0, obuf0)
            out_start(w0, obuf0, semo0)

            @pl.when(g < NWIN // 2 - 1)
            def _prefetch():
                in_start(w0 + 2, xbuf0, ybuf0, semx0, semy0)
            in_wait(w0 + 1, xbuf1, ybuf1, semx1, semy1)

            @pl.when(g > 0)
            def _wo1():
                out_wait(w0 - 1, obuf1, semo1)
            map_window(xbuf1, ybuf1, obuf1)
            out_start(w0 + 1, obuf1, semo1)
            return _
        lax.fori_loop(0, NWIN // 2, map_pair, None)
        out_wait(NWIN - 2, obuf0, semo0)
        out_wait(NWIN - 1, obuf1, semo1)


@functools.cache
def _get_sc_match():
    return pl.kernel(
        _sc_body,
        out_type=jax.ShapeDtypeStruct((NCH, N // 128, 128), jnp.float32),
        mesh=plsc.VectorSubcoreMesh(core_axis_name="c", subcore_axis_name="s"),
        compiler_params=pltpu.CompilerParams(needs_layout_passes=False),
        scratch_types=[
            pltpu.VMEM((WROWS, 128), jnp.float32),
            pltpu.VMEM((WROWS, 128), jnp.float32),
            pltpu.VMEM((WROWS, 128), jnp.float32),
            pltpu.VMEM((WROWS, 128), jnp.float32),
            pltpu.VMEM((WROWS, 128), jnp.float32),
            pltpu.VMEM((WROWS, 128), jnp.float32),
            pltpu.VMEM((NB + L,), jnp.float32),
            pltpu.VMEM((NB + L,), jnp.float32),
            pltpu.VMEM((N,), jnp.int32),
            pltpu.SemaphoreType.DMA,
            pltpu.SemaphoreType.DMA,
            pltpu.SemaphoreType.DMA,
            pltpu.SemaphoreType.DMA,
            pltpu.SemaphoreType.DMA,
            pltpu.SemaphoreType.DMA,
        ],
    )



_ROWS = B * C * H
_BLK = 768
_GRID = _ROWS // _BLK


def _sums_body(ch, cv, cd, sh, sv, sd, out_ref):
    i = pl.program_id(0)

    @pl.when(i == 0)
    def _init():
        out_ref[...] = jnp.zeros_like(out_ref)

    for k, ref in enumerate((ch, cv, cd, sh, sv, sd)):
        p = jnp.sum(jnp.abs(ref[...]), axis=0)
        p = jnp.sum(p.reshape(2, 128), axis=0)
        out_ref[k, :] += p


_sums_call = pl.pallas_call(
    _sums_body,
    grid=(_GRID,),
    in_specs=[pl.BlockSpec((_BLK, W), lambda i: (i, 0))] * 6,
    out_specs=pl.BlockSpec((8, 128), lambda i: (0, 0)),
    out_shape=jax.ShapeDtypeStruct((8, 128), jnp.float32),
)


def _detail_body(ch, cv, cd, sh, sv, sd, sums, oh, ov, od):
    s = sums[...]
    r_h = jnp.sum(s[3:4, :]) / jnp.sum(s[0:1, :]) * 1.8
    r_v = jnp.sum(s[4:5, :]) / jnp.sum(s[1:2, :]) * 1.8
    r_d = jnp.sum(s[5:6, :]) / jnp.sum(s[2:3, :]) * 1.8
    for c_ref, s_ref, o_ref, ratio in ((ch, sh, oh, r_h), (cv, sv, ov, r_v),
                                       (cd, sd, od, r_d)):
        c = c_ref[...]
        st = s_ref[...]
        f = jnp.where((c < 0.0) != (st < 0.0), jnp.float32(COS03),
                      jnp.float32(1.0))
        o_ref[...] = c * ratio * f


_detail_call = pl.pallas_call(
    _detail_body,
    grid=(_GRID,),
    in_specs=[pl.BlockSpec((_BLK, W), lambda i: (i, 0))] * 6
    + [pl.BlockSpec((8, 128), lambda i: (0, 0))],
    out_specs=[pl.BlockSpec((_BLK, W), lambda i: (i, 0))] * 3,
    out_shape=[jax.ShapeDtypeStruct((_ROWS, W), jnp.float32)] * 3,
)


def kernel(content_approx, content_detail_h, content_detail_v, content_detail_d,
           style_approx, style_detail_h, style_detail_v, style_detail_d):
    shp = content_approx.shape
    ca = content_approx.reshape(NCH, N // 128, 128)
    sa = style_approx.reshape(NCH, N // 128, 128)
    approx = _get_sc_match()(ca, sa).reshape(shp)

    c_h = content_detail_h.reshape(_ROWS, W)
    c_v = content_detail_v.reshape(_ROWS, W)
    c_d = content_detail_d.reshape(_ROWS, W)
    s_h = style_detail_h.reshape(_ROWS, W)
    s_v = style_detail_v.reshape(_ROWS, W)
    s_d = style_detail_d.reshape(_ROWS, W)
    sums = _sums_call(c_h, c_v, c_d, s_h, s_v, s_d)
    o_h, o_v, o_d = _detail_call(c_h, c_v, c_d, s_h, s_v, s_d, sums)
    return (approx, o_h.reshape(shp), o_v.reshape(shp), o_d.reshape(shp))

# --- scband reference (transcript-rebuilt; emitter-appended) ---
"""Pipeline reference for scband-adaptive-frequency-modulation-77395310674222 (READ-ONLY COPY).

The authoritative reference and input builder live on the scoring server;
editing this copy changes nothing except your own understanding.
"""

import jax, jax.numpy as jnp
import numpy as np

B, C, H, W = 8, 3, 256, 256


def _hist_match(source, target):
    b, c, h, w = source.shape
    n = h * w
    src = source.reshape(b * c, n)
    tgt = target.reshape(b * c, n)

    def match_one(s, t):
        s_sorted = jnp.sort(s)
        t_sorted = jnp.sort(t)
        ranks = jnp.searchsorted(s_sorted, s)
        ranks = jnp.clip(ranks, 0, n - 1)
        xp = jnp.linspace(0.0, float(n - 1), n)
        return jnp.interp(ranks.astype(jnp.float32), xp, t_sorted)

    out = jax.vmap(match_one)(src, tgt)
    return out.reshape(b, c, h, w)


def setup_inputs(seed: int = 0) -> dict:
    key = jax.random.key(seed)
    ks = jax.random.split(key, 8)
    names = ['content_approx', 'content_detail_h', 'content_detail_v', 'content_detail_d',
             'style_approx', 'style_detail_h', 'style_detail_v', 'style_detail_d']
    return {nm: jax.random.normal(k, (B, C, H, W), dtype=jnp.float32) for nm, k in zip(names, ks)}


def reference(content_approx, content_detail_h, content_detail_v, content_detail_d,
              style_approx, style_detail_h, style_detail_v, style_detail_d):
    # approx band
    content_approx_mag = jnp.abs(content_approx)
    style_approx_mag = jnp.abs(style_approx)
    content_approx_phase = jnp.angle(content_approx.astype(jnp.complex64))
    style_approx_phase = jnp.angle(style_approx.astype(jnp.complex64))
    matched_approx_mag = _hist_match(content_approx_mag, style_approx_mag)
    blend_ratio = 0.2
    blended_phase = (1 - blend_ratio) * content_approx_phase + blend_ratio * style_approx_phase
    stylized_approx = matched_approx_mag * jnp.real(jnp.exp(1j * blended_phase))

    # detail bands
    c_h_mag = jnp.abs(content_detail_h)
    c_v_mag = jnp.abs(content_detail_v)
    c_d_mag = jnp.abs(content_detail_d)
    s_h_mag = jnp.abs(style_detail_h)
    s_v_mag = jnp.abs(style_detail_v)
    s_d_mag = jnp.abs(style_detail_d)
    style_scale = 1.8
    h_ratio = jnp.mean(s_h_mag) / jnp.mean(c_h_mag)
    v_ratio = jnp.mean(s_v_mag) / jnp.mean(c_v_mag)
    d_ratio = jnp.mean(s_d_mag) / jnp.mean(c_d_mag)
    scaled_h = c_h_mag * h_ratio * style_scale
    scaled_v = c_v_mag * v_ratio * style_scale
    scaled_d = c_d_mag * d_ratio * style_scale
    c_h_ph = jnp.angle(content_detail_h.astype(jnp.complex64))
    c_v_ph = jnp.angle(content_detail_v.astype(jnp.complex64))
    c_d_ph = jnp.angle(content_detail_d.astype(jnp.complex64))
    s_h_ph = jnp.angle(style_detail_h.astype(jnp.complex64))
    s_v_ph = jnp.angle(style_detail_v.astype(jnp.complex64))
    s_d_ph = jnp.angle(style_detail_d.astype(jnp.complex64))
    detail_blend = 0.3
    h_phase = (1 - detail_blend) * c_h_ph + detail_blend * s_h_ph
    v_phase = (1 - detail_blend) * c_v_ph + detail_blend * s_v_ph
    d_phase = (1 - detail_blend) * c_d_ph + detail_blend * s_d_ph
    stylized_h = scaled_h * jnp.real(jnp.exp(1j * h_phase))
    stylized_v = scaled_v * jnp.real(jnp.exp(1j * v_phase))
    stylized_d = scaled_d * jnp.real(jnp.exp(1j * d_phase))
    return (stylized_approx, stylized_h, stylized_v, stylized_d)

if __name__ == "__main__":
    import jax
    _d = setup_inputs()
    print(jax.jit(kernel)(*tuple(_d.values())))

</pallas_src>

<mosaic_0001>
#map = affine_map<(d0, d1) -> (0, 0, 0)>
module attributes {stable_mosaic.version = 14 : i64} {
  func.func @_sc_body(%arg0: i32, %arg1: i32, %arg2: memref<24x512x128xf32, #tpu.memory_space<hbm>>, %arg3: memref<24x512x128xf32, #tpu.memory_space<hbm>>, %arg4: memref<24x512x128xf32, #tpu.memory_space<hbm>>, %arg5: memref<32x128xf32, #tpu.memory_space<vmem>>, %arg6: memref<32x128xf32, #tpu.memory_space<vmem>>, %arg7: memref<32x128xf32, #tpu.memory_space<vmem>>, %arg8: memref<32x128xf32, #tpu.memory_space<vmem>>, %arg9: memref<32x128xf32, #tpu.memory_space<vmem>>, %arg10: memref<32x128xf32, #tpu.memory_space<vmem>>, %arg11: memref<8208xf32, #tpu.memory_space<vmem>>, %arg12: memref<8208xf32, #tpu.memory_space<vmem>>, %arg13: memref<65536xi32, #tpu.memory_space<vmem>>, %arg14: memref<!tpu.dma_semaphore, #tpu.memory_space<semaphore_mem>>, %arg15: memref<!tpu.dma_semaphore, #tpu.memory_space<semaphore_mem>>, %arg16: memref<!tpu.dma_semaphore, #tpu.memory_space<semaphore_mem>>, %arg17: memref<!tpu.dma_semaphore, #tpu.memory_space<semaphore_mem>>, %arg18: memref<!tpu.dma_semaphore, #tpu.memory_space<semaphore_mem>>, %arg19: memref<!tpu.dma_semaphore, #tpu.memory_space<semaphore_mem>>) attributes {dimension_semantics = [#tpu.dimension_semantics<core_parallel>, #tpu.dimension_semantics<subcore_parallel>], iteration_bounds = array<i64: 2, 16>, scalar_prefetch = 0 : i64, scratch_operands = 15 : i64, tpu.core_type = #tpu.core_type<sc_vector_subcore>, window_params = [{transform_indices = #map}, {transform_indices = #map}, {transform_indices = #map}]} {
    %mul3A = arith.constant 2 : i32
    %mul3A_0 = arith.muli %arg1, %mul3A : i32
    %add3A = arith.addi %mul3A_0, %arg0 : i32
    %lt3A = arith.constant 24 : i32
    %lt3A_1 = arith.cmpi slt, %add3A, %lt3A : i32
    %convert_element_type3A = arith.extui %lt3A_1 : i1 to i32
    %cond3A = arith.constant 0 : i32
    %cond3A_2 = arith.cmpi ne, %convert_element_type3A, %cond3A : i32
    scf.if %cond3A_2 {
      %broadcast_in_dim3A = arith.constant 0.000000e+00 : f32
      %broadcast_in_dim3A_3 = vector.broadcast %broadcast_in_dim3A : f32 to vector<16xf32>
      %add3A_4 = arith.constant 1.000000e+00 : f32
      %add3A_5 = vector.broadcast %add3A_4 : f32 to vector<16xf32>
      %add3A_6 = arith.addf %broadcast_in_dim3A_3, %add3A_5 : vector<16xf32>
      %broadcast_in_dim3A_7 = arith.constant 0 : i32
      %broadcast_in_dim3A_8 = vector.broadcast %broadcast_in_dim3A_7 : i32 to vector<16xi32>
      %add3A_9 = arith.constant 1 : i32
      %add3A_10 = vector.broadcast %add3A_9 : i32 to vector<16xi32>
      %add3A_11 = arith.addi %broadcast_in_dim3A_8, %add3A_10 : vector<16xi32>
      %broadcast_in_dim3A_12 = arith.constant 0.000000e+00 : f32
      %broadcast_in_dim3A_13 = vector.broadcast %broadcast_in_dim3A_12 : f32 to vector<16xf32>
      %broadcast_in_dim3A_14 = arith.constant 0 : i32
      %broadcast_in_dim3A_15 = vector.broadcast %broadcast_in_dim3A_14 : i32 to vector<16xi32>
      %parallel_loop3A = arith.constant 0 : i32
      %parallel_loop3A_16 = arith.constant 513 : i32
      %parallel_loop3A_17 = arith.constant 1 : i32
      scf.for %parallel_loop3A_345 = %parallel_loop3A to %parallel_loop3A_16 step %parallel_loop3A_17  : i32 {
        %parallel_loop3A_346 = arith.constant 16 : i32
        %parallel_loop3A_347 = arith.muli %parallel_loop3A_345, %parallel_loop3A_346 : i32
        %parallel_loop3A_348 = arith.index_cast %parallel_loop3A_347 : i32 to index
        %parallel_loop3A_349 = tpu.vector_load %arg11[%parallel_loop3A_348] {strides = array<i32>} : memref<8208xf32, #tpu.memory_space<vmem>>, vector<16xf32>,
        tpu.vector_store %arg11[%parallel_loop3A_348], %broadcast_in_dim3A_13 {strides = array<i32>} : memref<8208xf32, #tpu.memory_space<vmem>>, vector<16xf32>,
        %parallel_loop3A_350 = arith.constant 16 : i32
        %parallel_loop3A_351 = arith.muli %parallel_loop3A_345, %parallel_loop3A_350 : i32
        %parallel_loop3A_352 = arith.index_cast %parallel_loop3A_351 : i32 to index
        %parallel_loop3A_353 = tpu.vector_load %arg12[%parallel_loop3A_352] {strides = array<i32>} : memref<8208xf32, #tpu.memory_space<vmem>>, vector<16xf32>,
        tpu.vector_store %arg12[%parallel_loop3A_352], %broadcast_in_dim3A_13 {strides = array<i32>} : memref<8208xf32, #tpu.memory_space<vmem>>, vector<16xf32>,
      } {sc.loop_unroll_factor = 4 : i64, sc.parallel_access}
      %parallel_loop3A_18 = arith.constant 0 : i32
      %parallel_loop3A_19 = arith.constant 4096 : i32
      %parallel_loop3A_20 = arith.constant 1 : i32
      scf.for %parallel_loop3A_345 = %parallel_loop3A_18 to %parallel_loop3A_19 step %parallel_loop3A_20  : i32 {
        %parallel_loop3A_346 = arith.constant 16 : i32
        %parallel_loop3A_347 = arith.muli %parallel_loop3A_345, %parallel_loop3A_346 : i32
        %parallel_loop3A_348 = arith.index_cast %parallel_loop3A_347 : i32 to index
        %parallel_loop3A_349 = tpu.vector_load %arg13[%parallel_loop3A_348] {strides = array<i32>} : memref<65536xi32, #tpu.memory_space<vmem>>, vector<16xi32>,
        tpu.vector_store %arg13[%parallel_loop3A_348], %broadcast_in_dim3A_15 {strides = array<i32>} : memref<65536xi32, #tpu.memory_space<vmem>>, vector<16xi32>,
      } {sc.loop_unroll_factor = 4 : i64, sc.parallel_access}
      %dma_start3A = arith.constant 0 : i32
      %dma_start3A_21 = arith.constant 0 : i32
      %dma_start3A_22 = tpu.memref_slice %arg2[%add3A, %dma_start3A, %dma_start3A_21] : memref<24x512x128xf32, #tpu.memory_space<hbm>> -> memref<1x32x128xf32, #tpu.memory_space<hbm>>
      %dma_start3A_23 = tpu.memref_squeeze %dma_start3A_22 : memref<1x32x128xf32, #tpu.memory_space<hbm>> -> memref<32x128xf32, #tpu.memory_space<hbm>>
      %dma_start3A_24 = arith.constant 0 : i32
      %dma_start3A_25 = arith.constant 0 : i32
      %dma_start3A_26 = tpu.memref_slice %arg2[%add3A, %dma_start3A_24, %dma_start3A_25] : memref<24x512x128xf32, #tpu.memory_space<hbm>> -> memref<1x32x128xf32, #tpu.memory_space<hbm>>
      %dma_start3A_27 = tpu.memref_squeeze %dma_start3A_26 : memref<1x32x128xf32, #tpu.memory_space<hbm>> -> memref<32x128xf32, #tpu.memory_space<hbm>>
      tpu.enqueue_dma source(%dma_start3A_27 : memref<32x128xf32, #tpu.memory_space<hbm>>) target(%arg5 : memref<32x128xf32, #tpu.memory_space<vmem>>) target_semaphore(%arg14 : memref<!tpu.dma_semaphore, #tpu.memory_space<semaphore_mem>>)
      %dma_start3A_28 = arith.constant 0 : i32
      %dma_start3A_29 = arith.constant 0 : i32
      %dma_start3A_30 = tpu.memref_slice %arg3[%add3A, %dma_start3A_28, %dma_start3A_29] : memref<24x512x128xf32, #tpu.memory_space<hbm>> -> memref<1x32x128xf32, #tpu.memory_space<hbm>>
      %dma_start3A_31 = tpu.memref_squeeze %dma_start3A_30 : memref<1x32x128xf32, #tpu.memory_space<hbm>> -> memref<32x128xf32, #tpu.memory_space<hbm>>
      %dma_start3A_32 = arith.constant 0 : i32
      %dma_start3A_33 = arith.constant 0 : i32
      %dma_start3A_34 = tpu.memref_slice %arg3[%add3A, %dma_start3A_32, %dma_start3A_33] : memref<24x512x128xf32, #tpu.memory_space<hbm>> -> memref<1x32x128xf32, #tpu.memory_space<hbm>>
      %dma_start3A_35 = tpu.memref_squeeze %dma_start3A_34 : memref<1x32x128xf32, #tpu.memory_space<hbm>> -> memref<32x128xf32, #tpu.memory_space<hbm>>
      tpu.enqueue_dma source(%dma_start3A_35 : memref<32x128xf32, #tpu.memory_space<hbm>>) target(%arg6 : memref<32x128xf32, #tpu.memory_space<vmem>>) target_semaphore(%arg15 : memref<!tpu.dma_semaphore, #tpu.memory_space<semaphore_mem>>)
      %scan3A = arith.constant 0 : i32
      %scan3A_36 = arith.constant 8 : i32
      %scan3A_37 = arith.addi %scan3A, %scan3A_36 : i32
      %scan3A_38 = arith.constant 1 : i32
      scf.for %scan3A_345 = %scan3A to %scan3A_37 step %scan3A_38  : i32 {
        %mul3A_346 = arith.constant 2 : i32
        %mul3A_347 = arith.muli %mul3A_346, %scan3A_345 : i32
        %add3A_348 = arith.constant 1 : i32
        %add3A_349 = arith.addi %mul3A_347, %add3A_348 : i32
        %mul3A_350 = arith.constant 32 : i32
        %mul3A_351 = arith.muli %add3A_349, %mul3A_350 : i32
        %dma_start3A_352 = arith.constant 0 : i32
        %dma_start3A_353 = tpu.memref_slice %arg2[%add3A, %mul3A_351, %dma_start3A_352] : memref<24x512x128xf32, #tpu.memory_space<hbm>> -> memref<1x32x128xf32, #tpu.memory_space<hbm>>
        %dma_start3A_354 = tpu.memref_squeeze %dma_start3A_353 : memref<1x32x128xf32, #tpu.memory_space<hbm>> -> memref<32x128xf32, #tpu.memory_space<hbm>>
        %dma_start3A_355 = arith.constant 0 : i32
        %dma_start3A_356 = tpu.memref_slice %arg2[%add3A, %mul3A_351, %dma_start3A_355] : memref<24x512x128xf32, #tpu.memory_space<hbm>> -> memref<1x32x128xf32, #tpu.memory_space<hbm>>
        %dma_start3A_357 = tpu.memref_squeeze %dma_start3A_356 : memref<1x32x128xf32, #tpu.memory_space<hbm>> -> memref<32x128xf32, #tpu.memory_space<hbm>>
        tpu.enqueue_dma source(%dma_start3A_357 : memref<32x128xf32, #tpu.memory_space<hbm>>) target(%arg7 : memref<32x128xf32, #tpu.memory_space<vmem>>) target_semaphore(%arg16 : memref<!tpu.dma_semaphore, #tpu.memory_space<semaphore_mem>>)
        %mul3A_358 = arith.constant 32 : i32
        %mul3A_359 = arith.muli %add3A_349, %mul3A_358 : i32
        %dma_start3A_360 = arith.constant 0 : i32
        %dma_start3A_361 = tpu.memref_slice %arg3[%add3A, %mul3A_359, %dma_start3A_360] : memref<24x512x128xf32, #tpu.memory_space<hbm>> -> memref<1x32x128xf32, #tpu.memory_space<hbm>>
        %dma_start3A_362 = tpu.memref_squeeze %dma_start3A_361 : memref<1x32x128xf32, #tpu.memory_space<hbm>> -> memref<32x128xf32, #tpu.memory_space<hbm>>
        %dma_start3A_363 = arith.constant 0 : i32
        %dma_start3A_364 = tpu.memref_slice %arg3[%add3A, %mul3A_359, %dma_start3A_363] : memref<24x512x128xf32, #tpu.memory_space<hbm>> -> memref<1x32x128xf32, #tpu.memory_space<hbm>>
        %dma_start3A_365 = tpu.memref_squeeze %dma_start3A_364 : memref<1x32x128xf32, #tpu.memory_space<hbm>> -> memref<32x128xf32, #tpu.memory_space<hbm>>
        tpu.enqueue_dma source(%dma_start3A_365 : memref<32x128xf32, #tpu.memory_space<hbm>>) target(%arg8 : memref<32x128xf32, #tpu.memory_space<vmem>>) target_semaphore(%arg17 : memref<!tpu.dma_semaphore, #tpu.memory_space<semaphore_mem>>)
        %mul3A_366 = arith.constant 32 : i32
        %mul3A_367 = arith.muli %mul3A_347, %mul3A_366 : i32
        %dma_wait3A_368 = arith.constant 0 : i32
        %dma_wait3A_369 = tpu.memref_slice %arg2[%add3A, %mul3A_367, %dma_wait3A_368] : memref<24x512x128xf32, #tpu.memory_space<hbm>> -> memref<1x32x128xf32, #tpu.memory_space<hbm>>
        %dma_wait3A_370 = tpu.memref_squeeze %dma_wait3A_369 : memref<1x32x128xf32, #tpu.memory_space<hbm>> -> memref<32x128xf32, #tpu.memory_space<hbm>>
        %dma_wait3A_371 = arith.constant 0 : i32
        %dma_wait3A_372 = tpu.memref_slice %arg2[%add3A, %mul3A_367, %dma_wait3A_371] : memref<24x512x128xf32, #tpu.memory_space<hbm>> -> memref<1x32x128xf32, #tpu.memory_space<hbm>>
        %dma_wait3A_373 = tpu.memref_squeeze %dma_wait3A_372 : memref<1x32x128xf32, #tpu.memory_space<hbm>> -> memref<32x128xf32, #tpu.memory_space<hbm>>
        tpu.wait_dma2 semaphore(%arg14 : memref<!tpu.dma_semaphore, #tpu.memory_space<semaphore_mem>>) src(%dma_wait3A_373 : memref<32x128xf32, #tpu.memory_space<hbm>>) dst(%arg5 : memref<32x128xf32, #tpu.memory_space<vmem>>)
        %mul3A_374 = arith.constant 32 : i32
        %mul3A_375 = arith.muli %mul3A_347, %mul3A_374 : i32
        %dma_wait3A_376 = arith.constant 0 : i32
        %dma_wait3A_377 = tpu.memref_slice %arg3[%add3A, %mul3A_375, %dma_wait3A_376] : memref<24x512x128xf32, #tpu.memory_space<hbm>> -> memref<1x32x128xf32, #tpu.memory_space<hbm>>
        %dma_wait3A_378 = tpu.memref_squeeze %dma_wait3A_377 : memref<1x32x128xf32, #tpu.memory_space<hbm>> -> memref<32x128xf32, #tpu.memory_space<hbm>>
        %dma_wait3A_379 = arith.constant 0 : i32
        %dma_wait3A_380 = tpu.memref_slice %arg3[%add3A, %mul3A_375, %dma_wait3A_379] : memref<24x512x128xf32, #tpu.memory_space<hbm>> -> memref<1x32x128xf32, #tpu.memory_space<hbm>>
        %dma_wait3A_381 = tpu.memref_squeeze %dma_wait3A_380 : memref<1x32x128xf32, #tpu.memory_space<hbm>> -> memref<32x128xf32, #tpu.memory_space<hbm>>
        tpu.wait_dma2 semaphore(%arg15 : memref<!tpu.dma_semaphore, #tpu.memory_space<semaphore_mem>>) src(%dma_wait3A_381 : memref<32x128xf32, #tpu.memory_space<hbm>>) dst(%arg6 : memref<32x128xf32, #tpu.memory_space<vmem>>)
        %parallel_loop3A_382 = arith.constant 0 : i32
        %parallel_loop3A_383 = arith.constant 256 : i32
        %parallel_loop3A_384 = arith.constant 1 : i32
        scf.for %parallel_loop3A_411 = %parallel_loop3A_382 to %parallel_loop3A_383 step %parallel_loop3A_384  : i32 {
          %parallel_loop3A_412 = arith.constant 3 : i32
          %parallel_loop3A_413 = arith.shrsi %parallel_loop3A_411, %parallel_loop3A_412 : i32
          %parallel_loop3A_414 = arith.constant 7 : i32
          %parallel_loop3A_415 = arith.andi %parallel_loop3A_411, %parallel_loop3A_414 : i32
          %parallel_loop3A_416 = arith.constant 16 : i32
          %parallel_loop3A_417 = arith.muli %parallel_loop3A_415, %parallel_loop3A_416 : i32
          %parallel_loop3A_418 = arith.index_cast %parallel_loop3A_413 : i32 to index
          %parallel_loop3A_419 = arith.index_cast %parallel_loop3A_417 : i32 to index
          %parallel_loop3A_420 = tpu.vector_load %arg5[%parallel_loop3A_418, %parallel_loop3A_419] {strides = array<i32>} : memref<32x128xf32, #tpu.memory_space<vmem>>, vector<16xf32>,
          %parallel_loop3A_421 = arith.constant 3 : i32
          %parallel_loop3A_422 = arith.shrsi %parallel_loop3A_411, %parallel_loop3A_421 : i32
          %parallel_loop3A_423 = arith.constant 7 : i32
          %parallel_loop3A_424 = arith.andi %parallel_loop3A_411, %parallel_loop3A_423 : i32
          %parallel_loop3A_425 = arith.constant 16 : i32
          %parallel_loop3A_426 = arith.muli %parallel_loop3A_424, %parallel_loop3A_425 : i32
          %parallel_loop3A_427 = arith.index_cast %parallel_loop3A_422 : i32 to index
          %parallel_loop3A_428 = arith.index_cast %parallel_loop3A_426 : i32 to index
          %parallel_loop3A_429 = tpu.vector_load %arg6[%parallel_loop3A_427, %parallel_loop3A_428] {strides = array<i32>} : memref<32x128xf32, #tpu.memory_space<vmem>>, vector<16xf32>,
          %parallel_loop3A_430 = math.absf %parallel_loop3A_420 : vector<16xf32>
          %parallel_loop3A_431 = arith.constant 1241.21216 : f32
          %parallel_loop3A_432 = vector.broadcast %parallel_loop3A_431 : f32 to vector<16xf32>
          %parallel_loop3A_433 = arith.mulf %parallel_loop3A_430, %parallel_loop3A_432 : vector<16xf32>
          %parallel_loop3A_434 = arith.fptosi %parallel_loop3A_433 : vector<16xf32> to vector<16xi32>
          %parallel_loop3A_435 = arith.constant 0 : i32
          %parallel_loop3A_436 = arith.constant 8191 : i32
          %parallel_loop3A_437 = vector.broadcast %parallel_loop3A_435 : i32 to vector<16xi32>
          %parallel_loop3A_438 = arith.maxsi %parallel_loop3A_437, %parallel_loop3A_434 : vector<16xi32>
          %parallel_loop3A_439 = vector.broadcast %parallel_loop3A_436 : i32 to vector<16xi32>
          %parallel_loop3A_440 = arith.minsi %parallel_loop3A_439, %parallel_loop3A_438 : vector<16xi32>
          %parallel_loop3A_441 = math.absf %parallel_loop3A_429 : vector<16xf32>
          %parallel_loop3A_442 = arith.constant 1241.21216 : f32
          %parallel_loop3A_443 = vector.broadcast %parallel_loop3A_442 : f32 to vector<16xf32>
          %parallel_loop3A_444 = arith.mulf %parallel_loop3A_441, %parallel_loop3A_443 : vector<16xf32>
          %parallel_loop3A_445 = arith.fptosi %parallel_loop3A_444 : vector<16xf32> to vector<16xi32>
          %parallel_loop3A_446 = arith.constant 0 : i32
          %parallel_loop3A_447 = arith.constant 8191 : i32
          %parallel_loop3A_448 = vector.broadcast %parallel_loop3A_446 : i32 to vector<16xi32>
          %parallel_loop3A_449 = arith.maxsi %parallel_loop3A_448, %parallel_loop3A_445 : vector<16xi32>
          %parallel_loop3A_450 = vector.broadcast %parallel_loop3A_447 : i32 to vector<16xi32>
          %parallel_loop3A_451 = arith.minsi %parallel_loop3A_450, %parallel_loop3A_449 : vector<16xi32>
          tpu.vector_store_idx %arg11[%parallel_loop3A_440], %add3A_6 {add = true} : memref<8208xf32, #tpu.memory_space<vmem>>[vector<16xi32>], vector<16xf32>,
          tpu.vector_store_idx %arg12[%parallel_loop3A_451], %add3A_6 {add = true} : memref<8208xf32, #tpu.memory_space<vmem>>[vector<16xi32>], vector<16xf32>,
        } {sc.loop_unroll_factor = 8 : i64, sc.parallel_access}
        %lt3A_385 = arith.constant 7 : i32
        %lt3A_386 = arith.cmpi slt, %scan3A_345, %lt3A_385 : i32
        %convert_element_type3A_387 = arith.extui %lt3A_386 : i1 to i32
        %cond3A_388 = arith.constant 0 : i32
        %cond3A_389 = arith.cmpi ne, %convert_element_type3A_387, %cond3A_388 : i32
        scf.if %cond3A_389 {
          %add3A_411 = arith.constant 2 : i32
          %add3A_412 = arith.addi %mul3A_347, %add3A_411 : i32
          %mul3A_413 = arith.constant 32 : i32
          %mul3A_414 = arith.muli %add3A_412, %mul3A_413 : i32
          %dma_start3A_415 = arith.constant 0 : i32
          %dma_start3A_416 = tpu.memref_slice %arg2[%add3A, %mul3A_414, %dma_start3A_415] : memref<24x512x128xf32, #tpu.memory_space<hbm>> -> memref<1x32x128xf32, #tpu.memory_space<hbm>>
          %dma_start3A_417 = tpu.memref_squeeze %dma_start3A_416 : memref<1x32x128xf32, #tpu.memory_space<hbm>> -> memref<32x128xf32, #tpu.memory_space<hbm>>
          %dma_start3A_418 = arith.constant 0 : i32
          %dma_start3A_419 = tpu.memref_slice %arg2[%add3A, %mul3A_414, %dma_start3A_418] : memref<24x512x128xf32, #tpu.memory_space<hbm>> -> memref<1x32x128xf32, #tpu.memory_space<hbm>>
          %dma_start3A_420 = tpu.memref_squeeze %dma_start3A_419 : memref<1x32x128xf32, #tpu.memory_space<hbm>> -> memref<32x128xf32, #tpu.memory_space<hbm>>
          tpu.enqueue_dma source(%dma_start3A_420 : memref<32x128xf32, #tpu.memory_space<hbm>>) target(%arg5 : memref<32x128xf32, #tpu.memory_space<vmem>>) target_semaphore(%arg14 : memref<!tpu.dma_semaphore, #tpu.memory_space<semaphore_mem>>)
          %mul3A_421 = arith.constant 32 : i32
          %mul3A_422 = arith.muli %add3A_412, %mul3A_421 : i32
          %dma_start3A_423 = arith.constant 0 : i32
          %dma_start3A_424 = tpu.memref_slice %arg3[%add3A, %mul3A_422, %dma_start3A_423] : memref<24x512x128xf32, #tpu.memory_space<hbm>> -> memref<1x32x128xf32, #tpu.memory_space<hbm>>
          %dma_start3A_425 = tpu.memref_squeeze %dma_start3A_424 : memref<1x32x128xf32, #tpu.memory_space<hbm>> -> memref<32x128xf32, #tpu.memory_space<hbm>>
          %dma_start3A_426 = arith.constant 0 : i32
          %dma_start3A_427 = tpu.memref_slice %arg3[%add3A, %mul3A_422, %dma_start3A_426] : memref<24x512x128xf32, #tpu.memory_space<hbm>> -> memref<1x32x128xf32, #tpu.memory_space<hbm>>
          %dma_start3A_428 = tpu.memref_squeeze %dma_start3A_427 : memref<1x32x128xf32, #tpu.memory_space<hbm>> -> memref<32x128xf32, #tpu.memory_space<hbm>>
          tpu.enqueue_dma source(%dma_start3A_428 : memref<32x128xf32, #tpu.memory_space<hbm>>) target(%arg6 : memref<32x128xf32, #tpu.memory_space<vmem>>) target_semaphore(%arg15 : memref<!tpu.dma_semaphore, #tpu.memory_space<semaphore_mem>>)
        } else {
        }
        %add3A_390 = arith.constant 1 : i32
        %add3A_391 = arith.addi %mul3A_347, %add3A_390 : i32
        %mul3A_392 = arith.constant 32 : i32
        %mul3A_393 = arith.muli %add3A_391, %mul3A_392 : i32
        %dma_wait3A_394 = arith.constant 0 : i32
        %dma_wait3A_395 = tpu.memref_slice %arg2[%add3A, %mul3A_393, %dma_wait3A_394] : memref<24x512x128xf32, #tpu.memory_space<hbm>> -> memref<1x32x128xf32, #tpu.memory_space<hbm>>
        %dma_wait3A_396 = tpu.memref_squeeze %dma_wait3A_395 : memref<1x32x128xf32, #tpu.memory_space<hbm>> -> memref<32x128xf32, #tpu.memory_space<hbm>>
        %dma_wait3A_397 = arith.constant 0 : i32
        %dma_wait3A_398 = tpu.memref_slice %arg2[%add3A, %mul3A_393, %dma_wait3A_397] : memref<24x512x128xf32, #tpu.memory_space<hbm>> -> memref<1x32x128xf32, #tpu.memory_space<hbm>>
        %dma_wait3A_399 = tpu.memref_squeeze %dma_wait3A_398 : memref<1x32x128xf32, #tpu.memory_space<hbm>> -> memref<32x128xf32, #tpu.memory_space<hbm>>
        tpu.wait_dma2 semaphore(%arg16 : memref<!tpu.dma_semaphore, #tpu.memory_space<semaphore_mem>>) src(%dma_wait3A_399 : memref<32x128xf32, #tpu.memory_space<hbm>>) dst(%arg7 : memref<32x128xf32, #tpu.memory_space<vmem>>)
        %mul3A_400 = arith.constant 32 : i32
        %mul3A_401 = arith.muli %add3A_391, %mul3A_400 : i32
        %dma_wait3A_402 = arith.constant 0 : i32
        %dma_wait3A_403 = tpu.memref_slice %arg3[%add3A, %mul3A_401, %dma_wait3A_402] : memref<24x512x128xf32, #tpu.memory_space<hbm>> -> memref<1x32x128xf32, #tpu.memory_space<hbm>>
        %dma_wait3A_404 = tpu.memref_squeeze %dma_wait3A_403 : memref<1x32x128xf32, #tpu.memory_space<hbm>> -> memref<32x128xf32, #tpu.memory_space<hbm>>
        %dma_wait3A_405 = arith.constant 0 : i32
        %dma_wait3A_406 = tpu.memref_slice %arg3[%add3A, %mul3A_401, %dma_wait3A_405] : memref<24x512x128xf32, #tpu.memory_space<hbm>> -> memref<1x32x128xf32, #tpu.memory_space<hbm>>
        %dma_wait3A_407 = tpu.memref_squeeze %dma_wait3A_406 : memref<1x32x128xf32, #tpu.memory_space<hbm>> -> memref<32x128xf32, #tpu.memory_space<hbm>>
        tpu.wait_dma2 semaphore(%arg17 : memref<!tpu.dma_semaphore, #tpu.memory_space<semaphore_mem>>) src(%dma_wait3A_407 : memref<32x128xf32, #tpu.memory_space<hbm>>) dst(%arg8 : memref<32x128xf32, #tpu.memory_space<vmem>>)
        %parallel_loop3A_408 = arith.constant 0 : i32
        %parallel_loop3A_409 = arith.constant 256 : i32
        %parallel_loop3A_410 = arith.constant 1 : i32
        scf.for %parallel_loop3A_411 = %parallel_loop3A_408 to %parallel_loop3A_409 step %parallel_loop3A_410  : i32 {
          %parallel_loop3A_412 = arith.constant 3 : i32
          %parallel_loop3A_413 = arith.shrsi %parallel_loop3A_411, %parallel_loop3A_412 : i32
          %parallel_loop3A_414 = arith.constant 7 : i32
          %parallel_loop3A_415 = arith.andi %parallel_loop3A_411, %parallel_loop3A_414 : i32
          %parallel_loop3A_416 = arith.constant 16 : i32
          %parallel_loop3A_417 = arith.muli %parallel_loop3A_415, %parallel_loop3A_416 : i32
          %parallel_loop3A_418 = arith.index_cast %parallel_loop3A_413 : i32 to index
          %parallel_loop3A_419 = arith.index_cast %parallel_loop3A_417 : i32 to index
          %parallel_loop3A_420 = tpu.vector_load %arg7[%parallel_loop3A_418, %parallel_loop3A_419] {strides = array<i32>} : memref<32x128xf32, #tpu.memory_space<vmem>>, vector<16xf32>,
          %parallel_loop3A_421 = arith.constant 3 : i32
          %parallel_loop3A_422 = arith.shrsi %parallel_loop3A_411, %parallel_loop3A_421 : i32
          %parallel_loop3A_423 = arith.constant 7 : i32
          %parallel_loop3A_424 = arith.andi %parallel_loop3A_411, %parallel_loop3A_423 : i32
          %parallel_loop3A_425 = arith.constant 16 : i32
          %parallel_loop3A_426 = arith.muli %parallel_loop3A_424, %parallel_loop3A_425 : i32
          %parallel_loop3A_427 = arith.index_cast %parallel_loop3A_422 : i32 to index
          %parallel_loop3A_428 = arith.index_cast %parallel_loop3A_426 : i32 to index
          %parallel_loop3A_429 = tpu.vector_load %arg8[%parallel_loop3A_427, %parallel_loop3A_428] {strides = array<i32>} : memref<32x128xf32, #tpu.memory_space<vmem>>, vector<16xf32>,
          %parallel_loop3A_430 = math.absf %parallel_loop3A_420 : vector<16xf32>
          %parallel_loop3A_431 = arith.constant 1241.21216 : f32
          %parallel_loop3A_432 = vector.broadcast %parallel_loop3A_431 : f32 to vector<16xf32>
          %parallel_loop3A_433 = arith.mulf %parallel_loop3A_430, %parallel_loop3A_432 : vector<16xf32>
          %parallel_loop3A_434 = arith.fptosi %parallel_loop3A_433 : vector<16xf32> to vector<16xi32>
          %parallel_loop3A_435 = arith.constant 0 : i32
          %parallel_loop3A_436 = arith.constant 8191 : i32
          %parallel_loop3A_437 = vector.broadcast %parallel_loop3A_435 : i32 to vector<16xi32>
          %parallel_loop3A_438 = arith.maxsi %parallel_loop3A_437, %parallel_loop3A_434 : vector<16xi32>
          %parallel_loop3A_439 = vector.broadcast %parallel_loop3A_436 : i32 to vector<16xi32>
          %parallel_loop3A_440 = arith.minsi %parallel_loop3A_439, %parallel_loop3A_438 : vector<16xi32>
          %parallel_loop3A_441 = math.absf %parallel_loop3A_429 : vector<16xf32>
          %parallel_loop3A_442 = arith.constant 1241.21216 : f32
          %parallel_loop3A_443 = vector.broadcast %parallel_loop3A_442 : f32 to vector<16xf32>
          %parallel_loop3A_444 = arith.mulf %parallel_loop3A_441, %parallel_loop3A_443 : vector<16xf32>
          %parallel_loop3A_445 = arith.fptosi %parallel_loop3A_444 : vector<16xf32> to vector<16xi32>
          %parallel_loop3A_446 = arith.constant 0 : i32
          %parallel_loop3A_447 = arith.constant 8191 : i32
          %parallel_loop3A_448 = vector.broadcast %parallel_loop3A_446 : i32 to vector<16xi32>
          %parallel_loop3A_449 = arith.maxsi %parallel_loop3A_448, %parallel_loop3A_445 : vector<16xi32>
          %parallel_loop3A_450 = vector.broadcast %parallel_loop3A_447 : i32 to vector<16xi32>
          %parallel_loop3A_451 = arith.minsi %parallel_loop3A_450, %parallel_loop3A_449 : vector<16xi32>
          tpu.vector_store_idx %arg11[%parallel_loop3A_440], %add3A_6 {add = true} : memref<8208xf32, #tpu.memory_space<vmem>>[vector<16xi32>], vector<16xf32>,
          tpu.vector_store_idx %arg12[%parallel_loop3A_451], %add3A_6 {add = true} : memref<8208xf32, #tpu.memory_space<vmem>>[vector<16xi32>], vector<16xf32>,
        } {sc.loop_unroll_factor = 8 : i64, sc.parallel_access}
      }
      %scan3A_39 = arith.constant 8 : i32
      %scan3A_40 = arith.constant 0.000000e+00 : f32
      %scan3A_41 = arith.constant 0.000000e+00 : f32
      %scan3A_42 = arith.constant 0.000000e+00 : f32
      %scan3A_43 = arith.constant 0.000000e+00 : f32
      %scan3A_44 = arith.constant 0.000000e+00 : f32
      %scan3A_45 = arith.constant 0.000000e+00 : f32
      %scan3A_46 = arith.constant 0.000000e+00 : f32
      %scan3A_47 = arith.constant 0.000000e+00 : f32
      %scan3A_48 = arith.constant 0.000000e+00 : f32
      %scan3A_49 = arith.constant 0.000000e+00 : f32
      %scan3A_50 = arith.constant 0.000000e+00 : f32
      %scan3A_51 = arith.constant 0.000000e+00 : f32
      %scan3A_52 = arith.constant 0.000000e+00 : f32
      %scan3A_53 = arith.constant 0.000000e+00 : f32
      %scan3A_54 = arith.constant 0.000000e+00 : f32
      %scan3A_55 = arith.constant 0.000000e+00 : f32
      %scan3A_56 = arith.constant 0.000000e+00 : f32
      %scan3A_57 = arith.constant 0 : i32
      %scan3A_58 = arith.constant 32 : i32
      %scan3A_59 = arith.addi %scan3A_57, %scan3A_58 : i32
      %scan3A_60 = arith.constant 1 : i32
      %scan3A_61:16 = scf.for %scan3A_345 = %scan3A_57 to %scan3A_59 step %scan3A_60 iter_args(%scan3A_346 = %scan3A_41, %scan3A_347 = %scan3A_42, %scan3A_348 = %scan3A_43, %scan3A_349 = %scan3A_44, %scan3A_350 = %scan3A_45, %scan3A_351 = %scan3A_46, %scan3A_352 = %scan3A_47, %scan3A_353 = %scan3A_48, %scan3A_354 = %scan3A_49, %scan3A_355 = %scan3A_50, %scan3A_356 = %scan3A_51, %scan3A_357 = %scan3A_52, %scan3A_358 = %scan3A_53, %scan3A_359 = %scan3A_54, %scan3A_360 = %scan3A_55, %scan3A_361 = %scan3A_56) -> (f32, f32, f32, f32, f32, f32, f32, f32, f32, f32, f32, f32, f32, f32, f32, f32)  : i32 {
        %mul3A_362 = arith.constant 16 : i32
        %mul3A_363 = arith.muli %scan3A_345, %mul3A_362 : i32
        %add3A_364 = arith.constant 0 : i32
        %add3A_365 = arith.addi %add3A_364, %mul3A_363 : i32
        %get3A = arith.index_cast %add3A_365 : i32 to index
        %get3A_366 = tpu.vector_load %arg11[%get3A] {strides = array<i32>} : memref<8208xf32, #tpu.memory_space<vmem>>, vector<16xf32>,
        %reduce_sum3A = arith.constant true
        %reduce_sum3A_367 = vector.broadcast %reduce_sum3A : i1 to vector<16xi1>
        %reduce_sum3A_368 = tpu.scan <sum>, %get3A_366 masked %reduce_sum3A_367 : vector<16xf32>, vector<16xi1> -> vector<16xf32>
        %reduce_sum3A_369 = vector.extract %reduce_sum3A_368[15] : f32 from vector<16xf32>
        %broadcast_in_dim3A_370 = arith.constant true
        %broadcast_in_dim3A_371 = vector.broadcast %broadcast_in_dim3A_370 : i1 to vector<16xi1>
        %masked_cumsum3A = tpu.scan <sum>, %get3A_366 masked %broadcast_in_dim3A_371 : vector<16xf32>, vector<16xi1> -> vector<16xf32>
        %sub3A = arith.subf %masked_cumsum3A, %get3A_366 : vector<16xf32>
        %add3A_372 = arith.addf %scan3A_346, %scan3A_40 : f32
        %add3A_373 = vector.broadcast %add3A_372 : f32 to vector<16xf32>
        %add3A_374 = arith.addf %sub3A, %add3A_373 : vector<16xf32>
        %swap3A_375 = arith.index_cast %add3A_365 : i32 to index
        %swap3A_376 = tpu.vector_load %arg11[%swap3A_375] {strides = array<i32>} : memref<8208xf32, #tpu.memory_space<vmem>>, vector<16xf32>,
        tpu.vector_store %arg11[%swap3A_375], %add3A_374 {strides = array<i32>} : memref<8208xf32, #tpu.memory_space<vmem>>, vector<16xf32>,
        %add3A_377 = arith.addf %scan3A_346, %reduce_sum3A_369 : f32
        %mul3A_378 = arith.constant 16 : i32
        %mul3A_379 = arith.muli %scan3A_345, %mul3A_378 : i32
        %add3A_380 = arith.constant 512 : i32
        %add3A_381 = arith.addi %add3A_380, %mul3A_379 : i32
        %get3A_382 = arith.index_cast %add3A_381 : i32 to index
        %get3A_383 = tpu.vector_load %arg11[%get3A_382] {strides = array<i32>} : memref<8208xf32, #tpu.memory_space<vmem>>, vector<16xf32>,
        %reduce_sum3A_384 = arith.constant true
        %reduce_sum3A_385 = vector.broadcast %reduce_sum3A_384 : i1 to vector<16xi1>
        %reduce_sum3A_386 = tpu.scan <sum>, %get3A_383 masked %reduce_sum3A_385 : vector<16xf32>, vector<16xi1> -> vector<16xf32>
        %reduce_sum3A_387 = vector.extract %reduce_sum3A_386[15] : f32 from vector<16xf32>
        %broadcast_in_dim3A_388 = arith.constant true
        %broadcast_in_dim3A_389 = vector.broadcast %broadcast_in_dim3A_388 : i1 to vector<16xi1>
        %masked_cumsum3A_390 = tpu.scan <sum>, %get3A_383 masked %broadcast_in_dim3A_389 : vector<16xf32>, vector<16xi1> -> vector<16xf32>
        %sub3A_391 = arith.subf %masked_cumsum3A_390, %get3A_383 : vector<16xf32>
        %add3A_392 = arith.addf %scan3A_347, %scan3A_40 : f32
        %add3A_393 = vector.broadcast %add3A_392 : f32 to vector<16xf32>
        %add3A_394 = arith.addf %sub3A_391, %add3A_393 : vector<16xf32>
        %swap3A_395 = arith.index_cast %add3A_381 : i32 to index
        %swap3A_396 = tpu.vector_load %arg11[%swap3A_395] {strides = array<i32>} : memref<8208xf32, #tpu.memory_space<vmem>>, vector<16xf32>,
        tpu.vector_store %arg11[%swap3A_395], %add3A_394 {strides = array<i32>} : memref<8208xf32, #tpu.memory_space<vmem>>, vector<16xf32>,
        %add3A_397 = arith.addf %scan3A_347, %reduce_sum3A_387 : f32
        %mul3A_398 = arith.constant 16 : i32
        %mul3A_399 = arith.muli %scan3A_345, %mul3A_398 : i32
        %add3A_400 = arith.constant 1024 : i32
        %add3A_401 = arith.addi %add3A_400, %mul3A_399 : i32
        %get3A_402 = arith.index_cast %add3A_401 : i32 to index
        %get3A_403 = tpu.vector_load %arg11[%get3A_402] {strides = array<i32>} : memref<8208xf32, #tpu.memory_space<vmem>>, vector<16xf32>,
        %reduce_sum3A_404 = arith.constant true
        %reduce_sum3A_405 = vector.broadcast %reduce_sum3A_404 : i1 to vector<16xi1>
        %reduce_sum3A_406 = tpu.scan <sum>, %get3A_403 masked %reduce_sum3A_405 : vector<16xf32>, vector<16xi1> -> vector<16xf32>
        %reduce_sum3A_407 = vector.extract %reduce_sum3A_406[15] : f32 from vector<16xf32>
        %broadcast_in_dim3A_408 = arith.constant true
        %broadcast_in_dim3A_409 = vector.broadcast %broadcast_in_dim3A_408 : i1 to vector<16xi1>
        %masked_cumsum3A_410 = tpu.scan <sum>, %get3A_403 masked %broadcast_in_dim3A_409 : vector<16xf32>, vector<16xi1> -> vector<16xf32>
        %sub3A_411 = arith.subf %masked_cumsum3A_410, %get3A_403 : vector<16xf32>
        %add3A_412 = arith.addf %scan3A_348, %scan3A_40 : f32
        %add3A_413 = vector.broadcast %add3A_412 : f32 to vector<16xf32>
        %add3A_414 = arith.addf %sub3A_411, %add3A_413 : vector<16xf32>
        %swap3A_415 = arith.index_cast %add3A_401 : i32 to index
        %swap3A_416 = tpu.vector_load %arg11[%swap3A_415] {strides = array<i32>} : memref<8208xf32, #tpu.memory_space<vmem>>, vector<16xf32>,
        tpu.vector_store %arg11[%swap3A_415], %add3A_414 {strides = array<i32>} : memref<8208xf32, #tpu.memory_space<vmem>>, vector<16xf32>,
        %add3A_417 = arith.addf %scan3A_348, %reduce_sum3A_407 : f32
        %mul3A_418 = arith.constant 16 : i32
        %mul3A_419 = arith.muli %scan3A_345, %mul3A_418 : i32
        %add3A_420 = arith.constant 1536 : i32
        %add3A_421 = arith.addi %add3A_420, %mul3A_419 : i32
        %get3A_422 = arith.index_cast %add3A_421 : i32 to index
        %get3A_423 = tpu.vector_load %arg11[%get3A_422] {strides = array<i32>} : memref<8208xf32, #tpu.memory_space<vmem>>, vector<16xf32>,
        %reduce_sum3A_424 = arith.constant true
        %reduce_sum3A_425 = vector.broadcast %reduce_sum3A_424 : i1 to vector<16xi1>
        %reduce_sum3A_426 = tpu.scan <sum>, %get3A_423 masked %reduce_sum3A_425 : vector<16xf32>, vector<16xi1> -> vector<16xf32>
        %reduce_sum3A_427 = vector.extract %reduce_sum3A_426[15] : f32 from vector<16xf32>
        %broadcast_in_dim3A_428 = arith.constant true
        %broadcast_in_dim3A_429 = vector.broadcast %broadcast_in_dim3A_428 : i1 to vector<16xi1>
        %masked_cumsum3A_430 = tpu.scan <sum>, %get3A_423 masked %broadcast_in_dim3A_429 : vector<16xf32>, vector<16xi1> -> vector<16xf32>
        %sub3A_431 = arith.subf %masked_cumsum3A_430, %get3A_423 : vector<16xf32>
        %add3A_432 = arith.addf %scan3A_349, %scan3A_40 : f32
        %add3A_433 = vector.broadcast %add3A_432 : f32 to vector<16xf32>
        %add3A_434 = arith.addf %sub3A_431, %add3A_433 : vector<16xf32>
        %swap3A_435 = arith.index_cast %add3A_421 : i32 to index
        %swap3A_436 = tpu.vector_load %arg11[%swap3A_435] {strides = array<i32>} : memref<8208xf32, #tpu.memory_space<vmem>>, vector<16xf32>,
        tpu.vector_store %arg11[%swap3A_435], %add3A_434 {strides = array<i32>} : memref<8208xf32, #tpu.memory_space<vmem>>, vector<16xf32>,
        %add3A_437 = arith.addf %scan3A_349, %reduce_sum3A_427 : f32
        %mul3A_438 = arith.constant 16 : i32
        %mul3A_439 = arith.muli %scan3A_345, %mul3A_438 : i32
        %add3A_440 = arith.constant 2048 : i32
        %add3A_441 = arith.addi %add3A_440, %mul3A_439 : i32
        %get3A_442 = arith.index_cast %add3A_441 : i32 to index
        %get3A_443 = tpu.vector_load %arg11[%get3A_442] {strides = array<i32>} : memref<8208xf32, #tpu.memory_space<vmem>>, vector<16xf32>,
        %reduce_sum3A_444 = arith.constant true
        %reduce_sum3A_445 = vector.broadcast %reduce_sum3A_444 : i1 to vector<16xi1>
        %reduce_sum3A_446 = tpu.scan <sum>, %get3A_443 masked %reduce_sum3A_445 : vector<16xf32>, vector<16xi1> -> vector<16xf32>
        %reduce_sum3A_447 = vector.extract %reduce_sum3A_446[15] : f32 from vector<16xf32>
        %broadcast_in_dim3A_448 = arith.constant true
        %broadcast_in_dim3A_449 = vector.broadcast %broadcast_in_dim3A_448 : i1 to vector<16xi1>
        %masked_cumsum3A_450 = tpu.scan <sum>, %get3A_443 masked %broadcast_in_dim3A_449 : vector<16xf32>, vector<16xi1> -> vector<16xf32>
        %sub3A_451 = arith.subf %masked_cumsum3A_450, %get3A_443 : vector<16xf32>
        %add3A_452 = arith.addf %scan3A_350, %scan3A_40 : f32
        %add3A_453 = vector.broadcast %add3A_452 : f32 to vector<16xf32>
        %add3A_454 = arith.addf %sub3A_451, %add3A_453 : vector<16xf32>
        %swap3A_455 = arith.index_cast %add3A_441 : i32 to index
        %swap3A_456 = tpu.vector_load %arg11[%swap3A_455] {strides = array<i32>} : memref<8208xf32, #tpu.memory_space<vmem>>, vector<16xf32>,
        tpu.vector_store %arg11[%swap3A_455], %add3A_454 {strides = array<i32>} : memref<8208xf32, #tpu.memory_space<vmem>>, vector<16xf32>,
        %add3A_457 = arith.addf %scan3A_350, %reduce_sum3A_447 : f32
        %mul3A_458 = arith.constant 16 : i32
        %mul3A_459 = arith.muli %scan3A_345, %mul3A_458 : i32
        %add3A_460 = arith.constant 2560 : i32
        %add3A_461 = arith.addi %add3A_460, %mul3A_459 : i32
        %get3A_462 = arith.index_cast %add3A_461 : i32 to index
        %get3A_463 = tpu.vector_load %arg11[%get3A_462] {strides = array<i32>} : memref<8208xf32, #tpu.memory_space<vmem>>, vector<16xf32>,
        %reduce_sum3A_464 = arith.constant true
        %reduce_sum3A_465 = vector.broadcast %reduce_sum3A_464 : i1 to vector<16xi1>
        %reduce_sum3A_466 = tpu.scan <sum>, %get3A_463 masked %reduce_sum3A_465 : vector<16xf32>, vector<16xi1> -> vector<16xf32>
        %reduce_sum3A_467 = vector.extract %reduce_sum3A_466[15] : f32 from vector<16xf32>
        %broadcast_in_dim3A_468 = arith.constant true
        %broadcast_in_dim3A_469 = vector.broadcast %broadcast_in_dim3A_468 : i1 to vector<16xi1>
        %masked_cumsum3A_470 = tpu.scan <sum>, %get3A_463 masked %broadcast_in_dim3A_469 : vector<16xf32>, vector<16xi1> -> vector<16xf32>
        %sub3A_471 = arith.subf %masked_cumsum3A_470, %get3A_463 : vector<16xf32>
        %add3A_472 = arith.addf %scan3A_351, %scan3A_40 : f32
        %add3A_473 = vector.broadcast %add3A_472 : f32 to vector<16xf32>
        %add3A_474 = arith.addf %sub3A_471, %add3A_473 : vector<16xf32>
        %swap3A_475 = arith.index_cast %add3A_461 : i32 to index
        %swap3A_476 = tpu.vector_load %arg11[%swap3A_475] {strides = array<i32>} : memref<8208xf32, #tpu.memory_space<vmem>>, vector<16xf32>,
        tpu.vector_store %arg11[%swap3A_475], %add3A_474 {strides = array<i32>} : memref<8208xf32, #tpu.memory_space<vmem>>, vector<16xf32>,
        %add3A_477 = arith.addf %scan3A_351, %reduce_sum3A_467 : f32
        %mul3A_478 = arith.constant 16 : i32
        %mul3A_479 = arith.muli %scan3A_345, %mul3A_478 : i32
        %add3A_480 = arith.constant 3072 : i32
        %add3A_481 = arith.addi %add3A_480, %mul3A_479 : i32
        %get3A_482 = arith.index_cast %add3A_481 : i32 to index
        %get3A_483 = tpu.vector_load %arg11[%get3A_482] {strides = array<i32>} : memref<8208xf32, #tpu.memory_space<vmem>>, vector<16xf32>,
        %reduce_sum3A_484 = arith.constant true
        %reduce_sum3A_485 = vector.broadcast %reduce_sum3A_484 : i1 to vector<16xi1>
        %reduce_sum3A_486 = tpu.scan <sum>, %get3A_483 masked %reduce_sum3A_485 : vector<16xf32>, vector<16xi1> -> vector<16xf32>
        %reduce_sum3A_487 = vector.extract %reduce_sum3A_486[15] : f32 from vector<16xf32>
        %broadcast_in_dim3A_488 = arith.constant true
        %broadcast_in_dim3A_489 = vector.broadcast %broadcast_in_dim3A_488 : i1 to vector<16xi1>
        %masked_cumsum3A_490 = tpu.scan <sum>, %get3A_483 masked %broadcast_in_dim3A_489 : vector<16xf32>, vector<16xi1> -> vector<16xf32>
        %sub3A_491 = arith.subf %masked_cumsum3A_490, %get3A_483 : vector<16xf32>
        %add3A_492 = arith.addf %scan3A_352, %scan3A_40 : f32
        %add3A_493 = vector.broadcast %add3A_492 : f32 to vector<16xf32>
        %add3A_494 = arith.addf %sub3A_491, %add3A_493 : vector<16xf32>
        %swap3A_495 = arith.index_cast %add3A_481 : i32 to index
        %swap3A_496 = tpu.vector_load %arg11[%swap3A_495] {strides = array<i32>} : memref<8208xf32, #tpu.memory_space<vmem>>, vector<16xf32>,
        tpu.vector_store %arg11[%swap3A_495], %add3A_494 {strides = array<i32>} : memref<8208xf32, #tpu.memory_space<vmem>>, vector<16xf32>,
        %add3A_497 = arith.addf %scan3A_352, %reduce_sum3A_487 : f32
        %mul3A_498 = arith.constant 16 : i32
        %mul3A_499 = arith.muli %scan3A_345, %mul3A_498 : i32
        %add3A_500 = arith.constant 3584 : i32
        %add3A_501 = arith.addi %add3A_500, %mul3A_499 : i32
        %get3A_502 = arith.index_cast %add3A_501 : i32 to index
        %get3A_503 = tpu.vector_load %arg11[%get3A_502] {strides = array<i32>} : memref<8208xf32, #tpu.memory_space<vmem>>, vector<16xf32>,
        %reduce_sum3A_504 = arith.constant true
        %reduce_sum3A_505 = vector.broadcast %reduce_sum3A_504 : i1 to vector<16xi1>
        %reduce_sum3A_506 = tpu.scan <sum>, %get3A_503 masked %reduce_sum3A_505 : vector<16xf32>, vector<16xi1> -> vector<16xf32>
        %reduce_sum3A_507 = vector.extract %reduce_sum3A_506[15] : f32 from vector<16xf32>
        %broadcast_in_dim3A_508 = arith.constant true
        %broadcast_in_dim3A_509 = vector.broadcast %broadcast_in_dim3A_508 : i1 to vector<16xi1>
        %masked_cumsum3A_510 = tpu.scan <sum>, %get3A_503 masked %broadcast_in_dim3A_509 : vector<16xf32>, vector<16xi1> -> vector<16xf32>
        %sub3A_511 = arith.subf %masked_cumsum3A_510, %get3A_503 : vector<16xf32>
        %add3A_512 = arith.addf %scan3A_353, %scan3A_40 : f32
        %add3A_513 = vector.broadcast %add3A_512 : f32 to vector<16xf32>
        %add3A_514 = arith.addf %sub3A_511, %add3A_513 : vector<16xf32>
        %swap3A_515 = arith.index_cast %add3A_501 : i32 to index
        %swap3A_516 = tpu.vector_load %arg11[%swap3A_515] {strides = array<i32>} : memref<8208xf32, #tpu.memory_space<vmem>>, vector<16xf32>,
        tpu.vector_store %arg11[%swap3A_515], %add3A_514 {strides = array<i32>} : memref<8208xf32, #tpu.memory_space<vmem>>, vector<16xf32>,
        %add3A_517 = arith.addf %scan3A_353, %reduce_sum3A_507 : f32
        %mul3A_518 = arith.constant 16 : i32
        %mul3A_519 = arith.muli %scan3A_345, %mul3A_518 : i32
        %add3A_520 = arith.constant 4096 : i32
        %add3A_521 = arith.addi %add3A_520, %mul3A_519 : i32
        %get3A_522 = arith.index_cast %add3A_521 : i32 to index
        %get3A_523 = tpu.vector_load %arg11[%get3A_522] {strides = array<i32>} : memref<8208xf32, #tpu.memory_space<vmem>>, vector<16xf32>,
        %reduce_sum3A_524 = arith.constant true
        %reduce_sum3A_525 = vector.broadcast %reduce_sum3A_524 : i1 to vector<16xi1>
        %reduce_sum3A_526 = tpu.scan <sum>, %get3A_523 masked %reduce_sum3A_525 : vector<16xf32>, vector<16xi1> -> vector<16xf32>
        %reduce_sum3A_527 = vector.extract %reduce_sum3A_526[15] : f32 from vector<16xf32>
        %broadcast_in_dim3A_528 = arith.constant true
        %broadcast_in_dim3A_529 = vector.broadcast %broadcast_in_dim3A_528 : i1 to vector<16xi1>
        %masked_cumsum3A_530 = tpu.scan <sum>, %get3A_523 masked %broadcast_in_dim3A_529 : vector<16xf32>, vector<16xi1> -> vector<16xf32>
        %sub3A_531 = arith.subf %masked_cumsum3A_530, %get3A_523 : vector<16xf32>
        %add3A_532 = arith.addf %scan3A_354, %scan3A_40 : f32
        %add3A_533 = vector.broadcast %add3A_532 : f32 to vector<16xf32>
        %add3A_534 = arith.addf %sub3A_531, %add3A_533 : vector<16xf32>
        %swap3A_535 = arith.index_cast %add3A_521 : i32 to index
        %swap3A_536 = tpu.vector_load %arg11[%swap3A_535] {strides = array<i32>} : memref<8208xf32, #tpu.memory_space<vmem>>, vector<16xf32>,
        tpu.vector_store %arg11[%swap3A_535], %add3A_534 {strides = array<i32>} : memref<8208xf32, #tpu.memory_space<vmem>>, vector<16xf32>,
        %add3A_537 = arith.addf %scan3A_354, %reduce_sum3A_527 : f32
        %mul3A_538 = arith.constant 16 : i32
        %mul3A_539 = arith.muli %scan3A_345, %mul3A_538 : i32
        %add3A_540 = arith.constant 4608 : i32
        %add3A_541 = arith.addi %add3A_540, %mul3A_539 : i32
        %get3A_542 = arith.index_cast %add3A_541 : i32 to index
        %get3A_543 = tpu.vector_load %arg11[%get3A_542] {strides = array<i32>} : memref<8208xf32, #tpu.memory_space<vmem>>, vector<16xf32>,
        %reduce_sum3A_544 = arith.constant true
        %reduce_sum3A_545 = vector.broadcast %reduce_sum3A_544 : i1 to vector<16xi1>
        %reduce_sum3A_546 = tpu.scan <sum>, %get3A_543 masked %reduce_sum3A_545 : vector<16xf32>, vector<16xi1> -> vector<16xf32>
        %reduce_sum3A_547 = vector.extract %reduce_sum3A_546[15] : f32 from vector<16xf32>
        %broadcast_in_dim3A_548 = arith.constant true
        %broadcast_in_dim3A_549 = vector.broadcast %broadcast_in_dim3A_548 : i1 to vector<16xi1>
        %masked_cumsum3A_550 = tpu.scan <sum>, %get3A_543 masked %broadcast_in_dim3A_549 : vector<16xf32>, vector<16xi1> -> vector<16xf32>
        %sub3A_551 = arith.subf %masked_cumsum3A_550, %get3A_543 : vector<16xf32>
        %add3A_552 = arith.addf %scan3A_355, %scan3A_40 : f32
        %add3A_553 = vector.broadcast %add3A_552 : f32 to vector<16xf32>
        %add3A_554 = arith.addf %sub3A_551, %add3A_553 : vector<16xf32>
        %swap3A_555 = arith.index_cast %add3A_541 : i32 to index
        %swap3A_556 = tpu.vector_load %arg11[%swap3A_555] {strides = array<i32>} : memref<8208xf32, #tpu.memory_space<vmem>>, vector<16xf32>,
        tpu.vector_store %arg11[%swap3A_555], %add3A_554 {strides = array<i32>} : memref<8208xf32, #tpu.memory_space<vmem>>, vector<16xf32>,
        %add3A_557 = arith.addf %scan3A_355, %reduce_sum3A_547 : f32
        %mul3A_558 = arith.constant 16 : i32
        %mul3A_559 = arith.muli %scan3A_345, %mul3A_558 : i32
        %add3A_560 = arith.constant 5120 : i32
        %add3A_561 = arith.addi %add3A_560, %mul3A_559 : i32
        %get3A_562 = arith.index_cast %add3A_561 : i32 to index
        %get3A_563 = tpu.vector_load %arg11[%get3A_562] {strides = array<i32>} : memref<8208xf32, #tpu.memory_space<vmem>>, vector<16xf32>,
        %reduce_sum3A_564 = arith.constant true
        %reduce_sum3A_565 = vector.broadcast %reduce_sum3A_564 : i1 to vector<16xi1>
        %reduce_sum3A_566 = tpu.scan <sum>, %get3A_563 masked %reduce_sum3A_565 : vector<16xf32>, vector<16xi1> -> vector<16xf32>
        %reduce_sum3A_567 = vector.extract %reduce_sum3A_566[15] : f32 from vector<16xf32>
        %broadcast_in_dim3A_568 = arith.constant true
        %broadcast_in_dim3A_569 = vector.broadcast %broadcast_in_dim3A_568 : i1 to vector<16xi1>
        %masked_cumsum3A_570 = tpu.scan <sum>, %get3A_563 masked %broadcast_in_dim3A_569 : vector<16xf32>, vector<16xi1> -> vector<16xf32>
        %sub3A_571 = arith.subf %masked_cumsum3A_570, %get3A_563 : vector<16xf32>
        %add3A_572 = arith.addf %scan3A_356, %scan3A_40 : f32
        %add3A_573 = vector.broadcast %add3A_572 : f32 to vector<16xf32>
        %add3A_574 = arith.addf %sub3A_571, %add3A_573 : vector<16xf32>
        %swap3A_575 = arith.index_cast %add3A_561 : i32 to index
        %swap3A_576 = tpu.vector_load %arg11[%swap3A_575] {strides = array<i32>} : memref<8208xf32, #tpu.memory_space<vmem>>, vector<16xf32>,
        tpu.vector_store %arg11[%swap3A_575], %add3A_574 {strides = array<i32>} : memref<8208xf32, #tpu.memory_space<vmem>>, vector<16xf32>,
        %add3A_577 = arith.addf %scan3A_356, %reduce_sum3A_567 : f32
        %mul3A_578 = arith.constant 16 : i32
        %mul3A_579 = arith.muli %scan3A_345, %mul3A_578 : i32
        %add3A_580 = arith.constant 5632 : i32
        %add3A_581 = arith.addi %add3A_580, %mul3A_579 : i32
        %get3A_582 = arith.index_cast %add3A_581 : i32 to index
        %get3A_583 = tpu.vector_load %arg11[%get3A_582] {strides = array<i32>} : memref<8208xf32, #tpu.memory_space<vmem>>, vector<16xf32>,
        %reduce_sum3A_584 = arith.constant true
        %reduce_sum3A_585 = vector.broadcast %reduce_sum3A_584 : i1 to vector<16xi1>
        %reduce_sum3A_586 = tpu.scan <sum>, %get3A_583 masked %reduce_sum3A_585 : vector<16xf32>, vector<16xi1> -> vector<16xf32>
        %reduce_sum3A_587 = vector.extract %reduce_sum3A_586[15] : f32 from vector<16xf32>
        %broadcast_in_dim3A_588 = arith.constant true
        %broadcast_in_dim3A_589 = vector.broadcast %broadcast_in_dim3A_588 : i1 to vector<16xi1>
        %masked_cumsum3A_590 = tpu.scan <sum>, %get3A_583 masked %broadcast_in_dim3A_589 : vector<16xf32>, vector<16xi1> -> vector<16xf32>
        %sub3A_591 = arith.subf %masked_cumsum3A_590, %get3A_583 : vector<16xf32>
        %add3A_592 = arith.addf %scan3A_357, %scan3A_40 : f32
        %add3A_593 = vector.broadcast %add3A_592 : f32 to vector<16xf32>
        %add3A_594 = arith.addf %sub3A_591, %add3A_593 : vector<16xf32>
        %swap3A_595 = arith.index_cast %add3A_581 : i32 to index
        %swap3A_596 = tpu.vector_load %arg11[%swap3A_595] {strides = array<i32>} : memref<8208xf32, #tpu.memory_space<vmem>>, vector<16xf32>,
        tpu.vector_store %arg11[%swap3A_595], %add3A_594 {strides = array<i32>} : memref<8208xf32, #tpu.memory_space<vmem>>, vector<16xf32>,
        %add3A_597 = arith.addf %scan3A_357, %reduce_sum3A_587 : f32
        %mul3A_598 = arith.constant 16 : i32
        %mul3A_599 = arith.muli %scan3A_345, %mul3A_598 : i32
        %add3A_600 = arith.constant 6144 : i32
        %add3A_601 = arith.addi %add3A_600, %mul3A_599 : i32
        %get3A_602 = arith.index_cast %add3A_601 : i32 to index
        %get3A_603 = tpu.vector_load %arg11[%get3A_602] {strides = array<i32>} : memref<8208xf32, #tpu.memory_space<vmem>>, vector<16xf32>,
        %reduce_sum3A_604 = arith.constant true
        %reduce_sum3A_605 = vector.broadcast %reduce_sum3A_604 : i1 to vector<16xi1>
        %reduce_sum3A_606 = tpu.scan <sum>, %get3A_603 masked %reduce_sum3A_605 : vector<16xf32>, vector<16xi1> -> vector<16xf32>
        %reduce_sum3A_607 = vector.extract %reduce_sum3A_606[15] : f32 from vector<16xf32>
        %broadcast_in_dim3A_608 = arith.constant true
        %broadcast_in_dim3A_609 = vector.broadcast %broadcast_in_dim3A_608 : i1 to vector<16xi1>
        %masked_cumsum3A_610 = tpu.scan <sum>, %get3A_603 masked %broadcast_in_dim3A_609 : vector<16xf32>, vector<16xi1> -> vector<16xf32>
        %sub3A_611 = arith.subf %masked_cumsum3A_610, %get3A_603 : vector<16xf32>
        %add3A_612 = arith.addf %scan3A_358, %scan3A_40 : f32
        %add3A_613 = vector.broadcast %add3A_612 : f32 to vector<16xf32>
        %add3A_614 = arith.addf %sub3A_611, %add3A_613 : vector<16xf32>
        %swap3A_615 = arith.index_cast %add3A_601 : i32 to index
        %swap3A_616 = tpu.vector_load %arg11[%swap3A_615] {strides = array<i32>} : memref<8208xf32, #tpu.memory_space<vmem>>, vector<16xf32>,
        tpu.vector_store %arg11[%swap3A_615], %add3A_614 {strides = array<i32>} : memref<8208xf32, #tpu.memory_space<vmem>>, vector<16xf32>,
        %add3A_617 = arith.addf %scan3A_358, %reduce_sum3A_607 : f32
        %mul3A_618 = arith.constant 16 : i32
        %mul3A_619 = arith.muli %scan3A_345, %mul3A_618 : i32
        %add3A_620 = arith.constant 6656 : i32
        %add3A_621 = arith.addi %add3A_620, %mul3A_619 : i32
        %get3A_622 = arith.index_cast %add3A_621 : i32 to index
        %get3A_623 = tpu.vector_load %arg11[%get3A_622] {strides = array<i32>} : memref<8208xf32, #tpu.memory_space<vmem>>, vector<16xf32>,
        %reduce_sum3A_624 = arith.constant true
        %reduce_sum3A_625 = vector.broadcast %reduce_sum3A_624 : i1 to vector<16xi1>
        %reduce_sum3A_626 = tpu.scan <sum>, %get3A_623 masked %reduce_sum3A_625 : vector<16xf32>, vector<16xi1> -> vector<16xf32>
        %reduce_sum3A_627 = vector.extract %reduce_sum3A_626[15] : f32 from vector<16xf32>
        %broadcast_in_dim3A_628 = arith.constant true
        %broadcast_in_dim3A_629 = vector.broadcast %broadcast_in_dim3A_628 : i1 to vector<16xi1>
        %masked_cumsum3A_630 = tpu.scan <sum>, %get3A_623 masked %broadcast_in_dim3A_629 : vector<16xf32>, vector<16xi1> -> vector<16xf32>
        %sub3A_631 = arith.subf %masked_cumsum3A_630, %get3A_623 : vector<16xf32>
        %add3A_632 = arith.addf %scan3A_359, %scan3A_40 : f32
        %add3A_633 = vector.broadcast %add3A_632 : f32 to vector<16xf32>
        %add3A_634 = arith.addf %sub3A_631, %add3A_633 : vector<16xf32>
        %swap3A_635 = arith.index_cast %add3A_621 : i32 to index
        %swap3A_636 = tpu.vector_load %arg11[%swap3A_635] {strides = array<i32>} : memref<8208xf32, #tpu.memory_space<vmem>>, vector<16xf32>,
        tpu.vector_store %arg11[%swap3A_635], %add3A_634 {strides = array<i32>} : memref<8208xf32, #tpu.memory_space<vmem>>, vector<16xf32>,
        %add3A_637 = arith.addf %scan3A_359, %reduce_sum3A_627 : f32
        %mul3A_638 = arith.constant 16 : i32
        %mul3A_639 = arith.muli %scan3A_345, %mul3A_638 : i32
        %add3A_640 = arith.constant 7168 : i32
        %add3A_641 = arith.addi %add3A_640, %mul3A_639 : i32
        %get3A_642 = arith.index_cast %add3A_641 : i32 to index
        %get3A_643 = tpu.vector_load %arg11[%get3A_642] {strides = array<i32>} : memref<8208xf32, #tpu.memory_space<vmem>>, vector<16xf32>,
        %reduce_sum3A_644 = arith.constant true
        %reduce_sum3A_645 = vector.broadcast %reduce_sum3A_644 : i1 to vector<16xi1>
        %reduce_sum3A_646 = tpu.scan <sum>, %get3A_643 masked %reduce_sum3A_645 : vector<16xf32>, vector<16xi1> -> vector<16xf32>
        %reduce_sum3A_647 = vector.extract %reduce_sum3A_646[15] : f32 from vector<16xf32>
        %broadcast_in_dim3A_648 = arith.constant true
        %broadcast_in_dim3A_649 = vector.broadcast %broadcast_in_dim3A_648 : i1 to vector<16xi1>
        %masked_cumsum3A_650 = tpu.scan <sum>, %get3A_643 masked %broadcast_in_dim3A_649 : vector<16xf32>, vector<16xi1> -> vector<16xf32>
        %sub3A_651 = arith.subf %masked_cumsum3A_650, %get3A_643 : vector<16xf32>
        %add3A_652 = arith.addf %scan3A_360, %scan3A_40 : f32
        %add3A_653 = vector.broadcast %add3A_652 : f32 to vector<16xf32>
        %add3A_654 = arith.addf %sub3A_651, %add3A_653 : vector<16xf32>
        %swap3A_655 = arith.index_cast %add3A_641 : i32 to index
        %swap3A_656 = tpu.vector_load %arg11[%swap3A_655] {strides = array<i32>} : memref<8208xf32, #tpu.memory_space<vmem>>, vector<16xf32>,
        tpu.vector_store %arg11[%swap3A_655], %add3A_654 {strides = array<i32>} : memref<8208xf32, #tpu.memory_space<vmem>>, vector<16xf32>,
        %add3A_657 = arith.addf %scan3A_360, %reduce_sum3A_647 : f32
        %mul3A_658 = arith.constant 16 : i32
        %mul3A_659 = arith.muli %scan3A_345, %mul3A_658 : i32
        %add3A_660 = arith.constant 7680 : i32
        %add3A_661 = arith.addi %add3A_660, %mul3A_659 : i32
        %get3A_662 = arith.index_cast %add3A_661 : i32 to index
        %get3A_663 = tpu.vector_load %arg11[%get3A_662] {strides = array<i32>} : memref<8208xf32, #tpu.memory_space<vmem>>, vector<16xf32>,
        %reduce_sum3A_664 = arith.constant true
        %reduce_sum3A_665 = vector.broadcast %reduce_sum3A_664 : i1 to vector<16xi1>
        %reduce_sum3A_666 = tpu.scan <sum>, %get3A_663 masked %reduce_sum3A_665 : vector<16xf32>, vector<16xi1> -> vector<16xf32>
        %reduce_sum3A_667 = vector.extract %reduce_sum3A_666[15] : f32 from vector<16xf32>
        %broadcast_in_dim3A_668 = arith.constant true
        %broadcast_in_dim3A_669 = vector.broadcast %broadcast_in_dim3A_668 : i1 to vector<16xi1>
        %masked_cumsum3A_670 = tpu.scan <sum>, %get3A_663 masked %broadcast_in_dim3A_669 : vector<16xf32>, vector<16xi1> -> vector<16xf32>
        %sub3A_671 = arith.subf %masked_cumsum3A_670, %get3A_663 : vector<16xf32>
        %add3A_672 = arith.addf %scan3A_361, %scan3A_40 : f32
        %add3A_673 = vector.broadcast %add3A_672 : f32 to vector<16xf32>
        %add3A_674 = arith.addf %sub3A_671, %add3A_673 : vector<16xf32>
        %swap3A_675 = arith.index_cast %add3A_661 : i32 to index
        %swap3A_676 = tpu.vector_load %arg11[%swap3A_675] {strides = array<i32>} : memref<8208xf32, #tpu.memory_space<vmem>>, vector<16xf32>,
        tpu.vector_store %arg11[%swap3A_675], %add3A_674 {strides = array<i32>} : memref<8208xf32, #tpu.memory_space<vmem>>, vector<16xf32>,
        %add3A_677 = arith.addf %scan3A_361, %reduce_sum3A_667 : f32
        scf.yield %add3A_377, %add3A_397, %add3A_417, %add3A_437, %add3A_457, %add3A_477, %add3A_497, %add3A_517, %add3A_537, %add3A_557, %add3A_577, %add3A_597, %add3A_617, %add3A_637, %add3A_657, %add3A_677 : f32, f32, f32, f32, f32, f32, f32, f32, f32, f32, f32, f32, f32, f32, f32, f32
      }
      %scan3A_62 = arith.constant 32 : i32
      %add3A_63 = arith.constant 0.000000e+00 : f32
      %add3A_64 = arith.addf %add3A_63, %scan3A_61#0 : f32
      %add3A_65 = arith.addf %add3A_64, %scan3A_61#1 : f32
      %add3A_66 = arith.addf %add3A_65, %scan3A_61#2 : f32
      %add3A_67 = arith.addf %add3A_66, %scan3A_61#3 : f32
      %add3A_68 = arith.addf %add3A_67, %scan3A_61#4 : f32
      %add3A_69 = arith.addf %add3A_68, %scan3A_61#5 : f32
      %add3A_70 = arith.addf %add3A_69, %scan3A_61#6 : f32
      %add3A_71 = arith.addf %add3A_70, %scan3A_61#7 : f32
      %add3A_72 = arith.addf %add3A_71, %scan3A_61#8 : f32
      %add3A_73 = arith.addf %add3A_72, %scan3A_61#9 : f32
      %add3A_74 = arith.addf %add3A_73, %scan3A_61#10 : f32
      %add3A_75 = arith.addf %add3A_74, %scan3A_61#11 : f32
      %add3A_76 = arith.addf %add3A_75, %scan3A_61#12 : f32
      %add3A_77 = arith.addf %add3A_76, %scan3A_61#13 : f32
      %add3A_78 = arith.addf %add3A_77, %scan3A_61#14 : f32
      %add3A_79 = arith.addf %add3A_78, %scan3A_61#15 : f32
      %parallel_loop3A_80 = arith.constant 0 : i32
      %parallel_loop3A_81 = arith.constant 32 : i32
      %parallel_loop3A_82 = arith.constant 1 : i32
      scf.for %parallel_loop3A_345 = %parallel_loop3A_80 to %parallel_loop3A_81 step %parallel_loop3A_82  : i32 {
        %parallel_loop3A_346 = arith.constant 16 : i32
        %parallel_loop3A_347 = arith.muli %parallel_loop3A_345, %parallel_loop3A_346 : i32
        %parallel_loop3A_348 = arith.constant 512 : i32
        %parallel_loop3A_349 = arith.addi %parallel_loop3A_348, %parallel_loop3A_347 : i32
        %parallel_loop3A_350 = arith.index_cast %parallel_loop3A_349 : i32 to index
        %parallel_loop3A_351 = tpu.vector_load %arg11[%parallel_loop3A_350] {strides = array<i32>} : memref<8208xf32, #tpu.memory_space<vmem>>, vector<16xf32>,
        %parallel_loop3A_352 = vector.broadcast %add3A_64 : f32 to vector<16xf32>
        %parallel_loop3A_353 = arith.addf %parallel_loop3A_351, %parallel_loop3A_352 : vector<16xf32>
        %parallel_loop3A_354 = arith.index_cast %parallel_loop3A_349 : i32 to index
        %parallel_loop3A_355 = tpu.vector_load %arg11[%parallel_loop3A_354] {strides = array<i32>} : memref<8208xf32, #tpu.memory_space<vmem>>, vector<16xf32>,
        tpu.vector_store %arg11[%parallel_loop3A_354], %parallel_loop3A_353 {strides = array<i32>} : memref<8208xf32, #tpu.memory_space<vmem>>, vector<16xf32>,
      } {sc.loop_unroll_factor = 4 : i64, sc.parallel_access}
      %parallel_loop3A_83 = arith.constant 0 : i32
      %parallel_loop3A_84 = arith.constant 32 : i32
      %parallel_loop3A_85 = arith.constant 1 : i32
      scf.for %parallel_loop3A_345 = %parallel_loop3A_83 to %parallel_loop3A_84 step %parallel_loop3A_85  : i32 {
        %parallel_loop3A_346 = arith.constant 16 : i32
        %parallel_loop3A_347 = arith.muli %parallel_loop3A_345, %parallel_loop3A_346 : i32
        %parallel_loop3A_348 = arith.constant 1024 : i32
        %parallel_loop3A_349 = arith.addi %parallel_loop3A_348, %parallel_loop3A_347 : i32
        %parallel_loop3A_350 = arith.index_cast %parallel_loop3A_349 : i32 to index
        %parallel_loop3A_351 = tpu.vector_load %arg11[%parallel_loop3A_350] {strides = array<i32>} : memref<8208xf32, #tpu.memory_space<vmem>>, vector<16xf32>,
        %parallel_loop3A_352 = vector.broadcast %add3A_65 : f32 to vector<16xf32>
        %parallel_loop3A_353 = arith.addf %parallel_loop3A_351, %parallel_loop3A_352 : vector<16xf32>
        %parallel_loop3A_354 = arith.index_cast %parallel_loop3A_349 : i32 to index
        %parallel_loop3A_355 = tpu.vector_load %arg11[%parallel_loop3A_354] {strides = array<i32>} : memref<8208xf32, #tpu.memory_space<vmem>>, vector<16xf32>,
        tpu.vector_store %arg11[%parallel_loop3A_354], %parallel_loop3A_353 {strides = array<i32>} : memref<8208xf32, #tpu.memory_space<vmem>>, vector<16xf32>,
      } {sc.loop_unroll_factor = 4 : i64, sc.parallel_access}
      %parallel_loop3A_86 = arith.constant 0 : i32
      %parallel_loop3A_87 = arith.constant 32 : i32
      %parallel_loop3A_88 = arith.constant 1 : i32
      scf.for %parallel_loop3A_345 = %parallel_loop3A_86 to %parallel_loop3A_87 step %parallel_loop3A_88  : i32 {
        %parallel_loop3A_346 = arith.constant 16 : i32
        %parallel_loop3A_347 = arith.muli %parallel_loop3A_345, %parallel_loop3A_346 : i32
        %parallel_loop3A_348 = arith.constant 1536 : i32
        %parallel_loop3A_349 = arith.addi %parallel_loop3A_348, %parallel_loop3A_347 : i32
        %parallel_loop3A_350 = arith.index_cast %parallel_loop3A_349 : i32 to index
        %parallel_loop3A_351 = tpu.vector_load %arg11[%parallel_loop3A_350] {strides = array<i32>} : memref<8208xf32, #tpu.memory_space<vmem>>, vector<16xf32>,
        %parallel_loop3A_352 = vector.broadcast %add3A_66 : f32 to vector<16xf32>
        %parallel_loop3A_353 = arith.addf %parallel_loop3A_351, %parallel_loop3A_352 : vector<16xf32>
        %parallel_loop3A_354 = arith.index_cast %parallel_loop3A_349 : i32 to index
        %parallel_loop3A_355 = tpu.vector_load %arg11[%parallel_loop3A_354] {strides = array<i32>} : memref<8208xf32, #tpu.memory_space<vmem>>, vector<16xf32>,
        tpu.vector_store %arg11[%parallel_loop3A_354], %parallel_loop3A_353 {strides = array<i32>} : memref<8208xf32, #tpu.memory_space<vmem>>, vector<16xf32>,
      } {sc.loop_unroll_factor = 4 : i64, sc.parallel_access}
      %parallel_loop3A_89 = arith.constant 0 : i32
      %parallel_loop3A_90 = arith.constant 32 : i32
      %parallel_loop3A_91 = arith.constant 1 : i32
      scf.for %parallel_loop3A_345 = %parallel_loop3A_89 to %parallel_loop3A_90 step %parallel_loop3A_91  : i32 {
        %parallel_loop3A_346 = arith.constant 16 : i32
        %parallel_loop3A_347 = arith.muli %parallel_loop3A_345, %parallel_loop3A_346 : i32
        %parallel_loop3A_348 = arith.constant 2048 : i32
        %parallel_loop3A_349 = arith.addi %parallel_loop3A_348, %parallel_loop3A_347 : i32
        %parallel_loop3A_350 = arith.index_cast %parallel_loop3A_349 : i32 to index
        %parallel_loop3A_351 = tpu.vector_load %arg11[%parallel_loop3A_350] {strides = array<i32>} : memref<8208xf32, #tpu.memory_space<vmem>>, vector<16xf32>,
        %parallel_loop3A_352 = vector.broadcast %add3A_67 : f32 to vector<16xf32>
        %parallel_loop3A_353 = arith.addf %parallel_loop3A_351, %parallel_loop3A_352 : vector<16xf32>
        %parallel_loop3A_354 = arith.index_cast %parallel_loop3A_349 : i32 to index
        %parallel_loop3A_355 = tpu.vector_load %arg11[%parallel_loop3A_354] {strides = array<i32>} : memref<8208xf32, #tpu.memory_space<vmem>>, vector<16xf32>,
        tpu.vector_store %arg11[%parallel_loop3A_354], %parallel_loop3A_353 {strides = array<i32>} : memref<8208xf32, #tpu.memory_space<vmem>>, vector<16xf32>,
      } {sc.loop_unroll_factor = 4 : i64, sc.parallel_access}
      %parallel_loop3A_92 = arith.constant 0 : i32
      %parallel_loop3A_93 = arith.constant 32 : i32
      %parallel_loop3A_94 = arith.constant 1 : i32
      scf.for %parallel_loop3A_345 = %parallel_loop3A_92 to %parallel_loop3A_93 step %parallel_loop3A_94  : i32 {
        %parallel_loop3A_346 = arith.constant 16 : i32
        %parallel_loop3A_347 = arith.muli %parallel_loop3A_345, %parallel_loop3A_346 : i32
        %parallel_loop3A_348 = arith.constant 2560 : i32
        %parallel_loop3A_349 = arith.addi %parallel_loop3A_348, %parallel_loop3A_347 : i32
        %parallel_loop3A_350 = arith.index_cast %parallel_loop3A_349 : i32 to index
        %parallel_loop3A_351 = tpu.vector_load %arg11[%parallel_loop3A_350] {strides = array<i32>} : memref<8208xf32, #tpu.memory_space<vmem>>, vector<16xf32>,
        %parallel_loop3A_352 = vector.broadcast %add3A_68 : f32 to vector<16xf32>
        %parallel_loop3A_353 = arith.addf %parallel_loop3A_351, %parallel_loop3A_352 : vector<16xf32>
        %parallel_loop3A_354 = arith.index_cast %parallel_loop3A_349 : i32 to index
        %parallel_loop3A_355 = tpu.vector_load %arg11[%parallel_loop3A_354] {strides = array<i32>} : memref<8208xf32, #tpu.memory_space<vmem>>, vector<16xf32>,
        tpu.vector_store %arg11[%parallel_loop3A_354], %parallel_loop3A_353 {strides = array<i32>} : memref<8208xf32, #tpu.memory_space<vmem>>, vector<16xf32>,
      } {sc.loop_unroll_factor = 4 : i64, sc.parallel_access}
      %parallel_loop3A_95 = arith.constant 0 : i32
      %parallel_loop3A_96 = arith.constant 32 : i32
      %parallel_loop3A_97 = arith.constant 1 : i32
      scf.for %parallel_loop3A_345 = %parallel_loop3A_95 to %parallel_loop3A_96 step %parallel_loop3A_97  : i32 {
        %parallel_loop3A_346 = arith.constant 16 : i32
        %parallel_loop3A_347 = arith.muli %parallel_loop3A_345, %parallel_loop3A_346 : i32
        %parallel_loop3A_348 = arith.constant 3072 : i32
        %parallel_loop3A_349 = arith.addi %parallel_loop3A_348, %parallel_loop3A_347 : i32
        %parallel_loop3A_350 = arith.index_cast %parallel_loop3A_349 : i32 to index
        %parallel_loop3A_351 = tpu.vector_load %arg11[%parallel_loop3A_350] {strides = array<i32>} : memref<8208xf32, #tpu.memory_space<vmem>>, vector<16xf32>,
        %parallel_loop3A_352 = vector.broadcast %add3A_69 : f32 to vector<16xf32>
        %parallel_loop3A_353 = arith.addf %parallel_loop3A_351, %parallel_loop3A_352 : vector<16xf32>
        %parallel_loop3A_354 = arith.index_cast %parallel_loop3A_349 : i32 to index
        %parallel_loop3A_355 = tpu.vector_load %arg11[%parallel_loop3A_354] {strides = array<i32>} : memref<8208xf32, #tpu.memory_space<vmem>>, vector<16xf32>,
        tpu.vector_store %arg11[%parallel_loop3A_354], %parallel_loop3A_353 {strides = array<i32>} : memref<8208xf32, #tpu.memory_space<vmem>>, vector<16xf32>,
      } {sc.loop_unroll_factor = 4 : i64, sc.parallel_access}
      %parallel_loop3A_98 = arith.constant 0 : i32
      %parallel_loop3A_99 = arith.constant 32 : i32
      %parallel_loop3A_100 = arith.constant 1 : i32
      scf.for %parallel_loop3A_345 = %parallel_loop3A_98 to %parallel_loop3A_99 step %parallel_loop3A_100  : i32 {
        %parallel_loop3A_346 = arith.constant 16 : i32
        %parallel_loop3A_347 = arith.muli %parallel_loop3A_345, %parallel_loop3A_346 : i32
        %parallel_loop3A_348 = arith.constant 3584 : i32
        %parallel_loop3A_349 = arith.addi %parallel_loop3A_348, %parallel_loop3A_347 : i32
        %parallel_loop3A_350 = arith.index_cast %parallel_loop3A_349 : i32 to index
        %parallel_loop3A_351 = tpu.vector_load %arg11[%parallel_loop3A_350] {strides = array<i32>} : memref<8208xf32, #tpu.memory_space<vmem>>, vector<16xf32>,
        %parallel_loop3A_352 = vector.broadcast %add3A_70 : f32 to vector<16xf32>
        %parallel_loop3A_353 = arith.addf %parallel_loop3A_351, %parallel_loop3A_352 : vector<16xf32>
        %parallel_loop3A_354 = arith.index_cast %parallel_loop3A_349 : i32 to index
        %parallel_loop3A_355 = tpu.vector_load %arg11[%parallel_loop3A_354] {strides = array<i32>} : memref<8208xf32, #tpu.memory_space<vmem>>, vector<16xf32>,
        tpu.vector_store %arg11[%parallel_loop3A_354], %parallel_loop3A_353 {strides = array<i32>} : memref<8208xf32, #tpu.memory_space<vmem>>, vector<16xf32>,
      } {sc.loop_unroll_factor = 4 : i64, sc.parallel_access}
      %parallel_loop3A_101 = arith.constant 0 : i32
      %parallel_loop3A_102 = arith.constant 32 : i32
      %parallel_loop3A_103 = arith.constant 1 : i32
      scf.for %parallel_loop3A_345 = %parallel_loop3A_101 to %parallel_loop3A_102 step %parallel_loop3A_103  : i32 {
        %parallel_loop3A_346 = arith.constant 16 : i32
        %parallel_loop3A_347 = arith.muli %parallel_loop3A_345, %parallel_loop3A_346 : i32
        %parallel_loop3A_348 = arith.constant 4096 : i32
        %parallel_loop3A_349 = arith.addi %parallel_loop3A_348, %parallel_loop3A_347 : i32
        %parallel_loop3A_350 = arith.index_cast %parallel_loop3A_349 : i32 to index
        %parallel_loop3A_351 = tpu.vector_load %arg11[%parallel_loop3A_350] {strides = array<i32>} : memref<8208xf32, #tpu.memory_space<vmem>>, vector<16xf32>,
        %parallel_loop3A_352 = vector.broadcast %add3A_71 : f32 to vector<16xf32>
        %parallel_loop3A_353 = arith.addf %parallel_loop3A_351, %parallel_loop3A_352 : vector<16xf32>
        %parallel_loop3A_354 = arith.index_cast %parallel_loop3A_349 : i32 to index
        %parallel_loop3A_355 = tpu.vector_load %arg11[%parallel_loop3A_354] {strides = array<i32>} : memref<8208xf32, #tpu.memory_space<vmem>>, vector<16xf32>,
        tpu.vector_store %arg11[%parallel_loop3A_354], %parallel_loop3A_353 {strides = array<i32>} : memref<8208xf32, #tpu.memory_space<vmem>>, vector<16xf32>,
      } {sc.loop_unroll_factor = 4 : i64, sc.parallel_access}
      %parallel_loop3A_104 = arith.constant 0 : i32
      %parallel_loop3A_105 = arith.constant 32 : i32
      %parallel_loop3A_106 = arith.constant 1 : i32
      scf.for %parallel_loop3A_345 = %parallel_loop3A_104 to %parallel_loop3A_105 step %parallel_loop3A_106  : i32 {
        %parallel_loop3A_346 = arith.constant 16 : i32
        %parallel_loop3A_347 = arith.muli %parallel_loop3A_345, %parallel_loop3A_346 : i32
        %parallel_loop3A_348 = arith.constant 4608 : i32
        %parallel_loop3A_349 = arith.addi %parallel_loop3A_348, %parallel_loop3A_347 : i32
        %parallel_loop3A_350 = arith.index_cast %parallel_loop3A_349 : i32 to index
        %parallel_loop3A_351 = tpu.vector_load %arg11[%parallel_loop3A_350] {strides = array<i32>} : memref<8208xf32, #tpu.memory_space<vmem>>, vector<16xf32>,
        %parallel_loop3A_352 = vector.broadcast %add3A_72 : f32 to vector<16xf32>
        %parallel_loop3A_353 = arith.addf %parallel_loop3A_351, %parallel_loop3A_352 : vector<16xf32>
        %parallel_loop3A_354 = arith.index_cast %parallel_loop3A_349 : i32 to index
        %parallel_loop3A_355 = tpu.vector_load %arg11[%parallel_loop3A_354] {strides = array<i32>} : memref<8208xf32, #tpu.memory_space<vmem>>, vector<16xf32>,
        tpu.vector_store %arg11[%parallel_loop3A_354], %parallel_loop3A_353 {strides = array<i32>} : memref<8208xf32, #tpu.memory_space<vmem>>, vector<16xf32>,
      } {sc.loop_unroll_factor = 4 : i64, sc.parallel_access}
      %parallel_loop3A_107 = arith.constant 0 : i32
      %parallel_loop3A_108 = arith.constant 32 : i32
      %parallel_loop3A_109 = arith.constant 1 : i32
      scf.for %parallel_loop3A_345 = %parallel_loop3A_107 to %parallel_loop3A_108 step %parallel_loop3A_109  : i32 {
        %parallel_loop3A_346 = arith.constant 16 : i32
        %parallel_loop3A_347 = arith.muli %parallel_loop3A_345, %parallel_loop3A_346 : i32
        %parallel_loop3A_348 = arith.constant 5120 : i32
        %parallel_loop3A_349 = arith.addi %parallel_loop3A_348, %parallel_loop3A_347 : i32
        %parallel_loop3A_350 = arith.index_cast %parallel_loop3A_349 : i32 to index
        %parallel_loop3A_351 = tpu.vector_load %arg11[%parallel_loop3A_350] {strides = array<i32>} : memref<8208xf32, #tpu.memory_space<vmem>>, vector<16xf32>,
        %parallel_loop3A_352 = vector.broadcast %add3A_73 : f32 to vector<16xf32>
        %parallel_loop3A_353 = arith.addf %parallel_loop3A_351, %parallel_loop3A_352 : vector<16xf32>
        %parallel_loop3A_354 = arith.index_cast %parallel_loop3A_349 : i32 to index
        %parallel_loop3A_355 = tpu.vector_load %arg11[%parallel_loop3A_354] {strides = array<i32>} : memref<8208xf32, #tpu.memory_space<vmem>>, vector<16xf32>,
        tpu.vector_store %arg11[%parallel_loop3A_354], %parallel_loop3A_353 {strides = array<i32>} : memref<8208xf32, #tpu.memory_space<vmem>>, vector<16xf32>,
      } {sc.loop_unroll_factor = 4 : i64, sc.parallel_access}
      %parallel_loop3A_110 = arith.constant 0 : i32
      %parallel_loop3A_111 = arith.constant 32 : i32
      %parallel_loop3A_112 = arith.constant 1 : i32
      scf.for %parallel_loop3A_345 = %parallel_loop3A_110 to %parallel_loop3A_111 step %parallel_loop3A_112  : i32 {
        %parallel_loop3A_346 = arith.constant 16 : i32
        %parallel_loop3A_347 = arith.muli %parallel_loop3A_345, %parallel_loop3A_346 : i32
        %parallel_loop3A_348 = arith.constant 5632 : i32
        %parallel_loop3A_349 = arith.addi %parallel_loop3A_348, %parallel_loop3A_347 : i32
        %parallel_loop3A_350 = arith.index_cast %parallel_loop3A_349 : i32 to index
        %parallel_loop3A_351 = tpu.vector_load %arg11[%parallel_loop3A_350] {strides = array<i32>} : memref<8208xf32, #tpu.memory_space<vmem>>, vector<16xf32>,
        %parallel_loop3A_352 = vector.broadcast %add3A_74 : f32 to vector<16xf32>
        %parallel_loop3A_353 = arith.addf %parallel_loop3A_351, %parallel_loop3A_352 : vector<16xf32>
        %parallel_loop3A_354 = arith.index_cast %parallel_loop3A_349 : i32 to index
        %parallel_loop3A_355 = tpu.vector_load %arg11[%parallel_loop3A_354] {strides = array<i32>} : memref<8208xf32, #tpu.memory_space<vmem>>, vector<16xf32>,
        tpu.vector_store %arg11[%parallel_loop3A_354], %parallel_loop3A_353 {strides = array<i32>} : memref<8208xf32, #tpu.memory_space<vmem>>, vector<16xf32>,
      } {sc.loop_unroll_factor = 4 : i64, sc.parallel_access}
      %parallel_loop3A_113 = arith.constant 0 : i32
      %parallel_loop3A_114 = arith.constant 32 : i32
      %parallel_loop3A_115 = arith.constant 1 : i32
      scf.for %parallel_loop3A_345 = %parallel_loop3A_113 to %parallel_loop3A_114 step %parallel_loop3A_115  : i32 {
        %parallel_loop3A_346 = arith.constant 16 : i32
        %parallel_loop3A_347 = arith.muli %parallel_loop3A_345, %parallel_loop3A_346 : i32
        %parallel_loop3A_348 = arith.constant 6144 : i32
        %parallel_loop3A_349 = arith.addi %parallel_loop3A_348, %parallel_loop3A_347 : i32
        %parallel_loop3A_350 = arith.index_cast %parallel_loop3A_349 : i32 to index
        %parallel_loop3A_351 = tpu.vector_load %arg11[%parallel_loop3A_350] {strides = array<i32>} : memref<8208xf32, #tpu.memory_space<vmem>>, vector<16xf32>,
        %parallel_loop3A_352 = vector.broadcast %add3A_75 : f32 to vector<16xf32>
        %parallel_loop3A_353 = arith.addf %parallel_loop3A_351, %parallel_loop3A_352 : vector<16xf32>
        %parallel_loop3A_354 = arith.index_cast %parallel_loop3A_349 : i32 to index
        %parallel_loop3A_355 = tpu.vector_load %arg11[%parallel_loop3A_354] {strides = array<i32>} : memref<8208xf32, #tpu.memory_space<vmem>>, vector<16xf32>,
        tpu.vector_store %arg11[%parallel_loop3A_354], %parallel_loop3A_353 {strides = array<i32>} : memref<8208xf32, #tpu.memory_space<vmem>>, vector<16xf32>,
      } {sc.loop_unroll_factor = 4 : i64, sc.parallel_access}
      %parallel_loop3A_116 = arith.constant 0 : i32
      %parallel_loop3A_117 = arith.constant 32 : i32
      %parallel_loop3A_118 = arith.constant 1 : i32
      scf.for %parallel_loop3A_345 = %parallel_loop3A_116 to %parallel_loop3A_117 step %parallel_loop3A_118  : i32 {
        %parallel_loop3A_346 = arith.constant 16 : i32
        %parallel_loop3A_347 = arith.muli %parallel_loop3A_345, %parallel_loop3A_346 : i32
        %parallel_loop3A_348 = arith.constant 6656 : i32
        %parallel_loop3A_349 = arith.addi %parallel_loop3A_348, %parallel_loop3A_347 : i32
        %parallel_loop3A_350 = arith.index_cast %parallel_loop3A_349 : i32 to index
        %parallel_loop3A_351 = tpu.vector_load %arg11[%parallel_loop3A_350] {strides = array<i32>} : memref<8208xf32, #tpu.memory_space<vmem>>, vector<16xf32>,
        %parallel_loop3A_352 = vector.broadcast %add3A_76 : f32 to vector<16xf32>
        %parallel_loop3A_353 = arith.addf %parallel_loop3A_351, %parallel_loop3A_352 : vector<16xf32>
        %parallel_loop3A_354 = arith.index_cast %parallel_loop3A_349 : i32 to index
        %parallel_loop3A_355 = tpu.vector_load %arg11[%parallel_loop3A_354] {strides = array<i32>} : memref<8208xf32, #tpu.memory_space<vmem>>, vector<16xf32>,
        tpu.vector_store %arg11[%parallel_loop3A_354], %parallel_loop3A_353 {strides = array<i32>} : memref<8208xf32, #tpu.memory_space<vmem>>, vector<16xf32>,
      } {sc.loop_unroll_factor = 4 : i64, sc.parallel_access}
      %parallel_loop3A_119 = arith.constant 0 : i32
      %parallel_loop3A_120 = arith.constant 32 : i32
      %parallel_loop3A_121 = arith.constant 1 : i32
      scf.for %parallel_loop3A_345 = %parallel_loop3A_119 to %parallel_loop3A_120 step %parallel_loop3A_121  : i32 {
        %parallel_loop3A_346 = arith.constant 16 : i32
        %parallel_loop3A_347 = arith.muli %parallel_loop3A_345, %parallel_loop3A_346 : i32
        %parallel_loop3A_348 = arith.constant 7168 : i32
        %parallel_loop3A_349 = arith.addi %parallel_loop3A_348, %parallel_loop3A_347 : i32
        %parallel_loop3A_350 = arith.index_cast %parallel_loop3A_349 : i32 to index
        %parallel_loop3A_351 = tpu.vector_load %arg11[%parallel_loop3A_350] {strides = array<i32>} : memref<8208xf32, #tpu.memory_space<vmem>>, vector<16xf32>,
        %parallel_loop3A_352 = vector.broadcast %add3A_77 : f32 to vector<16xf32>
        %parallel_loop3A_353 = arith.addf %parallel_loop3A_351, %parallel_loop3A_352 : vector<16xf32>
        %parallel_loop3A_354 = arith.index_cast %parallel_loop3A_349 : i32 to index
        %parallel_loop3A_355 = tpu.vector_load %arg11[%parallel_loop3A_354] {strides = array<i32>} : memref<8208xf32, #tpu.memory_space<vmem>>, vector<16xf32>,
        tpu.vector_store %arg11[%parallel_loop3A_354], %parallel_loop3A_353 {strides = array<i32>} : memref<8208xf32, #tpu.memory_space<vmem>>, vector<16xf32>,
      } {sc.loop_unroll_factor = 4 : i64, sc.parallel_access}
      %parallel_loop3A_122 = arith.constant 0 : i32
      %parallel_loop3A_123 = arith.constant 32 : i32
      %parallel_loop3A_124 = arith.constant 1 : i32
      scf.for %parallel_loop3A_345 = %parallel_loop3A_122 to %parallel_loop3A_123 step %parallel_loop3A_124  : i32 {
        %parallel_loop3A_346 = arith.constant 16 : i32
        %parallel_loop3A_347 = arith.muli %parallel_loop3A_345, %parallel_loop3A_346 : i32
        %parallel_loop3A_348 = arith.constant 7680 : i32
        %parallel_loop3A_349 = arith.addi %parallel_loop3A_348, %parallel_loop3A_347 : i32
        %parallel_loop3A_350 = arith.index_cast %parallel_loop3A_349 : i32 to index
        %parallel_loop3A_351 = tpu.vector_load %arg11[%parallel_loop3A_350] {strides = array<i32>} : memref<8208xf32, #tpu.memory_space<vmem>>, vector<16xf32>,
        %parallel_loop3A_352 = vector.broadcast %add3A_78 : f32 to vector<16xf32>
        %parallel_loop3A_353 = arith.addf %parallel_loop3A_351, %parallel_loop3A_352 : vector<16xf32>
        %parallel_loop3A_354 = arith.index_cast %parallel_loop3A_349 : i32 to index
        %parallel_loop3A_355 = tpu.vector_load %arg11[%parallel_loop3A_354] {strides = array<i32>} : memref<8208xf32, #tpu.memory_space<vmem>>, vector<16xf32>,
        tpu.vector_store %arg11[%parallel_loop3A_354], %parallel_loop3A_353 {strides = array<i32>} : memref<8208xf32, #tpu.memory_space<vmem>>, vector<16xf32>,
      } {sc.loop_unroll_factor = 4 : i64, sc.parallel_access}
      %add3A_125 = vector.broadcast %add3A_79 : f32 to vector<16xf32>
      %add3A_126 = arith.addf %broadcast_in_dim3A_13, %add3A_125 : vector<16xf32>
      %swap3A = arith.constant 8192 : index
      %swap3A_127 = tpu.vector_load %arg11[%swap3A] {strides = array<i32>} : memref<8208xf32, #tpu.memory_space<vmem>>, vector<16xf32>,
      tpu.vector_store %arg11[%swap3A], %add3A_126 {strides = array<i32>} : memref<8208xf32, #tpu.memory_space<vmem>>, vector<16xf32>,
      %scan3A_128 = arith.constant 0.000000e+00 : f32
      %scan3A_129 = arith.constant 0.000000e+00 : f32
      %scan3A_130 = arith.constant 0.000000e+00 : f32
      %scan3A_131 = arith.constant 0.000000e+00 : f32
      %scan3A_132 = arith.constant 0.000000e+00 : f32
      %scan3A_133 = arith.constant 0.000000e+00 : f32
      %scan3A_134 = arith.constant 0.000000e+00 : f32
      %scan3A_135 = arith.constant 0.000000e+00 : f32
      %scan3A_136 = arith.constant 0.000000e+00 : f32
      %scan3A_137 = arith.constant 0.000000e+00 : f32
      %scan3A_138 = arith.constant 0.000000e+00 : f32
      %scan3A_139 = arith.constant 0.000000e+00 : f32
      %scan3A_140 = arith.constant 0.000000e+00 : f32
      %scan3A_141 = arith.constant 0.000000e+00 : f32
      %scan3A_142 = arith.constant 0.000000e+00 : f32
      %scan3A_143 = arith.constant 0.000000e+00 : f32
      %scan3A_144 = arith.constant 0.000000e+00 : f32
      %scan3A_145 = arith.constant 0 : i32
      %scan3A_146 = arith.constant 32 : i32
      %scan3A_147 = arith.addi %scan3A_145, %scan3A_146 : i32
      %scan3A_148 = arith.constant 1 : i32
      %scan3A_149:16 = scf.for %scan3A_345 = %scan3A_145 to %scan3A_147 step %scan3A_148 iter_args(%scan3A_346 = %scan3A_129, %scan3A_347 = %scan3A_130, %scan3A_348 = %scan3A_131, %scan3A_349 = %scan3A_132, %scan3A_350 = %scan3A_133, %scan3A_351 = %scan3A_134, %scan3A_352 = %scan3A_135, %scan3A_353 = %scan3A_136, %scan3A_354 = %scan3A_137, %scan3A_355 = %scan3A_138, %scan3A_356 = %scan3A_139, %scan3A_357 = %scan3A_140, %scan3A_358 = %scan3A_141, %scan3A_359 = %scan3A_142, %scan3A_360 = %scan3A_143, %scan3A_361 = %scan3A_144) -> (f32, f32, f32, f32, f32, f32, f32, f32, f32, f32, f32, f32, f32, f32, f32, f32)  : i32 {
        %mul3A_362 = arith.constant 16 : i32
        %mul3A_363 = arith.muli %scan3A_345, %mul3A_362 : i32
        %add3A_364 = arith.constant 0 : i32
        %add3A_365 = arith.addi %add3A_364, %mul3A_363 : i32
        %get3A = arith.index_cast %add3A_365 : i32 to index
        %get3A_366 = tpu.vector_load %arg12[%get3A] {strides = array<i32>} : memref<8208xf32, #tpu.memory_space<vmem>>, vector<16xf32>,
        %reduce_sum3A = arith.constant true
        %reduce_sum3A_367 = vector.broadcast %reduce_sum3A : i1 to vector<16xi1>
        %reduce_sum3A_368 = tpu.scan <sum>, %get3A_366 masked %reduce_sum3A_367 : vector<16xf32>, vector<16xi1> -> vector<16xf32>
        %reduce_sum3A_369 = vector.extract %reduce_sum3A_368[15] : f32 from vector<16xf32>
        %broadcast_in_dim3A_370 = arith.constant true
        %broadcast_in_dim3A_371 = vector.broadcast %broadcast_in_dim3A_370 : i1 to vector<16xi1>
        %masked_cumsum3A = tpu.scan <sum>, %get3A_366 masked %broadcast_in_dim3A_371 : vector<16xf32>, vector<16xi1> -> vector<16xf32>
        %sub3A = arith.subf %masked_cumsum3A, %get3A_366 : vector<16xf32>
        %add3A_372 = arith.addf %scan3A_346, %scan3A_128 : f32
        %add3A_373 = vector.broadcast %add3A_372 : f32 to vector<16xf32>
        %add3A_374 = arith.addf %sub3A, %add3A_373 : vector<16xf32>
        %swap3A_375 = arith.index_cast %add3A_365 : i32 to index
        %swap3A_376 = tpu.vector_load %arg12[%swap3A_375] {strides = array<i32>} : memref<8208xf32, #tpu.memory_space<vmem>>, vector<16xf32>,
        tpu.vector_store %arg12[%swap3A_375], %add3A_374 {strides = array<i32>} : memref<8208xf32, #tpu.memory_space<vmem>>, vector<16xf32>,
        %add3A_377 = arith.addf %scan3A_346, %reduce_sum3A_369 : f32
        %mul3A_378 = arith.constant 16 : i32
        %mul3A_379 = arith.muli %scan3A_345, %mul3A_378 : i32
        %add3A_380 = arith.constant 512 : i32
        %add3A_381 = arith.addi %add3A_380, %mul3A_379 : i32
        %get3A_382 = arith.index_cast %add3A_381 : i32 to index
        %get3A_383 = tpu.vector_load %arg12[%get3A_382] {strides = array<i32>} : memref<8208xf32, #tpu.memory_space<vmem>>, vector<16xf32>,
        %reduce_sum3A_384 = arith.constant true
        %reduce_sum3A_385 = vector.broadcast %reduce_sum3A_384 : i1 to vector<16xi1>
        %reduce_sum3A_386 = tpu.scan <sum>, %get3A_383 masked %reduce_sum3A_385 : vector<16xf32>, vector<16xi1> -> vector<16xf32>
        %reduce_sum3A_387 = vector.extract %reduce_sum3A_386[15] : f32 from vector<16xf32>
        %broadcast_in_dim3A_388 = arith.constant true
        %broadcast_in_dim3A_389 = vector.broadcast %broadcast_in_dim3A_388 : i1 to vector<16xi1>
        %masked_cumsum3A_390 = tpu.scan <sum>, %get3A_383 masked %broadcast_in_dim3A_389 : vector<16xf32>, vector<16xi1> -> vector<16xf32>
        %sub3A_391 = arith.subf %masked_cumsum3A_390, %get3A_383 : vector<16xf32>
        %add3A_392 = arith.addf %scan3A_347, %scan3A_128 : f32
        %add3A_393 = vector.broadcast %add3A_392 : f32 to vector<16xf32>
        %add3A_394 = arith.addf %sub3A_391, %add3A_393 : vector<16xf32>
        %swap3A_395 = arith.index_cast %add3A_381 : i32 to index
        %swap3A_396 = tpu.vector_load %arg12[%swap3A_395] {strides = array<i32>} : memref<8208xf32, #tpu.memory_space<vmem>>, vector<16xf32>,
        tpu.vector_store %arg12[%swap3A_395], %add3A_394 {strides = array<i32>} : memref<8208xf32, #tpu.memory_space<vmem>>, vector<16xf32>,
        %add3A_397 = arith.addf %scan3A_347, %reduce_sum3A_387 : f32
        %mul3A_398 = arith.constant 16 : i32
        %mul3A_399 = arith.muli %scan3A_345, %mul3A_398 : i32
        %add3A_400 = arith.constant 1024 : i32
        %add3A_401 = arith.addi %add3A_400, %mul3A_399 : i32
        %get3A_402 = arith.index_cast %add3A_401 : i32 to index
        %get3A_403 = tpu.vector_load %arg12[%get3A_402] {strides = array<i32>} : memref<8208xf32, #tpu.memory_space<vmem>>, vector<16xf32>,
        %reduce_sum3A_404 = arith.constant true
        %reduce_sum3A_405 = vector.broadcast %reduce_sum3A_404 : i1 to vector<16xi1>
        %reduce_sum3A_406 = tpu.scan <sum>, %get3A_403 masked %reduce_sum3A_405 : vector<16xf32>, vector<16xi1> -> vector<16xf32>
        %reduce_sum3A_407 = vector.extract %reduce_sum3A_406[15] : f32 from vector<16xf32>
        %broadcast_in_dim3A_408 = arith.constant true
        %broadcast_in_dim3A_409 = vector.broadcast %broadcast_in_dim3A_408 : i1 to vector<16xi1>
        %masked_cumsum3A_410 = tpu.scan <sum>, %get3A_403 masked %broadcast_in_dim3A_409 : vector<16xf32>, vector<16xi1> -> vector<16xf32>
        %sub3A_411 = arith.subf %masked_cumsum3A_410, %get3A_403 : vector<16xf32>
        %add3A_412 = arith.addf %scan3A_348, %scan3A_128 : f32
        %add3A_413 = vector.broadcast %add3A_412 : f32 to vector<16xf32>
        %add3A_414 = arith.addf %sub3A_411, %add3A_413 : vector<16xf32>
        %swap3A_415 = arith.index_cast %add3A_401 : i32 to index
        %swap3A_416 = tpu.vector_load %arg12[%swap3A_415] {strides = array<i32>} : memref<8208xf32, #tpu.memory_space<vmem>>, vector<16xf32>,
        tpu.vector_store %arg12[%swap3A_415], %add3A_414 {strides = array<i32>} : memref<8208xf32, #tpu.memory_space<vmem>>, vector<16xf32>,
        %add3A_417 = arith.addf %scan3A_348, %reduce_sum3A_407 : f32
        %mul3A_418 = arith.constant 16 : i32
        %mul3A_419 = arith.muli %scan3A_345, %mul3A_418 : i32
        %add3A_420 = arith.constant 1536 : i32
        %add3A_421 = arith.addi %add3A_420, %mul3A_419 : i32
        %get3A_422 = arith.index_cast %add3A_421 : i32 to index
        %get3A_423 = tpu.vector_load %arg12[%get3A_422] {strides = array<i32>} : memref<8208xf32, #tpu.memory_space<vmem>>, vector<16xf32>,
        %reduce_sum3A_424 = arith.constant true
        %reduce_sum3A_425 = vector.broadcast %reduce_sum3A_424 : i1 to vector<16xi1>
        %reduce_sum3A_426 = tpu.scan <sum>, %get3A_423 masked %reduce_sum3A_425 : vector<16xf32>, vector<16xi1> -> vector<16xf32>
        %reduce_sum3A_427 = vector.extract %reduce_sum3A_426[15] : f32 from vector<16xf32>
        %broadcast_in_dim3A_428 = arith.constant true
        %broadcast_in_dim3A_429 = vector.broadcast %broadcast_in_dim3A_428 : i1 to vector<16xi1>
        %masked_cumsum3A_430 = tpu.scan <sum>, %get3A_423 masked %broadcast_in_dim3A_429 : vector<16xf32>, vector<16xi1> -> vector<16xf32>
        %sub3A_431 = arith.subf %masked_cumsum3A_430, %get3A_423 : vector<16xf32>
        %add3A_432 = arith.addf %scan3A_349, %scan3A_128 : f32
        %add3A_433 = vector.broadcast %add3A_432 : f32 to vector<16xf32>
        %add3A_434 = arith.addf %sub3A_431, %add3A_433 : vector<16xf32>
        %swap3A_435 = arith.index_cast %add3A_421 : i32 to index
        %swap3A_436 = tpu.vector_load %arg12[%swap3A_435] {strides = array<i32>} : memref<8208xf32, #tpu.memory_space<vmem>>, vector<16xf32>,
        tpu.vector_store %arg12[%swap3A_435], %add3A_434 {strides = array<i32>} : memref<8208xf32, #tpu.memory_space<vmem>>, vector<16xf32>,
        %add3A_437 = arith.addf %scan3A_349, %reduce_sum3A_427 : f32
        %mul3A_438 = arith.constant 16 : i32
        %mul3A_439 = arith.muli %scan3A_345, %mul3A_438 : i32
        %add3A_440 = arith.constant 2048 : i32
        %add3A_441 = arith.addi %add3A_440, %mul3A_439 : i32
        %get3A_442 = arith.index_cast %add3A_441 : i32 to index
        %get3A_443 = tpu.vector_load %arg12[%get3A_442] {strides = array<i32>} : memref<8208xf32, #tpu.memory_space<vmem>>, vector<16xf32>,
        %reduce_sum3A_444 = arith.constant true
        %reduce_sum3A_445 = vector.broadcast %reduce_sum3A_444 : i1 to vector<16xi1>
        %reduce_sum3A_446 = tpu.scan <sum>, %get3A_443 masked %reduce_sum3A_445 : vector<16xf32>, vector<16xi1> -> vector<16xf32>
        %reduce_sum3A_447 = vector.extract %reduce_sum3A_446[15] : f32 from vector<16xf32>
        %broadcast_in_dim3A_448 = arith.constant true
        %broadcast_in_dim3A_449 = vector.broadcast %broadcast_in_dim3A_448 : i1 to vector<16xi1>
        %masked_cumsum3A_450 = tpu.scan <sum>, %get3A_443 masked %broadcast_in_dim3A_449 : vector<16xf32>, vector<16xi1> -> vector<16xf32>
        %sub3A_451 = arith.subf %masked_cumsum3A_450, %get3A_443 : vector<16xf32>
        %add3A_452 = arith.addf %scan3A_350, %scan3A_128 : f32
        %add3A_453 = vector.broadcast %add3A_452 : f32 to vector<16xf32>
        %add3A_454 = arith.addf %sub3A_451, %add3A_453 : vector<16xf32>
        %swap3A_455 = arith.index_cast %add3A_441 : i32 to index
        %swap3A_456 = tpu.vector_load %arg12[%swap3A_455] {strides = array<i32>} : memref<8208xf32, #tpu.memory_space<vmem>>, vector<16xf32>,
        tpu.vector_store %arg12[%swap3A_455], %add3A_454 {strides = array<i32>} : memref<8208xf32, #tpu.memory_space<vmem>>, vector<16xf32>,
        %add3A_457 = arith.addf %scan3A_350, %reduce_sum3A_447 : f32
        %mul3A_458 = arith.constant 16 : i32
        %mul3A_459 = arith.muli %scan3A_345, %mul3A_458 : i32
        %add3A_460 = arith.constant 2560 : i32
        %add3A_461 = arith.addi %add3A_460, %mul3A_459 : i32
        %get3A_462 = arith.index_cast %add3A_461 : i32 to index
        %get3A_463 = tpu.vector_load %arg12[%get3A_462] {strides = array<i32>} : memref<8208xf32, #tpu.memory_space<vmem>>, vector<16xf32>,
        %reduce_sum3A_464 = arith.constant true
        %reduce_sum3A_465 = vector.broadcast %reduce_sum3A_464 : i1 to vector<16xi1>
        %reduce_sum3A_466 = tpu.scan <sum>, %get3A_463 masked %reduce_sum3A_465 : vector<16xf32>, vector<16xi1> -> vector<16xf32>
        %reduce_sum3A_467 = vector.extract %reduce_sum3A_466[15] : f32 from vector<16xf32>
        %broadcast_in_dim3A_468 = arith.constant true
        %broadcast_in_dim3A_469 = vector.broadcast %broadcast_in_dim3A_468 : i1 to vector<16xi1>
        %masked_cumsum3A_470 = tpu.scan <sum>, %get3A_463 masked %broadcast_in_dim3A_469 : vector<16xf32>, vector<16xi1> -> vector<16xf32>
        %sub3A_471 = arith.subf %masked_cumsum3A_470, %get3A_463 : vector<16xf32>
        %add3A_472 = arith.addf %scan3A_351, %scan3A_128 : f32
        %add3A_473 = vector.broadcast %add3A_472 : f32 to vector<16xf32>
        %add3A_474 = arith.addf %sub3A_471, %add3A_473 : vector<16xf32>
        %swap3A_475 = arith.index_cast %add3A_461 : i32 to index
        %swap3A_476 = tpu.vector_load %arg12[%swap3A_475] {strides = array<i32>} : memref<8208xf32, #tpu.memory_space<vmem>>, vector<16xf32>,
        tpu.vector_store %arg12[%swap3A_475], %add3A_474 {strides = array<i32>} : memref<8208xf32, #tpu.memory_space<vmem>>, vector<16xf32>,
        %add3A_477 = arith.addf %scan3A_351, %reduce_sum3A_467 : f32
        %mul3A_478 = arith.constant 16 : i32
        %mul3A_479 = arith.muli %scan3A_345, %mul3A_478 : i32
        %add3A_480 = arith.constant 3072 : i32
        %add3A_481 = arith.addi %add3A_480, %mul3A_479 : i32
        %get3A_482 = arith.index_cast %add3A_481 : i32 to index
        %get3A_483 = tpu.vector_load %arg12[%get3A_482] {strides = array<i32>} : memref<8208xf32, #tpu.memory_space<vmem>>, vector<16xf32>,
        %reduce_sum3A_484 = arith.constant true
        %reduce_sum3A_485 = vector.broadcast %reduce_sum3A_484 : i1 to vector<16xi1>
        %reduce_sum3A_486 = tpu.scan <sum>, %get3A_483 masked %reduce_sum3A_485 : vector<16xf32>, vector<16xi1> -> vector<16xf32>
        %reduce_sum3A_487 = vector.extract %reduce_sum3A_486[15] : f32 from vector<16xf32>
        %broadcast_in_dim3A_488 = arith.constant true
        %broadcast_in_dim3A_489 = vector.broadcast %broadcast_in_dim3A_488 : i1 to vector<16xi1>
        %masked_cumsum3A_490 = tpu.scan <sum>, %get3A_483 masked %broadcast_in_dim3A_489 : vector<16xf32>, vector<16xi1> -> vector<16xf32>
        %sub3A_491 = arith.subf %masked_cumsum3A_490, %get3A_483 : vector<16xf32>
        %add3A_492 = arith.addf %scan3A_352, %scan3A_128 : f32
        %add3A_493 = vector.broadcast %add3A_492 : f32 to vector<16xf32>
        %add3A_494 = arith.addf %sub3A_491, %add3A_493 : vector<16xf32>
        %swap3A_495 = arith.index_cast %add3A_481 : i32 to index
        %swap3A_496 = tpu.vector_load %arg12[%swap3A_495] {strides = array<i32>} : memref<8208xf32, #tpu.memory_space<vmem>>, vector<16xf32>,
        tpu.vector_store %arg12[%swap3A_495], %add3A_494 {strides = array<i32>} : memref<8208xf32, #tpu.memory_space<vmem>>, vector<16xf32>,
        %add3A_497 = arith.addf %scan3A_352, %reduce_sum3A_487 : f32
        %mul3A_498 = arith.constant 16 : i32
        %mul3A_499 = arith.muli %scan3A_345, %mul3A_498 : i32
        %add3A_500 = arith.constant 3584 : i32
        %add3A_501 = arith.addi %add3A_500, %mul3A_499 : i32
        %get3A_502 = arith.index_cast %add3A_501 : i32 to index
        %get3A_503 = tpu.vector_load %arg12[%get3A_502] {strides = array<i32>} : memref<8208xf32, #tpu.memory_space<vmem>>, vector<16xf32>,
        %reduce_sum3A_504 = arith.constant true
        %reduce_sum3A_505 = vector.broadcast %reduce_sum3A_504 : i1 to vector<16xi1>
        %reduce_sum3A_506 = tpu.scan <sum>, %get3A_503 masked %reduce_sum3A_505 : vector<16xf32>, vector<16xi1> -> vector<16xf32>
        %reduce_sum3A_507 = vector.extract %reduce_sum3A_506[15] : f32 from vector<16xf32>
        %broadcast_in_dim3A_508 = arith.constant true
        %broadcast_in_dim3A_509 = vector.broadcast %broadcast_in_dim3A_508 : i1 to vector<16xi1>
        %masked_cumsum3A_510 = tpu.scan <sum>, %get3A_503 masked %broadcast_in_dim3A_509 : vector<16xf32>, vector<16xi1> -> vector<16xf32>
        %sub3A_511 = arith.subf %masked_cumsum3A_510, %get3A_503 : vector<16xf32>
        %add3A_512 = arith.addf %scan3A_353, %scan3A_128 : f32
        %add3A_513 = vector.broadcast %add3A_512 : f32 to vector<16xf32>
        %add3A_514 = arith.addf %sub3A_511, %add3A_513 : vector<16xf32>
        %swap3A_515 = arith.index_cast %add3A_501 : i32 to index
        %swap3A_516 = tpu.vector_load %arg12[%swap3A_515] {strides = array<i32>} : memref<8208xf32, #tpu.memory_space<vmem>>, vector<16xf32>,
        tpu.vector_store %arg12[%swap3A_515], %add3A_514 {strides = array<i32>} : memref<8208xf32, #tpu.memory_space<vmem>>, vector<16xf32>,
        %add3A_517 = arith.addf %scan3A_353, %reduce_sum3A_507 : f32
        %mul3A_518 = arith.constant 16 : i32
        %mul3A_519 = arith.muli %scan3A_345, %mul3A_518 : i32
        %add3A_520 = arith.constant 4096 : i32
        %add3A_521 = arith.addi %add3A_520, %mul3A_519 : i32
        %get3A_522 = arith.index_cast %add3A_521 : i32 to index
        %get3A_523 = tpu.vector_load %arg12[%get3A_522] {strides = array<i32>} : memref<8208xf32, #tpu.memory_space<vmem>>, vector<16xf32>,
        %reduce_sum3A_524 = arith.constant true
        %reduce_sum3A_525 = vector.broadcast %reduce_sum3A_524 : i1 to vector<16xi1>
        %reduce_sum3A_526 = tpu.scan <sum>, %get3A_523 masked %reduce_sum3A_525 : vector<16xf32>, vector<16xi1> -> vector<16xf32>
        %reduce_sum3A_527 = vector.extract %reduce_sum3A_526[15] : f32 from vector<16xf32>
        %broadcast_in_dim3A_528 = arith.constant true
        %broadcast_in_dim3A_529 = vector.broadcast %broadcast_in_dim3A_528 : i1 to vector<16xi1>
        %masked_cumsum3A_530 = tpu.scan <sum>, %get3A_523 masked %broadcast_in_dim3A_529 : vector<16xf32>, vector<16xi1> -> vector<16xf32>
        %sub3A_531 = arith.subf %masked_cumsum3A_530, %get3A_523 : vector<16xf32>
        %add3A_532 = arith.addf %scan3A_354, %scan3A_128 : f32
        %add3A_533 = vector.broadcast %add3A_532 : f32 to vector<16xf32>
        %add3A_534 = arith.addf %sub3A_531, %add3A_533 : vector<16xf32>
        %swap3A_535 = arith.index_cast %add3A_521 : i32 to index
        %swap3A_536 = tpu.vector_load %arg12[%swap3A_535] {strides = array<i32>} : memref<8208xf32, #tpu.memory_space<vmem>>, vector<16xf32>,
        tpu.vector_store %arg12[%swap3A_535], %add3A_534 {strides = array<i32>} : memref<8208xf32, #tpu.memory_space<vmem>>, vector<16xf32>,
        %add3A_537 = arith.addf %scan3A_354, %reduce_sum3A_527 : f32
        %mul3A_538 = arith.constant 16 : i32
        %mul3A_539 = arith.muli %scan3A_345, %mul3A_538 : i32
        %add3A_540 = arith.constant 4608 : i32
        %add3A_541 = arith.addi %add3A_540, %mul3A_539 : i32
        %get3A_542 = arith.index_cast %add3A_541 : i32 to index
        %get3A_543 = tpu.vector_load %arg12[%get3A_542] {strides = array<i32>} : memref<8208xf32, #tpu.memory_space<vmem>>, vector<16xf32>,
        %reduce_sum3A_544 = arith.constant true
        %reduce_sum3A_545 = vector.broadcast %reduce_sum3A_544 : i1 to vector<16xi1>
        %reduce_sum3A_546 = tpu.scan <sum>, %get3A_543 masked %reduce_sum3A_545 : vector<16xf32>, vector<16xi1> -> vector<16xf32>
        %reduce_sum3A_547 = vector.extract %reduce_sum3A_546[15] : f32 from vector<16xf32>
        %broadcast_in_dim3A_548 = arith.constant true
        %broadcast_in_dim3A_549 = vector.broadcast %broadcast_in_dim3A_548 : i1 to vector<16xi1>
        %masked_cumsum3A_550 = tpu.scan <sum>, %get3A_543 masked %broadcast_in_dim3A_549 : vector<16xf32>, vector<16xi1> -> vector<16xf32>
        %sub3A_551 = arith.subf %masked_cumsum3A_550, %get3A_543 : vector<16xf32>
        %add3A_552 = arith.addf %scan3A_355, %scan3A_128 : f32
        %add3A_553 = vector.broadcast %add3A_552 : f32 to vector<16xf32>
        %add3A_554 = arith.addf %sub3A_551, %add3A_553 : vector<16xf32>
        %swap3A_555 = arith.index_cast %add3A_541 : i32 to index
        %swap3A_556 = tpu.vector_load %arg12[%swap3A_555] {strides = array<i32>} : memref<8208xf32, #tpu.memory_space<vmem>>, vector<16xf32>,
        tpu.vector_store %arg12[%swap3A_555], %add3A_554 {strides = array<i32>} : memref<8208xf32, #tpu.memory_space<vmem>>, vector<16xf32>,
        %add3A_557 = arith.addf %scan3A_355, %reduce_sum3A_547 : f32
        %mul3A_558 = arith.constant 16 : i32
        %mul3A_559 = arith.muli %scan3A_345, %mul3A_558 : i32
        %add3A_560 = arith.constant 5120 : i32
        %add3A_561 = arith.addi %add3A_560, %mul3A_559 : i32
        %get3A_562 = arith.index_cast %add3A_561 : i32 to index
        %get3A_563 = tpu.vector_load %arg12[%get3A_562] {strides = array<i32>} : memref<8208xf32, #tpu.memory_space<vmem>>, vector<16xf32>,
        %reduce_sum3A_564 = arith.constant true
        %reduce_sum3A_565 = vector.broadcast %reduce_sum3A_564 : i1 to vector<16xi1>
        %reduce_sum3A_566 = tpu.scan <sum>, %get3A_563 masked %reduce_sum3A_565 : vector<16xf32>, vector<16xi1> -> vector<16xf32>
        %reduce_sum3A_567 = vector.extract %reduce_sum3A_566[15] : f32 from vector<16xf32>
        %broadcast_in_dim3A_568 = arith.constant true
        %broadcast_in_dim3A_569 = vector.broadcast %broadcast_in_dim3A_568 : i1 to vector<16xi1>
        %masked_cumsum3A_570 = tpu.scan <sum>, %get3A_563 masked %broadcast_in_dim3A_569 : vector<16xf32>, vector<16xi1> -> vector<16xf32>
        %sub3A_571 = arith.subf %masked_cumsum3A_570, %get3A_563 : vector<16xf32>
        %add3A_572 = arith.addf %scan3A_356, %scan3A_128 : f32
        %add3A_573 = vector.broadcast %add3A_572 : f32 to vector<16xf32>
        %add3A_574 = arith.addf %sub3A_571, %add3A_573 : vector<16xf32>
        %swap3A_575 = arith.index_cast %add3A_561 : i32 to index
        %swap3A_576 = tpu.vector_load %arg12[%swap3A_575] {strides = array<i32>} : memref<8208xf32, #tpu.memory_space<vmem>>, vector<16xf32>,
        tpu.vector_store %arg12[%swap3A_575], %add3A_574 {strides = array<i32>} : memref<8208xf32, #tpu.memory_space<vmem>>, vector<16xf32>,
        %add3A_577 = arith.addf %scan3A_356, %reduce_sum3A_567 : f32
        %mul3A_578 = arith.constant 16 : i32
        %mul3A_579 = arith.muli %scan3A_345, %mul3A_578 : i32
        %add3A_580 = arith.constant 5632 : i32
        %add3A_581 = arith.addi %add3A_580, %mul3A_579 : i32
        %get3A_582 = arith.index_cast %add3A_581 : i32 to index
        %get3A_583 = tpu.vector_load %arg12[%get3A_582] {strides = array<i32>} : memref<8208xf32, #tpu.memory_space<vmem>>, vector<16xf32>,
        %reduce_sum3A_584 = arith.constant true
        %reduce_sum3A_585 = vector.broadcast %reduce_sum3A_584 : i1 to vector<16xi1>
        %reduce_sum3A_586 = tpu.scan <sum>, %get3A_583 masked %reduce_sum3A_585 : vector<16xf32>, vector<16xi1> -> vector<16xf32>
        %reduce_sum3A_587 = vector.extract %reduce_sum3A_586[15] : f32 from vector<16xf32>
        %broadcast_in_dim3A_588 = arith.constant true
        %broadcast_in_dim3A_589 = vector.broadcast %broadcast_in_dim3A_588 : i1 to vector<16xi1>
        %masked_cumsum3A_590 = tpu.scan <sum>, %get3A_583 masked %broadcast_in_dim3A_589 : vector<16xf32>, vector<16xi1> -> vector<16xf32>
        %sub3A_591 = arith.subf %masked_cumsum3A_590, %get3A_583 : vector<16xf32>
        %add3A_592 = arith.addf %scan3A_357, %scan3A_128 : f32
        %add3A_593 = vector.broadcast %add3A_592 : f32 to vector<16xf32>
        %add3A_594 = arith.addf %sub3A_591, %add3A_593 : vector<16xf32>
        %swap3A_595 = arith.index_cast %add3A_581 : i32 to index
        %swap3A_596 = tpu.vector_load %arg12[%swap3A_595] {strides = array<i32>} : memref<8208xf32, #tpu.memory_space<vmem>>, vector<16xf32>,
        tpu.vector_store %arg12[%swap3A_595], %add3A_594 {strides = array<i32>} : memref<8208xf32, #tpu.memory_space<vmem>>, vector<16xf32>,
        %add3A_597 = arith.addf %scan3A_357, %reduce_sum3A_587 : f32
        %mul3A_598 = arith.constant 16 : i32
        %mul3A_599 = arith.muli %scan3A_345, %mul3A_598 : i32
        %add3A_600 = arith.constant 6144 : i32
        %add3A_601 = arith.addi %add3A_600, %mul3A_599 : i32
        %get3A_602 = arith.index_cast %add3A_601 : i32 to index
        %get3A_603 = tpu.vector_load %arg12[%get3A_602] {strides = array<i32>} : memref<8208xf32, #tpu.memory_space<vmem>>, vector<16xf32>,
        %reduce_sum3A_604 = arith.constant true
        %reduce_sum3A_605 = vector.broadcast %reduce_sum3A_604 : i1 to vector<16xi1>
        %reduce_sum3A_606 = tpu.scan <sum>, %get3A_603 masked %reduce_sum3A_605 : vector<16xf32>, vector<16xi1> -> vector<16xf32>
        %reduce_sum3A_607 = vector.extract %reduce_sum3A_606[15] : f32 from vector<16xf32>
        %broadcast_in_dim3A_608 = arith.constant true
        %broadcast_in_dim3A_609 = vector.broadcast %broadcast_in_dim3A_608 : i1 to vector<16xi1>
        %masked_cumsum3A_610 = tpu.scan <sum>, %get3A_603 masked %broadcast_in_dim3A_609 : vector<16xf32>, vector<16xi1> -> vector<16xf32>
        %sub3A_611 = arith.subf %masked_cumsum3A_610, %get3A_603 : vector<16xf32>
        %add3A_612 = arith.addf %scan3A_358, %scan3A_128 : f32
        %add3A_613 = vector.broadcast %add3A_612 : f32 to vector<16xf32>
        %add3A_614 = arith.addf %sub3A_611, %add3A_613 : vector<16xf32>
        %swap3A_615 = arith.index_cast %add3A_601 : i32 to index
        %swap3A_616 = tpu.vector_load %arg12[%swap3A_615] {strides = array<i32>} : memref<8208xf32, #tpu.memory_space<vmem>>, vector<16xf32>,
        tpu.vector_store %arg12[%swap3A_615], %add3A_614 {strides = array<i32>} : memref<8208xf32, #tpu.memory_space<vmem>>, vector<16xf32>,
        %add3A_617 = arith.addf %scan3A_358, %reduce_sum3A_607 : f32
        %mul3A_618 = arith.constant 16 : i32
        %mul3A_619 = arith.muli %scan3A_345, %mul3A_618 : i32
        %add3A_620 = arith.constant 6656 : i32
        %add3A_621 = arith.addi %add3A_620, %mul3A_619 : i32
        %get3A_622 = arith.index_cast %add3A_621 : i32 to index
        %get3A_623 = tpu.vector_load %arg12[%get3A_622] {strides = array<i32>} : memref<8208xf32, #tpu.memory_space<vmem>>, vector<16xf32>,
        %reduce_sum3A_624 = arith.constant true
        %reduce_sum3A_625 = vector.broadcast %reduce_sum3A_624 : i1 to vector<16xi1>
        %reduce_sum3A_626 = tpu.scan <sum>, %get3A_623 masked %reduce_sum3A_625 : vector<16xf32>, vector<16xi1> -> vector<16xf32>
        %reduce_sum3A_627 = vector.extract %reduce_sum3A_626[15] : f32 from vector<16xf32>
        %broadcast_in_dim3A_628 = arith.constant true
        %broadcast_in_dim3A_629 = vector.broadcast %broadcast_in_dim3A_628 : i1 to vector<16xi1>
        %masked_cumsum3A_630 = tpu.scan <sum>, %get3A_623 masked %broadcast_in_dim3A_629 : vector<16xf32>, vector<16xi1> -> vector<16xf32>
        %sub3A_631 = arith.subf %masked_cumsum3A_630, %get3A_623 : vector<16xf32>
        %add3A_632 = arith.addf %scan3A_359, %scan3A_128 : f32
        %add3A_633 = vector.broadcast %add3A_632 : f32 to vector<16xf32>
        %add3A_634 = arith.addf %sub3A_631, %add3A_633 : vector<16xf32>
        %swap3A_635 = arith.index_cast %add3A_621 : i32 to index
        %swap3A_636 = tpu.vector_load %arg12[%swap3A_635] {strides = array<i32>} : memref<8208xf32, #tpu.memory_space<vmem>>, vector<16xf32>,
        tpu.vector_store %arg12[%swap3A_635], %add3A_634 {strides = array<i32>} : memref<8208xf32, #tpu.memory_space<vmem>>, vector<16xf32>,
        %add3A_637 = arith.addf %scan3A_359, %reduce_sum3A_627 : f32
        %mul3A_638 = arith.constant 16 : i32
        %mul3A_639 = arith.muli %scan3A_345, %mul3A_638 : i32
        %add3A_640 = arith.constant 7168 : i32
        %add3A_641 = arith.addi %add3A_640, %mul3A_639 : i32
        %get3A_642 = arith.index_cast %add3A_641 : i32 to index
        %get3A_643 = tpu.vector_load %arg12[%get3A_642] {strides = array<i32>} : memref<8208xf32, #tpu.memory_space<vmem>>, vector<16xf32>,
        %reduce_sum3A_644 = arith.constant true
        %reduce_sum3A_645 = vector.broadcast %reduce_sum3A_644 : i1 to vector<16xi1>
        %reduce_sum3A_646 = tpu.scan <sum>, %get3A_643 masked %reduce_sum3A_645 : vector<16xf32>, vector<16xi1> -> vector<16xf32>
        %reduce_sum3A_647 = vector.extract %reduce_sum3A_646[15] : f32 from vector<16xf32>
        %broadcast_in_dim3A_648 = arith.constant true
        %broadcast_in_dim3A_649 = vector.broadcast %broadcast_in_dim3A_648 : i1 to vector<16xi1>
        %masked_cumsum3A_650 = tpu.scan <sum>, %get3A_643 masked %broadcast_in_dim3A_649 : vector<16xf32>, vector<16xi1> -> vector<16xf32>
        %sub3A_651 = arith.subf %masked_cumsum3A_650, %get3A_643 : vector<16xf32>
        %add3A_652 = arith.addf %scan3A_360, %scan3A_128 : f32
        %add3A_653 = vector.broadcast %add3A_652 : f32 to vector<16xf32>
        %add3A_654 = arith.addf %sub3A_651, %add3A_653 : vector<16xf32>
        %swap3A_655 = arith.index_cast %add3A_641 : i32 to index
        %swap3A_656 = tpu.vector_load %arg12[%swap3A_655] {strides = array<i32>} : memref<8208xf32, #tpu.memory_space<vmem>>, vector<16xf32>,
        tpu.vector_store %arg12[%swap3A_655], %add3A_654 {strides = array<i32>} : memref<8208xf32, #tpu.memory_space<vmem>>, vector<16xf32>,
        %add3A_657 = arith.addf %scan3A_360, %reduce_sum3A_647 : f32
        %mul3A_658 = arith.constant 16 : i32
        %mul3A_659 = arith.muli %scan3A_345, %mul3A_658 : i32
        %add3A_660 = arith.constant 7680 : i32
        %add3A_661 = arith.addi %add3A_660, %mul3A_659 : i32
        %get3A_662 = arith.index_cast %add3A_661 : i32 to index
        %get3A_663 = tpu.vector_load %arg12[%get3A_662] {strides = array<i32>} : memref<8208xf32, #tpu.memory_space<vmem>>, vector<16xf32>,
        %reduce_sum3A_664 = arith.constant true
        %reduce_sum3A_665 = vector.broadcast %reduce_sum3A_664 : i1 to vector<16xi1>
        %reduce_sum3A_666 = tpu.scan <sum>, %get3A_663 masked %reduce_sum3A_665 : vector<16xf32>, vector<16xi1> -> vector<16xf32>
        %reduce_sum3A_667 = vector.extract %reduce_sum3A_666[15] : f32 from vector<16xf32>
        %broadcast_in_dim3A_668 = arith.constant true
        %broadcast_in_dim3A_669 = vector.broadcast %broadcast_in_dim3A_668 : i1 to vector<16xi1>
        %masked_cumsum3A_670 = tpu.scan <sum>, %get3A_663 masked %broadcast_in_dim3A_669 : vector<16xf32>, vector<16xi1> -> vector<16xf32>
        %sub3A_671 = arith.subf %masked_cumsum3A_670, %get3A_663 : vector<16xf32>
        %add3A_672 = arith.addf %scan3A_361, %scan3A_128 : f32
        %add3A_673 = vector.broadcast %add3A_672 : f32 to vector<16xf32>
        %add3A_674 = arith.addf %sub3A_671, %add3A_673 : vector<16xf32>
        %swap3A_675 = arith.index_cast %add3A_661 : i32 to index
        %swap3A_676 = tpu.vector_load %arg12[%swap3A_675] {strides = array<i32>} : memref<8208xf32, #tpu.memory_space<vmem>>, vector<16xf32>,
        tpu.vector_store %arg12[%swap3A_675], %add3A_674 {strides = array<i32>} : memref<8208xf32, #tpu.memory_space<vmem>>, vector<16xf32>,
        %add3A_677 = arith.addf %scan3A_361, %reduce_sum3A_667 : f32
        scf.yield %add3A_377, %add3A_397, %add3A_417, %add3A_437, %add3A_457, %add3A_477, %add3A_497, %add3A_517, %add3A_537, %add3A_557, %add3A_577, %add3A_597, %add3A_617, %add3A_637, %add3A_657, %add3A_677 : f32, f32, f32, f32, f32, f32, f32, f32, f32, f32, f32, f32, f32, f32, f32, f32
      }
      %scan3A_150 = arith.constant 32 : i32
      %add3A_151 = arith.constant 0.000000e+00 : f32
      %add3A_152 = arith.addf %add3A_151, %scan3A_149#0 : f32
      %add3A_153 = arith.addf %add3A_152, %scan3A_149#1 : f32
      %add3A_154 = arith.addf %add3A_153, %scan3A_149#2 : f32
      %add3A_155 = arith.addf %add3A_154, %scan3A_149#3 : f32
      %add3A_156 = arith.addf %add3A_155, %scan3A_149#4 : f32
      %add3A_157 = arith.addf %add3A_156, %scan3A_149#5 : f32
      %add3A_158 = arith.addf %add3A_157, %scan3A_149#6 : f32
      %add3A_159 = arith.addf %add3A_158, %scan3A_149#7 : f32
      %add3A_160 = arith.addf %add3A_159, %scan3A_149#8 : f32
      %add3A_161 = arith.addf %add3A_160, %scan3A_149#9 : f32
      %add3A_162 = arith.addf %add3A_161, %scan3A_149#10 : f32
      %add3A_163 = arith.addf %add3A_162, %scan3A_149#11 : f32
      %add3A_164 = arith.addf %add3A_163, %scan3A_149#12 : f32
      %add3A_165 = arith.addf %add3A_164, %scan3A_149#13 : f32
      %add3A_166 = arith.addf %add3A_165, %scan3A_149#14 : f32
      %add3A_167 = arith.addf %add3A_166, %scan3A_149#15 : f32
      %parallel_loop3A_168 = arith.constant 0 : i32
      %parallel_loop3A_169 = arith.constant 32 : i32
      %parallel_loop3A_170 = arith.constant 1 : i32
      scf.for %parallel_loop3A_345 = %parallel_loop3A_168 to %parallel_loop3A_169 step %parallel_loop3A_170  : i32 {
        %parallel_loop3A_346 = arith.constant 16 : i32
        %parallel_loop3A_347 = arith.muli %parallel_loop3A_345, %parallel_loop3A_346 : i32
        %parallel_loop3A_348 = arith.constant 512 : i32
        %parallel_loop3A_349 = arith.addi %parallel_loop3A_348, %parallel_loop3A_347 : i32
        %parallel_loop3A_350 = arith.index_cast %parallel_loop3A_349 : i32 to index
        %parallel_loop3A_351 = tpu.vector_load %arg12[%parallel_loop3A_350] {strides = array<i32>} : memref<8208xf32, #tpu.memory_space<vmem>>, vector<16xf32>,
        %parallel_loop3A_352 = vector.broadcast %add3A_152 : f32 to vector<16xf32>
        %parallel_loop3A_353 = arith.addf %parallel_loop3A_351, %parallel_loop3A_352 : vector<16xf32>
        %parallel_loop3A_354 = arith.index_cast %parallel_loop3A_349 : i32 to index
        %parallel_loop3A_355 = tpu.vector_load %arg12[%parallel_loop3A_354] {strides = array<i32>} : memref<8208xf32, #tpu.memory_space<vmem>>, vector<16xf32>,
        tpu.vector_store %arg12[%parallel_loop3A_354], %parallel_loop3A_353 {strides = array<i32>} : memref<8208xf32, #tpu.memory_space<vmem>>, vector<16xf32>,
      } {sc.loop_unroll_factor = 4 : i64, sc.parallel_access}
      %parallel_loop3A_171 = arith.constant 0 : i32
      %parallel_loop3A_172 = arith.constant 32 : i32
      %parallel_loop3A_173 = arith.constant 1 : i32
      scf.for %parallel_loop3A_345 = %parallel_loop3A_171 to %parallel_loop3A_172 step %parallel_loop3A_173  : i32 {
        %parallel_loop3A_346 = arith.constant 16 : i32
        %parallel_loop3A_347 = arith.muli %parallel_loop3A_345, %parallel_loop3A_346 : i32
        %parallel_loop3A_348 = arith.constant 1024 : i32
        %parallel_loop3A_349 = arith.addi %parallel_loop3A_348, %parallel_loop3A_347 : i32
        %parallel_loop3A_350 = arith.index_cast %parallel_loop3A_349 : i32 to index
        %parallel_loop3A_351 = tpu.vector_load %arg12[%parallel_loop3A_350] {strides = array<i32>} : memref<8208xf32, #tpu.memory_space<vmem>>, vector<16xf32>,
        %parallel_loop3A_352 = vector.broadcast %add3A_153 : f32 to vector<16xf32>
        %parallel_loop3A_353 = arith.addf %parallel_loop3A_351, %parallel_loop3A_352 : vector<16xf32>
        %parallel_loop3A_354 = arith.index_cast %parallel_loop3A_349 : i32 to index
        %parallel_loop3A_355 = tpu.vector_load %arg12[%parallel_loop3A_354] {strides = array<i32>} : memref<8208xf32, #tpu.memory_space<vmem>>, vector<16xf32>,
        tpu.vector_store %arg12[%parallel_loop3A_354], %parallel_loop3A_353 {strides = array<i32>} : memref<8208xf32, #tpu.memory_space<vmem>>, vector<16xf32>,
      } {sc.loop_unroll_factor = 4 : i64, sc.parallel_access}
      %parallel_loop3A_174 = arith.constant 0 : i32
      %parallel_loop3A_175 = arith.constant 32 : i32
      %parallel_loop3A_176 = arith.constant 1 : i32
      scf.for %parallel_loop3A_345 = %parallel_loop3A_174 to %parallel_loop3A_175 step %parallel_loop3A_176  : i32 {
        %parallel_loop3A_346 = arith.constant 16 : i32
        %parallel_loop3A_347 = arith.muli %parallel_loop3A_345, %parallel_loop3A_346 : i32
        %parallel_loop3A_348 = arith.constant 1536 : i32
        %parallel_loop3A_349 = arith.addi %parallel_loop3A_348, %parallel_loop3A_347 : i32
        %parallel_loop3A_350 = arith.index_cast %parallel_loop3A_349 : i32 to index
        %parallel_loop3A_351 = tpu.vector_load %arg12[%parallel_loop3A_350] {strides = array<i32>} : memref<8208xf32, #tpu.memory_space<vmem>>, vector<16xf32>,
        %parallel_loop3A_352 = vector.broadcast %add3A_154 : f32 to vector<16xf32>
        %parallel_loop3A_353 = arith.addf %parallel_loop3A_351, %parallel_loop3A_352 : vector<16xf32>
        %parallel_loop3A_354 = arith.index_cast %parallel_loop3A_349 : i32 to index
        %parallel_loop3A_355 = tpu.vector_load %arg12[%parallel_loop3A_354] {strides = array<i32>} : memref<8208xf32, #tpu.memory_space<vmem>>, vector<16xf32>,
        tpu.vector_store %arg12[%parallel_loop3A_354], %parallel_loop3A_353 {strides = array<i32>} : memref<8208xf32, #tpu.memory_space<vmem>>, vector<16xf32>,
      } {sc.loop_unroll_factor = 4 : i64, sc.parallel_access}
      %parallel_loop3A_177 = arith.constant 0 : i32
      %parallel_loop3A_178 = arith.constant 32 : i32
      %parallel_loop3A_179 = arith.constant 1 : i32
      scf.for %parallel_loop3A_345 = %parallel_loop3A_177 to %parallel_loop3A_178 step %parallel_loop3A_179  : i32 {
        %parallel_loop3A_346 = arith.constant 16 : i32
        %parallel_loop3A_347 = arith.muli %parallel_loop3A_345, %parallel_loop3A_346 : i32
        %parallel_loop3A_348 = arith.constant 2048 : i32
        %parallel_loop3A_349 = arith.addi %parallel_loop3A_348, %parallel_loop3A_347 : i32
        %parallel_loop3A_350 = arith.index_cast %parallel_loop3A_349 : i32 to index
        %parallel_loop3A_351 = tpu.vector_load %arg12[%parallel_loop3A_350] {strides = array<i32>} : memref<8208xf32, #tpu.memory_space<vmem>>, vector<16xf32>,
        %parallel_loop3A_352 = vector.broadcast %add3A_155 : f32 to vector<16xf32>
        %parallel_loop3A_353 = arith.addf %parallel_loop3A_351, %parallel_loop3A_352 : vector<16xf32>
        %parallel_loop3A_354 = arith.index_cast %parallel_loop3A_349 : i32 to index
        %parallel_loop3A_355 = tpu.vector_load %arg12[%parallel_loop3A_354] {strides = array<i32>} : memref<8208xf32, #tpu.memory_space<vmem>>, vector<16xf32>,
        tpu.vector_store %arg12[%parallel_loop3A_354], %parallel_loop3A_353 {strides = array<i32>} : memref<8208xf32, #tpu.memory_space<vmem>>, vector<16xf32>,
      } {sc.loop_unroll_factor = 4 : i64, sc.parallel_access}
      %parallel_loop3A_180 = arith.constant 0 : i32
      %parallel_loop3A_181 = arith.constant 32 : i32
      %parallel_loop3A_182 = arith.constant 1 : i32
      scf.for %parallel_loop3A_345 = %parallel_loop3A_180 to %parallel_loop3A_181 step %parallel_loop3A_182  : i32 {
        %parallel_loop3A_346 = arith.constant 16 : i32
        %parallel_loop3A_347 = arith.muli %parallel_loop3A_345, %parallel_loop3A_346 : i32
        %parallel_loop3A_348 = arith.constant 2560 : i32
        %parallel_loop3A_349 = arith.addi %parallel_loop3A_348, %parallel_loop3A_347 : i32
        %parallel_loop3A_350 = arith.index_cast %parallel_loop3A_349 : i32 to index
        %parallel_loop3A_351 = tpu.vector_load %arg12[%parallel_loop3A_350] {strides = array<i32>} : memref<8208xf32, #tpu.memory_space<vmem>>, vector<16xf32>,
        %parallel_loop3A_352 = vector.broadcast %add3A_156 : f32 to vector<16xf32>
        %parallel_loop3A_353 = arith.addf %parallel_loop3A_351, %parallel_loop3A_352 : vector<16xf32>
        %parallel_loop3A_354 = arith.index_cast %parallel_loop3A_349 : i32 to index
        %parallel_loop3A_355 = tpu.vector_load %arg12[%parallel_loop3A_354] {strides = array<i32>} : memref<8208xf32, #tpu.memory_space<vmem>>, vector<16xf32>,
        tpu.vector_store %arg12[%parallel_loop3A_354], %parallel_loop3A_353 {strides = array<i32>} : memref<8208xf32, #tpu.memory_space<vmem>>, vector<16xf32>,
      } {sc.loop_unroll_factor = 4 : i64, sc.parallel_access}
      %parallel_loop3A_183 = arith.constant 0 : i32
      %parallel_loop3A_184 = arith.constant 32 : i32
      %parallel_loop3A_185 = arith.constant 1 : i32
      scf.for %parallel_loop3A_345 = %parallel_loop3A_183 to %parallel_loop3A_184 step %parallel_loop3A_185  : i32 {
        %parallel_loop3A_346 = arith.constant 16 : i32
        %parallel_loop3A_347 = arith.muli %parallel_loop3A_345, %parallel_loop3A_346 : i32
        %parallel_loop3A_348 = arith.constant 3072 : i32
        %parallel_loop3A_349 = arith.addi %parallel_loop3A_348, %parallel_loop3A_347 : i32
        %parallel_loop3A_350 = arith.index_cast %parallel_loop3A_349 : i32 to index
        %parallel_loop3A_351 = tpu.vector_load %arg12[%parallel_loop3A_350] {strides = array<i32>} : memref<8208xf32, #tpu.memory_space<vmem>>, vector<16xf32>,
        %parallel_loop3A_352 = vector.broadcast %add3A_157 : f32 to vector<16xf32>
        %parallel_loop3A_353 = arith.addf %parallel_loop3A_351, %parallel_loop3A_352 : vector<16xf32>
        %parallel_loop3A_354 = arith.index_cast %parallel_loop3A_349 : i32 to index
        %parallel_loop3A_355 = tpu.vector_load %arg12[%parallel_loop3A_354] {strides = array<i32>} : memref<8208xf32, #tpu.memory_space<vmem>>, vector<16xf32>,
        tpu.vector_store %arg12[%parallel_loop3A_354], %parallel_loop3A_353 {strides = array<i32>} : memref<8208xf32, #tpu.memory_space<vmem>>, vector<16xf32>,
      } {sc.loop_unroll_factor = 4 : i64, sc.parallel_access}
      %parallel_loop3A_186 = arith.constant 0 : i32
      %parallel_loop3A_187 = arith.constant 32 : i32
      %parallel_loop3A_188 = arith.constant 1 : i32
      scf.for %parallel_loop3A_345 = %parallel_loop3A_186 to %parallel_loop3A_187 step %parallel_loop3A_188  : i32 {
        %parallel_loop3A_346 = arith.constant 16 : i32
        %parallel_loop3A_347 = arith.muli %parallel_loop3A_345, %parallel_loop3A_346 : i32
        %parallel_loop3A_348 = arith.constant 3584 : i32
        %parallel_loop3A_349 = arith.addi %parallel_loop3A_348, %parallel_loop3A_347 : i32
        %parallel_loop3A_350 = arith.index_cast %parallel_loop3A_349 : i32 to index
        %parallel_loop3A_351 = tpu.vector_load %arg12[%parallel_loop3A_350] {strides = array<i32>} : memref<8208xf32, #tpu.memory_space<vmem>>, vector<16xf32>,
        %parallel_loop3A_352 = vector.broadcast %add3A_158 : f32 to vector<16xf32>
        %parallel_loop3A_353 = arith.addf %parallel_loop3A_351, %parallel_loop3A_352 : vector<16xf32>
        %parallel_loop3A_354 = arith.index_cast %parallel_loop3A_349 : i32 to index
        %parallel_loop3A_355 = tpu.vector_load %arg12[%parallel_loop3A_354] {strides = array<i32>} : memref<8208xf32, #tpu.memory_space<vmem>>, vector<16xf32>,
        tpu.vector_store %arg12[%parallel_loop3A_354], %parallel_loop3A_353 {strides = array<i32>} : memref<8208xf32, #tpu.memory_space<vmem>>, vector<16xf32>,
      } {sc.loop_unroll_factor = 4 : i64, sc.parallel_access}
      %parallel_loop3A_189 = arith.constant 0 : i32
      %parallel_loop3A_190 = arith.constant 32 : i32
      %parallel_loop3A_191 = arith.constant 1 : i32
      scf.for %parallel_loop3A_345 = %parallel_loop3A_189 to %parallel_loop3A_190 step %parallel_loop3A_191  : i32 {
        %parallel_loop3A_346 = arith.constant 16 : i32
        %parallel_loop3A_347 = arith.muli %parallel_loop3A_345, %parallel_loop3A_346 : i32
        %parallel_loop3A_348 = arith.constant 4096 : i32
        %parallel_loop3A_349 = arith.addi %parallel_loop3A_348, %parallel_loop3A_347 : i32
        %parallel_loop3A_350 = arith.index_cast %parallel_loop3A_349 : i32 to index
        %parallel_loop3A_351 = tpu.vector_load %arg12[%parallel_loop3A_350] {strides = array<i32>} : memref<8208xf32, #tpu.memory_space<vmem>>, vector<16xf32>,
        %parallel_loop3A_352 = vector.broadcast %add3A_159 : f32 to vector<16xf32>
        %parallel_loop3A_353 = arith.addf %parallel_loop3A_351, %parallel_loop3A_352 : vector<16xf32>
        %parallel_loop3A_354 = arith.index_cast %parallel_loop3A_349 : i32 to index
        %parallel_loop3A_355 = tpu.vector_load %arg12[%parallel_loop3A_354] {strides = array<i32>} : memref<8208xf32, #tpu.memory_space<vmem>>, vector<16xf32>,
        tpu.vector_store %arg12[%parallel_loop3A_354], %parallel_loop3A_353 {strides = array<i32>} : memref<8208xf32, #tpu.memory_space<vmem>>, vector<16xf32>,
      } {sc.loop_unroll_factor = 4 : i64, sc.parallel_access}
      %parallel_loop3A_192 = arith.constant 0 : i32
      %parallel_loop3A_193 = arith.constant 32 : i32
      %parallel_loop3A_194 = arith.constant 1 : i32
      scf.for %parallel_loop3A_345 = %parallel_loop3A_192 to %parallel_loop3A_193 step %parallel_loop3A_194  : i32 {
        %parallel_loop3A_346 = arith.constant 16 : i32
        %parallel_loop3A_347 = arith.muli %parallel_loop3A_345, %parallel_loop3A_346 : i32
        %parallel_loop3A_348 = arith.constant 4608 : i32
        %parallel_loop3A_349 = arith.addi %parallel_loop3A_348, %parallel_loop3A_347 : i32
        %parallel_loop3A_350 = arith.index_cast %parallel_loop3A_349 : i32 to index
        %parallel_loop3A_351 = tpu.vector_load %arg12[%parallel_loop3A_350] {strides = array<i32>} : memref<8208xf32, #tpu.memory_space<vmem>>, vector<16xf32>,
        %parallel_loop3A_352 = vector.broadcast %add3A_160 : f32 to vector<16xf32>
        %parallel_loop3A_353 = arith.addf %parallel_loop3A_351, %parallel_loop3A_352 : vector<16xf32>
        %parallel_loop3A_354 = arith.index_cast %parallel_loop3A_349 : i32 to index
        %parallel_loop3A_355 = tpu.vector_load %arg12[%parallel_loop3A_354] {strides = array<i32>} : memref<8208xf32, #tpu.memory_space<vmem>>, vector<16xf32>,
        tpu.vector_store %arg12[%parallel_loop3A_354], %parallel_loop3A_353 {strides = array<i32>} : memref<8208xf32, #tpu.memory_space<vmem>>, vector<16xf32>,
      } {sc.loop_unroll_factor = 4 : i64, sc.parallel_access}
      %parallel_loop3A_195 = arith.constant 0 : i32
      %parallel_loop3A_196 = arith.constant 32 : i32
      %parallel_loop3A_197 = arith.constant 1 : i32
      scf.for %parallel_loop3A_345 = %parallel_loop3A_195 to %parallel_loop3A_196 step %parallel_loop3A_197  : i32 {
        %parallel_loop3A_346 = arith.constant 16 : i32
        %parallel_loop3A_347 = arith.muli %parallel_loop3A_345, %parallel_loop3A_346 : i32
        %parallel_loop3A_348 = arith.constant 5120 : i32
        %parallel_loop3A_349 = arith.addi %parallel_loop3A_348, %parallel_loop3A_347 : i32
        %parallel_loop3A_350 = arith.index_cast %parallel_loop3A_349 : i32 to index
        %parallel_loop3A_351 = tpu.vector_load %arg12[%parallel_loop3A_350] {strides = array<i32>} : memref<8208xf32, #tpu.memory_space<vmem>>, vector<16xf32>,
        %parallel_loop3A_352 = vector.broadcast %add3A_161 : f32 to vector<16xf32>
        %parallel_loop3A_353 = arith.addf %parallel_loop3A_351, %parallel_loop3A_352 : vector<16xf32>
        %parallel_loop3A_354 = arith.index_cast %parallel_loop3A_349 : i32 to index
        %parallel_loop3A_355 = tpu.vector_load %arg12[%parallel_loop3A_354] {strides = array<i32>} : memref<8208xf32, #tpu.memory_space<vmem>>, vector<16xf32>,
        tpu.vector_store %arg12[%parallel_loop3A_354], %parallel_loop3A_353 {strides = array<i32>} : memref<8208xf32, #tpu.memory_space<vmem>>, vector<16xf32>,
      } {sc.loop_unroll_factor = 4 : i64, sc.parallel_access}
      %parallel_loop3A_198 = arith.constant 0 : i32
      %parallel_loop3A_199 = arith.constant 32 : i32
      %parallel_loop3A_200 = arith.constant 1 : i32
      scf.for %parallel_loop3A_345 = %parallel_loop3A_198 to %parallel_loop3A_199 step %parallel_loop3A_200  : i32 {
        %parallel_loop3A_346 = arith.constant 16 : i32
        %parallel_loop3A_347 = arith.muli %parallel_loop3A_345, %parallel_loop3A_346 : i32
        %parallel_loop3A_348 = arith.constant 5632 : i32
        %parallel_loop3A_349 = arith.addi %parallel_loop3A_348, %parallel_loop3A_347 : i32
        %parallel_loop3A_350 = arith.index_cast %parallel_loop3A_349 : i32 to index
        %parallel_loop3A_351 = tpu.vector_load %arg12[%parallel_loop3A_350] {strides = array<i32>} : memref<8208xf32, #tpu.memory_space<vmem>>, vector<16xf32>,
        %parallel_loop3A_352 = vector.broadcast %add3A_162 : f32 to vector<16xf32>
        %parallel_loop3A_353 = arith.addf %parallel_loop3A_351, %parallel_loop3A_352 : vector<16xf32>
        %parallel_loop3A_354 = arith.index_cast %parallel_loop3A_349 : i32 to index
        %parallel_loop3A_355 = tpu.vector_load %arg12[%parallel_loop3A_354] {strides = array<i32>} : memref<8208xf32, #tpu.memory_space<vmem>>, vector<16xf32>,
        tpu.vector_store %arg12[%parallel_loop3A_354], %parallel_loop3A_353 {strides = array<i32>} : memref<8208xf32, #tpu.memory_space<vmem>>, vector<16xf32>,
      } {sc.loop_unroll_factor = 4 : i64, sc.parallel_access}
      %parallel_loop3A_201 = arith.constant 0 : i32
      %parallel_loop3A_202 = arith.constant 32 : i32
      %parallel_loop3A_203 = arith.constant 1 : i32
      scf.for %parallel_loop3A_345 = %parallel_loop3A_201 to %parallel_loop3A_202 step %parallel_loop3A_203  : i32 {
        %parallel_loop3A_346 = arith.constant 16 : i32
        %parallel_loop3A_347 = arith.muli %parallel_loop3A_345, %parallel_loop3A_346 : i32
        %parallel_loop3A_348 = arith.constant 6144 : i32
        %parallel_loop3A_349 = arith.addi %parallel_loop3A_348, %parallel_loop3A_347 : i32
        %parallel_loop3A_350 = arith.index_cast %parallel_loop3A_349 : i32 to index
        %parallel_loop3A_351 = tpu.vector_load %arg12[%parallel_loop3A_350] {strides = array<i32>} : memref<8208xf32, #tpu.memory_space<vmem>>, vector<16xf32>,
        %parallel_loop3A_352 = vector.broadcast %add3A_163 : f32 to vector<16xf32>
        %parallel_loop3A_353 = arith.addf %parallel_loop3A_351, %parallel_loop3A_352 : vector<16xf32>
        %parallel_loop3A_354 = arith.index_cast %parallel_loop3A_349 : i32 to index
        %parallel_loop3A_355 = tpu.vector_load %arg12[%parallel_loop3A_354] {strides = array<i32>} : memref<8208xf32, #tpu.memory_space<vmem>>, vector<16xf32>,
        tpu.vector_store %arg12[%parallel_loop3A_354], %parallel_loop3A_353 {strides = array<i32>} : memref<8208xf32, #tpu.memory_space<vmem>>, vector<16xf32>,
      } {sc.loop_unroll_factor = 4 : i64, sc.parallel_access}
      %parallel_loop3A_204 = arith.constant 0 : i32
      %parallel_loop3A_205 = arith.constant 32 : i32
      %parallel_loop3A_206 = arith.constant 1 : i32
      scf.for %parallel_loop3A_345 = %parallel_loop3A_204 to %parallel_loop3A_205 step %parallel_loop3A_206  : i32 {
        %parallel_loop3A_346 = arith.constant 16 : i32
        %parallel_loop3A_347 = arith.muli %parallel_loop3A_345, %parallel_loop3A_346 : i32
        %parallel_loop3A_348 = arith.constant 6656 : i32
        %parallel_loop3A_349 = arith.addi %parallel_loop3A_348, %parallel_loop3A_347 : i32
        %parallel_loop3A_350 = arith.index_cast %parallel_loop3A_349 : i32 to index
        %parallel_loop3A_351 = tpu.vector_load %arg12[%parallel_loop3A_350] {strides = array<i32>} : memref<8208xf32, #tpu.memory_space<vmem>>, vector<16xf32>,
        %parallel_loop3A_352 = vector.broadcast %add3A_164 : f32 to vector<16xf32>
        %parallel_loop3A_353 = arith.addf %parallel_loop3A_351, %parallel_loop3A_352 : vector<16xf32>
        %parallel_loop3A_354 = arith.index_cast %parallel_loop3A_349 : i32 to index
        %parallel_loop3A_355 = tpu.vector_load %arg12[%parallel_loop3A_354] {strides = array<i32>} : memref<8208xf32, #tpu.memory_space<vmem>>, vector<16xf32>,
        tpu.vector_store %arg12[%parallel_loop3A_354], %parallel_loop3A_353 {strides = array<i32>} : memref<8208xf32, #tpu.memory_space<vmem>>, vector<16xf32>,
      } {sc.loop_unroll_factor = 4 : i64, sc.parallel_access}
      %parallel_loop3A_207 = arith.constant 0 : i32
      %parallel_loop3A_208 = arith.constant 32 : i32
      %parallel_loop3A_209 = arith.constant 1 : i32
      scf.for %parallel_loop3A_345 = %parallel_loop3A_207 to %parallel_loop3A_208 step %parallel_loop3A_209  : i32 {
        %parallel_loop3A_346 = arith.constant 16 : i32
        %parallel_loop3A_347 = arith.muli %parallel_loop3A_345, %parallel_loop3A_346 : i32
        %parallel_loop3A_348 = arith.constant 7168 : i32
        %parallel_loop3A_349 = arith.addi %parallel_loop3A_348, %parallel_loop3A_347 : i32
        %parallel_loop3A_350 = arith.index_cast %parallel_loop3A_349 : i32 to index
        %parallel_loop3A_351 = tpu.vector_load %arg12[%parallel_loop3A_350] {strides = array<i32>} : memref<8208xf32, #tpu.memory_space<vmem>>, vector<16xf32>,
        %parallel_loop3A_352 = vector.broadcast %add3A_165 : f32 to vector<16xf32>
        %parallel_loop3A_353 = arith.addf %parallel_loop3A_351, %parallel_loop3A_352 : vector<16xf32>
        %parallel_loop3A_354 = arith.index_cast %parallel_loop3A_349 : i32 to index
        %parallel_loop3A_355 = tpu.vector_load %arg12[%parallel_loop3A_354] {strides = array<i32>} : memref<8208xf32, #tpu.memory_space<vmem>>, vector<16xf32>,
        tpu.vector_store %arg12[%parallel_loop3A_354], %parallel_loop3A_353 {strides = array<i32>} : memref<8208xf32, #tpu.memory_space<vmem>>, vector<16xf32>,
      } {sc.loop_unroll_factor = 4 : i64, sc.parallel_access}
      %parallel_loop3A_210 = arith.constant 0 : i32
      %parallel_loop3A_211 = arith.constant 32 : i32
      %parallel_loop3A_212 = arith.constant 1 : i32
      scf.for %parallel_loop3A_345 = %parallel_loop3A_210 to %parallel_loop3A_211 step %parallel_loop3A_212  : i32 {
        %parallel_loop3A_346 = arith.constant 16 : i32
        %parallel_loop3A_347 = arith.muli %parallel_loop3A_345, %parallel_loop3A_346 : i32
        %parallel_loop3A_348 = arith.constant 7680 : i32
        %parallel_loop3A_349 = arith.addi %parallel_loop3A_348, %parallel_loop3A_347 : i32
        %parallel_loop3A_350 = arith.index_cast %parallel_loop3A_349 : i32 to index
        %parallel_loop3A_351 = tpu.vector_load %arg12[%parallel_loop3A_350] {strides = array<i32>} : memref<8208xf32, #tpu.memory_space<vmem>>, vector<16xf32>,
        %parallel_loop3A_352 = vector.broadcast %add3A_166 : f32 to vector<16xf32>
        %parallel_loop3A_353 = arith.addf %parallel_loop3A_351, %parallel_loop3A_352 : vector<16xf32>
        %parallel_loop3A_354 = arith.index_cast %parallel_loop3A_349 : i32 to index
        %parallel_loop3A_355 = tpu.vector_load %arg12[%parallel_loop3A_354] {strides = array<i32>} : memref<8208xf32, #tpu.memory_space<vmem>>, vector<16xf32>,
        tpu.vector_store %arg12[%parallel_loop3A_354], %parallel_loop3A_353 {strides = array<i32>} : memref<8208xf32, #tpu.memory_space<vmem>>, vector<16xf32>,
      } {sc.loop_unroll_factor = 4 : i64, sc.parallel_access}
      %add3A_213 = vector.broadcast %add3A_167 : f32 to vector<16xf32>
      %add3A_214 = arith.addf %broadcast_in_dim3A_13, %add3A_213 : vector<16xf32>
      %swap3A_215 = arith.constant 8192 : index
      %swap3A_216 = tpu.vector_load %arg12[%swap3A_215] {strides = array<i32>} : memref<8208xf32, #tpu.memory_space<vmem>>, vector<16xf32>,
      tpu.vector_store %arg12[%swap3A_215], %add3A_214 {strides = array<i32>} : memref<8208xf32, #tpu.memory_space<vmem>>, vector<16xf32>,
      %parallel_loop3A_217 = arith.constant 0 : i32
      %parallel_loop3A_218 = arith.constant 512 : i32
      %parallel_loop3A_219 = arith.constant 1 : i32
      scf.for %parallel_loop3A_345 = %parallel_loop3A_217 to %parallel_loop3A_218 step %parallel_loop3A_219  : i32 {
        %parallel_loop3A_346 = arith.constant 16 : i32
        %parallel_loop3A_347 = arith.muli %parallel_loop3A_345, %parallel_loop3A_346 : i32
        %parallel_loop3A_348 = arith.index_cast %parallel_loop3A_347 : i32 to index
        %parallel_loop3A_349 = tpu.vector_load %arg12[%parallel_loop3A_348] {strides = array<i32>} : memref<8208xf32, #tpu.memory_space<vmem>>, vector<16xf32>,
        %parallel_loop3A_350 = arith.fptosi %parallel_loop3A_349 : vector<16xf32> to vector<16xi32>
        %parallel_loop3A_351 = arith.constant 0 : i32
        %parallel_loop3A_352 = arith.constant 65535 : i32
        %parallel_loop3A_353 = vector.broadcast %parallel_loop3A_351 : i32 to vector<16xi32>
        %parallel_loop3A_354 = arith.maxsi %parallel_loop3A_353, %parallel_loop3A_350 : vector<16xi32>
        %parallel_loop3A_355 = vector.broadcast %parallel_loop3A_352 : i32 to vector<16xi32>
        %parallel_loop3A_356 = arith.minsi %parallel_loop3A_355, %parallel_loop3A_354 : vector<16xi32>
        %parallel_loop3A_357 = arith.constant 6.553600e+04 : f32
        %parallel_loop3A_358 = vector.broadcast %parallel_loop3A_357 : f32 to vector<16xf32>
        %parallel_loop3A_359 = arith.cmpf olt, %parallel_loop3A_349, %parallel_loop3A_358 : vector<16xf32>
        tpu.vector_store_idx %arg13[%parallel_loop3A_356], %add3A_11 masked %parallel_loop3A_359 {add = true} : memref<65536xi32, #tpu.memory_space<vmem>>[vector<16xi32>], vector<16xi32>, vector<16xi1>
      } {sc.loop_unroll_factor = 2 : i64, sc.parallel_access}
      %scan3A_220 = arith.constant -1 : i32
      %scan3A_221 = arith.constant 0 : i32
      %scan3A_222 = arith.constant 0 : i32
      %scan3A_223 = arith.constant 0 : i32
      %scan3A_224 = arith.constant 0 : i32
      %scan3A_225 = arith.constant 0 : i32
      %scan3A_226 = arith.constant 0 : i32
      %scan3A_227 = arith.constant 0 : i32
      %scan3A_228 = arith.constant 0 : i32
      %scan3A_229 = arith.constant 0 : i32
      %scan3A_230 = arith.constant 0 : i32
      %scan3A_231 = arith.constant 0 : i32
      %scan3A_232 = arith.constant 0 : i32
      %scan3A_233 = arith.constant 0 : i32
      %scan3A_234 = arith.constant 0 : i32
      %scan3A_235 = arith.constant 0 : i32
      %scan3A_236 = arith.constant 0 : i32
      %scan3A_237 = arith.constant 0 : i32
      %scan3A_238 = arith.constant 256 : i32
      %scan3A_239 = arith.addi %scan3A_237, %scan3A_238 : i32
      %scan3A_240 = arith.constant 1 : i32
      %scan3A_241:16 = scf.for %scan3A_345 = %scan3A_237 to %scan3A_239 step %scan3A_240 iter_args(%scan3A_346 = %scan3A_221, %scan3A_347 = %scan3A_222, %scan3A_348 = %scan3A_223, %scan3A_349 = %scan3A_224, %scan3A_350 = %scan3A_225, %scan3A_351 = %scan3A_226, %scan3A_352 = %scan3A_227, %scan3A_353 = %scan3A_228, %scan3A_354 = %scan3A_229, %scan3A_355 = %scan3A_230, %scan3A_356 = %scan3A_231, %scan3A_357 = %scan3A_232, %scan3A_358 = %scan3A_233, %scan3A_359 = %scan3A_234, %scan3A_360 = %scan3A_235, %scan3A_361 = %scan3A_236) -> (i32, i32, i32, i32, i32, i32, i32, i32, i32, i32, i32, i32, i32, i32, i32, i32)  : i32 {
        %mul3A_362 = arith.constant 16 : i32
        %mul3A_363 = arith.muli %scan3A_345, %mul3A_362 : i32
        %add3A_364 = arith.constant 0 : i32
        %add3A_365 = arith.addi %add3A_364, %mul3A_363 : i32
        %get3A = arith.index_cast %add3A_365 : i32 to index
        %get3A_366 = tpu.vector_load %arg13[%get3A] {strides = array<i32>} : memref<65536xi32, #tpu.memory_space<vmem>>, vector<16xi32>,
        %reduce_sum3A = arith.constant true
        %reduce_sum3A_367 = vector.broadcast %reduce_sum3A : i1 to vector<16xi1>
        %reduce_sum3A_368 = tpu.scan <sum>, %get3A_366 masked %reduce_sum3A_367 : vector<16xi32>, vector<16xi1> -> vector<16xi32>
        %reduce_sum3A_369 = vector.extract %reduce_sum3A_368[15] : i32 from vector<16xi32>
        %broadcast_in_dim3A_370 = arith.constant true
        %broadcast_in_dim3A_371 = vector.broadcast %broadcast_in_dim3A_370 : i1 to vector<16xi1>
        %masked_cumsum3A = tpu.scan <sum>, %get3A_366 masked %broadcast_in_dim3A_371 : vector<16xi32>, vector<16xi1> -> vector<16xi32>
        %add3A_372 = arith.addi %scan3A_346, %scan3A_220 : i32
        %add3A_373 = vector.broadcast %add3A_372 : i32 to vector<16xi32>
        %add3A_374 = arith.addi %masked_cumsum3A, %add3A_373 : vector<16xi32>
        %swap3A_375 = arith.index_cast %add3A_365 : i32 to index
        %swap3A_376 = tpu.vector_load %arg13[%swap3A_375] {strides = array<i32>} : memref<65536xi32, #tpu.memory_space<vmem>>, vector<16xi32>,
        tpu.vector_store %arg13[%swap3A_375], %add3A_374 {strides = array<i32>} : memref<65536xi32, #tpu.memory_space<vmem>>, vector<16xi32>,
        %add3A_377 = arith.addi %scan3A_346, %reduce_sum3A_369 : i32
        %mul3A_378 = arith.constant 16 : i32
        %mul3A_379 = arith.muli %scan3A_345, %mul3A_378 : i32
        %add3A_380 = arith.constant 4096 : i32
        %add3A_381 = arith.addi %add3A_380, %mul3A_379 : i32
        %get3A_382 = arith.index_cast %add3A_381 : i32 to index
        %get3A_383 = tpu.vector_load %arg13[%get3A_382] {strides = array<i32>} : memref<65536xi32, #tpu.memory_space<vmem>>, vector<16xi32>,
        %reduce_sum3A_384 = arith.constant true
        %reduce_sum3A_385 = vector.broadcast %reduce_sum3A_384 : i1 to vector<16xi1>
        %reduce_sum3A_386 = tpu.scan <sum>, %get3A_383 masked %reduce_sum3A_385 : vector<16xi32>, vector<16xi1> -> vector<16xi32>
        %reduce_sum3A_387 = vector.extract %reduce_sum3A_386[15] : i32 from vector<16xi32>
        %broadcast_in_dim3A_388 = arith.constant true
        %broadcast_in_dim3A_389 = vector.broadcast %broadcast_in_dim3A_388 : i1 to vector<16xi1>
        %masked_cumsum3A_390 = tpu.scan <sum>, %get3A_383 masked %broadcast_in_dim3A_389 : vector<16xi32>, vector<16xi1> -> vector<16xi32>
        %add3A_391 = arith.addi %scan3A_347, %scan3A_220 : i32
        %add3A_392 = vector.broadcast %add3A_391 : i32 to vector<16xi32>
        %add3A_393 = arith.addi %masked_cumsum3A_390, %add3A_392 : vector<16xi32>
        %swap3A_394 = arith.index_cast %add3A_381 : i32 to index
        %swap3A_395 = tpu.vector_load %arg13[%swap3A_394] {strides = array<i32>} : memref<65536xi32, #tpu.memory_space<vmem>>, vector<16xi32>,
        tpu.vector_store %arg13[%swap3A_394], %add3A_393 {strides = array<i32>} : memref<65536xi32, #tpu.memory_space<vmem>>, vector<16xi32>,
        %add3A_396 = arith.addi %scan3A_347, %reduce_sum3A_387 : i32
        %mul3A_397 = arith.constant 16 : i32
        %mul3A_398 = arith.muli %scan3A_345, %mul3A_397 : i32
        %add3A_399 = arith.constant 8192 : i32
        %add3A_400 = arith.addi %add3A_399, %mul3A_398 : i32
        %get3A_401 = arith.index_cast %add3A_400 : i32 to index
        %get3A_402 = tpu.vector_load %arg13[%get3A_401] {strides = array<i32>} : memref<65536xi32, #tpu.memory_space<vmem>>, vector<16xi32>,
        %reduce_sum3A_403 = arith.constant true
        %reduce_sum3A_404 = vector.broadcast %reduce_sum3A_403 : i1 to vector<16xi1>
        %reduce_sum3A_405 = tpu.scan <sum>, %get3A_402 masked %reduce_sum3A_404 : vector<16xi32>, vector<16xi1> -> vector<16xi32>
        %reduce_sum3A_406 = vector.extract %reduce_sum3A_405[15] : i32 from vector<16xi32>
        %broadcast_in_dim3A_407 = arith.constant true
        %broadcast_in_dim3A_408 = vector.broadcast %broadcast_in_dim3A_407 : i1 to vector<16xi1>
        %masked_cumsum3A_409 = tpu.scan <sum>, %get3A_402 masked %broadcast_in_dim3A_408 : vector<16xi32>, vector<16xi1> -> vector<16xi32>
        %add3A_410 = arith.addi %scan3A_348, %scan3A_220 : i32
        %add3A_411 = vector.broadcast %add3A_410 : i32 to vector<16xi32>
        %add3A_412 = arith.addi %masked_cumsum3A_409, %add3A_411 : vector<16xi32>
        %swap3A_413 = arith.index_cast %add3A_400 : i32 to index
        %swap3A_414 = tpu.vector_load %arg13[%swap3A_413] {strides = array<i32>} : memref<65536xi32, #tpu.memory_space<vmem>>, vector<16xi32>,
        tpu.vector_store %arg13[%swap3A_413], %add3A_412 {strides = array<i32>} : memref<65536xi32, #tpu.memory_space<vmem>>, vector<16xi32>,
        %add3A_415 = arith.addi %scan3A_348, %reduce_sum3A_406 : i32
        %mul3A_416 = arith.constant 16 : i32
        %mul3A_417 = arith.muli %scan3A_345, %mul3A_416 : i32
        %add3A_418 = arith.constant 12288 : i32
        %add3A_419 = arith.addi %add3A_418, %mul3A_417 : i32
        %get3A_420 = arith.index_cast %add3A_419 : i32 to index
        %get3A_421 = tpu.vector_load %arg13[%get3A_420] {strides = array<i32>} : memref<65536xi32, #tpu.memory_space<vmem>>, vector<16xi32>,
        %reduce_sum3A_422 = arith.constant true
        %reduce_sum3A_423 = vector.broadcast %reduce_sum3A_422 : i1 to vector<16xi1>
        %reduce_sum3A_424 = tpu.scan <sum>, %get3A_421 masked %reduce_sum3A_423 : vector<16xi32>, vector<16xi1> -> vector<16xi32>
        %reduce_sum3A_425 = vector.extract %reduce_sum3A_424[15] : i32 from vector<16xi32>
        %broadcast_in_dim3A_426 = arith.constant true
        %broadcast_in_dim3A_427 = vector.broadcast %broadcast_in_dim3A_426 : i1 to vector<16xi1>
        %masked_cumsum3A_428 = tpu.scan <sum>, %get3A_421 masked %broadcast_in_dim3A_427 : vector<16xi32>, vector<16xi1> -> vector<16xi32>
        %add3A_429 = arith.addi %scan3A_349, %scan3A_220 : i32
        %add3A_430 = vector.broadcast %add3A_429 : i32 to vector<16xi32>
        %add3A_431 = arith.addi %masked_cumsum3A_428, %add3A_430 : vector<16xi32>
        %swap3A_432 = arith.index_cast %add3A_419 : i32 to index
        %swap3A_433 = tpu.vector_load %arg13[%swap3A_432] {strides = array<i32>} : memref<65536xi32, #tpu.memory_space<vmem>>, vector<16xi32>,
        tpu.vector_store %arg13[%swap3A_432], %add3A_431 {strides = array<i32>} : memref<65536xi32, #tpu.memory_space<vmem>>, vector<16xi32>,
        %add3A_434 = arith.addi %scan3A_349, %reduce_sum3A_425 : i32
        %mul3A_435 = arith.constant 16 : i32
        %mul3A_436 = arith.muli %scan3A_345, %mul3A_435 : i32
        %add3A_437 = arith.constant 16384 : i32
        %add3A_438 = arith.addi %add3A_437, %mul3A_436 : i32
        %get3A_439 = arith.index_cast %add3A_438 : i32 to index
        %get3A_440 = tpu.vector_load %arg13[%get3A_439] {strides = array<i32>} : memref<65536xi32, #tpu.memory_space<vmem>>, vector<16xi32>,
        %reduce_sum3A_441 = arith.constant true
        %reduce_sum3A_442 = vector.broadcast %reduce_sum3A_441 : i1 to vector<16xi1>
        %reduce_sum3A_443 = tpu.scan <sum>, %get3A_440 masked %reduce_sum3A_442 : vector<16xi32>, vector<16xi1> -> vector<16xi32>
        %reduce_sum3A_444 = vector.extract %reduce_sum3A_443[15] : i32 from vector<16xi32>
        %broadcast_in_dim3A_445 = arith.constant true
        %broadcast_in_dim3A_446 = vector.broadcast %broadcast_in_dim3A_445 : i1 to vector<16xi1>
        %masked_cumsum3A_447 = tpu.scan <sum>, %get3A_440 masked %broadcast_in_dim3A_446 : vector<16xi32>, vector<16xi1> -> vector<16xi32>
        %add3A_448 = arith.addi %scan3A_350, %scan3A_220 : i32
        %add3A_449 = vector.broadcast %add3A_448 : i32 to vector<16xi32>
        %add3A_450 = arith.addi %masked_cumsum3A_447, %add3A_449 : vector<16xi32>
        %swap3A_451 = arith.index_cast %add3A_438 : i32 to index
        %swap3A_452 = tpu.vector_load %arg13[%swap3A_451] {strides = array<i32>} : memref<65536xi32, #tpu.memory_space<vmem>>, vector<16xi32>,
        tpu.vector_store %arg13[%swap3A_451], %add3A_450 {strides = array<i32>} : memref<65536xi32, #tpu.memory_space<vmem>>, vector<16xi32>,
        %add3A_453 = arith.addi %scan3A_350, %reduce_sum3A_444 : i32
        %mul3A_454 = arith.constant 16 : i32
        %mul3A_455 = arith.muli %scan3A_345, %mul3A_454 : i32
        %add3A_456 = arith.constant 20480 : i32
        %add3A_457 = arith.addi %add3A_456, %mul3A_455 : i32
        %get3A_458 = arith.index_cast %add3A_457 : i32 to index
        %get3A_459 = tpu.vector_load %arg13[%get3A_458] {strides = array<i32>} : memref<65536xi32, #tpu.memory_space<vmem>>, vector<16xi32>,
        %reduce_sum3A_460 = arith.constant true
        %reduce_sum3A_461 = vector.broadcast %reduce_sum3A_460 : i1 to vector<16xi1>
        %reduce_sum3A_462 = tpu.scan <sum>, %get3A_459 masked %reduce_sum3A_461 : vector<16xi32>, vector<16xi1> -> vector<16xi32>
        %reduce_sum3A_463 = vector.extract %reduce_sum3A_462[15] : i32 from vector<16xi32>
        %broadcast_in_dim3A_464 = arith.constant true
        %broadcast_in_dim3A_465 = vector.broadcast %broadcast_in_dim3A_464 : i1 to vector<16xi1>
        %masked_cumsum3A_466 = tpu.scan <sum>, %get3A_459 masked %broadcast_in_dim3A_465 : vector<16xi32>, vector<16xi1> -> vector<16xi32>
        %add3A_467 = arith.addi %scan3A_351, %scan3A_220 : i32
        %add3A_468 = vector.broadcast %add3A_467 : i32 to vector<16xi32>
        %add3A_469 = arith.addi %masked_cumsum3A_466, %add3A_468 : vector<16xi32>
        %swap3A_470 = arith.index_cast %add3A_457 : i32 to index
        %swap3A_471 = tpu.vector_load %arg13[%swap3A_470] {strides = array<i32>} : memref<65536xi32, #tpu.memory_space<vmem>>, vector<16xi32>,
        tpu.vector_store %arg13[%swap3A_470], %add3A_469 {strides = array<i32>} : memref<65536xi32, #tpu.memory_space<vmem>>, vector<16xi32>,
        %add3A_472 = arith.addi %scan3A_351, %reduce_sum3A_463 : i32
        %mul3A_473 = arith.constant 16 : i32
        %mul3A_474 = arith.muli %scan3A_345, %mul3A_473 : i32
        %add3A_475 = arith.constant 24576 : i32
        %add3A_476 = arith.addi %add3A_475, %mul3A_474 : i32
        %get3A_477 = arith.index_cast %add3A_476 : i32 to index
        %get3A_478 = tpu.vector_load %arg13[%get3A_477] {strides = array<i32>} : memref<65536xi32, #tpu.memory_space<vmem>>, vector<16xi32>,
        %reduce_sum3A_479 = arith.constant true
        %reduce_sum3A_480 = vector.broadcast %reduce_sum3A_479 : i1 to vector<16xi1>
        %reduce_sum3A_481 = tpu.scan <sum>, %get3A_478 masked %reduce_sum3A_480 : vector<16xi32>, vector<16xi1> -> vector<16xi32>
        %reduce_sum3A_482 = vector.extract %reduce_sum3A_481[15] : i32 from vector<16xi32>
        %broadcast_in_dim3A_483 = arith.constant true
        %broadcast_in_dim3A_484 = vector.broadcast %broadcast_in_dim3A_483 : i1 to vector<16xi1>
        %masked_cumsum3A_485 = tpu.scan <sum>, %get3A_478 masked %broadcast_in_dim3A_484 : vector<16xi32>, vector<16xi1> -> vector<16xi32>
        %add3A_486 = arith.addi %scan3A_352, %scan3A_220 : i32
        %add3A_487 = vector.broadcast %add3A_486 : i32 to vector<16xi32>
        %add3A_488 = arith.addi %masked_cumsum3A_485, %add3A_487 : vector<16xi32>
        %swap3A_489 = arith.index_cast %add3A_476 : i32 to index
        %swap3A_490 = tpu.vector_load %arg13[%swap3A_489] {strides = array<i32>} : memref<65536xi32, #tpu.memory_space<vmem>>, vector<16xi32>,
        tpu.vector_store %arg13[%swap3A_489], %add3A_488 {strides = array<i32>} : memref<65536xi32, #tpu.memory_space<vmem>>, vector<16xi32>,
        %add3A_491 = arith.addi %scan3A_352, %reduce_sum3A_482 : i32
        %mul3A_492 = arith.constant 16 : i32
        %mul3A_493 = arith.muli %scan3A_345, %mul3A_492 : i32
        %add3A_494 = arith.constant 28672 : i32
        %add3A_495 = arith.addi %add3A_494, %mul3A_493 : i32
        %get3A_496 = arith.index_cast %add3A_495 : i32 to index
        %get3A_497 = tpu.vector_load %arg13[%get3A_496] {strides = array<i32>} : memref<65536xi32, #tpu.memory_space<vmem>>, vector<16xi32>,
        %reduce_sum3A_498 = arith.constant true
        %reduce_sum3A_499 = vector.broadcast %reduce_sum3A_498 : i1 to vector<16xi1>
        %reduce_sum3A_500 = tpu.scan <sum>, %get3A_497 masked %reduce_sum3A_499 : vector<16xi32>, vector<16xi1> -> vector<16xi32>
        %reduce_sum3A_501 = vector.extract %reduce_sum3A_500[15] : i32 from vector<16xi32>
        %broadcast_in_dim3A_502 = arith.constant true
        %broadcast_in_dim3A_503 = vector.broadcast %broadcast_in_dim3A_502 : i1 to vector<16xi1>
        %masked_cumsum3A_504 = tpu.scan <sum>, %get3A_497 masked %broadcast_in_dim3A_503 : vector<16xi32>, vector<16xi1> -> vector<16xi32>
        %add3A_505 = arith.addi %scan3A_353, %scan3A_220 : i32
        %add3A_506 = vector.broadcast %add3A_505 : i32 to vector<16xi32>
        %add3A_507 = arith.addi %masked_cumsum3A_504, %add3A_506 : vector<16xi32>
        %swap3A_508 = arith.index_cast %add3A_495 : i32 to index
        %swap3A_509 = tpu.vector_load %arg13[%swap3A_508] {strides = array<i32>} : memref<65536xi32, #tpu.memory_space<vmem>>, vector<16xi32>,
        tpu.vector_store %arg13[%swap3A_508], %add3A_507 {strides = array<i32>} : memref<65536xi32, #tpu.memory_space<vmem>>, vector<16xi32>,
        %add3A_510 = arith.addi %scan3A_353, %reduce_sum3A_501 : i32
        %mul3A_511 = arith.constant 16 : i32
        %mul3A_512 = arith.muli %scan3A_345, %mul3A_511 : i32
        %add3A_513 = arith.constant 32768 : i32
        %add3A_514 = arith.addi %add3A_513, %mul3A_512 : i32
        %get3A_515 = arith.index_cast %add3A_514 : i32 to index
        %get3A_516 = tpu.vector_load %arg13[%get3A_515] {strides = array<i32>} : memref<65536xi32, #tpu.memory_space<vmem>>, vector<16xi32>,
        %reduce_sum3A_517 = arith.constant true
        %reduce_sum3A_518 = vector.broadcast %reduce_sum3A_517 : i1 to vector<16xi1>
        %reduce_sum3A_519 = tpu.scan <sum>, %get3A_516 masked %reduce_sum3A_518 : vector<16xi32>, vector<16xi1> -> vector<16xi32>
        %reduce_sum3A_520 = vector.extract %reduce_sum3A_519[15] : i32 from vector<16xi32>
        %broadcast_in_dim3A_521 = arith.constant true
        %broadcast_in_dim3A_522 = vector.broadcast %broadcast_in_dim3A_521 : i1 to vector<16xi1>
        %masked_cumsum3A_523 = tpu.scan <sum>, %get3A_516 masked %broadcast_in_dim3A_522 : vector<16xi32>, vector<16xi1> -> vector<16xi32>
        %add3A_524 = arith.addi %scan3A_354, %scan3A_220 : i32
        %add3A_525 = vector.broadcast %add3A_524 : i32 to vector<16xi32>
        %add3A_526 = arith.addi %masked_cumsum3A_523, %add3A_525 : vector<16xi32>
        %swap3A_527 = arith.index_cast %add3A_514 : i32 to index
        %swap3A_528 = tpu.vector_load %arg13[%swap3A_527] {strides = array<i32>} : memref<65536xi32, #tpu.memory_space<vmem>>, vector<16xi32>,
        tpu.vector_store %arg13[%swap3A_527], %add3A_526 {strides = array<i32>} : memref<65536xi32, #tpu.memory_space<vmem>>, vector<16xi32>,
        %add3A_529 = arith.addi %scan3A_354, %reduce_sum3A_520 : i32
        %mul3A_530 = arith.constant 16 : i32
        %mul3A_531 = arith.muli %scan3A_345, %mul3A_530 : i32
        %add3A_532 = arith.constant 36864 : i32
        %add3A_533 = arith.addi %add3A_532, %mul3A_531 : i32
        %get3A_534 = arith.index_cast %add3A_533 : i32 to index
        %get3A_535 = tpu.vector_load %arg13[%get3A_534] {strides = array<i32>} : memref<65536xi32, #tpu.memory_space<vmem>>, vector<16xi32>,
        %reduce_sum3A_536 = arith.constant true
        %reduce_sum3A_537 = vector.broadcast %reduce_sum3A_536 : i1 to vector<16xi1>
        %reduce_sum3A_538 = tpu.scan <sum>, %get3A_535 masked %reduce_sum3A_537 : vector<16xi32>, vector<16xi1> -> vector<16xi32>
        %reduce_sum3A_539 = vector.extract %reduce_sum3A_538[15] : i32 from vector<16xi32>
        %broadcast_in_dim3A_540 = arith.constant true
        %broadcast_in_dim3A_541 = vector.broadcast %broadcast_in_dim3A_540 : i1 to vector<16xi1>
        %masked_cumsum3A_542 = tpu.scan <sum>, %get3A_535 masked %broadcast_in_dim3A_541 : vector<16xi32>, vector<16xi1> -> vector<16xi32>
        %add3A_543 = arith.addi %scan3A_355, %scan3A_220 : i32
        %add3A_544 = vector.broadcast %add3A_543 : i32 to vector<16xi32>
        %add3A_545 = arith.addi %masked_cumsum3A_542, %add3A_544 : vector<16xi32>
        %swap3A_546 = arith.index_cast %add3A_533 : i32 to index
        %swap3A_547 = tpu.vector_load %arg13[%swap3A_546] {strides = array<i32>} : memref<65536xi32, #tpu.memory_space<vmem>>, vector<16xi32>,
        tpu.vector_store %arg13[%swap3A_546], %add3A_545 {strides = array<i32>} : memref<65536xi32, #tpu.memory_space<vmem>>, vector<16xi32>,
        %add3A_548 = arith.addi %scan3A_355, %reduce_sum3A_539 : i32
        %mul3A_549 = arith.constant 16 : i32
        %mul3A_550 = arith.muli %scan3A_345, %mul3A_549 : i32
        %add3A_551 = arith.constant 40960 : i32
        %add3A_552 = arith.addi %add3A_551, %mul3A_550 : i32
        %get3A_553 = arith.index_cast %add3A_552 : i32 to index
        %get3A_554 = tpu.vector_load %arg13[%get3A_553] {strides = array<i32>} : memref<65536xi32, #tpu.memory_space<vmem>>, vector<16xi32>,
        %reduce_sum3A_555 = arith.constant true
        %reduce_sum3A_556 = vector.broadcast %reduce_sum3A_555 : i1 to vector<16xi1>
        %reduce_sum3A_557 = tpu.scan <sum>, %get3A_554 masked %reduce_sum3A_556 : vector<16xi32>, vector<16xi1> -> vector<16xi32>
        %reduce_sum3A_558 = vector.extract %reduce_sum3A_557[15] : i32 from vector<16xi32>
        %broadcast_in_dim3A_559 = arith.constant true
        %broadcast_in_dim3A_560 = vector.broadcast %broadcast_in_dim3A_559 : i1 to vector<16xi1>
        %masked_cumsum3A_561 = tpu.scan <sum>, %get3A_554 masked %broadcast_in_dim3A_560 : vector<16xi32>, vector<16xi1> -> vector<16xi32>
        %add3A_562 = arith.addi %scan3A_356, %scan3A_220 : i32
        %add3A_563 = vector.broadcast %add3A_562 : i32 to vector<16xi32>
        %add3A_564 = arith.addi %masked_cumsum3A_561, %add3A_563 : vector<16xi32>
        %swap3A_565 = arith.index_cast %add3A_552 : i32 to index
        %swap3A_566 = tpu.vector_load %arg13[%swap3A_565] {strides = array<i32>} : memref<65536xi32, #tpu.memory_space<vmem>>, vector<16xi32>,
        tpu.vector_store %arg13[%swap3A_565], %add3A_564 {strides = array<i32>} : memref<65536xi32, #tpu.memory_space<vmem>>, vector<16xi32>,
        %add3A_567 = arith.addi %scan3A_356, %reduce_sum3A_558 : i32
        %mul3A_568 = arith.constant 16 : i32
        %mul3A_569 = arith.muli %scan3A_345, %mul3A_568 : i32
        %add3A_570 = arith.constant 45056 : i32
        %add3A_571 = arith.addi %add3A_570, %mul3A_569 : i32
        %get3A_572 = arith.index_cast %add3A_571 : i32 to index
        %get3A_573 = tpu.vector_load %arg13[%get3A_572] {strides = array<i32>} : memref<65536xi32, #tpu.memory_space<vmem>>, vector<16xi32>,
        %reduce_sum3A_574 = arith.constant true
        %reduce_sum3A_575 = vector.broadcast %reduce_sum3A_574 : i1 to vector<16xi1>
        %reduce_sum3A_576 = tpu.scan <sum>, %get3A_573 masked %reduce_sum3A_575 : vector<16xi32>, vector<16xi1> -> vector<16xi32>
        %reduce_sum3A_577 = vector.extract %reduce_sum3A_576[15] : i32 from vector<16xi32>
        %broadcast_in_dim3A_578 = arith.constant true
        %broadcast_in_dim3A_579 = vector.broadcast %broadcast_in_dim3A_578 : i1 to vector<16xi1>
        %masked_cumsum3A_580 = tpu.scan <sum>, %get3A_573 masked %broadcast_in_dim3A_579 : vector<16xi32>, vector<16xi1> -> vector<16xi32>
        %add3A_581 = arith.addi %scan3A_357, %scan3A_220 : i32
        %add3A_582 = vector.broadcast %add3A_581 : i32 to vector<16xi32>
        %add3A_583 = arith.addi %masked_cumsum3A_580, %add3A_582 : vector<16xi32>
        %swap3A_584 = arith.index_cast %add3A_571 : i32 to index
        %swap3A_585 = tpu.vector_load %arg13[%swap3A_584] {strides = array<i32>} : memref<65536xi32, #tpu.memory_space<vmem>>, vector<16xi32>,
        tpu.vector_store %arg13[%swap3A_584], %add3A_583 {strides = array<i32>} : memref<65536xi32, #tpu.memory_space<vmem>>, vector<16xi32>,
        %add3A_586 = arith.addi %scan3A_357, %reduce_sum3A_577 : i32
        %mul3A_587 = arith.constant 16 : i32
        %mul3A_588 = arith.muli %scan3A_345, %mul3A_587 : i32
        %add3A_589 = arith.constant 49152 : i32
        %add3A_590 = arith.addi %add3A_589, %mul3A_588 : i32
        %get3A_591 = arith.index_cast %add3A_590 : i32 to index
        %get3A_592 = tpu.vector_load %arg13[%get3A_591] {strides = array<i32>} : memref<65536xi32, #tpu.memory_space<vmem>>, vector<16xi32>,
        %reduce_sum3A_593 = arith.constant true
        %reduce_sum3A_594 = vector.broadcast %reduce_sum3A_593 : i1 to vector<16xi1>
        %reduce_sum3A_595 = tpu.scan <sum>, %get3A_592 masked %reduce_sum3A_594 : vector<16xi32>, vector<16xi1> -> vector<16xi32>
        %reduce_sum3A_596 = vector.extract %reduce_sum3A_595[15] : i32 from vector<16xi32>
        %broadcast_in_dim3A_597 = arith.constant true
        %broadcast_in_dim3A_598 = vector.broadcast %broadcast_in_dim3A_597 : i1 to vector<16xi1>
        %masked_cumsum3A_599 = tpu.scan <sum>, %get3A_592 masked %broadcast_in_dim3A_598 : vector<16xi32>, vector<16xi1> -> vector<16xi32>
        %add3A_600 = arith.addi %scan3A_358, %scan3A_220 : i32
        %add3A_601 = vector.broadcast %add3A_600 : i32 to vector<16xi32>
        %add3A_602 = arith.addi %masked_cumsum3A_599, %add3A_601 : vector<16xi32>
        %swap3A_603 = arith.index_cast %add3A_590 : i32 to index
        %swap3A_604 = tpu.vector_load %arg13[%swap3A_603] {strides = array<i32>} : memref<65536xi32, #tpu.memory_space<vmem>>, vector<16xi32>,
        tpu.vector_store %arg13[%swap3A_603], %add3A_602 {strides = array<i32>} : memref<65536xi32, #tpu.memory_space<vmem>>, vector<16xi32>,
        %add3A_605 = arith.addi %scan3A_358, %reduce_sum3A_596 : i32
        %mul3A_606 = arith.constant 16 : i32
        %mul3A_607 = arith.muli %scan3A_345, %mul3A_606 : i32
        %add3A_608 = arith.constant 53248 : i32
        %add3A_609 = arith.addi %add3A_608, %mul3A_607 : i32
        %get3A_610 = arith.index_cast %add3A_609 : i32 to index
        %get3A_611 = tpu.vector_load %arg13[%get3A_610] {strides = array<i32>} : memref<65536xi32, #tpu.memory_space<vmem>>, vector<16xi32>,
        %reduce_sum3A_612 = arith.constant true
        %reduce_sum3A_613 = vector.broadcast %reduce_sum3A_612 : i1 to vector<16xi1>
        %reduce_sum3A_614 = tpu.scan <sum>, %get3A_611 masked %reduce_sum3A_613 : vector<16xi32>, vector<16xi1> -> vector<16xi32>
        %reduce_sum3A_615 = vector.extract %reduce_sum3A_614[15] : i32 from vector<16xi32>
        %broadcast_in_dim3A_616 = arith.constant true
        %broadcast_in_dim3A_617 = vector.broadcast %broadcast_in_dim3A_616 : i1 to vector<16xi1>
        %masked_cumsum3A_618 = tpu.scan <sum>, %get3A_611 masked %broadcast_in_dim3A_617 : vector<16xi32>, vector<16xi1> -> vector<16xi32>
        %add3A_619 = arith.addi %scan3A_359, %scan3A_220 : i32
        %add3A_620 = vector.broadcast %add3A_619 : i32 to vector<16xi32>
        %add3A_621 = arith.addi %masked_cumsum3A_618, %add3A_620 : vector<16xi32>
        %swap3A_622 = arith.index_cast %add3A_609 : i32 to index
        %swap3A_623 = tpu.vector_load %arg13[%swap3A_622] {strides = array<i32>} : memref<65536xi32, #tpu.memory_space<vmem>>, vector<16xi32>,
        tpu.vector_store %arg13[%swap3A_622], %add3A_621 {strides = array<i32>} : memref<65536xi32, #tpu.memory_space<vmem>>, vector<16xi32>,
        %add3A_624 = arith.addi %scan3A_359, %reduce_sum3A_615 : i32
        %mul3A_625 = arith.constant 16 : i32
        %mul3A_626 = arith.muli %scan3A_345, %mul3A_625 : i32
        %add3A_627 = arith.constant 57344 : i32
        %add3A_628 = arith.addi %add3A_627, %mul3A_626 : i32
        %get3A_629 = arith.index_cast %add3A_628 : i32 to index
        %get3A_630 = tpu.vector_load %arg13[%get3A_629] {strides = array<i32>} : memref<65536xi32, #tpu.memory_space<vmem>>, vector<16xi32>,
        %reduce_sum3A_631 = arith.constant true
        %reduce_sum3A_632 = vector.broadcast %reduce_sum3A_631 : i1 to vector<16xi1>
        %reduce_sum3A_633 = tpu.scan <sum>, %get3A_630 masked %reduce_sum3A_632 : vector<16xi32>, vector<16xi1> -> vector<16xi32>
        %reduce_sum3A_634 = vector.extract %reduce_sum3A_633[15] : i32 from vector<16xi32>
        %broadcast_in_dim3A_635 = arith.constant true
        %broadcast_in_dim3A_636 = vector.broadcast %broadcast_in_dim3A_635 : i1 to vector<16xi1>
        %masked_cumsum3A_637 = tpu.scan <sum>, %get3A_630 masked %broadcast_in_dim3A_636 : vector<16xi32>, vector<16xi1> -> vector<16xi32>
        %add3A_638 = arith.addi %scan3A_360, %scan3A_220 : i32
        %add3A_639 = vector.broadcast %add3A_638 : i32 to vector<16xi32>
        %add3A_640 = arith.addi %masked_cumsum3A_637, %add3A_639 : vector<16xi32>
        %swap3A_641 = arith.index_cast %add3A_628 : i32 to index
        %swap3A_642 = tpu.vector_load %arg13[%swap3A_641] {strides = array<i32>} : memref<65536xi32, #tpu.memory_space<vmem>>, vector<16xi32>,
        tpu.vector_store %arg13[%swap3A_641], %add3A_640 {strides = array<i32>} : memref<65536xi32, #tpu.memory_space<vmem>>, vector<16xi32>,
        %add3A_643 = arith.addi %scan3A_360, %reduce_sum3A_634 : i32
        %mul3A_644 = arith.constant 16 : i32
        %mul3A_645 = arith.muli %scan3A_345, %mul3A_644 : i32
        %add3A_646 = arith.constant 61440 : i32
        %add3A_647 = arith.addi %add3A_646, %mul3A_645 : i32
        %get3A_648 = arith.index_cast %add3A_647 : i32 to index
        %get3A_649 = tpu.vector_load %arg13[%get3A_648] {strides = array<i32>} : memref<65536xi32, #tpu.memory_space<vmem>>, vector<16xi32>,
        %reduce_sum3A_650 = arith.constant true
        %reduce_sum3A_651 = vector.broadcast %reduce_sum3A_650 : i1 to vector<16xi1>
        %reduce_sum3A_652 = tpu.scan <sum>, %get3A_649 masked %reduce_sum3A_651 : vector<16xi32>, vector<16xi1> -> vector<16xi32>
        %reduce_sum3A_653 = vector.extract %reduce_sum3A_652[15] : i32 from vector<16xi32>
        %broadcast_in_dim3A_654 = arith.constant true
        %broadcast_in_dim3A_655 = vector.broadcast %broadcast_in_dim3A_654 : i1 to vector<16xi1>
        %masked_cumsum3A_656 = tpu.scan <sum>, %get3A_649 masked %broadcast_in_dim3A_655 : vector<16xi32>, vector<16xi1> -> vector<16xi32>
        %add3A_657 = arith.addi %scan3A_361, %scan3A_220 : i32
        %add3A_658 = vector.broadcast %add3A_657 : i32 to vector<16xi32>
        %add3A_659 = arith.addi %masked_cumsum3A_656, %add3A_658 : vector<16xi32>
        %swap3A_660 = arith.index_cast %add3A_647 : i32 to index
        %swap3A_661 = tpu.vector_load %arg13[%swap3A_660] {strides = array<i32>} : memref<65536xi32, #tpu.memory_space<vmem>>, vector<16xi32>,
        tpu.vector_store %arg13[%swap3A_660], %add3A_659 {strides = array<i32>} : memref<65536xi32, #tpu.memory_space<vmem>>, vector<16xi32>,
        %add3A_662 = arith.addi %scan3A_361, %reduce_sum3A_653 : i32
        scf.yield %add3A_377, %add3A_396, %add3A_415, %add3A_434, %add3A_453, %add3A_472, %add3A_491, %add3A_510, %add3A_529, %add3A_548, %add3A_567, %add3A_586, %add3A_605, %add3A_624, %add3A_643, %add3A_662 : i32, i32, i32, i32, i32, i32, i32, i32, i32, i32, i32, i32, i32, i32, i32, i32
      }
      %scan3A_242 = arith.constant 256 : i32
      %add3A_243 = arith.constant 0 : i32
      %add3A_244 = arith.addi %add3A_243, %scan3A_241#0 : i32
      %add3A_245 = arith.addi %add3A_244, %scan3A_241#1 : i32
      %add3A_246 = arith.addi %add3A_245, %scan3A_241#2 : i32
      %add3A_247 = arith.addi %add3A_246, %scan3A_241#3 : i32
      %add3A_248 = arith.addi %add3A_247, %scan3A_241#4 : i32
      %add3A_249 = arith.addi %add3A_248, %scan3A_241#5 : i32
      %add3A_250 = arith.addi %add3A_249, %scan3A_241#6 : i32
      %add3A_251 = arith.addi %add3A_250, %scan3A_241#7 : i32
      %add3A_252 = arith.addi %add3A_251, %scan3A_241#8 : i32
      %add3A_253 = arith.addi %add3A_252, %scan3A_241#9 : i32
      %add3A_254 = arith.addi %add3A_253, %scan3A_241#10 : i32
      %add3A_255 = arith.addi %add3A_254, %scan3A_241#11 : i32
      %add3A_256 = arith.addi %add3A_255, %scan3A_241#12 : i32
      %add3A_257 = arith.addi %add3A_256, %scan3A_241#13 : i32
      %add3A_258 = arith.addi %add3A_257, %scan3A_241#14 : i32
      %add3A_259 = arith.addi %add3A_258, %scan3A_241#15 : i32
      %parallel_loop3A_260 = arith.constant 0 : i32
      %parallel_loop3A_261 = arith.constant 256 : i32
      %parallel_loop3A_262 = arith.constant 1 : i32
      scf.for %parallel_loop3A_345 = %parallel_loop3A_260 to %parallel_loop3A_261 step %parallel_loop3A_262  : i32 {
        %parallel_loop3A_346 = arith.constant 16 : i32
        %parallel_loop3A_347 = arith.muli %parallel_loop3A_345, %parallel_loop3A_346 : i32
        %parallel_loop3A_348 = arith.constant 4096 : i32
        %parallel_loop3A_349 = arith.addi %parallel_loop3A_348, %parallel_loop3A_347 : i32
        %parallel_loop3A_350 = arith.index_cast %parallel_loop3A_349 : i32 to index
        %parallel_loop3A_351 = tpu.vector_load %arg13[%parallel_loop3A_350] {strides = array<i32>} : memref<65536xi32, #tpu.memory_space<vmem>>, vector<16xi32>,
        %parallel_loop3A_352 = vector.broadcast %add3A_244 : i32 to vector<16xi32>
        %parallel_loop3A_353 = arith.addi %parallel_loop3A_351, %parallel_loop3A_352 : vector<16xi32>
        %parallel_loop3A_354 = arith.index_cast %parallel_loop3A_349 : i32 to index
        %parallel_loop3A_355 = tpu.vector_load %arg13[%parallel_loop3A_354] {strides = array<i32>} : memref<65536xi32, #tpu.memory_space<vmem>>, vector<16xi32>,
        tpu.vector_store %arg13[%parallel_loop3A_354], %parallel_loop3A_353 {strides = array<i32>} : memref<65536xi32, #tpu.memory_space<vmem>>, vector<16xi32>,
      } {sc.loop_unroll_factor = 4 : i64, sc.parallel_access}
      %parallel_loop3A_263 = arith.constant 0 : i32
      %parallel_loop3A_264 = arith.constant 256 : i32
      %parallel_loop3A_265 = arith.constant 1 : i32
      scf.for %parallel_loop3A_345 = %parallel_loop3A_263 to %parallel_loop3A_264 step %parallel_loop3A_265  : i32 {
        %parallel_loop3A_346 = arith.constant 16 : i32
        %parallel_loop3A_347 = arith.muli %parallel_loop3A_345, %parallel_loop3A_346 : i32
        %parallel_loop3A_348 = arith.constant 8192 : i32
        %parallel_loop3A_349 = arith.addi %parallel_loop3A_348, %parallel_loop3A_347 : i32
        %parallel_loop3A_350 = arith.index_cast %parallel_loop3A_349 : i32 to index
        %parallel_loop3A_351 = tpu.vector_load %arg13[%parallel_loop3A_350] {strides = array<i32>} : memref<65536xi32, #tpu.memory_space<vmem>>, vector<16xi32>,
        %parallel_loop3A_352 = vector.broadcast %add3A_245 : i32 to vector<16xi32>
        %parallel_loop3A_353 = arith.addi %parallel_loop3A_351, %parallel_loop3A_352 : vector<16xi32>
        %parallel_loop3A_354 = arith.index_cast %parallel_loop3A_349 : i32 to index
        %parallel_loop3A_355 = tpu.vector_load %arg13[%parallel_loop3A_354] {strides = array<i32>} : memref<65536xi32, #tpu.memory_space<vmem>>, vector<16xi32>,
        tpu.vector_store %arg13[%parallel_loop3A_354], %parallel_loop3A_353 {strides = array<i32>} : memref<65536xi32, #tpu.memory_space<vmem>>, vector<16xi32>,
      } {sc.loop_unroll_factor = 4 : i64, sc.parallel_access}
      %parallel_loop3A_266 = arith.constant 0 : i32
      %parallel_loop3A_267 = arith.constant 256 : i32
      %parallel_loop3A_268 = arith.constant 1 : i32
      scf.for %parallel_loop3A_345 = %parallel_loop3A_266 to %parallel_loop3A_267 step %parallel_loop3A_268  : i32 {
        %parallel_loop3A_346 = arith.constant 16 : i32
        %parallel_loop3A_347 = arith.muli %parallel_loop3A_345, %parallel_loop3A_346 : i32
        %parallel_loop3A_348 = arith.constant 12288 : i32
        %parallel_loop3A_349 = arith.addi %parallel_loop3A_348, %parallel_loop3A_347 : i32
        %parallel_loop3A_350 = arith.index_cast %parallel_loop3A_349 : i32 to index
        %parallel_loop3A_351 = tpu.vector_load %arg13[%parallel_loop3A_350] {strides = array<i32>} : memref<65536xi32, #tpu.memory_space<vmem>>, vector<16xi32>,
        %parallel_loop3A_352 = vector.broadcast %add3A_246 : i32 to vector<16xi32>
        %parallel_loop3A_353 = arith.addi %parallel_loop3A_351, %parallel_loop3A_352 : vector<16xi32>
        %parallel_loop3A_354 = arith.index_cast %parallel_loop3A_349 : i32 to index
        %parallel_loop3A_355 = tpu.vector_load %arg13[%parallel_loop3A_354] {strides = array<i32>} : memref<65536xi32, #tpu.memory_space<vmem>>, vector<16xi32>,
        tpu.vector_store %arg13[%parallel_loop3A_354], %parallel_loop3A_353 {strides = array<i32>} : memref<65536xi32, #tpu.memory_space<vmem>>, vector<16xi32>,
      } {sc.loop_unroll_factor = 4 : i64, sc.parallel_access}
      %parallel_loop3A_269 = arith.constant 0 : i32
      %parallel_loop3A_270 = arith.constant 256 : i32
      %parallel_loop3A_271 = arith.constant 1 : i32
      scf.for %parallel_loop3A_345 = %parallel_loop3A_269 to %parallel_loop3A_270 step %parallel_loop3A_271  : i32 {
        %parallel_loop3A_346 = arith.constant 16 : i32
        %parallel_loop3A_347 = arith.muli %parallel_loop3A_345, %parallel_loop3A_346 : i32
        %parallel_loop3A_348 = arith.constant 16384 : i32
        %parallel_loop3A_349 = arith.addi %parallel_loop3A_348, %parallel_loop3A_347 : i32
        %parallel_loop3A_350 = arith.index_cast %parallel_loop3A_349 : i32 to index
        %parallel_loop3A_351 = tpu.vector_load %arg13[%parallel_loop3A_350] {strides = array<i32>} : memref<65536xi32, #tpu.memory_space<vmem>>, vector<16xi32>,
        %parallel_loop3A_352 = vector.broadcast %add3A_247 : i32 to vector<16xi32>
        %parallel_loop3A_353 = arith.addi %parallel_loop3A_351, %parallel_loop3A_352 : vector<16xi32>
        %parallel_loop3A_354 = arith.index_cast %parallel_loop3A_349 : i32 to index
        %parallel_loop3A_355 = tpu.vector_load %arg13[%parallel_loop3A_354] {strides = array<i32>} : memref<65536xi32, #tpu.memory_space<vmem>>, vector<16xi32>,
        tpu.vector_store %arg13[%parallel_loop3A_354], %parallel_loop3A_353 {strides = array<i32>} : memref<65536xi32, #tpu.memory_space<vmem>>, vector<16xi32>,
      } {sc.loop_unroll_factor = 4 : i64, sc.parallel_access}
      %parallel_loop3A_272 = arith.constant 0 : i32
      %parallel_loop3A_273 = arith.constant 256 : i32
      %parallel_loop3A_274 = arith.constant 1 : i32
      scf.for %parallel_loop3A_345 = %parallel_loop3A_272 to %parallel_loop3A_273 step %parallel_loop3A_274  : i32 {
        %parallel_loop3A_346 = arith.constant 16 : i32
        %parallel_loop3A_347 = arith.muli %parallel_loop3A_345, %parallel_loop3A_346 : i32
        %parallel_loop3A_348 = arith.constant 20480 : i32
        %parallel_loop3A_349 = arith.addi %parallel_loop3A_348, %parallel_loop3A_347 : i32
        %parallel_loop3A_350 = arith.index_cast %parallel_loop3A_349 : i32 to index
        %parallel_loop3A_351 = tpu.vector_load %arg13[%parallel_loop3A_350] {strides = array<i32>} : memref<65536xi32, #tpu.memory_space<vmem>>, vector<16xi32>,
        %parallel_loop3A_352 = vector.broadcast %add3A_248 : i32 to vector<16xi32>
        %parallel_loop3A_353 = arith.addi %parallel_loop3A_351, %parallel_loop3A_352 : vector<16xi32>
        %parallel_loop3A_354 = arith.index_cast %parallel_loop3A_349 : i32 to index
        %parallel_loop3A_355 = tpu.vector_load %arg13[%parallel_loop3A_354] {strides = array<i32>} : memref<65536xi32, #tpu.memory_space<vmem>>, vector<16xi32>,
        tpu.vector_store %arg13[%parallel_loop3A_354], %parallel_loop3A_353 {strides = array<i32>} : memref<65536xi32, #tpu.memory_space<vmem>>, vector<16xi32>,
      } {sc.loop_unroll_factor = 4 : i64, sc.parallel_access}
      %parallel_loop3A_275 = arith.constant 0 : i32
      %parallel_loop3A_276 = arith.constant 256 : i32
      %parallel_loop3A_277 = arith.constant 1 : i32
      scf.for %parallel_loop3A_345 = %parallel_loop3A_275 to %parallel_loop3A_276 step %parallel_loop3A_277  : i32 {
        %parallel_loop3A_346 = arith.constant 16 : i32
        %parallel_loop3A_347 = arith.muli %parallel_loop3A_345, %parallel_loop3A_346 : i32
        %parallel_loop3A_348 = arith.constant 24576 : i32
        %parallel_loop3A_349 = arith.addi %parallel_loop3A_348, %parallel_loop3A_347 : i32
        %parallel_loop3A_350 = arith.index_cast %parallel_loop3A_349 : i32 to index
        %parallel_loop3A_351 = tpu.vector_load %arg13[%parallel_loop3A_350] {strides = array<i32>} : memref<65536xi32, #tpu.memory_space<vmem>>, vector<16xi32>,
        %parallel_loop3A_352 = vector.broadcast %add3A_249 : i32 to vector<16xi32>
        %parallel_loop3A_353 = arith.addi %parallel_loop3A_351, %parallel_loop3A_352 : vector<16xi32>
        %parallel_loop3A_354 = arith.index_cast %parallel_loop3A_349 : i32 to index
        %parallel_loop3A_355 = tpu.vector_load %arg13[%parallel_loop3A_354] {strides = array<i32>} : memref<65536xi32, #tpu.memory_space<vmem>>, vector<16xi32>,
        tpu.vector_store %arg13[%parallel_loop3A_354], %parallel_loop3A_353 {strides = array<i32>} : memref<65536xi32, #tpu.memory_space<vmem>>, vector<16xi32>,
      } {sc.loop_unroll_factor = 4 : i64, sc.parallel_access}
      %parallel_loop3A_278 = arith.constant 0 : i32
      %parallel_loop3A_279 = arith.constant 256 : i32
      %parallel_loop3A_280 = arith.constant 1 : i32
      scf.for %parallel_loop3A_345 = %parallel_loop3A_278 to %parallel_loop3A_279 step %parallel_loop3A_280  : i32 {
        %parallel_loop3A_346 = arith.constant 16 : i32
        %parallel_loop3A_347 = arith.muli %parallel_loop3A_345, %parallel_loop3A_346 : i32
        %parallel_loop3A_348 = arith.constant 28672 : i32
        %parallel_loop3A_349 = arith.addi %parallel_loop3A_348, %parallel_loop3A_347 : i32
        %parallel_loop3A_350 = arith.index_cast %parallel_loop3A_349 : i32 to index
        %parallel_loop3A_351 = tpu.vector_load %arg13[%parallel_loop3A_350] {strides = array<i32>} : memref<65536xi32, #tpu.memory_space<vmem>>, vector<16xi32>,
        %parallel_loop3A_352 = vector.broadcast %add3A_250 : i32 to vector<16xi32>
        %parallel_loop3A_353 = arith.addi %parallel_loop3A_351, %parallel_loop3A_352 : vector<16xi32>
        %parallel_loop3A_354 = arith.index_cast %parallel_loop3A_349 : i32 to index
        %parallel_loop3A_355 = tpu.vector_load %arg13[%parallel_loop3A_354] {strides = array<i32>} : memref<65536xi32, #tpu.memory_space<vmem>>, vector<16xi32>,
        tpu.vector_store %arg13[%parallel_loop3A_354], %parallel_loop3A_353 {strides = array<i32>} : memref<65536xi32, #tpu.memory_space<vmem>>, vector<16xi32>,
      } {sc.loop_unroll_factor = 4 : i64, sc.parallel_access}
      %parallel_loop3A_281 = arith.constant 0 : i32
      %parallel_loop3A_282 = arith.constant 256 : i32
      %parallel_loop3A_283 = arith.constant 1 : i32
      scf.for %parallel_loop3A_345 = %parallel_loop3A_281 to %parallel_loop3A_282 step %parallel_loop3A_283  : i32 {
        %parallel_loop3A_346 = arith.constant 16 : i32
        %parallel_loop3A_347 = arith.muli %parallel_loop3A_345, %parallel_loop3A_346 : i32
        %parallel_loop3A_348 = arith.constant 32768 : i32
        %parallel_loop3A_349 = arith.addi %parallel_loop3A_348, %parallel_loop3A_347 : i32
        %parallel_loop3A_350 = arith.index_cast %parallel_loop3A_349 : i32 to index
        %parallel_loop3A_351 = tpu.vector_load %arg13[%parallel_loop3A_350] {strides = array<i32>} : memref<65536xi32, #tpu.memory_space<vmem>>, vector<16xi32>,
        %parallel_loop3A_352 = vector.broadcast %add3A_251 : i32 to vector<16xi32>
        %parallel_loop3A_353 = arith.addi %parallel_loop3A_351, %parallel_loop3A_352 : vector<16xi32>
        %parallel_loop3A_354 = arith.index_cast %parallel_loop3A_349 : i32 to index
        %parallel_loop3A_355 = tpu.vector_load %arg13[%parallel_loop3A_354] {strides = array<i32>} : memref<65536xi32, #tpu.memory_space<vmem>>, vector<16xi32>,
        tpu.vector_store %arg13[%parallel_loop3A_354], %parallel_loop3A_353 {strides = array<i32>} : memref<65536xi32, #tpu.memory_space<vmem>>, vector<16xi32>,
      } {sc.loop_unroll_factor = 4 : i64, sc.parallel_access}
      %parallel_loop3A_284 = arith.constant 0 : i32
      %parallel_loop3A_285 = arith.constant 256 : i32
      %parallel_loop3A_286 = arith.constant 1 : i32
      scf.for %parallel_loop3A_345 = %parallel_loop3A_284 to %parallel_loop3A_285 step %parallel_loop3A_286  : i32 {
        %parallel_loop3A_346 = arith.constant 16 : i32
        %parallel_loop3A_347 = arith.muli %parallel_loop3A_345, %parallel_loop3A_346 : i32
        %parallel_loop3A_348 = arith.constant 36864 : i32
        %parallel_loop3A_349 = arith.addi %parallel_loop3A_348, %parallel_loop3A_347 : i32
        %parallel_loop3A_350 = arith.index_cast %parallel_loop3A_349 : i32 to index
        %parallel_loop3A_351 = tpu.vector_load %arg13[%parallel_loop3A_350] {strides = array<i32>} : memref<65536xi32, #tpu.memory_space<vmem>>, vector<16xi32>,
        %parallel_loop3A_352 = vector.broadcast %add3A_252 : i32 to vector<16xi32>
        %parallel_loop3A_353 = arith.addi %parallel_loop3A_351, %parallel_loop3A_352 : vector<16xi32>
        %parallel_loop3A_354 = arith.index_cast %parallel_loop3A_349 : i32 to index
        %parallel_loop3A_355 = tpu.vector_load %arg13[%parallel_loop3A_354] {strides = array<i32>} : memref<65536xi32, #tpu.memory_space<vmem>>, vector<16xi32>,
        tpu.vector_store %arg13[%parallel_loop3A_354], %parallel_loop3A_353 {strides = array<i32>} : memref<65536xi32, #tpu.memory_space<vmem>>, vector<16xi32>,
      } {sc.loop_unroll_factor = 4 : i64, sc.parallel_access}
      %parallel_loop3A_287 = arith.constant 0 : i32
      %parallel_loop3A_288 = arith.constant 256 : i32
      %parallel_loop3A_289 = arith.constant 1 : i32
      scf.for %parallel_loop3A_345 = %parallel_loop3A_287 to %parallel_loop3A_288 step %parallel_loop3A_289  : i32 {
        %parallel_loop3A_346 = arith.constant 16 : i32
        %parallel_loop3A_347 = arith.muli %parallel_loop3A_345, %parallel_loop3A_346 : i32
        %parallel_loop3A_348 = arith.constant 40960 : i32
        %parallel_loop3A_349 = arith.addi %parallel_loop3A_348, %parallel_loop3A_347 : i32
        %parallel_loop3A_350 = arith.index_cast %parallel_loop3A_349 : i32 to index
        %parallel_loop3A_351 = tpu.vector_load %arg13[%parallel_loop3A_350] {strides = array<i32>} : memref<65536xi32, #tpu.memory_space<vmem>>, vector<16xi32>,
        %parallel_loop3A_352 = vector.broadcast %add3A_253 : i32 to vector<16xi32>
        %parallel_loop3A_353 = arith.addi %parallel_loop3A_351, %parallel_loop3A_352 : vector<16xi32>
        %parallel_loop3A_354 = arith.index_cast %parallel_loop3A_349 : i32 to index
        %parallel_loop3A_355 = tpu.vector_load %arg13[%parallel_loop3A_354] {strides = array<i32>} : memref<65536xi32, #tpu.memory_space<vmem>>, vector<16xi32>,
        tpu.vector_store %arg13[%parallel_loop3A_354], %parallel_loop3A_353 {strides = array<i32>} : memref<65536xi32, #tpu.memory_space<vmem>>, vector<16xi32>,
      } {sc.loop_unroll_factor = 4 : i64, sc.parallel_access}
      %parallel_loop3A_290 = arith.constant 0 : i32
      %parallel_loop3A_291 = arith.constant 256 : i32
      %parallel_loop3A_292 = arith.constant 1 : i32
      scf.for %parallel_loop3A_345 = %parallel_loop3A_290 to %parallel_loop3A_291 step %parallel_loop3A_292  : i32 {
        %parallel_loop3A_346 = arith.constant 16 : i32
        %parallel_loop3A_347 = arith.muli %parallel_loop3A_345, %parallel_loop3A_346 : i32
        %parallel_loop3A_348 = arith.constant 45056 : i32
        %parallel_loop3A_349 = arith.addi %parallel_loop3A_348, %parallel_loop3A_347 : i32
        %parallel_loop3A_350 = arith.index_cast %parallel_loop3A_349 : i32 to index
        %parallel_loop3A_351 = tpu.vector_load %arg13[%parallel_loop3A_350] {strides = array<i32>} : memref<65536xi32, #tpu.memory_space<vmem>>, vector<16xi32>,
        %parallel_loop3A_352 = vector.broadcast %add3A_254 : i32 to vector<16xi32>
        %parallel_loop3A_353 = arith.addi %parallel_loop3A_351, %parallel_loop3A_352 : vector<16xi32>
        %parallel_loop3A_354 = arith.index_cast %parallel_loop3A_349 : i32 to index
        %parallel_loop3A_355 = tpu.vector_load %arg13[%parallel_loop3A_354] {strides = array<i32>} : memref<65536xi32, #tpu.memory_space<vmem>>, vector<16xi32>,
        tpu.vector_store %arg13[%parallel_loop3A_354], %parallel_loop3A_353 {strides = array<i32>} : memref<65536xi32, #tpu.memory_space<vmem>>, vector<16xi32>,
      } {sc.loop_unroll_factor = 4 : i64, sc.parallel_access}
      %parallel_loop3A_293 = arith.constant 0 : i32
      %parallel_loop3A_294 = arith.constant 256 : i32
      %parallel_loop3A_295 = arith.constant 1 : i32
      scf.for %parallel_loop3A_345 = %parallel_loop3A_293 to %parallel_loop3A_294 step %parallel_loop3A_295  : i32 {
        %parallel_loop3A_346 = arith.constant 16 : i32
        %parallel_loop3A_347 = arith.muli %parallel_loop3A_345, %parallel_loop3A_346 : i32
        %parallel_loop3A_348 = arith.constant 49152 : i32
        %parallel_loop3A_349 = arith.addi %parallel_loop3A_348, %parallel_loop3A_347 : i32
        %parallel_loop3A_350 = arith.index_cast %parallel_loop3A_349 : i32 to index
        %parallel_loop3A_351 = tpu.vector_load %arg13[%parallel_loop3A_350] {strides = array<i32>} : memref<65536xi32, #tpu.memory_space<vmem>>, vector<16xi32>,
        %parallel_loop3A_352 = vector.broadcast %add3A_255 : i32 to vector<16xi32>
        %parallel_loop3A_353 = arith.addi %parallel_loop3A_351, %parallel_loop3A_352 : vector<16xi32>
        %parallel_loop3A_354 = arith.index_cast %parallel_loop3A_349 : i32 to index
        %parallel_loop3A_355 = tpu.vector_load %arg13[%parallel_loop3A_354] {strides = array<i32>} : memref<65536xi32, #tpu.memory_space<vmem>>, vector<16xi32>,
        tpu.vector_store %arg13[%parallel_loop3A_354], %parallel_loop3A_353 {strides = array<i32>} : memref<65536xi32, #tpu.memory_space<vmem>>, vector<16xi32>,
      } {sc.loop_unroll_factor = 4 : i64, sc.parallel_access}
      %parallel_loop3A_296 = arith.constant 0 : i32
      %parallel_loop3A_297 = arith.constant 256 : i32
      %parallel_loop3A_298 = arith.constant 1 : i32
      scf.for %parallel_loop3A_345 = %parallel_loop3A_296 to %parallel_loop3A_297 step %parallel_loop3A_298  : i32 {
        %parallel_loop3A_346 = arith.constant 16 : i32
        %parallel_loop3A_347 = arith.muli %parallel_loop3A_345, %parallel_loop3A_346 : i32
        %parallel_loop3A_348 = arith.constant 53248 : i32
        %parallel_loop3A_349 = arith.addi %parallel_loop3A_348, %parallel_loop3A_347 : i32
        %parallel_loop3A_350 = arith.index_cast %parallel_loop3A_349 : i32 to index
        %parallel_loop3A_351 = tpu.vector_load %arg13[%parallel_loop3A_350] {strides = array<i32>} : memref<65536xi32, #tpu.memory_space<vmem>>, vector<16xi32>,
        %parallel_loop3A_352 = vector.broadcast %add3A_256 : i32 to vector<16xi32>
        %parallel_loop3A_353 = arith.addi %parallel_loop3A_351, %parallel_loop3A_352 : vector<16xi32>
        %parallel_loop3A_354 = arith.index_cast %parallel_loop3A_349 : i32 to index
        %parallel_loop3A_355 = tpu.vector_load %arg13[%parallel_loop3A_354] {strides = array<i32>} : memref<65536xi32, #tpu.memory_space<vmem>>, vector<16xi32>,
        tpu.vector_store %arg13[%parallel_loop3A_354], %parallel_loop3A_353 {strides = array<i32>} : memref<65536xi32, #tpu.memory_space<vmem>>, vector<16xi32>,
      } {sc.loop_unroll_factor = 4 : i64, sc.parallel_access}
      %parallel_loop3A_299 = arith.constant 0 : i32
      %parallel_loop3A_300 = arith.constant 256 : i32
      %parallel_loop3A_301 = arith.constant 1 : i32
      scf.for %parallel_loop3A_345 = %parallel_loop3A_299 to %parallel_loop3A_300 step %parallel_loop3A_301  : i32 {
        %parallel_loop3A_346 = arith.constant 16 : i32
        %parallel_loop3A_347 = arith.muli %parallel_loop3A_345, %parallel_loop3A_346 : i32
        %parallel_loop3A_348 = arith.constant 57344 : i32
        %parallel_loop3A_349 = arith.addi %parallel_loop3A_348, %parallel_loop3A_347 : i32
        %parallel_loop3A_350 = arith.index_cast %parallel_loop3A_349 : i32 to index
        %parallel_loop3A_351 = tpu.vector_load %arg13[%parallel_loop3A_350] {strides = array<i32>} : memref<65536xi32, #tpu.memory_space<vmem>>, vector<16xi32>,
        %parallel_loop3A_352 = vector.broadcast %add3A_257 : i32 to vector<16xi32>
        %parallel_loop3A_353 = arith.addi %parallel_loop3A_351, %parallel_loop3A_352 : vector<16xi32>
        %parallel_loop3A_354 = arith.index_cast %parallel_loop3A_349 : i32 to index
        %parallel_loop3A_355 = tpu.vector_load %arg13[%parallel_loop3A_354] {strides = array<i32>} : memref<65536xi32, #tpu.memory_space<vmem>>, vector<16xi32>,
        tpu.vector_store %arg13[%parallel_loop3A_354], %parallel_loop3A_353 {strides = array<i32>} : memref<65536xi32, #tpu.memory_space<vmem>>, vector<16xi32>,
      } {sc.loop_unroll_factor = 4 : i64, sc.parallel_access}
      %parallel_loop3A_302 = arith.constant 0 : i32
      %parallel_loop3A_303 = arith.constant 256 : i32
      %parallel_loop3A_304 = arith.constant 1 : i32
      scf.for %parallel_loop3A_345 = %parallel_loop3A_302 to %parallel_loop3A_303 step %parallel_loop3A_304  : i32 {
        %parallel_loop3A_346 = arith.constant 16 : i32
        %parallel_loop3A_347 = arith.muli %parallel_loop3A_345, %parallel_loop3A_346 : i32
        %parallel_loop3A_348 = arith.constant 61440 : i32
        %parallel_loop3A_349 = arith.addi %parallel_loop3A_348, %parallel_loop3A_347 : i32
        %parallel_loop3A_350 = arith.index_cast %parallel_loop3A_349 : i32 to index
        %parallel_loop3A_351 = tpu.vector_load %arg13[%parallel_loop3A_350] {strides = array<i32>} : memref<65536xi32, #tpu.memory_space<vmem>>, vector<16xi32>,
        %parallel_loop3A_352 = vector.broadcast %add3A_258 : i32 to vector<16xi32>
        %parallel_loop3A_353 = arith.addi %parallel_loop3A_351, %parallel_loop3A_352 : vector<16xi32>
        %parallel_loop3A_354 = arith.index_cast %parallel_loop3A_349 : i32 to index
        %parallel_loop3A_355 = tpu.vector_load %arg13[%parallel_loop3A_354] {strides = array<i32>} : memref<65536xi32, #tpu.memory_space<vmem>>, vector<16xi32>,
        tpu.vector_store %arg13[%parallel_loop3A_354], %parallel_loop3A_353 {strides = array<i32>} : memref<65536xi32, #tpu.memory_space<vmem>>, vector<16xi32>,
      } {sc.loop_unroll_factor = 4 : i64, sc.parallel_access}
      %iota3A = tpu.iota {dimensions = array<i32: 0>} : vector<16xi32>
      %convert_element_type3A_305 = arith.sitofp %iota3A : vector<16xi32> to vector<16xf32>
      %parallel_loop3A_306 = arith.constant 0 : i32
      %parallel_loop3A_307 = arith.constant 4096 : i32
      %parallel_loop3A_308 = arith.constant 1 : i32
      scf.for %parallel_loop3A_345 = %parallel_loop3A_306 to %parallel_loop3A_307 step %parallel_loop3A_308  : i32 {
        %parallel_loop3A_346 = arith.constant 16 : i32
        %parallel_loop3A_347 = arith.muli %parallel_loop3A_345, %parallel_loop3A_346 : i32
        %parallel_loop3A_348 = arith.index_cast %parallel_loop3A_347 : i32 to index
        %parallel_loop3A_349 = tpu.vector_load %arg13[%parallel_loop3A_348] {strides = array<i32>} : memref<65536xi32, #tpu.memory_space<vmem>>, vector<16xi32>,
        %parallel_loop3A_350 = tpu.vector_load_idx %arg12[%parallel_loop3A_349] : memref<8208xf32, #tpu.memory_space<vmem>>[vector<16xi32>], vector<16xf32>,
        %parallel_loop3A_351 = arith.constant 1 : i32
        %parallel_loop3A_352 = vector.broadcast %parallel_loop3A_351 : i32 to vector<16xi32>
        %parallel_loop3A_353 = arith.addi %parallel_loop3A_349, %parallel_loop3A_352 : vector<16xi32>
        %parallel_loop3A_354 = tpu.vector_load_idx %arg12[%parallel_loop3A_353] : memref<8208xf32, #tpu.memory_space<vmem>>[vector<16xi32>], vector<16xf32>,
        %parallel_loop3A_355 = arith.constant 16 : i32
        %parallel_loop3A_356 = arith.muli %parallel_loop3A_345, %parallel_loop3A_355 : i32
        %parallel_loop3A_357 = arith.sitofp %parallel_loop3A_356 : i32 to f32
        %parallel_loop3A_358 = vector.broadcast %parallel_loop3A_357 : f32 to vector<16xf32>
        %parallel_loop3A_359 = arith.addf %parallel_loop3A_358, %convert_element_type3A_305 : vector<16xf32>
        %parallel_loop3A_360 = arith.subf %parallel_loop3A_359, %parallel_loop3A_350 : vector<16xf32>
        %parallel_loop3A_361 = arith.subf %parallel_loop3A_354, %parallel_loop3A_350 : vector<16xf32>
        %parallel_loop3A_362 = arith.constant 1.000000e+00 : f32
        %parallel_loop3A_363 = vector.broadcast %parallel_loop3A_362 : f32 to vector<16xf32>
        %parallel_loop3A_364 = arith.maximumf %parallel_loop3A_361, %parallel_loop3A_363 : vector<16xf32>
        %parallel_loop3A_365 = arith.divf %parallel_loop3A_360, %parallel_loop3A_364 : vector<16xf32>
        %parallel_loop3A_366 = arith.constant 0.000000e+00 : f32
        %parallel_loop3A_367 = arith.constant 1.000000e+00 : f32
        %parallel_loop3A_368 = vector.broadcast %parallel_loop3A_366 : f32 to vector<16xf32>
        %parallel_loop3A_369 = arith.maximumf %parallel_loop3A_368, %parallel_loop3A_365 : vector<16xf32>
        %parallel_loop3A_370 = vector.broadcast %parallel_loop3A_367 : f32 to vector<16xf32>
        %parallel_loop3A_371 = arith.minimumf %parallel_loop3A_370, %parallel_loop3A_369 : vector<16xf32>
        %parallel_loop3A_372 = arith.sitofp %parallel_loop3A_349 : vector<16xi32> to vector<16xf32>
        %parallel_loop3A_373 = arith.addf %parallel_loop3A_372, %parallel_loop3A_371 : vector<16xf32>
        %parallel_loop3A_374 = arith.constant 8.05664051E-4 : f32
        %parallel_loop3A_375 = vector.broadcast %parallel_loop3A_374 : f32 to vector<16xf32>
        %parallel_loop3A_376 = arith.mulf %parallel_loop3A_373, %parallel_loop3A_375 : vector<16xf32>
        %parallel_loop3A_377 = vector.bitcast %parallel_loop3A_376 : vector<16xf32> to vector<16xi32>
        %parallel_loop3A_378 = arith.index_cast %parallel_loop3A_347 : i32 to index
        %parallel_loop3A_379 = tpu.vector_load %arg13[%parallel_loop3A_378] {strides = array<i32>} : memref<65536xi32, #tpu.memory_space<vmem>>, vector<16xi32>,
        tpu.vector_store %arg13[%parallel_loop3A_378], %parallel_loop3A_377 {strides = array<i32>} : memref<65536xi32, #tpu.memory_space<vmem>>, vector<16xi32>,
      } {sc.loop_unroll_factor = 4 : i64, sc.parallel_access}
      %dma_start3A_309 = arith.constant 0 : i32
      %dma_start3A_310 = arith.constant 0 : i32
      %dma_start3A_311 = tpu.memref_slice %arg2[%add3A, %dma_start3A_309, %dma_start3A_310] : memref<24x512x128xf32, #tpu.memory_space<hbm>> -> memref<1x32x128xf32, #tpu.memory_space<hbm>>
      %dma_start3A_312 = tpu.memref_squeeze %dma_start3A_311 : memref<1x32x128xf32, #tpu.memory_space<hbm>> -> memref<32x128xf32, #tpu.memory_space<hbm>>
      %dma_start3A_313 = arith.constant 0 : i32
      %dma_start3A_314 = arith.constant 0 : i32
      %dma_start3A_315 = tpu.memref_slice %arg2[%add3A, %dma_start3A_313, %dma_start3A_314] : memref<24x512x128xf32, #tpu.memory_space<hbm>> -> memref<1x32x128xf32, #tpu.memory_space<hbm>>
      %dma_start3A_316 = tpu.memref_squeeze %dma_start3A_315 : memref<1x32x128xf32, #tpu.memory_space<hbm>> -> memref<32x128xf32, #tpu.memory_space<hbm>>
      tpu.enqueue_dma source(%dma_start3A_316 : memref<32x128xf32, #tpu.memory_space<hbm>>) target(%arg5 : memref<32x128xf32, #tpu.memory_space<vmem>>) target_semaphore(%arg14 : memref<!tpu.dma_semaphore, #tpu.memory_space<semaphore_mem>>)
      %dma_start3A_317 = arith.constant 0 : i32
      %dma_start3A_318 = arith.constant 0 : i32
      %dma_start3A_319 = tpu.memref_slice %arg3[%add3A, %dma_start3A_317, %dma_start3A_318] : memref<24x512x128xf32, #tpu.memory_space<hbm>> -> memref<1x32x128xf32, #tpu.memory_space<hbm>>
      %dma_start3A_320 = tpu.memref_squeeze %dma_start3A_319 : memref<1x32x128xf32, #tpu.memory_space<hbm>> -> memref<32x128xf32, #tpu.memory_space<hbm>>
      %dma_start3A_321 = arith.constant 0 : i32
      %dma_start3A_322 = arith.constant 0 : i32
      %dma_start3A_323 = tpu.memref_slice %arg3[%add3A, %dma_start3A_321, %dma_start3A_322] : memref<24x512x128xf32, #tpu.memory_space<hbm>> -> memref<1x32x128xf32, #tpu.memory_space<hbm>>
      %dma_start3A_324 = tpu.memref_squeeze %dma_start3A_323 : memref<1x32x128xf32, #tpu.memory_space<hbm>> -> memref<32x128xf32, #tpu.memory_space<hbm>>
      tpu.enqueue_dma source(%dma_start3A_324 : memref<32x128xf32, #tpu.memory_space<hbm>>) target(%arg6 : memref<32x128xf32, #tpu.memory_space<vmem>>) target_semaphore(%arg15 : memref<!tpu.dma_semaphore, #tpu.memory_space<semaphore_mem>>)
      %scan3A_325 = arith.constant 0 : i32
      %scan3A_326 = arith.constant 8 : i32
      %scan3A_327 = arith.addi %scan3A_325, %scan3A_326 : i32
      %scan3A_328 = arith.constant 1 : i32
      scf.for %scan3A_345 = %scan3A_325 to %scan3A_327 step %scan3A_328  : i32 {
        %mul3A_346 = arith.constant 2 : i32
        %mul3A_347 = arith.muli %mul3A_346, %scan3A_345 : i32
        %add3A_348 = arith.constant 1 : i32
        %add3A_349 = arith.addi %mul3A_347, %add3A_348 : i32
        %mul3A_350 = arith.constant 32 : i32
        %mul3A_351 = arith.muli %add3A_349, %mul3A_350 : i32
        %dma_start3A_352 = arith.constant 0 : i32
        %dma_start3A_353 = tpu.memref_slice %arg2[%add3A, %mul3A_351, %dma_start3A_352] : memref<24x512x128xf32, #tpu.memory_space<hbm>> -> memref<1x32x128xf32, #tpu.memory_space<hbm>>
        %dma_start3A_354 = tpu.memref_squeeze %dma_start3A_353 : memref<1x32x128xf32, #tpu.memory_space<hbm>> -> memref<32x128xf32, #tpu.memory_space<hbm>>
        %dma_start3A_355 = arith.constant 0 : i32
        %dma_start3A_356 = tpu.memref_slice %arg2[%add3A, %mul3A_351, %dma_start3A_355] : memref<24x512x128xf32, #tpu.memory_space<hbm>> -> memref<1x32x128xf32, #tpu.memory_space<hbm>>
        %dma_start3A_357 = tpu.memref_squeeze %dma_start3A_356 : memref<1x32x128xf32, #tpu.memory_space<hbm>> -> memref<32x128xf32, #tpu.memory_space<hbm>>
        tpu.enqueue_dma source(%dma_start3A_357 : memref<32x128xf32, #tpu.memory_space<hbm>>) target(%arg7 : memref<32x128xf32, #tpu.memory_space<vmem>>) target_semaphore(%arg16 : memref<!tpu.dma_semaphore, #tpu.memory_space<semaphore_mem>>)
        %mul3A_358 = arith.constant 32 : i32
        %mul3A_359 = arith.muli %add3A_349, %mul3A_358 : i32
        %dma_start3A_360 = arith.constant 0 : i32
        %dma_start3A_361 = tpu.memref_slice %arg3[%add3A, %mul3A_359, %dma_start3A_360] : memref<24x512x128xf32, #tpu.memory_space<hbm>> -> memref<1x32x128xf32, #tpu.memory_space<hbm>>
        %dma_start3A_362 = tpu.memref_squeeze %dma_start3A_361 : memref<1x32x128xf32, #tpu.memory_space<hbm>> -> memref<32x128xf32, #tpu.memory_space<hbm>>
        %dma_start3A_363 = arith.constant 0 : i32
        %dma_start3A_364 = tpu.memref_slice %arg3[%add3A, %mul3A_359, %dma_start3A_363] : memref<24x512x128xf32, #tpu.memory_space<hbm>> -> memref<1x32x128xf32, #tpu.memory_space<hbm>>
        %dma_start3A_365 = tpu.memref_squeeze %dma_start3A_364 : memref<1x32x128xf32, #tpu.memory_space<hbm>> -> memref<32x128xf32, #tpu.memory_space<hbm>>
        tpu.enqueue_dma source(%dma_start3A_365 : memref<32x128xf32, #tpu.memory_space<hbm>>) target(%arg8 : memref<32x128xf32, #tpu.memory_space<vmem>>) target_semaphore(%arg17 : memref<!tpu.dma_semaphore, #tpu.memory_space<semaphore_mem>>)
        %mul3A_366 = arith.constant 32 : i32
        %mul3A_367 = arith.muli %mul3A_347, %mul3A_366 : i32
        %dma_wait3A_368 = arith.constant 0 : i32
        %dma_wait3A_369 = tpu.memref_slice %arg2[%add3A, %mul3A_367, %dma_wait3A_368] : memref<24x512x128xf32, #tpu.memory_space<hbm>> -> memref<1x32x128xf32, #tpu.memory_space<hbm>>
        %dma_wait3A_370 = tpu.memref_squeeze %dma_wait3A_369 : memref<1x32x128xf32, #tpu.memory_space<hbm>> -> memref<32x128xf32, #tpu.memory_space<hbm>>
        %dma_wait3A_371 = arith.constant 0 : i32
        %dma_wait3A_372 = tpu.memref_slice %arg2[%add3A, %mul3A_367, %dma_wait3A_371] : memref<24x512x128xf32, #tpu.memory_space<hbm>> -> memref<1x32x128xf32, #tpu.memory_space<hbm>>
        %dma_wait3A_373 = tpu.memref_squeeze %dma_wait3A_372 : memref<1x32x128xf32, #tpu.memory_space<hbm>> -> memref<32x128xf32, #tpu.memory_space<hbm>>
        tpu.wait_dma2 semaphore(%arg14 : memref<!tpu.dma_semaphore, #tpu.memory_space<semaphore_mem>>) src(%dma_wait3A_373 : memref<32x128xf32, #tpu.memory_space<hbm>>) dst(%arg5 : memref<32x128xf32, #tpu.memory_space<vmem>>)
        %mul3A_374 = arith.constant 32 : i32
        %mul3A_375 = arith.muli %mul3A_347, %mul3A_374 : i32
        %dma_wait3A_376 = arith.constant 0 : i32
        %dma_wait3A_377 = tpu.memref_slice %arg3[%add3A, %mul3A_375, %dma_wait3A_376] : memref<24x512x128xf32, #tpu.memory_space<hbm>> -> memref<1x32x128xf32, #tpu.memory_space<hbm>>
        %dma_wait3A_378 = tpu.memref_squeeze %dma_wait3A_377 : memref<1x32x128xf32, #tpu.memory_space<hbm>> -> memref<32x128xf32, #tpu.memory_space<hbm>>
        %dma_wait3A_379 = arith.constant 0 : i32
        %dma_wait3A_380 = tpu.memref_slice %arg3[%add3A, %mul3A_375, %dma_wait3A_379] : memref<24x512x128xf32, #tpu.memory_space<hbm>> -> memref<1x32x128xf32, #tpu.memory_space<hbm>>
        %dma_wait3A_381 = tpu.memref_squeeze %dma_wait3A_380 : memref<1x32x128xf32, #tpu.memory_space<hbm>> -> memref<32x128xf32, #tpu.memory_space<hbm>>
        tpu.wait_dma2 semaphore(%arg15 : memref<!tpu.dma_semaphore, #tpu.memory_space<semaphore_mem>>) src(%dma_wait3A_381 : memref<32x128xf32, #tpu.memory_space<hbm>>) dst(%arg6 : memref<32x128xf32, #tpu.memory_space<vmem>>)
        %gt3A = arith.constant 0 : i32
        %gt3A_382 = arith.cmpi sgt, %scan3A_345, %gt3A : i32
        %convert_element_type3A_383 = arith.extui %gt3A_382 : i1 to i32
        %cond3A_384 = arith.constant 0 : i32
        %cond3A_385 = arith.cmpi ne, %convert_element_type3A_383, %cond3A_384 : i32
        scf.if %cond3A_385 {
          %sub3A = arith.constant 2 : i32
          %sub3A_438 = arith.subi %mul3A_347, %sub3A : i32
          %mul3A_439 = arith.constant 32 : i32
          %mul3A_440 = arith.muli %sub3A_438, %mul3A_439 : i32
          %dma_wait3A_441 = arith.constant 0 : i32
          %dma_wait3A_442 = tpu.memref_slice %arg4[%add3A, %mul3A_440, %dma_wait3A_441] : memref<24x512x128xf32, #tpu.memory_space<hbm>> -> memref<1x32x128xf32, #tpu.memory_space<hbm>>
          %dma_wait3A_443 = tpu.memref_squeeze %dma_wait3A_442 : memref<1x32x128xf32, #tpu.memory_space<hbm>> -> memref<32x128xf32, #tpu.memory_space<hbm>>
          %dma_wait3A_444 = arith.constant 0 : i32
          %dma_wait3A_445 = tpu.memref_slice %arg4[%add3A, %mul3A_440, %dma_wait3A_444] : memref<24x512x128xf32, #tpu.memory_space<hbm>> -> memref<1x32x128xf32, #tpu.memory_space<hbm>>
          %dma_wait3A_446 = tpu.memref_squeeze %dma_wait3A_445 : memref<1x32x128xf32, #tpu.memory_space<hbm>> -> memref<32x128xf32, #tpu.memory_space<hbm>>
          tpu.wait_dma2 semaphore(%arg18 : memref<!tpu.dma_semaphore, #tpu.memory_space<semaphore_mem>>) src(%arg9 : memref<32x128xf32, #tpu.memory_space<vmem>>) dst(%dma_wait3A_446 : memref<32x128xf32, #tpu.memory_space<hbm>>)
        } else {
        }
        %parallel_loop3A_386 = arith.constant 0 : i32
        %parallel_loop3A_387 = arith.constant 256 : i32
        %parallel_loop3A_388 = arith.constant 1 : i32
        scf.for %parallel_loop3A_438 = %parallel_loop3A_386 to %parallel_loop3A_387 step %parallel_loop3A_388  : i32 {
          %parallel_loop3A_439 = arith.constant 3 : i32
          %parallel_loop3A_440 = arith.shrsi %parallel_loop3A_438, %parallel_loop3A_439 : i32
          %parallel_loop3A_441 = arith.constant 7 : i32
          %parallel_loop3A_442 = arith.andi %parallel_loop3A_438, %parallel_loop3A_441 : i32
          %parallel_loop3A_443 = arith.constant 16 : i32
          %parallel_loop3A_444 = arith.muli %parallel_loop3A_442, %parallel_loop3A_443 : i32
          %parallel_loop3A_445 = arith.index_cast %parallel_loop3A_440 : i32 to index
          %parallel_loop3A_446 = arith.index_cast %parallel_loop3A_444 : i32 to index
          %parallel_loop3A_447 = tpu.vector_load %arg5[%parallel_loop3A_445, %parallel_loop3A_446] {strides = array<i32>} : memref<32x128xf32, #tpu.memory_space<vmem>>, vector<16xf32>,
          %parallel_loop3A_448 = arith.constant 3 : i32
          %parallel_loop3A_449 = arith.shrsi %parallel_loop3A_438, %parallel_loop3A_448 : i32
          %parallel_loop3A_450 = arith.constant 7 : i32
          %parallel_loop3A_451 = arith.andi %parallel_loop3A_438, %parallel_loop3A_450 : i32
          %parallel_loop3A_452 = arith.constant 16 : i32
          %parallel_loop3A_453 = arith.muli %parallel_loop3A_451, %parallel_loop3A_452 : i32
          %parallel_loop3A_454 = arith.index_cast %parallel_loop3A_449 : i32 to index
          %parallel_loop3A_455 = arith.index_cast %parallel_loop3A_453 : i32 to index
          %parallel_loop3A_456 = tpu.vector_load %arg6[%parallel_loop3A_454, %parallel_loop3A_455] {strides = array<i32>} : memref<32x128xf32, #tpu.memory_space<vmem>>, vector<16xf32>,
          %parallel_loop3A_457 = math.absf %parallel_loop3A_447 : vector<16xf32>
          %parallel_loop3A_458 = arith.constant 1241.21216 : f32
          %parallel_loop3A_459 = vector.broadcast %parallel_loop3A_458 : f32 to vector<16xf32>
          %parallel_loop3A_460 = arith.mulf %parallel_loop3A_457, %parallel_loop3A_459 : vector<16xf32>
          %parallel_loop3A_461 = arith.fptosi %parallel_loop3A_460 : vector<16xf32> to vector<16xi32>
          %parallel_loop3A_462 = arith.constant 0 : i32
          %parallel_loop3A_463 = arith.constant 8191 : i32
          %parallel_loop3A_464 = vector.broadcast %parallel_loop3A_462 : i32 to vector<16xi32>
          %parallel_loop3A_465 = arith.maxsi %parallel_loop3A_464, %parallel_loop3A_461 : vector<16xi32>
          %parallel_loop3A_466 = vector.broadcast %parallel_loop3A_463 : i32 to vector<16xi32>
          %parallel_loop3A_467 = arith.minsi %parallel_loop3A_466, %parallel_loop3A_465 : vector<16xi32>
          %parallel_loop3A_468 = arith.sitofp %parallel_loop3A_467 : vector<16xi32> to vector<16xf32>
          %parallel_loop3A_469 = arith.subf %parallel_loop3A_460, %parallel_loop3A_468 : vector<16xf32>
          %parallel_loop3A_470 = tpu.vector_load_idx %arg11[%parallel_loop3A_467] : memref<8208xf32, #tpu.memory_space<vmem>>[vector<16xi32>], vector<16xf32>,
          %parallel_loop3A_471 = arith.constant 1 : i32
          %parallel_loop3A_472 = vector.broadcast %parallel_loop3A_471 : i32 to vector<16xi32>
          %parallel_loop3A_473 = arith.addi %parallel_loop3A_467, %parallel_loop3A_472 : vector<16xi32>
          %parallel_loop3A_474 = tpu.vector_load_idx %arg11[%parallel_loop3A_473] : memref<8208xf32, #tpu.memory_space<vmem>>[vector<16xi32>], vector<16xf32>,
          %parallel_loop3A_475 = arith.subf %parallel_loop3A_474, %parallel_loop3A_470 : vector<16xf32>
          %parallel_loop3A_476 = arith.mulf %parallel_loop3A_475, %parallel_loop3A_469 : vector<16xf32>
          %parallel_loop3A_477 = arith.addf %parallel_loop3A_470, %parallel_loop3A_476 : vector<16xf32>
          %parallel_loop3A_478 = arith.fptosi %parallel_loop3A_477 : vector<16xf32> to vector<16xi32>
          %parallel_loop3A_479 = arith.constant 0 : i32
          %parallel_loop3A_480 = arith.constant 65535 : i32
          %parallel_loop3A_481 = vector.broadcast %parallel_loop3A_479 : i32 to vector<16xi32>
          %parallel_loop3A_482 = arith.maxsi %parallel_loop3A_481, %parallel_loop3A_478 : vector<16xi32>
          %parallel_loop3A_483 = vector.broadcast %parallel_loop3A_480 : i32 to vector<16xi32>
          %parallel_loop3A_484 = arith.minsi %parallel_loop3A_483, %parallel_loop3A_482 : vector<16xi32>
          %parallel_loop3A_485 = tpu.vector_load_idx %arg13[%parallel_loop3A_484] : memref<65536xi32, #tpu.memory_space<vmem>>[vector<16xi32>], vector<16xi32>,
          %parallel_loop3A_486 = vector.bitcast %parallel_loop3A_485 : vector<16xi32> to vector<16xf32>
          %parallel_loop3A_487 = arith.constant 0.000000e+00 : f32
          %parallel_loop3A_488 = vector.broadcast %parallel_loop3A_487 : f32 to vector<16xf32>
          %parallel_loop3A_489 = arith.cmpf olt, %parallel_loop3A_447, %parallel_loop3A_488 : vector<16xf32>
          %parallel_loop3A_490 = arith.constant 0.000000e+00 : f32
          %parallel_loop3A_491 = vector.broadcast %parallel_loop3A_490 : f32 to vector<16xf32>
          %parallel_loop3A_492 = arith.cmpf olt, %parallel_loop3A_456, %parallel_loop3A_491 : vector<16xf32>
          %parallel_loop3A_493 = arith.constant -1.000000e+00 : f32
          %parallel_loop3A_494 = arith.constant 1.000000e+00 : f32
          %parallel_loop3A_495 = vector.broadcast %parallel_loop3A_493 : f32 to vector<16xf32>
          %parallel_loop3A_496 = vector.broadcast %parallel_loop3A_494 : f32 to vector<16xf32>
          %parallel_loop3A_497 = arith.select %parallel_loop3A_489, %parallel_loop3A_495, %parallel_loop3A_496 : vector<16xi1>, vector<16xf32>
          %parallel_loop3A_498 = arith.xori %parallel_loop3A_489, %parallel_loop3A_492 : vector<16xi1>
          %parallel_loop3A_499 = arith.constant 8.090170e-01 : f32
          %parallel_loop3A_500 = arith.constant 1.000000e+00 : f32
          %parallel_loop3A_501 = vector.broadcast %parallel_loop3A_499 : f32 to vector<16xf32>
          %parallel_loop3A_502 = vector.broadcast %parallel_loop3A_500 : f32 to vector<16xf32>
          %parallel_loop3A_503 = arith.select %parallel_loop3A_498, %parallel_loop3A_501, %parallel_loop3A_502 : vector<16xi1>, vector<16xf32>
          %parallel_loop3A_504 = arith.mulf %parallel_loop3A_497, %parallel_loop3A_503 : vector<16xf32>
          %parallel_loop3A_505 = arith.mulf %parallel_loop3A_486, %parallel_loop3A_504 : vector<16xf32>
          %parallel_loop3A_506 = arith.constant 3 : i32
          %parallel_loop3A_507 = arith.shrsi %parallel_loop3A_438, %parallel_loop3A_506 : i32
          %parallel_loop3A_508 = arith.constant 7 : i32
          %parallel_loop3A_509 = arith.andi %parallel_loop3A_438, %parallel_loop3A_508 : i32
          %parallel_loop3A_510 = arith.constant 16 : i32
          %parallel_loop3A_511 = arith.muli %parallel_loop3A_509, %parallel_loop3A_510 : i32
          %parallel_loop3A_512 = arith.index_cast %parallel_loop3A_507 : i32 to index
          %parallel_loop3A_513 = arith.index_cast %parallel_loop3A_511 : i32 to index
          %parallel_loop3A_514 = tpu.vector_load %arg9[%parallel_loop3A_512, %parallel_loop3A_513] {strides = array<i32>} : memref<32x128xf32, #tpu.memory_space<vmem>>, vector<16xf32>,
          tpu.vector_store %arg9[%parallel_loop3A_512, %parallel_loop3A_513], %parallel_loop3A_505 {strides = array<i32>} : memref<32x128xf32, #tpu.memory_space<vmem>>, vector<16xf32>,
        } {sc.loop_unroll_factor = 8 : i64, sc.parallel_access}
        %mul3A_389 = arith.constant 32 : i32
        %mul3A_390 = arith.muli %mul3A_347, %mul3A_389 : i32
        %dma_start3A_391 = arith.constant 0 : i32
        %dma_start3A_392 = tpu.memref_slice %arg4[%add3A, %mul3A_390, %dma_start3A_391] : memref<24x512x128xf32, #tpu.memory_space<hbm>> -> memref<1x32x128xf32, #tpu.memory_space<hbm>>
        %dma_start3A_393 = tpu.memref_squeeze %dma_start3A_392 : memref<1x32x128xf32, #tpu.memory_space<hbm>> -> memref<32x128xf32, #tpu.memory_space<hbm>>
        %dma_start3A_394 = arith.constant 0 : i32
        %dma_start3A_395 = tpu.memref_slice %arg4[%add3A, %mul3A_390, %dma_start3A_394] : memref<24x512x128xf32, #tpu.memory_space<hbm>> -> memref<1x32x128xf32, #tpu.memory_space<hbm>>
        %dma_start3A_396 = tpu.memref_squeeze %dma_start3A_395 : memref<1x32x128xf32, #tpu.memory_space<hbm>> -> memref<32x128xf32, #tpu.memory_space<hbm>>
        tpu.enqueue_dma source(%arg9 : memref<32x128xf32, #tpu.memory_space<vmem>>) target(%dma_start3A_396 : memref<32x128xf32, #tpu.memory_space<hbm>>) target_semaphore(%arg18 : memref<!tpu.dma_semaphore, #tpu.memory_space<semaphore_mem>>)
        %lt3A_397 = arith.constant 7 : i32
        %lt3A_398 = arith.cmpi slt, %scan3A_345, %lt3A_397 : i32
        %convert_element_type3A_399 = arith.extui %lt3A_398 : i1 to i32
        %cond3A_400 = arith.constant 0 : i32
        %cond3A_401 = arith.cmpi ne, %convert_element_type3A_399, %cond3A_400 : i32
        scf.if %cond3A_401 {
          %add3A_438 = arith.constant 2 : i32
          %add3A_439 = arith.addi %mul3A_347, %add3A_438 : i32
          %mul3A_440 = arith.constant 32 : i32
          %mul3A_441 = arith.muli %add3A_439, %mul3A_440 : i32
          %dma_start3A_442 = arith.constant 0 : i32
          %dma_start3A_443 = tpu.memref_slice %arg2[%add3A, %mul3A_441, %dma_start3A_442] : memref<24x512x128xf32, #tpu.memory_space<hbm>> -> memref<1x32x128xf32, #tpu.memory_space<hbm>>
          %dma_start3A_444 = tpu.memref_squeeze %dma_start3A_443 : memref<1x32x128xf32, #tpu.memory_space<hbm>> -> memref<32x128xf32, #tpu.memory_space<hbm>>
          %dma_start3A_445 = arith.constant 0 : i32
          %dma_start3A_446 = tpu.memref_slice %arg2[%add3A, %mul3A_441, %dma_start3A_445] : memref<24x512x128xf32, #tpu.memory_space<hbm>> -> memref<1x32x128xf32, #tpu.memory_space<hbm>>
          %dma_start3A_447 = tpu.memref_squeeze %dma_start3A_446 : memref<1x32x128xf32, #tpu.memory_space<hbm>> -> memref<32x128xf32, #tpu.memory_space<hbm>>
          tpu.enqueue_dma source(%dma_start3A_447 : memref<32x128xf32, #tpu.memory_space<hbm>>) target(%arg5 : memref<32x128xf32, #tpu.memory_space<vmem>>) target_semaphore(%arg14 : memref<!tpu.dma_semaphore, #tpu.memory_space<semaphore_mem>>)
          %mul3A_448 = arith.constant 32 : i32
          %mul3A_449 = arith.muli %add3A_439, %mul3A_448 : i32
          %dma_start3A_450 = arith.constant 0 : i32
          %dma_start3A_451 = tpu.memref_slice %arg3[%add3A, %mul3A_449, %dma_start3A_450] : memref<24x512x128xf32, #tpu.memory_space<hbm>> -> memref<1x32x128xf32, #tpu.memory_space<hbm>>
          %dma_start3A_452 = tpu.memref_squeeze %dma_start3A_451 : memref<1x32x128xf32, #tpu.memory_space<hbm>> -> memref<32x128xf32, #tpu.memory_space<hbm>>
          %dma_start3A_453 = arith.constant 0 : i32
          %dma_start3A_454 = tpu.memref_slice %arg3[%add3A, %mul3A_449, %dma_start3A_453] : memref<24x512x128xf32, #tpu.memory_space<hbm>> -> memref<1x32x128xf32, #tpu.memory_space<hbm>>
          %dma_start3A_455 = tpu.memref_squeeze %dma_start3A_454 : memref<1x32x128xf32, #tpu.memory_space<hbm>> -> memref<32x128xf32, #tpu.memory_space<hbm>>
          tpu.enqueue_dma source(%dma_start3A_455 : memref<32x128xf32, #tpu.memory_space<hbm>>) target(%arg6 : memref<32x128xf32, #tpu.memory_space<vmem>>) target_semaphore(%arg15 : memref<!tpu.dma_semaphore, #tpu.memory_space<semaphore_mem>>)
        } else {
        }
        %add3A_402 = arith.constant 1 : i32
        %add3A_403 = arith.addi %mul3A_347, %add3A_402 : i32
        %mul3A_404 = arith.constant 32 : i32
        %mul3A_405 = arith.muli %add3A_403, %mul3A_404 : i32
        %dma_wait3A_406 = arith.constant 0 : i32
        %dma_wait3A_407 = tpu.memref_slice %arg2[%add3A, %mul3A_405, %dma_wait3A_406] : memref<24x512x128xf32, #tpu.memory_space<hbm>> -> memref<1x32x128xf32, #tpu.memory_space<hbm>>
        %dma_wait3A_408 = tpu.memref_squeeze %dma_wait3A_407 : memref<1x32x128xf32, #tpu.memory_space<hbm>> -> memref<32x128xf32, #tpu.memory_space<hbm>>
        %dma_wait3A_409 = arith.constant 0 : i32
        %dma_wait3A_410 = tpu.memref_slice %arg2[%add3A, %mul3A_405, %dma_wait3A_409] : memref<24x512x128xf32, #tpu.memory_space<hbm>> -> memref<1x32x128xf32, #tpu.memory_space<hbm>>
        %dma_wait3A_411 = tpu.memref_squeeze %dma_wait3A_410 : memref<1x32x128xf32, #tpu.memory_space<hbm>> -> memref<32x128xf32, #tpu.memory_space<hbm>>
        tpu.wait_dma2 semaphore(%arg16 : memref<!tpu.dma_semaphore, #tpu.memory_space<semaphore_mem>>) src(%dma_wait3A_411 : memref<32x128xf32, #tpu.memory_space<hbm>>) dst(%arg7 : memref<32x128xf32, #tpu.memory_space<vmem>>)
        %mul3A_412 = arith.constant 32 : i32
        %mul3A_413 = arith.muli %add3A_403, %mul3A_412 : i32
        %dma_wait3A_414 = arith.constant 0 : i32
        %dma_wait3A_415 = tpu.memref_slice %arg3[%add3A, %mul3A_413, %dma_wait3A_414] : memref<24x512x128xf32, #tpu.memory_space<hbm>> -> memref<1x32x128xf32, #tpu.memory_space<hbm>>
        %dma_wait3A_416 = tpu.memref_squeeze %dma_wait3A_415 : memref<1x32x128xf32, #tpu.memory_space<hbm>> -> memref<32x128xf32, #tpu.memory_space<hbm>>
        %dma_wait3A_417 = arith.constant 0 : i32
        %dma_wait3A_418 = tpu.memref_slice %arg3[%add3A, %mul3A_413, %dma_wait3A_417] : memref<24x512x128xf32, #tpu.memory_space<hbm>> -> memref<1x32x128xf32, #tpu.memory_space<hbm>>
        %dma_wait3A_419 = tpu.memref_squeeze %dma_wait3A_418 : memref<1x32x128xf32, #tpu.memory_space<hbm>> -> memref<32x128xf32, #tpu.memory_space<hbm>>
        tpu.wait_dma2 semaphore(%arg17 : memref<!tpu.dma_semaphore, #tpu.memory_space<semaphore_mem>>) src(%dma_wait3A_419 : memref<32x128xf32, #tpu.memory_space<hbm>>) dst(%arg8 : memref<32x128xf32, #tpu.memory_space<vmem>>)
        %gt3A_420 = arith.constant 0 : i32
        %gt3A_421 = arith.cmpi sgt, %scan3A_345, %gt3A_420 : i32
        %convert_element_type3A_422 = arith.extui %gt3A_421 : i1 to i32
        %cond3A_423 = arith.constant 0 : i32
        %cond3A_424 = arith.cmpi ne, %convert_element_type3A_422, %cond3A_423 : i32
        scf.if %cond3A_424 {
          %sub3A = arith.constant 1 : i32
          %sub3A_438 = arith.subi %mul3A_347, %sub3A : i32
          %mul3A_439 = arith.constant 32 : i32
          %mul3A_440 = arith.muli %sub3A_438, %mul3A_439 : i32
          %dma_wait3A_441 = arith.constant 0 : i32
          %dma_wait3A_442 = tpu.memref_slice %arg4[%add3A, %mul3A_440, %dma_wait3A_441] : memref<24x512x128xf32, #tpu.memory_space<hbm>> -> memref<1x32x128xf32, #tpu.memory_space<hbm>>
          %dma_wait3A_443 = tpu.memref_squeeze %dma_wait3A_442 : memref<1x32x128xf32, #tpu.memory_space<hbm>> -> memref<32x128xf32, #tpu.memory_space<hbm>>
          %dma_wait3A_444 = arith.constant 0 : i32
          %dma_wait3A_445 = tpu.memref_slice %arg4[%add3A, %mul3A_440, %dma_wait3A_444] : memref<24x512x128xf32, #tpu.memory_space<hbm>> -> memref<1x32x128xf32, #tpu.memory_space<hbm>>
          %dma_wait3A_446 = tpu.memref_squeeze %dma_wait3A_445 : memref<1x32x128xf32, #tpu.memory_space<hbm>> -> memref<32x128xf32, #tpu.memory_space<hbm>>
          tpu.wait_dma2 semaphore(%arg19 : memref<!tpu.dma_semaphore, #tpu.memory_space<semaphore_mem>>) src(%arg10 : memref<32x128xf32, #tpu.memory_space<vmem>>) dst(%dma_wait3A_446 : memref<32x128xf32, #tpu.memory_space<hbm>>)
        } else {
        }
        %parallel_loop3A_425 = arith.constant 0 : i32
        %parallel_loop3A_426 = arith.constant 256 : i32
        %parallel_loop3A_427 = arith.constant 1 : i32
        scf.for %parallel_loop3A_438 = %parallel_loop3A_425 to %parallel_loop3A_426 step %parallel_loop3A_427  : i32 {
          %parallel_loop3A_439 = arith.constant 3 : i32
          %parallel_loop3A_440 = arith.shrsi %parallel_loop3A_438, %parallel_loop3A_439 : i32
          %parallel_loop3A_441 = arith.constant 7 : i32
          %parallel_loop3A_442 = arith.andi %parallel_loop3A_438, %parallel_loop3A_441 : i32
          %parallel_loop3A_443 = arith.constant 16 : i32
          %parallel_loop3A_444 = arith.muli %parallel_loop3A_442, %parallel_loop3A_443 : i32
          %parallel_loop3A_445 = arith.index_cast %parallel_loop3A_440 : i32 to index
          %parallel_loop3A_446 = arith.index_cast %parallel_loop3A_444 : i32 to index
          %parallel_loop3A_447 = tpu.vector_load %arg7[%parallel_loop3A_445, %parallel_loop3A_446] {strides = array<i32>} : memref<32x128xf32, #tpu.memory_space<vmem>>, vector<16xf32>,
          %parallel_loop3A_448 = arith.constant 3 : i32
          %parallel_loop3A_449 = arith.shrsi %parallel_loop3A_438, %parallel_loop3A_448 : i32
          %parallel_loop3A_450 = arith.constant 7 : i32
          %parallel_loop3A_451 = arith.andi %parallel_loop3A_438, %parallel_loop3A_450 : i32
          %parallel_loop3A_452 = arith.constant 16 : i32
          %parallel_loop3A_453 = arith.muli %parallel_loop3A_451, %parallel_loop3A_452 : i32
          %parallel_loop3A_454 = arith.index_cast %parallel_loop3A_449 : i32 to index
          %parallel_loop3A_455 = arith.index_cast %parallel_loop3A_453 : i32 to index
          %parallel_loop3A_456 = tpu.vector_load %arg8[%parallel_loop3A_454, %parallel_loop3A_455] {strides = array<i32>} : memref<32x128xf32, #tpu.memory_space<vmem>>, vector<16xf32>,
          %parallel_loop3A_457 = math.absf %parallel_loop3A_447 : vector<16xf32>
          %parallel_loop3A_458 = arith.constant 1241.21216 : f32
          %parallel_loop3A_459 = vector.broadcast %parallel_loop3A_458 : f32 to vector<16xf32>
          %parallel_loop3A_460 = arith.mulf %parallel_loop3A_457, %parallel_loop3A_459 : vector<16xf32>
          %parallel_loop3A_461 = arith.fptosi %parallel_loop3A_460 : vector<16xf32> to vector<16xi32>
          %parallel_loop3A_462 = arith.constant 0 : i32
          %parallel_loop3A_463 = arith.constant 8191 : i32
          %parallel_loop3A_464 = vector.broadcast %parallel_loop3A_462 : i32 to vector<16xi32>
          %parallel_loop3A_465 = arith.maxsi %parallel_loop3A_464, %parallel_loop3A_461 : vector<16xi32>
          %parallel_loop3A_466 = vector.broadcast %parallel_loop3A_463 : i32 to vector<16xi32>
          %parallel_loop3A_467 = arith.minsi %parallel_loop3A_466, %parallel_loop3A_465 : vector<16xi32>
          %parallel_loop3A_468 = arith.sitofp %parallel_loop3A_467 : vector<16xi32> to vector<16xf32>
          %parallel_loop3A_469 = arith.subf %parallel_loop3A_460, %parallel_loop3A_468 : vector<16xf32>
          %parallel_loop3A_470 = tpu.vector_load_idx %arg11[%parallel_loop3A_467] : memref<8208xf32, #tpu.memory_space<vmem>>[vector<16xi32>], vector<16xf32>,
          %parallel_loop3A_471 = arith.constant 1 : i32
          %parallel_loop3A_472 = vector.broadcast %parallel_loop3A_471 : i32 to vector<16xi32>
          %parallel_loop3A_473 = arith.addi %parallel_loop3A_467, %parallel_loop3A_472 : vector<16xi32>
          %parallel_loop3A_474 = tpu.vector_load_idx %arg11[%parallel_loop3A_473] : memref<8208xf32, #tpu.memory_space<vmem>>[vector<16xi32>], vector<16xf32>,
          %parallel_loop3A_475 = arith.subf %parallel_loop3A_474, %parallel_loop3A_470 : vector<16xf32>
          %parallel_loop3A_476 = arith.mulf %parallel_loop3A_475, %parallel_loop3A_469 : vector<16xf32>
          %parallel_loop3A_477 = arith.addf %parallel_loop3A_470, %parallel_loop3A_476 : vector<16xf32>
          %parallel_loop3A_478 = arith.fptosi %parallel_loop3A_477 : vector<16xf32> to vector<16xi32>
          %parallel_loop3A_479 = arith.constant 0 : i32
          %parallel_loop3A_480 = arith.constant 65535 : i32
          %parallel_loop3A_481 = vector.broadcast %parallel_loop3A_479 : i32 to vector<16xi32>
          %parallel_loop3A_482 = arith.maxsi %parallel_loop3A_481, %parallel_loop3A_478 : vector<16xi32>
          %parallel_loop3A_483 = vector.broadcast %parallel_loop3A_480 : i32 to vector<16xi32>
          %parallel_loop3A_484 = arith.minsi %parallel_loop3A_483, %parallel_loop3A_482 : vector<16xi32>
          %parallel_loop3A_485 = tpu.vector_load_idx %arg13[%parallel_loop3A_484] : memref<65536xi32, #tpu.memory_space<vmem>>[vector<16xi32>], vector<16xi32>,
          %parallel_loop3A_486 = vector.bitcast %parallel_loop3A_485 : vector<16xi32> to vector<16xf32>
          %parallel_loop3A_487 = arith.constant 0.000000e+00 : f32
          %parallel_loop3A_488 = vector.broadcast %parallel_loop3A_487 : f32 to vector<16xf32>
          %parallel_loop3A_489 = arith.cmpf olt, %parallel_loop3A_447, %parallel_loop3A_488 : vector<16xf32>
          %parallel_loop3A_490 = arith.constant 0.000000e+00 : f32
          %parallel_loop3A_491 = vector.broadcast %parallel_loop3A_490 : f32 to vector<16xf32>
          %parallel_loop3A_492 = arith.cmpf olt, %parallel_loop3A_456, %parallel_loop3A_491 : vector<16xf32>
          %parallel_loop3A_493 = arith.constant -1.000000e+00 : f32
          %parallel_loop3A_494 = arith.constant 1.000000e+00 : f32
          %parallel_loop3A_495 = vector.broadcast %parallel_loop3A_493 : f32 to vector<16xf32>
          %parallel_loop3A_496 = vector.broadcast %parallel_loop3A_494 : f32 to vector<16xf32>
          %parallel_loop3A_497 = arith.select %parallel_loop3A_489, %parallel_loop3A_495, %parallel_loop3A_496 : vector<16xi1>, vector<16xf32>
          %parallel_loop3A_498 = arith.xori %parallel_loop3A_489, %parallel_loop3A_492 : vector<16xi1>
          %parallel_loop3A_499 = arith.constant 8.090170e-01 : f32
          %parallel_loop3A_500 = arith.constant 1.000000e+00 : f32
          %parallel_loop3A_501 = vector.broadcast %parallel_loop3A_499 : f32 to vector<16xf32>
          %parallel_loop3A_502 = vector.broadcast %parallel_loop3A_500 : f32 to vector<16xf32>
          %parallel_loop3A_503 = arith.select %parallel_loop3A_498, %parallel_loop3A_501, %parallel_loop3A_502 : vector<16xi1>, vector<16xf32>
          %parallel_loop3A_504 = arith.mulf %parallel_loop3A_497, %parallel_loop3A_503 : vector<16xf32>
          %parallel_loop3A_505 = arith.mulf %parallel_loop3A_486, %parallel_loop3A_504 : vector<16xf32>
          %parallel_loop3A_506 = arith.constant 3 : i32
          %parallel_loop3A_507 = arith.shrsi %parallel_loop3A_438, %parallel_loop3A_506 : i32
          %parallel_loop3A_508 = arith.constant 7 : i32
          %parallel_loop3A_509 = arith.andi %parallel_loop3A_438, %parallel_loop3A_508 : i32
          %parallel_loop3A_510 = arith.constant 16 : i32
          %parallel_loop3A_511 = arith.muli %parallel_loop3A_509, %parallel_loop3A_510 : i32
          %parallel_loop3A_512 = arith.index_cast %parallel_loop3A_507 : i32 to index
          %parallel_loop3A_513 = arith.index_cast %parallel_loop3A_511 : i32 to index
          %parallel_loop3A_514 = tpu.vector_load %arg10[%parallel_loop3A_512, %parallel_loop3A_513] {strides = array<i32>} : memref<32x128xf32, #tpu.memory_space<vmem>>, vector<16xf32>,
          tpu.vector_store %arg10[%parallel_loop3A_512, %parallel_loop3A_513], %parallel_loop3A_505 {strides = array<i32>} : memref<32x128xf32, #tpu.memory_space<vmem>>, vector<16xf32>,
        } {sc.loop_unroll_factor = 8 : i64, sc.parallel_access}
        %add3A_428 = arith.constant 1 : i32
        %add3A_429 = arith.addi %mul3A_347, %add3A_428 : i32
        %mul3A_430 = arith.constant 32 : i32
        %mul3A_431 = arith.muli %add3A_429, %mul3A_430 : i32
        %dma_start3A_432 = arith.constant 0 : i32
        %dma_start3A_433 = tpu.memref_slice %arg4[%add3A, %mul3A_431, %dma_start3A_432] : memref<24x512x128xf32, #tpu.memory_space<hbm>> -> memref<1x32x128xf32, #tpu.memory_space<hbm>>
        %dma_start3A_434 = tpu.memref_squeeze %dma_start3A_433 : memref<1x32x128xf32, #tpu.memory_space<hbm>> -> memref<32x128xf32, #tpu.memory_space<hbm>>
        %dma_start3A_435 = arith.constant 0 : i32
        %dma_start3A_436 = tpu.memref_slice %arg4[%add3A, %mul3A_431, %dma_start3A_435] : memref<24x512x128xf32, #tpu.memory_space<hbm>> -> memref<1x32x128xf32, #tpu.memory_space<hbm>>
        %dma_start3A_437 = tpu.memref_squeeze %dma_start3A_436 : memref<1x32x128xf32, #tpu.memory_space<hbm>> -> memref<32x128xf32, #tpu.memory_space<hbm>>
        tpu.enqueue_dma source(%arg10 : memref<32x128xf32, #tpu.memory_space<vmem>>) target(%dma_start3A_437 : memref<32x128xf32, #tpu.memory_space<hbm>>) target_semaphore(%arg19 : memref<!tpu.dma_semaphore, #tpu.memory_space<semaphore_mem>>)
      }
      %scan3A_329 = arith.constant 8 : i32
      %dma_wait3A = arith.constant 448 : i32
      %dma_wait3A_330 = arith.constant 0 : i32
      %dma_wait3A_331 = tpu.memref_slice %arg4[%add3A, %dma_wait3A, %dma_wait3A_330] : memref<24x512x128xf32, #tpu.memory_space<hbm>> -> memref<1x32x128xf32, #tpu.memory_space<hbm>>
      %dma_wait3A_332 = tpu.memref_squeeze %dma_wait3A_331 : memref<1x32x128xf32, #tpu.memory_space<hbm>> -> memref<32x128xf32, #tpu.memory_space<hbm>>
      %dma_wait3A_333 = arith.constant 448 : i32
      %dma_wait3A_334 = arith.constant 0 : i32
      %dma_wait3A_335 = tpu.memref_slice %arg4[%add3A, %dma_wait3A_333, %dma_wait3A_334] : memref<24x512x128xf32, #tpu.memory_space<hbm>> -> memref<1x32x128xf32, #tpu.memory_space<hbm>>
      %dma_wait3A_336 = tpu.memref_squeeze %dma_wait3A_335 : memref<1x32x128xf32, #tpu.memory_space<hbm>> -> memref<32x128xf32, #tpu.memory_space<hbm>>
      tpu.wait_dma2 semaphore(%arg18 : memref<!tpu.dma_semaphore, #tpu.memory_space<semaphore_mem>>) src(%arg9 : memref<32x128xf32, #tpu.memory_space<vmem>>) dst(%dma_wait3A_336 : memref<32x128xf32, #tpu.memory_space<hbm>>)
      %dma_wait3A_337 = arith.constant 480 : i32
      %dma_wait3A_338 = arith.constant 0 : i32
      %dma_wait3A_339 = tpu.memref_slice %arg4[%add3A, %dma_wait3A_337, %dma_wait3A_338] : memref<24x512x128xf32, #tpu.memory_space<hbm>> -> memref<1x32x128xf32, #tpu.memory_space<hbm>>
      %dma_wait3A_340 = tpu.memref_squeeze %dma_wait3A_339 : memref<1x32x128xf32, #tpu.memory_space<hbm>> -> memref<32x128xf32, #tpu.memory_space<hbm>>
      %dma_wait3A_341 = arith.constant 480 : i32
      %dma_wait3A_342 = arith.constant 0 : i32
      %dma_wait3A_343 = tpu.memref_slice %arg4[%add3A, %dma_wait3A_341, %dma_wait3A_342] : memref<24x512x128xf32, #tpu.memory_space<hbm>> -> memref<1x32x128xf32, #tpu.memory_space<hbm>>
      %dma_wait3A_344 = tpu.memref_squeeze %dma_wait3A_343 : memref<1x32x128xf32, #tpu.memory_space<hbm>> -> memref<32x128xf32, #tpu.memory_space<hbm>>
      tpu.wait_dma2 semaphore(%arg19 : memref<!tpu.dma_semaphore, #tpu.memory_space<semaphore_mem>>) src(%arg10 : memref<32x128xf32, #tpu.memory_space<vmem>>) dst(%dma_wait3A_344 : memref<32x128xf32, #tpu.memory_space<hbm>>)
    } else {
    }
    return
  }
}

module attributes {stable_mosaic.version = 14 : i64} {
  func.func @_sums_body(%arg0: i32, %arg1: memref<768x256xf32, #tpu.memory_space<vmem>>, %arg2: memref<768x256xf32, #tpu.memory_space<vmem>>, %arg3: memref<768x256xf32, #tpu.memory_space<vmem>>, %arg4: memref<768x256xf32, #tpu.memory_space<vmem>>, %arg5: memref<768x256xf32, #tpu.memory_space<vmem>>, %arg6: memref<768x256xf32, #tpu.memory_space<vmem>>, %arg7: memref<8x128xf32, #tpu.memory_space<vmem>>) attributes {dimension_semantics = [#tpu.dimension_semantics<arbitrary>], iteration_bounds = array<i64: 8>, scalar_prefetch = 0 : i64, scratch_operands = 0 : i64, tpu.core_type = #tpu.core_type<tc>, window_params = [{transform_indices = @transform_0, window_bounds = array<i64: 768, 256>}, {transform_indices = @transform_1, window_bounds = array<i64: 768, 256>}, {transform_indices = @transform_2, window_bounds = array<i64: 768, 256>}, {transform_indices = @transform_3, window_bounds = array<i64: 768, 256>}, {transform_indices = @transform_4, window_bounds = array<i64: 768, 256>}, {transform_indices = @transform_5, window_bounds = array<i64: 768, 256>}, {pipeline_mode = #tpu.pipeline_mode<synchronous>, transform_indices = @transform_6, window_bounds = array<i64: 8, 128>}]} {
    %eq3A = arith.constant 0 : i32
    %eq3A_0 = arith.cmpi eq, %arg0, %eq3A : i32
    %convert_element_type3A = arith.extui %eq3A_0 : i1 to i32
    %cond3A = arith.constant 0 : i32
    %cond3A_1 = arith.cmpi ne, %convert_element_type3A, %cond3A : i32
    scf.if %cond3A_1 {
      %broadcast_in_dim3A = arith.constant 0.000000e+00 : f32
      %broadcast_in_dim3A_110 = vector.broadcast %broadcast_in_dim3A : f32 to vector<8x128xf32>
      %swap3A_111 = arith.constant 0 : index
      %swap3A_112 = arith.constant 0 : index
      %swap3A_113 = vector.load %arg7[%swap3A_111, %swap3A_112] : memref<8x128xf32, #tpu.memory_space<vmem>>, vector<8x128xf32>
      tpu.vector_store %arg7[%swap3A_111, %swap3A_112], %broadcast_in_dim3A_110 {strides = array<i32>} : memref<8x128xf32, #tpu.memory_space<vmem>>, vector<8x128xf32>,
    } else {
    }
    %get3A = arith.constant 0 : index
    %get3A_2 = arith.constant 0 : index
    %get3A_3 = vector.load %arg1[%get3A, %get3A_2] : memref<768x256xf32, #tpu.memory_space<vmem>>, vector<768x256xf32>
    %abs3A = math.absf %get3A_3 : vector<768x256xf32>
    %reduce_sum3A = arith.constant dense<0.000000e+00> : vector<256xf32>
    %reduce_sum3A_4 = vector.multi_reduction <add>, %abs3A, %reduce_sum3A [0] : vector<768x256xf32> to vector<256xf32>
    %reshape3A = vector.shape_cast %reduce_sum3A_4 : vector<256xf32> to vector<2x128xf32>
    %reduce_sum3A_5 = arith.constant dense<0.000000e+00> : vector<128xf32>
    %reduce_sum3A_6 = vector.multi_reduction <add>, %reshape3A, %reduce_sum3A_5 [0] : vector<2x128xf32> to vector<128xf32>
    %get3A_7 = arith.constant 0 : index
    %get3A_8 = arith.constant 0 : index
    %get3A_9 = vector.load %arg7[%get3A_7, %get3A_8] : memref<8x128xf32, #tpu.memory_space<vmem>>, vector<1x128xf32>
    %get3A_10 = vector.shape_cast %get3A_9 : vector<1x128xf32> to vector<128xf32>
    %add3A = arith.addf %get3A_10, %reduce_sum3A_6 : vector<128xf32>
    %swap3A = arith.constant 0 : index
    %swap3A_11 = arith.constant 0 : index
    %swap3A_12 = vector.load %arg7[%swap3A, %swap3A_11] : memref<8x128xf32, #tpu.memory_space<vmem>>, vector<1x128xf32>
    %swap3A_13 = vector.shape_cast %swap3A_12 : vector<1x128xf32> to vector<128xf32>
    %swap3A_14 = vector.shape_cast %add3A : vector<128xf32> to vector<1x128xf32>
    tpu.vector_store %arg7[%swap3A, %swap3A_11], %swap3A_14 {strides = array<i32>} : memref<8x128xf32, #tpu.memory_space<vmem>>, vector<1x128xf32>,
    %get3A_15 = arith.constant 0 : index
    %get3A_16 = arith.constant 0 : index
    %get3A_17 = vector.load %arg2[%get3A_15, %get3A_16] : memref<768x256xf32, #tpu.memory_space<vmem>>, vector<768x256xf32>
    %abs3A_18 = math.absf %get3A_17 : vector<768x256xf32>
    %reduce_sum3A_19 = arith.constant dense<0.000000e+00> : vector<256xf32>
    %reduce_sum3A_20 = vector.multi_reduction <add>, %abs3A_18, %reduce_sum3A_19 [0] : vector<768x256xf32> to vector<256xf32>
    %reshape3A_21 = vector.shape_cast %reduce_sum3A_20 : vector<256xf32> to vector<2x128xf32>
    %reduce_sum3A_22 = arith.constant dense<0.000000e+00> : vector<128xf32>
    %reduce_sum3A_23 = vector.multi_reduction <add>, %reshape3A_21, %reduce_sum3A_22 [0] : vector<2x128xf32> to vector<128xf32>
    %get3A_24 = arith.constant 1 : index
    %get3A_25 = arith.constant 0 : index
    %get3A_26 = vector.load %arg7[%get3A_24, %get3A_25] : memref<8x128xf32, #tpu.memory_space<vmem>>, vector<1x128xf32>
    %get3A_27 = vector.shape_cast %get3A_26 : vector<1x128xf32> to vector<128xf32>
    %add3A_28 = arith.addf %get3A_27, %reduce_sum3A_23 : vector<128xf32>
    %swap3A_29 = arith.constant 1 : index
    %swap3A_30 = arith.constant 0 : index
    %swap3A_31 = vector.load %arg7[%swap3A_29, %swap3A_30] : memref<8x128xf32, #tpu.memory_space<vmem>>, vector<1x128xf32>
    %swap3A_32 = vector.shape_cast %swap3A_31 : vector<1x128xf32> to vector<128xf32>
    %swap3A_33 = vector.shape_cast %add3A_28 : vector<128xf32> to vector<1x128xf32>
    tpu.vector_store %arg7[%swap3A_29, %swap3A_30], %swap3A_33 {strides = array<i32>} : memref<8x128xf32, #tpu.memory_space<vmem>>, vector<1x128xf32>,
    %get3A_34 = arith.constant 0 : index
    %get3A_35 = arith.constant 0 : index
    %get3A_36 = vector.load %arg3[%get3A_34, %get3A_35] : memref<768x256xf32, #tpu.memory_space<vmem>>, vector<768x256xf32>
    %abs3A_37 = math.absf %get3A_36 : vector<768x256xf32>
    %reduce_sum3A_38 = arith.constant dense<0.000000e+00> : vector<256xf32>
    %reduce_sum3A_39 = vector.multi_reduction <add>, %abs3A_37, %reduce_sum3A_38 [0] : vector<768x256xf32> to vector<256xf32>
    %reshape3A_40 = vector.shape_cast %reduce_sum3A_39 : vector<256xf32> to vector<2x128xf32>
    %reduce_sum3A_41 = arith.constant dense<0.000000e+00> : vector<128xf32>
    %reduce_sum3A_42 = vector.multi_reduction <add>, %reshape3A_40, %reduce_sum3A_41 [0] : vector<2x128xf32> to vector<128xf32>
    %get3A_43 = arith.constant 2 : index
    %get3A_44 = arith.constant 0 : index
    %get3A_45 = vector.load %arg7[%get3A_43, %get3A_44] : memref<8x128xf32, #tpu.memory_space<vmem>>, vector<1x128xf32>
    %get3A_46 = vector.shape_cast %get3A_45 : vector<1x128xf32> to vector<128xf32>
    %add3A_47 = arith.addf %get3A_46, %reduce_sum3A_42 : vector<128xf32>
    %swap3A_48 = arith.constant 2 : index
    %swap3A_49 = arith.constant 0 : index
    %swap3A_50 = vector.load %arg7[%swap3A_48, %swap3A_49] : memref<8x128xf32, #tpu.memory_space<vmem>>, vector<1x128xf32>
    %swap3A_51 = vector.shape_cast %swap3A_50 : vector<1x128xf32> to vector<128xf32>
    %swap3A_52 = vector.shape_cast %add3A_47 : vector<128xf32> to vector<1x128xf32>
    tpu.vector_store %arg7[%swap3A_48, %swap3A_49], %swap3A_52 {strides = array<i32>} : memref<8x128xf32, #tpu.memory_space<vmem>>, vector<1x128xf32>,
    %get3A_53 = arith.constant 0 : index
    %get3A_54 = arith.constant 0 : index
    %get3A_55 = vector.load %arg4[%get3A_53, %get3A_54] : memref<768x256xf32, #tpu.memory_space<vmem>>, vector<768x256xf32>
    %abs3A_56 = math.absf %get3A_55 : vector<768x256xf32>
    %reduce_sum3A_57 = arith.constant dense<0.000000e+00> : vector<256xf32>
    %reduce_sum3A_58 = vector.multi_reduction <add>, %abs3A_56, %reduce_sum3A_57 [0] : vector<768x256xf32> to vector<256xf32>
    %reshape3A_59 = vector.shape_cast %reduce_sum3A_58 : vector<256xf32> to vector<2x128xf32>
    %reduce_sum3A_60 = arith.constant dense<0.000000e+00> : vector<128xf32>
    %reduce_sum3A_61 = vector.multi_reduction <add>, %reshape3A_59, %reduce_sum3A_60 [0] : vector<2x128xf32> to vector<128xf32>
    %get3A_62 = arith.constant 3 : index
    %get3A_63 = arith.constant 0 : index
    %get3A_64 = vector.load %arg7[%get3A_62, %get3A_63] : memref<8x128xf32, #tpu.memory_space<vmem>>, vector<1x128xf32>
    %get3A_65 = vector.shape_cast %get3A_64 : vector<1x128xf32> to vector<128xf32>
    %add3A_66 = arith.addf %get3A_65, %reduce_sum3A_61 : vector<128xf32>
    %swap3A_67 = arith.constant 3 : index
    %swap3A_68 = arith.constant 0 : index
    %swap3A_69 = vector.load %arg7[%swap3A_67, %swap3A_68] : memref<8x128xf32, #tpu.memory_space<vmem>>, vector<1x128xf32>
    %swap3A_70 = vector.shape_cast %swap3A_69 : vector<1x128xf32> to vector<128xf32>
    %swap3A_71 = vector.shape_cast %add3A_66 : vector<128xf32> to vector<1x128xf32>
    tpu.vector_store %arg7[%swap3A_67, %swap3A_68], %swap3A_71 {strides = array<i32>} : memref<8x128xf32, #tpu.memory_space<vmem>>, vector<1x128xf32>,
    %get3A_72 = arith.constant 0 : index
    %get3A_73 = arith.constant 0 : index
    %get3A_74 = vector.load %arg5[%get3A_72, %get3A_73] : memref<768x256xf32, #tpu.memory_space<vmem>>, vector<768x256xf32>
    %abs3A_75 = math.absf %get3A_74 : vector<768x256xf32>
    %reduce_sum3A_76 = arith.constant dense<0.000000e+00> : vector<256xf32>
    %reduce_sum3A_77 = vector.multi_reduction <add>, %abs3A_75, %reduce_sum3A_76 [0] : vector<768x256xf32> to vector<256xf32>
    %reshape3A_78 = vector.shape_cast %reduce_sum3A_77 : vector<256xf32> to vector<2x128xf32>
    %reduce_sum3A_79 = arith.constant dense<0.000000e+00> : vector<128xf32>
    %reduce_sum3A_80 = vector.multi_reduction <add>, %reshape3A_78, %reduce_sum3A_79 [0] : vector<2x128xf32> to vector<128xf32>
    %get3A_81 = arith.constant 4 : index
    %get3A_82 = arith.constant 0 : index
    %get3A_83 = vector.load %arg7[%get3A_81, %get3A_82] : memref<8x128xf32, #tpu.memory_space<vmem>>, vector<1x128xf32>
    %get3A_84 = vector.shape_cast %get3A_83 : vector<1x128xf32> to vector<128xf32>
    %add3A_85 = arith.addf %get3A_84, %reduce_sum3A_80 : vector<128xf32>
    %swap3A_86 = arith.constant 4 : index
    %swap3A_87 = arith.constant 0 : index
    %swap3A_88 = vector.load %arg7[%swap3A_86, %swap3A_87] : memref<8x128xf32, #tpu.memory_space<vmem>>, vector<1x128xf32>
    %swap3A_89 = vector.shape_cast %swap3A_88 : vector<1x128xf32> to vector<128xf32>
    %swap3A_90 = vector.shape_cast %add3A_85 : vector<128xf32> to vector<1x128xf32>
    tpu.vector_store %arg7[%swap3A_86, %swap3A_87], %swap3A_90 {strides = array<i32>} : memref<8x128xf32, #tpu.memory_space<vmem>>, vector<1x128xf32>,
    %get3A_91 = arith.constant 0 : index
    %get3A_92 = arith.constant 0 : index
    %get3A_93 = vector.load %arg6[%get3A_91, %get3A_92] : memref<768x256xf32, #tpu.memory_space<vmem>>, vector<768x256xf32>
    %abs3A_94 = math.absf %get3A_93 : vector<768x256xf32>
    %reduce_sum3A_95 = arith.constant dense<0.000000e+00> : vector<256xf32>
    %reduce_sum3A_96 = vector.multi_reduction <add>, %abs3A_94, %reduce_sum3A_95 [0] : vector<768x256xf32> to vector<256xf32>
    %reshape3A_97 = vector.shape_cast %reduce_sum3A_96 : vector<256xf32> to vector<2x128xf32>
    %reduce_sum3A_98 = arith.constant dense<0.000000e+00> : vector<128xf32>
    %reduce_sum3A_99 = vector.multi_reduction <add>, %reshape3A_97, %reduce_sum3A_98 [0] : vector<2x128xf32> to vector<128xf32>
    %get3A_100 = arith.constant 5 : index
    %get3A_101 = arith.constant 0 : index
    %get3A_102 = vector.load %arg7[%get3A_100, %get3A_101] : memref<8x128xf32, #tpu.memory_space<vmem>>, vector<1x128xf32>
    %get3A_103 = vector.shape_cast %get3A_102 : vector<1x128xf32> to vector<128xf32>
    %add3A_104 = arith.addf %get3A_103, %reduce_sum3A_99 : vector<128xf32>
    %swap3A_105 = arith.constant 5 : index
    %swap3A_106 = arith.constant 0 : index
    %swap3A_107 = vector.load %arg7[%swap3A_105, %swap3A_106] : memref<8x128xf32, #tpu.memory_space<vmem>>, vector<1x128xf32>
    %swap3A_108 = vector.shape_cast %swap3A_107 : vector<1x128xf32> to vector<128xf32>
    %swap3A_109 = vector.shape_cast %add3A_104 : vector<128xf32> to vector<1x128xf32>
    tpu.vector_store %arg7[%swap3A_105, %swap3A_106], %swap3A_109 {strides = array<i32>} : memref<8x128xf32, #tpu.memory_space<vmem>>, vector<1x128xf32>,
    return
  }
  func.func @transform_0(%arg0: i32) -> (i32, i32) {
    %c0_i32 = arith.constant 0 : i32
    %c0_i32_0 = arith.constant 0 : i32
    return %arg0, %c0_i32 : i32, i32
  }
  func.func @transform_1(%arg0: i32) -> (i32, i32) {
    %c0_i32 = arith.constant 0 : i32
    %c0_i32_0 = arith.constant 0 : i32
    return %arg0, %c0_i32 : i32, i32
  }
  func.func @transform_2(%arg0: i32) -> (i32, i32) {
    %c0_i32 = arith.constant 0 : i32
    %c0_i32_0 = arith.constant 0 : i32
    return %arg0, %c0_i32 : i32, i32
  }
  func.func @transform_3(%arg0: i32) -> (i32, i32) {
    %c0_i32 = arith.constant 0 : i32
    %c0_i32_0 = arith.constant 0 : i32
    return %arg0, %c0_i32 : i32, i32
  }
  func.func @transform_4(%arg0: i32) -> (i32, i32) {
    %c0_i32 = arith.constant 0 : i32
    %c0_i32_0 = arith.constant 0 : i32
    return %arg0, %c0_i32 : i32, i32
  }
  func.func @transform_5(%arg0: i32) -> (i32, i32) {
    %c0_i32 = arith.constant 0 : i32
    %c0_i32_0 = arith.constant 0 : i32
    return %arg0, %c0_i32 : i32, i32
  }
  func.func @transform_6(%arg0: i32) -> (i32, i32) {
    %c0_i32 = arith.constant 0 : i32
    %c0_i32_0 = arith.constant 0 : i32
    %c0_i32_1 = arith.constant 0 : i32
    return %c0_i32, %c0_i32_0 : i32, i32
  }
}

module attributes {stable_mosaic.version = 14 : i64} {
  func.func @_detail_body(%arg0: i32, %arg1: memref<768x256xf32, #tpu.memory_space<vmem>>, %arg2: memref<768x256xf32, #tpu.memory_space<vmem>>, %arg3: memref<768x256xf32, #tpu.memory_space<vmem>>, %arg4: memref<768x256xf32, #tpu.memory_space<vmem>>, %arg5: memref<768x256xf32, #tpu.memory_space<vmem>>, %arg6: memref<768x256xf32, #tpu.memory_space<vmem>>, %arg7: memref<8x128xf32, #tpu.memory_space<vmem>>, %arg8: memref<768x256xf32, #tpu.memory_space<vmem>>, %arg9: memref<768x256xf32, #tpu.memory_space<vmem>>, %arg10: memref<768x256xf32, #tpu.memory_space<vmem>>) attributes {dimension_semantics = [#tpu.dimension_semantics<arbitrary>], iteration_bounds = array<i64: 8>, scalar_prefetch = 0 : i64, scratch_operands = 0 : i64, tpu.core_type = #tpu.core_type<tc>, window_params = [{transform_indices = @transform_0, window_bounds = array<i64: 768, 256>}, {transform_indices = @transform_1, window_bounds = array<i64: 768, 256>}, {transform_indices = @transform_2, window_bounds = array<i64: 768, 256>}, {transform_indices = @transform_3, window_bounds = array<i64: 768, 256>}, {transform_indices = @transform_4, window_bounds = array<i64: 768, 256>}, {transform_indices = @transform_5, window_bounds = array<i64: 768, 256>}, {pipeline_mode = #tpu.pipeline_mode<synchronous>, transform_indices = @transform_6, window_bounds = array<i64: 8, 128>}, {transform_indices = @transform_7, window_bounds = array<i64: 768, 256>}, {transform_indices = @transform_8, window_bounds = array<i64: 768, 256>}, {transform_indices = @transform_9, window_bounds = array<i64: 768, 256>}]} {
    %get3A = arith.constant 0 : index
    %get3A_0 = arith.constant 0 : index
    %get3A_1 = vector.load %arg7[%get3A, %get3A_0] : memref<8x128xf32, #tpu.memory_space<vmem>>, vector<8x128xf32>
    %slice3A = vector.extract_strided_slice %get3A_1 {offsets = [3, 0], sizes = [1, 128], strides = [1, 1]} : vector<8x128xf32> to vector<1x128xf32>
    %reduce_sum3A = vector.shape_cast %slice3A : vector<1x128xf32> to vector<1x1x128xf32>
    %reduce_sum3A_2 = arith.constant dense<0.000000e+00> : vector<1xf32>
    %reduce_sum3A_3 = vector.multi_reduction <add>, %reduce_sum3A, %reduce_sum3A_2 [1, 2] : vector<1x1x128xf32> to vector<1xf32>
    %reduce_sum3A_4 = vector.shape_cast %reduce_sum3A_3 : vector<1xf32> to vector<1x1x1xf32>
    %reduce_sum3A_5 = vector.extract %reduce_sum3A_4[0, 0, 0] : f32 from vector<1x1x1xf32>
    %slice3A_6 = vector.extract_strided_slice %get3A_1 {offsets = [0, 0], sizes = [1, 128], strides = [1, 1]} : vector<8x128xf32> to vector<1x128xf32>
    %reduce_sum3A_7 = vector.shape_cast %slice3A_6 : vector<1x128xf32> to vector<1x1x128xf32>
    %reduce_sum3A_8 = arith.constant dense<0.000000e+00> : vector<1xf32>
    %reduce_sum3A_9 = vector.multi_reduction <add>, %reduce_sum3A_7, %reduce_sum3A_8 [1, 2] : vector<1x1x128xf32> to vector<1xf32>
    %reduce_sum3A_10 = vector.shape_cast %reduce_sum3A_9 : vector<1xf32> to vector<1x1x1xf32>
    %reduce_sum3A_11 = vector.extract %reduce_sum3A_10[0, 0, 0] : f32 from vector<1x1x1xf32>
    %div3A = arith.divf %reduce_sum3A_5, %reduce_sum3A_11 : f32
    %mul3A = arith.constant 1.800000e+00 : f32
    %mul3A_12 = arith.mulf %div3A, %mul3A : f32
    %slice3A_13 = vector.extract_strided_slice %get3A_1 {offsets = [4, 0], sizes = [1, 128], strides = [1, 1]} : vector<8x128xf32> to vector<1x128xf32>
    %reduce_sum3A_14 = vector.shape_cast %slice3A_13 : vector<1x128xf32> to vector<1x1x128xf32>
    %reduce_sum3A_15 = arith.constant dense<0.000000e+00> : vector<1xf32>
    %reduce_sum3A_16 = vector.multi_reduction <add>, %reduce_sum3A_14, %reduce_sum3A_15 [1, 2] : vector<1x1x128xf32> to vector<1xf32>
    %reduce_sum3A_17 = vector.shape_cast %reduce_sum3A_16 : vector<1xf32> to vector<1x1x1xf32>
    %reduce_sum3A_18 = vector.extract %reduce_sum3A_17[0, 0, 0] : f32 from vector<1x1x1xf32>
    %slice3A_19 = vector.extract_strided_slice %get3A_1 {offsets = [1, 0], sizes = [1, 128], strides = [1, 1]} : vector<8x128xf32> to vector<1x128xf32>
    %reduce_sum3A_20 = vector.shape_cast %slice3A_19 : vector<1x128xf32> to vector<1x1x128xf32>
    %reduce_sum3A_21 = arith.constant dense<0.000000e+00> : vector<1xf32>
    %reduce_sum3A_22 = vector.multi_reduction <add>, %reduce_sum3A_20, %reduce_sum3A_21 [1, 2] : vector<1x1x128xf32> to vector<1xf32>
    %reduce_sum3A_23 = vector.shape_cast %reduce_sum3A_22 : vector<1xf32> to vector<1x1x1xf32>
    %reduce_sum3A_24 = vector.extract %reduce_sum3A_23[0, 0, 0] : f32 from vector<1x1x1xf32>
    %div3A_25 = arith.divf %reduce_sum3A_18, %reduce_sum3A_24 : f32
    %mul3A_26 = arith.constant 1.800000e+00 : f32
    %mul3A_27 = arith.mulf %div3A_25, %mul3A_26 : f32
    %slice3A_28 = vector.extract_strided_slice %get3A_1 {offsets = [5, 0], sizes = [1, 128], strides = [1, 1]} : vector<8x128xf32> to vector<1x128xf32>
    %reduce_sum3A_29 = vector.shape_cast %slice3A_28 : vector<1x128xf32> to vector<1x1x128xf32>
    %reduce_sum3A_30 = arith.constant dense<0.000000e+00> : vector<1xf32>
    %reduce_sum3A_31 = vector.multi_reduction <add>, %reduce_sum3A_29, %reduce_sum3A_30 [1, 2] : vector<1x1x128xf32> to vector<1xf32>
    %reduce_sum3A_32 = vector.shape_cast %reduce_sum3A_31 : vector<1xf32> to vector<1x1x1xf32>
    %reduce_sum3A_33 = vector.extract %reduce_sum3A_32[0, 0, 0] : f32 from vector<1x1x1xf32>
    %slice3A_34 = vector.extract_strided_slice %get3A_1 {offsets = [2, 0], sizes = [1, 128], strides = [1, 1]} : vector<8x128xf32> to vector<1x128xf32>
    %reduce_sum3A_35 = vector.shape_cast %slice3A_34 : vector<1x128xf32> to vector<1x1x128xf32>
    %reduce_sum3A_36 = arith.constant dense<0.000000e+00> : vector<1xf32>
    %reduce_sum3A_37 = vector.multi_reduction <add>, %reduce_sum3A_35, %reduce_sum3A_36 [1, 2] : vector<1x1x128xf32> to vector<1xf32>
    %reduce_sum3A_38 = vector.shape_cast %reduce_sum3A_37 : vector<1xf32> to vector<1x1x1xf32>
    %reduce_sum3A_39 = vector.extract %reduce_sum3A_38[0, 0, 0] : f32 from vector<1x1x1xf32>
    %div3A_40 = arith.divf %reduce_sum3A_33, %reduce_sum3A_39 : f32
    %mul3A_41 = arith.constant 1.800000e+00 : f32
    %mul3A_42 = arith.mulf %div3A_40, %mul3A_41 : f32
    %get3A_43 = arith.constant 0 : index
    %get3A_44 = arith.constant 0 : index
    %get3A_45 = vector.load %arg1[%get3A_43, %get3A_44] : memref<768x256xf32, #tpu.memory_space<vmem>>, vector<768x256xf32>
    %get3A_46 = arith.constant 0 : index
    %get3A_47 = arith.constant 0 : index
    %get3A_48 = vector.load %arg4[%get3A_46, %get3A_47] : memref<768x256xf32, #tpu.memory_space<vmem>>, vector<768x256xf32>
    %lt3A = arith.constant 0.000000e+00 : f32
    %lt3A_49 = vector.broadcast %lt3A : f32 to vector<768x256xf32>
    %lt3A_50 = arith.cmpf olt, %get3A_45, %lt3A_49 : vector<768x256xf32>
    %lt3A_51 = arith.constant 0.000000e+00 : f32
    %lt3A_52 = vector.broadcast %lt3A_51 : f32 to vector<768x256xf32>
    %lt3A_53 = arith.cmpf olt, %get3A_48, %lt3A_52 : vector<768x256xf32>
    %ne3A = arith.xori %lt3A_50, %lt3A_53 : vector<768x256xi1>
    %jit3A = arith.constant 0.587785244 : f32
    %jit3A_54 = arith.constant 1.000000e+00 : f32
    %broadcast_in_dim3A = vector.broadcast %jit3A : f32 to vector<768x256xf32>
    %broadcast_in_dim3A_55 = vector.broadcast %jit3A_54 : f32 to vector<768x256xf32>
    %select_n3A = arith.select %ne3A, %broadcast_in_dim3A, %broadcast_in_dim3A_55 : vector<768x256xi1>, vector<768x256xf32>
    %mul3A_56 = vector.broadcast %mul3A_12 : f32 to vector<768x256xf32>
    %mul3A_57 = arith.mulf %get3A_45, %mul3A_56 : vector<768x256xf32>
    %mul3A_58 = arith.mulf %mul3A_57, %select_n3A : vector<768x256xf32>
    %swap3A = arith.constant 0 : index
    %swap3A_59 = arith.constant 0 : index
    %swap3A_60 = vector.load %arg8[%swap3A, %swap3A_59] : memref<768x256xf32, #tpu.memory_space<vmem>>, vector<768x256xf32>
    tpu.vector_store %arg8[%swap3A, %swap3A_59], %mul3A_58 {strides = array<i32>} : memref<768x256xf32, #tpu.memory_space<vmem>>, vector<768x256xf32>,
    %get3A_61 = arith.constant 0 : index
    %get3A_62 = arith.constant 0 : index
    %get3A_63 = vector.load %arg2[%get3A_61, %get3A_62] : memref<768x256xf32, #tpu.memory_space<vmem>>, vector<768x256xf32>
    %get3A_64 = arith.constant 0 : index
    %get3A_65 = arith.constant 0 : index
    %get3A_66 = vector.load %arg5[%get3A_64, %get3A_65] : memref<768x256xf32, #tpu.memory_space<vmem>>, vector<768x256xf32>
    %lt3A_67 = arith.constant 0.000000e+00 : f32
    %lt3A_68 = vector.broadcast %lt3A_67 : f32 to vector<768x256xf32>
    %lt3A_69 = arith.cmpf olt, %get3A_63, %lt3A_68 : vector<768x256xf32>
    %lt3A_70 = arith.constant 0.000000e+00 : f32
    %lt3A_71 = vector.broadcast %lt3A_70 : f32 to vector<768x256xf32>
    %lt3A_72 = arith.cmpf olt, %get3A_66, %lt3A_71 : vector<768x256xf32>
    %ne3A_73 = arith.xori %lt3A_69, %lt3A_72 : vector<768x256xi1>
    %jit3A_74 = arith.constant 0.587785244 : f32
    %jit3A_75 = arith.constant 1.000000e+00 : f32
    %broadcast_in_dim3A_76 = vector.broadcast %jit3A_74 : f32 to vector<768x256xf32>
    %broadcast_in_dim3A_77 = vector.broadcast %jit3A_75 : f32 to vector<768x256xf32>
    %select_n3A_78 = arith.select %ne3A_73, %broadcast_in_dim3A_76, %broadcast_in_dim3A_77 : vector<768x256xi1>, vector<768x256xf32>
    %mul3A_79 = vector.broadcast %mul3A_27 : f32 to vector<768x256xf32>
    %mul3A_80 = arith.mulf %get3A_63, %mul3A_79 : vector<768x256xf32>
    %mul3A_81 = arith.mulf %mul3A_80, %select_n3A_78 : vector<768x256xf32>
    %swap3A_82 = arith.constant 0 : index
    %swap3A_83 = arith.constant 0 : index
    %swap3A_84 = vector.load %arg9[%swap3A_82, %swap3A_83] : memref<768x256xf32, #tpu.memory_space<vmem>>, vector<768x256xf32>
    tpu.vector_store %arg9[%swap3A_82, %swap3A_83], %mul3A_81 {strides = array<i32>} : memref<768x256xf32, #tpu.memory_space<vmem>>, vector<768x256xf32>,
    %get3A_85 = arith.constant 0 : index
    %get3A_86 = arith.constant 0 : index
    %get3A_87 = vector.load %arg3[%get3A_85, %get3A_86] : memref<768x256xf32, #tpu.memory_space<vmem>>, vector<768x256xf32>
    %get3A_88 = arith.constant 0 : index
    %get3A_89 = arith.constant 0 : index
    %get3A_90 = vector.load %arg6[%get3A_88, %get3A_89] : memref<768x256xf32, #tpu.memory_space<vmem>>, vector<768x256xf32>
    %lt3A_91 = arith.constant 0.000000e+00 : f32
    %lt3A_92 = vector.broadcast %lt3A_91 : f32 to vector<768x256xf32>
    %lt3A_93 = arith.cmpf olt, %get3A_87, %lt3A_92 : vector<768x256xf32>
    %lt3A_94 = arith.constant 0.000000e+00 : f32
    %lt3A_95 = vector.broadcast %lt3A_94 : f32 to vector<768x256xf32>
    %lt3A_96 = arith.cmpf olt, %get3A_90, %lt3A_95 : vector<768x256xf32>
    %ne3A_97 = arith.xori %lt3A_93, %lt3A_96 : vector<768x256xi1>
    %jit3A_98 = arith.constant 0.587785244 : f32
    %jit3A_99 = arith.constant 1.000000e+00 : f32
    %broadcast_in_dim3A_100 = vector.broadcast %jit3A_98 : f32 to vector<768x256xf32>
    %broadcast_in_dim3A_101 = vector.broadcast %jit3A_99 : f32 to vector<768x256xf32>
    %select_n3A_102 = arith.select %ne3A_97, %broadcast_in_dim3A_100, %broadcast_in_dim3A_101 : vector<768x256xi1>, vector<768x256xf32>
    %mul3A_103 = vector.broadcast %mul3A_42 : f32 to vector<768x256xf32>
    %mul3A_104 = arith.mulf %get3A_87, %mul3A_103 : vector<768x256xf32>
    %mul3A_105 = arith.mulf %mul3A_104, %select_n3A_102 : vector<768x256xf32>
    %swap3A_106 = arith.constant 0 : index
    %swap3A_107 = arith.constant 0 : index
    %swap3A_108 = vector.load %arg10[%swap3A_106, %swap3A_107] : memref<768x256xf32, #tpu.memory_space<vmem>>, vector<768x256xf32>
    tpu.vector_store %arg10[%swap3A_106, %swap3A_107], %mul3A_105 {strides = array<i32>} : memref<768x256xf32, #tpu.memory_space<vmem>>, vector<768x256xf32>,
    return
  }
  func.func @transform_0(%arg0: i32) -> (i32, i32) {
    %c0_i32 = arith.constant 0 : i32
    %c0_i32_0 = arith.constant 0 : i32
    return %arg0, %c0_i32 : i32, i32
  }
  func.func @transform_1(%arg0: i32) -> (i32, i32) {
    %c0_i32 = arith.constant 0 : i32
    %c0_i32_0 = arith.constant 0 : i32
    return %arg0, %c0_i32 : i32, i32
  }
  func.func @transform_2(%arg0: i32) -> (i32, i32) {
    %c0_i32 = arith.constant 0 : i32
    %c0_i32_0 = arith.constant 0 : i32
    return %arg0, %c0_i32 : i32, i32
  }
  func.func @transform_3(%arg0: i32) -> (i32, i32) {
    %c0_i32 = arith.constant 0 : i32
    %c0_i32_0 = arith.constant 0 : i32
    return %arg0, %c0_i32 : i32, i32
  }
  func.func @transform_4(%arg0: i32) -> (i32, i32) {
    %c0_i32 = arith.constant 0 : i32
    %c0_i32_0 = arith.constant 0 : i32
    return %arg0, %c0_i32 : i32, i32
  }
  func.func @transform_5(%arg0: i32) -> (i32, i32) {
    %c0_i32 = arith.constant 0 : i32
    %c0_i32_0 = arith.constant 0 : i32
    return %arg0, %c0_i32 : i32, i32
  }
  func.func @transform_6(%arg0: i32) -> (i32, i32) {
    %c0_i32 = arith.constant 0 : i32
    %c0_i32_0 = arith.constant 0 : i32
    %c0_i32_1 = arith.constant 0 : i32
    return %c0_i32, %c0_i32_0 : i32, i32
  }
  func.func @transform_7(%arg0: i32) -> (i32, i32) {
    %c0_i32 = arith.constant 0 : i32
    %c0_i32_0 = arith.constant 0 : i32
    return %arg0, %c0_i32 : i32, i32
  }
  func.func @transform_8(%arg0: i32) -> (i32, i32) {
    %c0_i32 = arith.constant 0 : i32
    %c0_i32_0 = arith.constant 0 : i32
    return %arg0, %c0_i32 : i32, i32
  }
  func.func @transform_9(%arg0: i32) -> (i32, i32) {
    %c0_i32 = arith.constant 0 : i32
    %c0_i32_0 = arith.constant 0 : i32
    return %arg0, %c0_i32 : i32, i32
  }
}

</mosaic_0001>

<sc_bundles>
// kernel: kernel.5.cloned.1.call-start
scs
__scs_entry_jumppad:
0x0: {  	(pc) =	sbr.rel $0x88, $3  }
0x1: {  	(tag) =	ssettag $0x0;
	lr =	simm.s32 $0x1  }
0x2: {  	[smem:$0x3F99] =	sst lr;
	_ =	strace $0xD0000000  }
0x3: {  	_ = 	snop  }
0x4: {  	_ = 	snop  }
0x5: {  	_ = 	snop  }
0x6: {  	_ = 	snop  }
0x7: {  	_ = 	snop  }
__scs_overlays_trampoline_lowered:
0x8: {  	[smem:$0x3FA8] =	sst s0  }
0x9: {  	[smem:$0x3FA9] =	sst s1  }
0xa: {  	[smem:$0x3FAA] =	sst s2  }
0xb: {  	[smem:$0x3FAB] =	sst s3  }
0xc: {  	[smem:$0x3FAC] =	sst s4  }
0xd: {  	[smem:$0x3FAD] =	sst s5  }
0xe: {  	[smem:$0x3FAE] =	sst s6  }
0xf: {  	[smem:$0x3FAF] =	sst s7  }
0x10: {  	[smem:$0x3FB0] =	sst s8  }
0x11: {  	[smem:$0x3FB1] =	sst s9;
	s0 =	simm.s32 @!p0 $0x0  }
0x12: {  	s1 =	sld [smem:$0x3F97];
	s0 =	simm.s32 @p0 $0x1  }
0x13: {  	[smem:$0x3FB2] =	sst s0;
	s0 =	simm.s32 @!p1 $0x0  }
0x14: {  	s2 =	sld [smem:$0x3F96];
	s0 =	simm.s32 @p1 $0x1  }
0x15: {  	[smem:$0x3FB3] =	sst s0;
	s0 =	simm.s32 @!p2 $0x0  }
0x16: {  	s3 =	sld [smem:$0x3FDB];
	s0 =	simm.s32 @p2 $0x1  }
0x17: {  	s4 =	simm.s32 $0x1BF5;
	[smem:$0x3FB5] =	sst s0  }
0x18: {  	s0 =	sld [smem:$0x3F98];
	_ =	swait.ge [sflag:s4], $0x0  }
0x19: {  	s7 =	sld [smem:$0x3F99]  }
0x1a: {  	s8 =	sadd.s32 $0xFFFFE003, lr  }
0x1b: {  	s9 =	sadd.s32 $0xFFFFFEF7, lr;
	s5 =	simm.s32 $0xFFFFFFFF;
	p2 =	slt.u32 s8, $0xFFFFF086  }
0x1c: {  	p1 =	slt.u32 s9, $0xF7A;
	s5 =	simm.s32 @!p2 $0x0  }
0x1d: {  	s5 =	simm.s32 @p1 $0x1;
	p0 =	seq.s32 s7, s2  }
0x1e: {  	s7 =	smul.u32 @!p0 $0xF7A, s2;
	p2 =	seq.s32 @!p0 s5, $0x0  }
0x1f: {  	s9 =	smul.u32 $0xF7A, s1;
	s8 =	simm.s32 @!p0 $0x1BF5;
	p2 =	por !p2, p0  }
0x20: {  	[sflag:s8] =	ssyncset.s32 @!p0 $0xFFFFF086;
	s6 =	sadd.s32 @!p0 s3, s7;
	s7 =	simm.s32 @!p0 $0x108  }
0x21: {  	s3 =	sadd.s32 s3, s9;
	s6 =	sadd.s32 @!p0 $0x88, s6;
	s7 =	simm.s32 @p2 $0x1082  }
0x22: {  	[simem:s7], [sflag:s8] =	dma.local @!p0 [hbm:s6], $0xF7A  }
0x23: {  	s9 =	sor.u32 $0xD0000000, s2;
	s6 =	simm.s32 $0x108;
	_ =	swait.ge @!p0 [sflag:s8], $0x0  }
0x24: {  	s3 =	sadd.s32 $0x88, s3;
	s6 =	simm.s32 @!p1 $0x1082;
	[sflag:s4] =	ssyncset.s32 $0xFFFFF086  }
0x25: {  	[simem:s6], [sflag:s4] =	dma.local [hbm:s3], $0xF7A  }
0x26: {  	[smem:$0x3F99] =	sst s1;
	(tag) =	ssettag s2;
	_ =	strace s9  }
0x27: {  	s1 =	sld [smem:$0x3FA9]  }
0x28: {  	s2 =	sld [smem:$0x3FAA]  }
0x29: {  	s4 =	sld [smem:$0x3FAC]  }
0x2a: {  	p0 =	seq.s32 s5, $0x0;
	s5 =	sld [smem:$0x3FAD]  }
0x2b: {  	s6 =	sld [smem:$0x3FAE]  }
0x2c: {  	s7 =	sld [smem:$0x3FAF]  }
0x2d: {  	s3 =	simm.s32 $0x108;
	s8 =	sld [smem:$0x3FB0]  }
0x2e: {  	s3 =	simm.s32 @!p0 $0x1082;
	s9 =	sld [smem:$0x3FB1]  }
0x2f: {  	lr =	sadd.s32 s0, s3;
	s0 =	sld [smem:$0x3FA8]  }
0x30: {  	s3 =	sld [smem:$0x3FAB]  }
0x31: {  	[smem:$0x3FB4] =	sst s10  }
0x32: {  	s10 =	sld [smem:$0x3FB2];
	_ =	sdelay $0x3  }
0x33: {  	p0 =	seq.s32 s10, $0x1;
	s10 =	sld [smem:$0x3FB4];
	_ =	sdelay $0x3  }
0x34: {  	[smem:$0x3FB4] =	sst s10  }
0x35: {  	s10 =	sld [smem:$0x3FB3];
	_ =	sdelay $0x3  }
0x36: {  	p1 =	seq.s32 s10, $0x1;
	s10 =	sld [smem:$0x3FB4];
	_ =	sdelay $0x3  }
0x37: {  	[smem:$0x3FB4] =	sst s10  }
0x38: {  	s10 =	sld [smem:$0x3FB5]  }
0x39: {  	_ = 	snop;
	(pc) =	sbr.ind lr, $3  }
0x3a: {  	_ = 	snop  }
0x3b: {  	_ = 	snop  }
0x3c: {  	p2 =	seq.s32 s10, $0x1;
	s10 =	sld [smem:$0x3FB4]  }
0x3d: {  	_ =	shalt  }
0x3e: {  	_ =	shalt  }
0x3f: {  	_ =	shalt  }
0x40: {  	_ =	shalt  }
0x41: {  	_ =	shalt  }
0x42: {  	_ =	shalt  }
0x43: {  	_ =	shalt  }
0x44: {  	_ =	shalt  }
0x45: {  	_ =	shalt  }
0x46: {  	_ =	shalt  }
0x47: {  	_ =	shalt  }
0x48: {  	_ =	shalt  }
0x49: {  	_ =	shalt  }
0x4a: {  	_ =	shalt  }
0x4b: {  	_ =	shalt  }
0x4c: {  	_ =	shalt  }
0x4d: {  	_ =	shalt  }
0x4e: {  	_ =	shalt  }
0x4f: {  	_ =	shalt  }
0x50: {  	_ =	shalt  }
0x51: {  	_ =	shalt  }
0x52: {  	_ =	shalt  }
0x53: {  	_ =	shalt  }
0x54: {  	_ =	shalt  }
0x55: {  	_ =	shalt  }
0x56: {  	_ =	shalt  }
0x57: {  	_ =	shalt  }
0x58: {  	_ =	shalt  }
0x59: {  	_ =	shalt  }
0x5a: {  	_ =	shalt  }
0x5b: {  	_ =	shalt  }
0x5c: {  	_ =	shalt  }
0x5d: {  	_ =	shalt  }
0x5e: {  	_ =	shalt  }
0x5f: {  	_ =	shalt  }
0x60: {  	_ =	shalt  }
0x61: {  	_ =	shalt  }
0x62: {  	_ =	shalt  }
0x63: {  	_ =	shalt  }
0x64: {  	_ =	shalt  }
0x65: {  	_ =	shalt  }
0x66: {  	_ =	shalt  }
0x67: {  	_ =	shalt  }
0x68: {  	_ =	shalt  }
0x69: {  	_ =	shalt  }
0x6a: {  	_ =	shalt  }
0x6b: {  	_ =	shalt  }
0x6c: {  	_ =	shalt  }
0x6d: {  	_ =	shalt  }
0x6e: {  	_ =	shalt  }
0x6f: {  	_ =	shalt  }
0x70: {  	_ =	shalt  }
0x71: {  	_ =	shalt  }
0x72: {  	_ =	shalt  }
0x73: {  	_ =	shalt  }
0x74: {  	_ =	shalt  }
0x75: {  	_ =	shalt  }
0x76: {  	_ =	shalt  }
0x77: {  	_ =	shalt  }
0x78: {  	_ =	shalt  }
0x79: {  	_ =	shalt  }
0x7a: {  	_ =	shalt  }
0x7b: {  	_ =	shalt  }
0x7c: {  	_ =	shalt  }
0x7d: {  	_ =	shalt  }
0x7e: {  	_ =	shalt  }
0x7f: {  	_ =	shalt  }
0x80: {  	_ =	shalt  }
0x81: {  	_ =	shalt  }
0x82: {  	_ =	shalt  }
0x83: {  	_ =	shalt  }
0x84: {  	_ =	shalt  }
0x85: {  	_ =	shalt  }
0x86: {  	_ =	shalt  }
0x87: {  	_ =	shalt  }
.Lfunc_end0:
.L_simem_size_0:
called_computation_lowered:
.L_overlay_start_0:
0x88: {  	s2 =	sld [smem:$0x3FD9]  }
0x89: {  	s3 =	sld [smem:$0x3FFE];
	_ =	sdelay $0x1  }
0x8a: {  	s1 =	srdreg.scid  }
0x8b: {  	s0 =	sand.u32 $0x1, s1  }
0x8c: {  	s14 =	sshll.u32 s0, $0xA;
	s2 =	sadd.s32 s3, s2  }
0x8d: {  	s2 =	sadd.s32 s2, s14  }
0x8e: {  	[smem:$0x3FC0] =	sst s2  }
0x8f: {  	_ = 	snop  }
0x90: {  	s2 =	sld [smem:$0x3FD0];
	_ =	sdelay $0x2  }
0x91: {  	s15 =	simm.s32 $0xA;
	s4 =	simm.s32 $0x10  }
0x92: {  	[smem:s4], [sflag:s15] =	dma.local [hbm:s2], $0x1  }
0x93: {  	_ =	swait.eq [sflag:s15], $0x1  }
0x94: {  	[sflag:s15] =	ssyncset.done $0x0  }
0x95: {  	[sflag:s15] =	ssyncadd.s32 $0xFFFFFFFF  }
0x96: {  	s16 =	sld [smem:$0x10];
	(tm) =	ssettm $0x1  }
0x97: {  	s17 =	sld [smem:$0x3FFB];
	_ =	sdelay $0x3  }
0x98: {  	_ =	strace s17  }
0x99: {  	s3 =	sld [smem:$0x3FFC];
	_ =	sdelay $0x3  }
0x9a: {  	_ =	strace s3  }
0x9b: {  	s3 =	sld [smem:$0x3FFD];
	_ =	sdelay $0x3  }
0x9c: {  	_ =	strace s3  }
0x9d: {  	_ =	strace $0x8FFFFFFF  }
0x9e: {  	s18 =	sld [smem:$0x3FDB];
	_ =	sdelay $0x1  }
0x9f: {  	s19 =	simm.s32 $_scs_section_size  }
0xa0: {  	s5 =	simm.s32 $_size__tile_overlayer_lowered;
	s6 =	simm.s32 $_tile_overlayer_lowered  }
0xa1: {  	s22 =	simm.s32 $0x1BFF;
	s21 =	sshll.u32 s6, $0x1;
	s3 =	sadd.s32 s19, s18  }
0xa2: {  	s7 =	simm.s32 $0x0;
	s20 =	sshll.u32 s5, $0x1;
	s5 =	sadd.s32 s21, s3  }
0xa3: {  	[timem:s7], [sflag:s22] =	dma.local [hbm:s5], s20  }
0xa4: {  	_ =	swait.ge [sflag:s22], s20  }
0xa5: {  	s4 =	ssub.s32 $0x0, s20;
	[sflag:s22] =	ssyncset.done $0x0  }
0xa6: {  	[sflag:s22] =	ssyncadd.s32 s4;
	_ =	sdelay $0x1  }
0xa7: {  	s23 =	simm.s32 $0x1B8B  }
0xa8: {  	_ =	swait.ge [sflag:s23], $0x1  }
0xa9: {  	[sflag:s23] =	ssyncset.done $0x0  }
0xaa: {  	s25 =	simm.s32 $0x1B8E;
	s24 =	sld [smem:$0x3FFE];
	[sflag:s23] =	ssyncadd.s32 $0xFFFFFFFF  }
0xab: {  	s26 =	simm.s32 $execute0_lowered;
	[smem:$0x3FD2] =	sst s25  }
0xac: {  	s5 =	sshll.u32 s26, $0x1;
	_ =	strace $0x80000046;
	[dreg:$0x1] =	wrdreg $0xFFFFFFFF  }
0xad: {  	s28 =	simm.s32 $_size_execute0_lowered;
	s3 =	sadd.s32 s3, s5;
	[dreg:$0x0] =	wrdreg $0x0  }
0xae: {  	s5 =	sshll.u32 s28, $0x1;
	[dreg:$0x2] =	wrdreg s3  }
0xaf: {  	[dreg:$0x3] =	wrdreg s5  }
0xb0: {  	[dreg:$0x4] =	wrdreg $0xC0  }
0xb1: {  	_ =	task [dreg:s7], $0x5FFFF  }
0xb2: {  	[dreg:$0x1] =	wrdreg $0xFFFFFFFF  }
0xb3: {  	[dreg:$0x0] =	wrdreg $0x60  }
0xb4: {  	[dreg:$0x2] =	wrdreg s16  }
0xb5: {  	[dreg:$0x3] =	wrdreg s24  }
0xb6: {  	[dreg:$0x4] =	wrdreg $0x9  }
0xb7: {  	_ =	task.clear_ibuf [dreg:s7], $0x5FFFF;
	_ =	strace $0x90000046  }
0xb8: {  	s29 =	simm.s32 $0x9;
	_ =	strace $0x80000048  }
0xb9: {  	_ =	swait.ge [sflag:s29], $0x1  }
0xba: {  	[sflag:s29] =	ssyncadd.s32 $0xFFFFFFFF  }
0xbb: {  	_ =	strace $0x90000048  }
0xbc: {  	_ =	sfence  }
0xbd: {  	s30 =	sld [smem:$0x0];
	_ =	sdelay $0x2  }
0xbe: {  	s31 =	sshll.u32 s1, $0xD;
	s1 =	sshrl.u32 s1, $0x2  }
0xbf: {  	s3 =	sand.u32 $0x4000, s31;
	s1 =	sadd.s32 s1, s30  }
0xc0: {  	s0 =	sor.u32 s3, s0;
	s1 =	sshll.u32 s1, $0x11  }
0xc1: {  	s0 =	sor.u32 s1, s0  }
0xc2: {  	s0 =	sadd.s32 $0x8F2B, s0  }
0xc3: {  	[sflag:s0] =	ssyncadd.remote.s32 $0x1  }
0xc4: {  	_ =	sfence.sel $0xFFFF  }
0xc5: {  	[dreg:$0x0] =	wrdreg $0xFFFFFFFF;
	(pc) =	sbr.abs _section_cstart, $3  }
0xc6: {  	[dreg:$0x1] =	wrdreg $0xFFFFFFFF  }
0xc7: {  	_ =	task.clear_ibuf [dreg:s7], $0x2FFFF;
	_ =	strace $0x9FFFFFFF  }
0xc8: {  	(tm) =	ssettm $0x7FFFFFFF  }
0xc9: {  	_ =	shalt  }
tec
execute0_lowered:
.L_overlay_start_1:
0x0: {  	(tag) =	ssettag $0x1  }
0x1: {  	s1 =	stileid.u32  }
0x2: {  	p0 =	sgt.u32 s1, $0xB  }
.Ltmp0:
0x3: {  	_ = 	snop;
	(pc) =	sbr.rel @p0 .LBB2_119-.Ltmp0, $4  }
0x4: {  	_ = 	snop  }
0x5: {  	s4 =	rddreg [dreg:$0x0];
	s6 =	simm.s32 $0x0  }
0x6: {  	[smem:$0x7FF] =	sst s6  }
0x7: {  	s0 =	rddreg [dreg:$0x1];
	_ =	strace $0x80000047  }
0x8: {  	v0 =	vimm.f32 $1.500000000e+01;
	vm0 =	vcmask $0x300  }
0x9: {  	vm14 =	vcmask $0x704;
	v0 =	vsel vm0, $0x0, v0  }
0xa: {  	vm15 =	vcmask $0xB08;
	v0 =	vsel vm14, $0x3F800000, v0  }
0xb: {  	vm4 =	vcmask $0xF0C;
	v0 =	vsel vm15, $0x40000000, v0  }
0xc: {  	vm5 =	vcmask $0x1310;
	s1 =	srdreg.scid;
	v0 =	vsel vm4, $0x40400000, v0  }
0xd: {  	vm6 =	vcmask $0x1714;
	s2 =	stileid.u32;
	s7 =	sadd.s32 $0x2000, s0;
	s5 =	sadd.s32 $0x32000, s0;
	v0 =	vsel vm5, $0x40800000, v0  }
0xe: {  	vm7 =	vcmask $0x1B18;
	s18 =	simm.s32 $0x1000;
	s19 =	simm.s32 $0x2000;
	s21 =	simm.s32 $0x3000;
	v0 =	vsel vm6, $0x40A00000, v0  }
0xf: {  	vm8 =	vcmask $0x1F1C;
	s22 =	simm.s32 $0x1;
	s24 =	simm.s32 $0x2;
	s16 =	simm.s32 $0x6000;
	v0 =	vsel vm7, $0x40C00000, v0  }
0x10: {  	vm9 =	vcmask $0x2320;
	s17 =	simm.s32 $0x8080;
	s1 =	sand.u32 $0x1, s1;
	s2 =	sshll.u32 s2, $0x1;
	v0 =	vsel vm8, $0x40E00000, v0  }
0x11: {  	vm10 =	vcmask $0x2724;
	s25 =	simm.s32 $0x3;
	[dreg:$0x3] =	wrdreg s7;
	s2 =	sor.u32 s1, s2;
	v0 =	vsel vm9, $0x41000000, v0  }
0x12: {  	vm11 =	vcmask $0x2B28;
	[dreg:$0x4] =	wrdreg s5;
	s1 =	ssub.s32 $0x2, s1;
	s12 =	sshll.u32 s2, $0x10;
	v0 =	vsel vm10, $0x41100000, v0  }
0x13: {  	vm12 =	vcmask $0x2F2C;
	s31 =	sshll.u32 s2, $0xD;
	s13 =	sor.u32 $0x2000, s12;
	[dreg:$0x5] =	wrdreg s12;
	v0 =	vsel vm11, $0x41200000, v0  }
0x14: {  	vm13 =	vcmask $0x3330;
	s30 =	sshrl.u32 s1, $0x1;
	s14 =	sadd.s32 s7, s31;
	[dreg:$0x6] =	wrdreg s13;
	v1 =	vsel vm12, $0x41300000, v0  }
0x15: {  	v3 =	vimm.s32 $0x1;
	vm14 =	vcmask $0x3734;
	s0 =	ssub.s32 s1, s30;
	s15 =	sadd.s32 s4, s31;
	[dreg:$0x7] =	wrdreg s14;
	v2 =	vsel vm13, $0x41400000, v1  }
0x16: {  	s29 =	simm.s32 $0x4;
	vm15 =	vcmask $0x3B38;
	s0 =	smax.u32 s0, $0x1;
	[dreg:$0x8] =	wrdreg s15;
	v0 =	vimm.f32 $0.0e+00;
	v4 =	vsel vm14, $0x41500000, v2  }
0x17: {  	s20 =	simm.s32 $0xA100;
	s2 =	simm.s32 $0x0;
	[dreg:$0x9] =	wrdreg s0;
	v1 =	vimm.s32 $0x0;
	v2 =	vimm.f32 $1.000000000e+00;
	v4 =	vsel vm15, $0x41600000, v4  }
.LBB2_2:
0x18: {  	[dreg:$0xa] =	wrdreg s2;
	s1 =	simm.s32 $0x6020  }
0x19: {  	[tilespmem:s1+$0xFFFFFFF0] =	vst v0  }
0x1a: {  	[tilespmem:s1+$0x0] =	vst v0  }
0x1b: {  	[tilespmem:s1+$0x10] =	vst v0  }
0x1c: {  	s0 =	simm.s32 $0x80A0;
	[tilespmem:s1+$0xFFFFFFE0] =	vst v0  }
0x1d: {  	[tilespmem:s0+$0xFFFFFFF0] =	vst v0  }
0x1e: {  	[tilespmem:s0+$0x0] =	vst v0  }
0x1f: {  	[tilespmem:s0+$0x10] =	vst v0  }
0x20: {  	s2 =	simm.s32 $0x6060;
	s1 =	simm.s32 $0x0;
	[tilespmem:s0+$0xFFFFFFE0] =	vst v0  }
.LBB2_3:
0x21: {  	[tilespmem:s2+$0xFFFFFFF0] =	vst v0;
	s0 =	sadd.s32 $0x40, s0  }
0x22: {  	s1 =	sadd.s32 $0x4, s1;
	[tilespmem:s0+$0xFFFFFFF0] =	vst v0  }
0x23: {  	p0 =	slt.u32 s1, $0x1FC;
	[tilespmem:s2+$0x0] =	vst v0  }
.Ltmp1:
0x24: {  	[tilespmem:s0+$0x0] =	vst v0;
	(pc) =	sbr.rel @p0 .LBB2_3-.Ltmp1, $4  }
0x25: {  	[tilespmem:s2+$0x10] =	vst v0  }
0x26: {  	[tilespmem:s0+$0x10] =	vst v0  }
0x27: {  	[tilespmem:s2+$0xFFFFFFE0] =	vst v0  }
0x28: {  	s2 =	sadd.s32 $0x40, s2;
	[tilespmem:s0+$0xFFFFFFE0] =	vst v0  }
0x29: {  	[tilespmem:$0x8000] =	vst v0  }
0x2a: {  	[tilespmem:$0xA080] =	vst v0;
	s0 =	simm.s32 $0xA120  }
0x2b: {  	[tilespmem:s0+$0xFFFFFFE0] =	vst v1  }
0x2c: {  	[tilespmem:s0+$0x10] =	vst v1  }
0x2d: {  	s1 =	simm.s32 $0x0;
	[tilespmem:s0+$0x0] =	vst v1  }
.LBB2_5:
0x2e: {  	s1 =	sadd.s32 $0x4, s1  }
0x2f: {  	[tilespmem:s0+$0xFFFFFFF0] =	vst v1;
	s0 =	sadd.s32 $0x40, s0;
	p0 =	slt.u32 s1, $0xFFC  }
.Ltmp2:
0x30: {  	[tilespmem:s0+$0xFFFFFFE0] =	vst v1;
	(pc) =	sbr.rel @p0 .LBB2_5-.Ltmp2, $3  }
0x31: {  	_ =	sdelay $0x1  }
0x32: {  	[tilespmem:s0+$0x10] =	vst v1  }
0x33: {  	[tilespmem:s0+$0x0] =	vst v1  }
0x34: {  	[tilespmem:s0+$0xFFFFFFF0] =	vst v1;
	s0 =	simm.s32 $0x0  }
0x35: {  	[tilespmem:s0], [sflag:$0x1] =	stream.linear.gather [hbm4b:s15+s0], $0x1000, $0x38;
	[tilespmem:$0x1A100] =	vst v63  }
0x36: {  	_ = 	snop  }
0x37: {  	[tilespmem:s18], [sflag:$0x2] =	stream.linear.gather [hbm4b:s14+s0], $0x1000, $0x38;
	[tilespmem:$0x1A100] =	vst v63  }
.LBB2_7:
0x38: {  	s1 =	sshll.u32 s0, $0xD  }
0x39: {  	s2 =	sor.u32 s1, s12  }
0x3a: {  	s2 =	sshrl.u32 s2, $0x3  }
0x3b: {  	s2 =	sor.u32 $0x200, s2  }
0x3c: {  	s5 =	sadd.s32 s4, s2  }
0x3d: {  	[tilespmem:s19], [sflag:$0x3] =	stream.linear.gather [hbm4b:s5+s6], $0x1000, $0x38;
	[tilespmem:$0x1A100] =	vst v63  }
0x3e: {  	s2 =	sadd.s32 s7, s2  }
0x3f: {  	[tilespmem:s21], [sflag:$0x4] =	stream.linear.gather [hbm4b:s2+s6], $0x1000, $0x38;
	[tilespmem:$0x1A100] =	vst v63  }
0x40: {  	_ =	swait.ge [sflag:s22], $0x1000  }
0x41: {  	[sflag:s22] =	ssyncset.done $0x0  }
0x42: {  	[sflag:s22] =	ssyncadd.s32 $0xFFFFF000  }
0x43: {  	_ =	swait.ge [sflag:s24], $0x1000  }
0x44: {  	[sflag:s24] =	ssyncset.done $0x0  }
0x45: {  	s31 =	simm.s32 $0x40;
	[sflag:s24] =	ssyncadd.s32 $0xFFFFF000  }
0x46: {  	s8 =	simm.s32 $0x1040;
	v5 =	vld [tilespmem:s31+$0x30]  }
0x47: {  	v6 =	vld [tilespmem:s8+$0x30]  }
0x48: {  	v7 =	vld [tilespmem:s8+$0xFFFFFFC0]  }
0x49: {  	v8 =	vld [tilespmem:s31+$0xFFFFFFD0]  }
0x4a: {  	v9 =	vld [tilespmem:s8+$0xFFFFFFD0]  }
0x4b: {  	v10 =	vld [tilespmem:s31+$0xFFFFFFE0]  }
0x4c: {  	v11 =	vld [tilespmem:s8+$0xFFFFFFE0]  }
0x4d: {  	v12 =	vld [tilespmem:s31+$0xFFFFFFF0]  }
0x4e: {  	v13 =	vld [tilespmem:s8+$0xFFFFFFF0]  }
0x4f: {  	v14 =	vld [tilespmem:s31+$0x0]  }
0x50: {  	v15 =	vld [tilespmem:s8+$0x0];
	v5 =	vand.u32 $0x7FFFFFFF, v5  }
0x51: {  	v16 =	vld [tilespmem:s31+$0x10];
	v6 =	vand.u32 $0x7FFFFFFF, v6;
	v7 =	vand.u32 $0x7FFFFFFF, v7;
	v8 =	vand.u32 $0x7FFFFFFF, v8  }
0x52: {  	v17 =	vld [tilespmem:s8+$0x10];
	v9 =	vand.u32 $0x7FFFFFFF, v9;
	v10 =	vand.u32 $0x7FFFFFFF, v10;
	v11 =	vand.u32 $0x7FFFFFFF, v11  }
0x53: {  	v18 =	vld [tilespmem:s31+$0x20];
	v12 =	vand.u32 $0x7FFFFFFF, v12;
	v13 =	vand.u32 $0x7FFFFFFF, v13;
	v5 =	vmul.f32 $1.241212160e+03, v5  }
0x54: {  	v19 =	vld [tilespmem:s8+$0x20];
	v14 =	vand.u32 $0x7FFFFFFF, v14;
	v6 =	vmul.f32 $1.241212160e+03, v6;
	v7 =	vmul.f32 $1.241212160e+03, v7  }
0x55: {  	v20 =	vld [tilespmem:s31+$0xFFFFFFC0];
	v15 =	vand.u32 $0x7FFFFFFF, v15;
	v8 =	vmul.f32 $1.241212160e+03, v8;
	v9 =	vmul.f32 $1.241212160e+03, v9  }
0x56: {  	v16 =	vand.u32 $0x7FFFFFFF, v16;
	v10 =	vmul.f32 $1.241212160e+03, v10;
	v11 =	vmul.f32 $1.241212160e+03, v11  }
0x57: {  	v17 =	vand.u32 $0x7FFFFFFF, v17;
	v12 =	vmul.f32 $1.241212160e+03, v12;
	v13 =	vmul.f32 $1.241212160e+03, v13  }
0x58: {  	v18 =	vand.u32 $0x7FFFFFFF, v18;
	v14 =	vmul.f32 $1.241212160e+03, v14;
	v15 =	vmul.f32 $1.241212160e+03, v15  }
0x59: {  	v19 =	vand.u32 $0x7FFFFFFF, v19;
	v16 =	vmul.f32 $1.241212160e+03, v16;
	v17 =	vmul.f32 $1.241212160e+03, v17  }
0x5a: {  	v20 =	vand.u32 $0x7FFFFFFF, v20;
	v18 =	vmul.f32 $1.241212160e+03, v18;
	v19 =	vmul.f32 $1.241212160e+03, v19  }
0x5b: {  	v20 =	vmul.f32 $1.241212160e+03, v20;
	v5 =	vtrunc.f32 v5  }
0x5c: {  	v6 =	vtrunc.f32 v6;
	v7 =	vtrunc.f32 v7  }
0x5d: {  	v8 =	vtrunc.f32 v8;
	v9 =	vtrunc.f32 v9  }
0x5e: {  	v10 =	vtrunc.f32 v10;
	v21 =	vtrunc.f32 v11  }
0x5f: {  	v12 =	vtrunc.f32 v12;
	v11 =	vtrunc.f32 v20  }
0x60: {  	v13 =	vtrunc.f32 v13;
	v20 =	vtrunc.f32 v14  }
0x61: {  	v22 =	vtrunc.f32 v15;
	v16 =	vtrunc.f32 v16  }
0x62: {  	v17 =	vtrunc.f32 v17;
	v5 =	vcvt.f32.s32 v5  }
0x63: {  	v6 =	vcvt.f32.s32 v6;
	v24 =	vcvt.f32.s32 v7  }
0x64: {  	v26 =	vcvt.f32.s32 v8;
	v15 =	vcvt.f32.s32 v10  }
0x65: {  	v14 =	vcvt.f32.s32 v21;
	v12 =	vcvt.f32.s32 v12  }
0x66: {  	v10 =	vcvt.f32.s32 v13;
	v13 =	vcvt.f32.s32 v20  }
0x67: {  	v7 =	vcvt.f32.s32 v22;
	v8 =	vcvt.f32.s32 v17  }
0x68: {  	vm0 =	vgt.s32 v5, $0x0;
	vm12 =	vgt.s32 v24, $0x0;
	vm13 =	vgt.s32 v26, $0x0  }
0x69: {  	vm9 =	vgt.s32 v15, $0x0;
	vm10 =	vgt.s32 v14, $0x0;
	vm8 =	vgt.s32 v12, $0x0  }
0x6a: {  	vm7 =	vgt.s32 v10, $0x0;
	v5 =	vnsel vm0, $0x0, v5;
	vm0 =	vgt.s32 v6, $0x0  }
0x6b: {  	vm6 =	vgt.s32 v13, $0x0;
	v23 =	vmin.u32 v5, $0x1FFF;
	v6 =	vnsel vm0, $0x0, v6  }
0x6c: {  	vm4 =	vgt.s32 v7, $0x0;
	v5 =	vtrunc.f32 v18;
	v25 =	vmin.u32 v6, $0x1FFF  }
0x6d: {  	vm3 =	vgt.s32 v8, $0x0;
	v18 =	vtrunc.f32 v19;
	v19 =	vcvt.f32.s32 v11  }
0x6e: {  	v17 =	vnsel vm12, $0x0, v24;
	v11 =	vcvt.f32.s32 v9;
	v9 =	vcvt.f32.s32 v16  }
0x6f: {  	v16 =	vnsel vm13, $0x0, v26;
	v6 =	vcvt.f32.s32 v5;
	v5 =	vcvt.f32.s32 v18  }
0x70: {  	vm11 =	vgt.s32 v19, $0x0;
	vm5 =	vgt.s32 v11, $0x0;
	vm2 =	vgt.s32 v9, $0x0;
	[tilespmem:v23+s16+$0x0] =	vst.idx.add.f32.msk $0xffff, v2  }
0x71: {  	s9 =	simm.s32 $0xC0;
	s2 =	simm.s32 $0x0;
	vm1 =	vgt.s32 v6, $0x0;
	vm0 =	vgt.s32 v5, $0x0;
	v18 =	vnsel vm11, $0x0, v19;
	[tilespmem:v25+s17+$0x0] =	vst.idx.add.f32.msk $0xffff, v2  }
.LBB2_8:
0x72: {  	v19 =	vld [tilespmem:s9+$0x30];
	v11 =	vnsel vm5, $0x0, v11;
	v15 =	vnsel vm9, $0x0, v15;
	v14 =	vnsel vm10, $0x0, v14;
	s8 =	sadd.s32 $0x80, s8  }
0x73: {  	s2 =	sadd.s32 $0x8, s2;
	v12 =	vnsel vm8, $0x0, v12;
	v10 =	vnsel vm7, $0x0, v10;
	v13 =	vnsel vm6, $0x0, v13;
	v20 =	vld [tilespmem:s8+$0x30]  }
0x74: {  	v7 =	vnsel vm4, $0x0, v7;
	v9 =	vnsel vm2, $0x0, v9;
	v8 =	vnsel vm3, $0x0, v8;
	p0 =	slt.u32 s2, $0xF8;
	v21 =	vld [tilespmem:s8+$0xFFFFFFC0]  }
0x75: {  	v18 =	vmin.u32 v18, $0x1FFF;
	v6 =	vnsel vm1, $0x0, v6;
	v5 =	vnsel vm0, $0x0, v5;
	v22 =	vld [tilespmem:s9+$0xFFFFFFD0]  }
0x76: {  	v17 =	vmin.u32 v17, $0x1FFF;
	v16 =	vmin.u32 v16, $0x1FFF;
	v11 =	vmin.u32 v11, $0x1FFF;
	v23 =	vld [tilespmem:s8+$0xFFFFFFD0]  }
0x77: {  	v15 =	vmin.u32 v15, $0x1FFF;
	v14 =	vmin.u32 v14, $0x1FFF;
	v24 =	vld [tilespmem:s9+$0xFFFFFFE0];
	v19 =	vand.u32 $0x7FFFFFFF, v19  }
0x78: {  	v12 =	vmin.u32 v12, $0x1FFF;
	v25 =	vld [tilespmem:s8+$0xFFFFFFE0];
	v19 =	vmul.f32 $1.241212160e+03, v19;
	v20 =	vand.u32 $0x7FFFFFFF, v20  }
0x79: {  	v10 =	vmin.u32 v10, $0x1FFF;
	v21 =	vand.u32 $0x7FFFFFFF, v21;
	v26 =	vld [tilespmem:s9+$0xFFFFFFF0];
	v20 =	vmul.f32 $1.241212160e+03, v20  }
0x7a: {  	v21 =	vmul.f32 $1.241212160e+03, v21;
	v22 =	vand.u32 $0x7FFFFFFF, v22;
	v27 =	vld [tilespmem:s8+$0xFFFFFFF0];
	v19 =	vtrunc.f32 v19  }
0x7b: {  	v23 =	vand.u32 $0x7FFFFFFF, v23;
	v28 =	vld [tilespmem:s9+$0x0];
	v19 =	vcvt.f32.s32 v19;
	v20 =	vtrunc.f32 v20  }
0x7c: {  	v22 =	vmul.f32 $1.241212160e+03, v22;
	v24 =	vand.u32 $0x7FFFFFFF, v24;
	v29 =	vld [tilespmem:s8+$0x0];
	v20 =	vcvt.f32.s32 v20  }
0x7d: {  	v23 =	vmul.f32 $1.241212160e+03, v23;
	v25 =	vand.u32 $0x7FFFFFFF, v25;
	v30 =	vld [tilespmem:s9+$0x10];
	vm0 =	vgt.s32 v19, $0x0  }
0x7e: {  	v26 =	vand.u32 $0x7FFFFFFF, v26;
	v31 =	vld [tilespmem:s8+$0x10];
	v19 =	vnsel vm0, $0x0, v19;
	vm0 =	vgt.s32 v20, $0x0  }
0x7f: {  	v27 =	vand.u32 $0x7FFFFFFF, v27;
	v32 =	vld [tilespmem:s9+$0x20];
	v19 =	vmin.u32 v19, $0x1FFF;
	v20 =	vnsel vm0, $0x0, v20  }
0x80: {  	v24 =	vmul.f32 $1.241212160e+03, v24;
	v28 =	vand.u32 $0x7FFFFFFF, v28;
	v33 =	vld [tilespmem:s8+$0x20];
	v20 =	vmin.u32 v20, $0x1FFF  }
0x81: {  	v25 =	vmul.f32 $1.241212160e+03, v25;
	v26 =	vmul.f32 $1.241212160e+03, v26;
	v34 =	vld [tilespmem:s9+$0xFFFFFFC0];
	v29 =	vand.u32 $0x7FFFFFFF, v29  }
0x82: {  	v27 =	vmul.f32 $1.241212160e+03, v27;
	v28 =	vmul.f32 $1.241212160e+03, v28;
	v30 =	vand.u32 $0x7FFFFFFF, v30;
	[tilespmem:v18+s16+$0x0] =	vst.idx.add.f32.msk $0xffff, v2  }
0x83: {  	v18 =	vmul.f32 $1.241212160e+03, v29;
	v29 =	vmul.f32 $1.241212160e+03, v30;
	v30 =	vand.u32 $0x7FFFFFFF, v31;
	[tilespmem:v17+s17+$0x0] =	vst.idx.add.f32.msk $0xffff, v2  }
0x84: {  	v17 =	vtrunc.f32 v21;
	v21 =	vmul.f32 $1.241212160e+03, v30;
	v30 =	vand.u32 $0x7FFFFFFF, v32;
	[tilespmem:v19+s16+$0x0] =	vst.idx.add.f32.msk $0xffff, v2  }
0x85: {  	v19 =	vtrunc.f32 v22;
	v22 =	vmul.f32 $1.241212160e+03, v30;
	v30 =	vand.u32 $0x7FFFFFFF, v33;
	[tilespmem:v20+s17+$0x0] =	vst.idx.add.f32.msk $0xffff, v2  }
0x86: {  	v23 =	vtrunc.f32 v23;
	v20 =	vand.u32 $0x7FFFFFFF, v34;
	v30 =	vmul.f32 $1.241212160e+03, v30;
	[tilespmem:v16+s16+$0x0] =	vst.idx.add.f32.msk $0xffff, v2  }
0x87: {  	v16 =	vmul.f32 $1.241212160e+03, v20;
	v20 =	vtrunc.f32 v24;
	[tilespmem:v11+s17+$0x0] =	vst.idx.add.f32.msk $0xffff, v2;
	v11 =	vmin.u32 v13, $0x1FFF  }
0x88: {  	v7 =	vmin.u32 v7, $0x1FFF;
	v13 =	vtrunc.f32 v25;
	v24 =	vtrunc.f32 v26;
	[tilespmem:v15+s16+$0x0] =	vst.idx.add.f32.msk $0xffff, v2  }
0x89: {  	v9 =	vmin.u32 v9, $0x1FFF;
	v15 =	vtrunc.f32 v16;
	v16 =	vtrunc.f32 v27;
	[tilespmem:v14+s17+$0x0] =	vst.idx.add.f32.msk $0xffff, v2  }
0x8a: {  	v8 =	vmin.u32 v8, $0x1FFF;
	v18 =	vtrunc.f32 v18;
	v25 =	vtrunc.f32 v28;
	[tilespmem:v12+s16+$0x0] =	vst.idx.add.f32.msk $0xffff, v2  }
0x8b: {  	v6 =	vmin.u32 v6, $0x1FFF;
	v21 =	vtrunc.f32 v21;
	v26 =	vtrunc.f32 v29;
	[tilespmem:v10+s17+$0x0] =	vst.idx.add.f32.msk $0xffff, v2  }
0x8c: {  	v5 =	vmin.u32 v5, $0x1FFF;
	v22 =	vtrunc.f32 v22;
	v27 =	vtrunc.f32 v30;
	[tilespmem:v11+s16+$0x0] =	vst.idx.add.f32.msk $0xffff, v2  }
0x8d: {  	v17 =	vcvt.f32.s32 v17;
	v28 =	vcvt.f32.s32 v15;
	[tilespmem:v7+s17+$0x0] =	vst.idx.add.f32.msk $0xffff, v2  }
0x8e: {  	v19 =	vcvt.f32.s32 v19;
	v11 =	vcvt.f32.s32 v23;
	[tilespmem:v9+s16+$0x0] =	vst.idx.add.f32.msk $0xffff, v2  }
0x8f: {  	v14 =	vcvt.f32.s32 v13;
	v15 =	vcvt.f32.s32 v20;
	vm11 =	vgt.s32 v28, $0x0;
	[tilespmem:v8+s17+$0x0] =	vst.idx.add.f32.msk $0xffff, v2  }
0x90: {  	vm12 =	vgt.s32 v17, $0x0;
	v12 =	vcvt.f32.s32 v24;
	v10 =	vcvt.f32.s32 v16;
	[tilespmem:v6+s16+$0x0] =	vst.idx.add.f32.msk $0xffff, v2  }
0x91: {  	vm13 =	vgt.s32 v19, $0x0;
	v13 =	vcvt.f32.s32 v25;
	v7 =	vcvt.f32.s32 v18;
	[tilespmem:v5+s17+$0x0] =	vst.idx.add.f32.msk $0xffff, v2  }
0x92: {  	vm5 =	vgt.s32 v11, $0x0;
	v9 =	vcvt.f32.s32 v26;
	v8 =	vcvt.f32.s32 v21  }
.Ltmp3:
0x93: {  	vm9 =	vgt.s32 v15, $0x0;
	v6 =	vcvt.f32.s32 v22;
	v5 =	vcvt.f32.s32 v27;
	(pc) =	sbr.rel @p0 .LBB2_8-.Ltmp3, $4  }
0x94: {  	vm10 =	vgt.s32 v14, $0x0;
	vm8 =	vgt.s32 v12, $0x0;
	vm7 =	vgt.s32 v10, $0x0  }
0x95: {  	vm6 =	vgt.s32 v13, $0x0;
	vm4 =	vgt.s32 v7, $0x0;
	vm2 =	vgt.s32 v9, $0x0  }
0x96: {  	vm3 =	vgt.s32 v8, $0x0;
	vm1 =	vgt.s32 v6, $0x0;
	vm0 =	vgt.s32 v5, $0x0  }
0x97: {  	s9 =	sadd.s32 $0x80, s9;
	v17 =	vnsel vm12, $0x0, v17;
	v16 =	vnsel vm13, $0x0, v19;
	v18 =	vnsel vm11, $0x0, v28  }
0x98: {  	v18 =	vmin.u32 v18, $0x1FFF  }
0x99: {  	v16 =	vmin.u32 v16, $0x1FFF  }
0x9a: {  	v17 =	vmin.u32 v17, $0x1FFF;
	v11 =	vnsel vm5, $0x0, v11  }
0x9b: {  	v15 =	vnsel vm9, $0x0, v15;
	v11 =	vmin.u32 v11, $0x1FFF  }
0x9c: {  	v12 =	vnsel vm8, $0x0, v12;
	v15 =	vmin.u32 v15, $0x1FFF  }
0x9d: {  	v9 =	vnsel vm2, $0x0, v9;
	v12 =	vmin.u32 v12, $0x1FFF;
	[tilespmem:v18+s16+$0x0] =	vst.idx.add.f32.msk $0xffff, v2  }
0x9e: {  	v6 =	vnsel vm1, $0x0, v6;
	v9 =	vmin.u32 v9, $0x1FFF;
	[tilespmem:v16+s16+$0x0] =	vst.idx.add.f32.msk $0xffff, v2  }
0x9f: {  	v14 =	vnsel vm10, $0x0, v14;
	v6 =	vmin.u32 v6, $0x1FFF;
	[tilespmem:v17+s17+$0x0] =	vst.idx.add.f32.msk $0xffff, v2  }
0xa0: {  	v10 =	vnsel vm7, $0x0, v10;
	v14 =	vmin.u32 v14, $0x1FFF;
	[tilespmem:v11+s17+$0x0] =	vst.idx.add.f32.msk $0xffff, v2  }
0xa1: {  	v8 =	vnsel vm3, $0x0, v8;
	v10 =	vmin.u32 v10, $0x1FFF;
	[tilespmem:v15+s16+$0x0] =	vst.idx.add.f32.msk $0xffff, v2  }
0xa2: {  	v5 =	vnsel vm0, $0x0, v5;
	v8 =	vmin.u32 v8, $0x1FFF;
	[tilespmem:v12+s16+$0x0] =	vst.idx.add.f32.msk $0xffff, v2  }
0xa3: {  	v13 =	vnsel vm6, $0x0, v13;
	v5 =	vmin.u32 v5, $0x1FFF;
	[tilespmem:v9+s16+$0x0] =	vst.idx.add.f32.msk $0xffff, v2  }
0xa4: {  	v7 =	vnsel vm4, $0x0, v7;
	v11 =	vmin.u32 v13, $0x1FFF;
	[tilespmem:v6+s16+$0x0] =	vst.idx.add.f32.msk $0xffff, v2  }
0xa5: {  	v7 =	vmin.u32 v7, $0x1FFF;
	[tilespmem:v14+s17+$0x0] =	vst.idx.add.f32.msk $0xffff, v2  }
0xa6: {  	[tilespmem:v10+s17+$0x0] =	vst.idx.add.f32.msk $0xffff, v2  }
0xa7: {  	p0 =	seq.s32 s0, $0x7;
	[tilespmem:v8+s17+$0x0] =	vst.idx.add.f32.msk $0xffff, v2  }
0xa8: {  	s1 =	sadd.s32 @!p0 s1, s13;
	[tilespmem:v5+s17+$0x0] =	vst.idx.add.f32.msk $0xffff, v2  }
0xa9: {  	s1 =	sshrl.u32 @!p0 s1, $0x3;
	[tilespmem:v11+s16+$0x0] =	vst.idx.add.f32.msk $0xffff, v2  }
0xaa: {  	s5 =	simm.s32 @!p0 $0x0;
	s2 =	sadd.s32 @!p0 s4, s1;
	[tilespmem:v7+s17+$0x0] =	vst.idx.add.f32.msk $0xffff, v2  }
0xab: {  	[tilespmem:s5], [sflag:$0x1] =	stream.linear.gather @!p0 [hbm4b:s2+s5], $0x1000, $0x38;
	[tilespmem:$0x1A100] =	vst v63  }
0xac: {  	s1 =	sadd.s32 @!p0 s7, s1;
	s2 =	simm.s32 @!p0 $0x1000  }
0xad: {  	[tilespmem:s2], [sflag:$0x2] =	stream.linear.gather @!p0 [hbm4b:s1+s5], $0x1000, $0x38;
	[tilespmem:$0x1A100] =	vst v63  }
0xae: {  	_ =	swait.ge [sflag:s25], $0x1000  }
0xaf: {  	[sflag:s25] =	ssyncset.done $0x0  }
0xb0: {  	[sflag:s25] =	ssyncadd.s32 $0xFFFFF000  }
0xb1: {  	_ =	swait.ge [sflag:s29], $0x1000  }
0xb2: {  	[sflag:s29] =	ssyncset.done $0x0  }
0xb3: {  	s31 =	simm.s32 $0x2040;
	[sflag:s29] =	ssyncadd.s32 $0xFFFFF000  }
0xb4: {  	s1 =	simm.s32 $0x3040;
	v5 =	vld [tilespmem:s31+$0x30]  }
0xb5: {  	v6 =	vld [tilespmem:s1+$0x30]  }
0xb6: {  	v7 =	vld [tilespmem:s1+$0xFFFFFFC0]  }
0xb7: {  	v8 =	vld [tilespmem:s31+$0xFFFFFFD0]  }
0xb8: {  	v9 =	vld [tilespmem:s1+$0xFFFFFFD0]  }
0xb9: {  	v10 =	vld [tilespmem:s31+$0xFFFFFFE0]  }
0xba: {  	v11 =	vld [tilespmem:s1+$0xFFFFFFE0]  }
0xbb: {  	v12 =	vld [tilespmem:s31+$0xFFFFFFF0]  }
0xbc: {  	v13 =	vld [tilespmem:s1+$0xFFFFFFF0]  }
0xbd: {  	v14 =	vld [tilespmem:s31+$0x0]  }
0xbe: {  	v15 =	vld [tilespmem:s1+$0x0];
	v5 =	vand.u32 $0x7FFFFFFF, v5  }
0xbf: {  	v16 =	vld [tilespmem:s31+$0x10];
	v6 =	vand.u32 $0x7FFFFFFF, v6;
	v7 =	vand.u32 $0x7FFFFFFF, v7;
	v8 =	vand.u32 $0x7FFFFFFF, v8  }
0xc0: {  	v17 =	vld [tilespmem:s1+$0x10];
	v9 =	vand.u32 $0x7FFFFFFF, v9;
	v10 =	vand.u32 $0x7FFFFFFF, v10;
	v11 =	vand.u32 $0x7FFFFFFF, v11  }
0xc1: {  	v18 =	vld [tilespmem:s31+$0x20];
	v12 =	vand.u32 $0x7FFFFFFF, v12;
	v13 =	vand.u32 $0x7FFFFFFF, v13;
	v5 =	vmul.f32 $1.241212160e+03, v5  }
0xc2: {  	v19 =	vld [tilespmem:s1+$0x20];
	v14 =	vand.u32 $0x7FFFFFFF, v14;
	v6 =	vmul.f32 $1.241212160e+03, v6;
	v7 =	vmul.f32 $1.241212160e+03, v7  }
0xc3: {  	v20 =	vld [tilespmem:s31+$0xFFFFFFC0];
	v15 =	vand.u32 $0x7FFFFFFF, v15;
	v8 =	vmul.f32 $1.241212160e+03, v8;
	v9 =	vmul.f32 $1.241212160e+03, v9  }
0xc4: {  	v16 =	vand.u32 $0x7FFFFFFF, v16;
	v10 =	vmul.f32 $1.241212160e+03, v10;
	v11 =	vmul.f32 $1.241212160e+03, v11  }
0xc5: {  	v17 =	vand.u32 $0x7FFFFFFF, v17;
	v12 =	vmul.f32 $1.241212160e+03, v12;
	v13 =	vmul.f32 $1.241212160e+03, v13  }
0xc6: {  	v18 =	vand.u32 $0x7FFFFFFF, v18;
	v14 =	vmul.f32 $1.241212160e+03, v14;
	v15 =	vmul.f32 $1.241212160e+03, v15  }
0xc7: {  	v19 =	vand.u32 $0x7FFFFFFF, v19;
	v16 =	vmul.f32 $1.241212160e+03, v16;
	v17 =	vmul.f32 $1.241212160e+03, v17  }
0xc8: {  	v20 =	vand.u32 $0x7FFFFFFF, v20;
	v18 =	vmul.f32 $1.241212160e+03, v18;
	v19 =	vmul.f32 $1.241212160e+03, v19  }
0xc9: {  	v20 =	vmul.f32 $1.241212160e+03, v20;
	v5 =	vtrunc.f32 v5  }
0xca: {  	v6 =	vtrunc.f32 v6;
	v7 =	vtrunc.f32 v7  }
0xcb: {  	v8 =	vtrunc.f32 v8;
	v9 =	vtrunc.f32 v9  }
0xcc: {  	v10 =	vtrunc.f32 v10;
	v21 =	vtrunc.f32 v11  }
0xcd: {  	v12 =	vtrunc.f32 v12;
	v11 =	vtrunc.f32 v20  }
0xce: {  	v13 =	vtrunc.f32 v13;
	v20 =	vtrunc.f32 v14  }
0xcf: {  	v22 =	vtrunc.f32 v15;
	v16 =	vtrunc.f32 v16  }
0xd0: {  	v17 =	vtrunc.f32 v17;
	v5 =	vcvt.f32.s32 v5  }
0xd1: {  	v6 =	vcvt.f32.s32 v6;
	v24 =	vcvt.f32.s32 v7  }
0xd2: {  	v26 =	vcvt.f32.s32 v8;
	v15 =	vcvt.f32.s32 v10  }
0xd3: {  	v14 =	vcvt.f32.s32 v21;
	v12 =	vcvt.f32.s32 v12  }
0xd4: {  	v10 =	vcvt.f32.s32 v13;
	v13 =	vcvt.f32.s32 v20  }
0xd5: {  	v7 =	vcvt.f32.s32 v22;
	v8 =	vcvt.f32.s32 v17  }
0xd6: {  	vm0 =	vgt.s32 v5, $0x0;
	vm12 =	vgt.s32 v24, $0x0;
	vm13 =	vgt.s32 v26, $0x0  }
0xd7: {  	vm9 =	vgt.s32 v15, $0x0;
	vm10 =	vgt.s32 v14, $0x0;
	vm8 =	vgt.s32 v12, $0x0  }
0xd8: {  	vm7 =	vgt.s32 v10, $0x0;
	v5 =	vnsel vm0, $0x0, v5;
	vm0 =	vgt.s32 v6, $0x0  }
0xd9: {  	vm6 =	vgt.s32 v13, $0x0;
	v23 =	vmin.u32 v5, $0x1FFF;
	v6 =	vnsel vm0, $0x0, v6  }
0xda: {  	vm4 =	vgt.s32 v7, $0x0;
	v5 =	vtrunc.f32 v18;
	v25 =	vmin.u32 v6, $0x1FFF  }
0xdb: {  	vm3 =	vgt.s32 v8, $0x0;
	v18 =	vtrunc.f32 v19;
	v19 =	vcvt.f32.s32 v11  }
0xdc: {  	v17 =	vnsel vm12, $0x0, v24;
	v11 =	vcvt.f32.s32 v9;
	v9 =	vcvt.f32.s32 v16  }
0xdd: {  	v16 =	vnsel vm13, $0x0, v26;
	v6 =	vcvt.f32.s32 v5;
	v5 =	vcvt.f32.s32 v18  }
0xde: {  	vm11 =	vgt.s32 v19, $0x0;
	vm5 =	vgt.s32 v11, $0x0;
	vm2 =	vgt.s32 v9, $0x0;
	[tilespmem:v23+s16+$0x0] =	vst.idx.add.f32.msk $0xffff, v2  }
0xdf: {  	s8 =	simm.s32 $0x20C0;
	s2 =	simm.s32 $0x0;
	vm1 =	vgt.s32 v6, $0x0;
	vm0 =	vgt.s32 v5, $0x0;
	v18 =	vnsel vm11, $0x0, v19;
	[tilespmem:v25+s17+$0x0] =	vst.idx.add.f32.msk $0xffff, v2  }
.LBB2_10:
0xe0: {  	v19 =	vld [tilespmem:s8+$0x30];
	v11 =	vnsel vm5, $0x0, v11;
	v15 =	vnsel vm9, $0x0, v15;
	v14 =	vnsel vm10, $0x0, v14;
	s1 =	sadd.s32 $0x80, s1  }
0xe1: {  	s2 =	sadd.s32 $0x8, s2;
	v12 =	vnsel vm8, $0x0, v12;
	v10 =	vnsel vm7, $0x0, v10;
	v13 =	vnsel vm6, $0x0, v13;
	v20 =	vld [tilespmem:s1+$0x30]  }
0xe2: {  	v7 =	vnsel vm4, $0x0, v7;
	v9 =	vnsel vm2, $0x0, v9;
	v8 =	vnsel vm3, $0x0, v8;
	p0 =	slt.u32 s2, $0xF8;
	v21 =	vld [tilespmem:s1+$0xFFFFFFC0]  }
0xe3: {  	v18 =	vmin.u32 v18, $0x1FFF;
	v6 =	vnsel vm1, $0x0, v6;
	v5 =	vnsel vm0, $0x0, v5;
	v22 =	vld [tilespmem:s8+$0xFFFFFFD0]  }
0xe4: {  	v17 =	vmin.u32 v17, $0x1FFF;
	v16 =	vmin.u32 v16, $0x1FFF;
	v11 =	vmin.u32 v11, $0x1FFF;
	v23 =	vld [tilespmem:s1+$0xFFFFFFD0]  }
0xe5: {  	v15 =	vmin.u32 v15, $0x1FFF;
	v14 =	vmin.u32 v14, $0x1FFF;
	v24 =	vld [tilespmem:s8+$0xFFFFFFE0];
	v19 =	vand.u32 $0x7FFFFFFF, v19  }
0xe6: {  	v12 =	vmin.u32 v12, $0x1FFF;
	v25 =	vld [tilespmem:s1+$0xFFFFFFE0];
	v19 =	vmul.f32 $1.241212160e+03, v19;
	v20 =	vand.u32 $0x7FFFFFFF, v20  }
0xe7: {  	v10 =	vmin.u32 v10, $0x1FFF;
	v21 =	vand.u32 $0x7FFFFFFF, v21;
	v26 =	vld [tilespmem:s8+$0xFFFFFFF0];
	v20 =	vmul.f32 $1.241212160e+03, v20  }
0xe8: {  	v21 =	vmul.f32 $1.241212160e+03, v21;
	v22 =	vand.u32 $0x7FFFFFFF, v22;
	v27 =	vld [tilespmem:s1+$0xFFFFFFF0];
	v19 =	vtrunc.f32 v19  }
0xe9: {  	v23 =	vand.u32 $0x7FFFFFFF, v23;
	v28 =	vld [tilespmem:s8+$0x0];
	v19 =	vcvt.f32.s32 v19;
	v20 =	vtrunc.f32 v20  }
0xea: {  	v22 =	vmul.f32 $1.241212160e+03, v22;
	v24 =	vand.u32 $0x7FFFFFFF, v24;
	v29 =	vld [tilespmem:s1+$0x0];
	v20 =	vcvt.f32.s32 v20  }
0xeb: {  	v23 =	vmul.f32 $1.241212160e+03, v23;
	v25 =	vand.u32 $0x7FFFFFFF, v25;
	v30 =	vld [tilespmem:s8+$0x10];
	vm0 =	vgt.s32 v19, $0x0  }
0xec: {  	v26 =	vand.u32 $0x7FFFFFFF, v26;
	v31 =	vld [tilespmem:s1+$0x10];
	v19 =	vnsel vm0, $0x0, v19;
	vm0 =	vgt.s32 v20, $0x0  }
0xed: {  	v27 =	vand.u32 $0x7FFFFFFF, v27;
	v32 =	vld [tilespmem:s8+$0x20];
	v19 =	vmin.u32 v19, $0x1FFF;
	v20 =	vnsel vm0, $0x0, v20  }
0xee: {  	v24 =	vmul.f32 $1.241212160e+03, v24;
	v28 =	vand.u32 $0x7FFFFFFF, v28;
	v33 =	vld [tilespmem:s1+$0x20];
	v20 =	vmin.u32 v20, $0x1FFF  }
0xef: {  	v25 =	vmul.f32 $1.241212160e+03, v25;
	v26 =	vmul.f32 $1.241212160e+03, v26;
	v34 =	vld [tilespmem:s8+$0xFFFFFFC0];
	v29 =	vand.u32 $0x7FFFFFFF, v29  }
0xf0: {  	v27 =	vmul.f32 $1.241212160e+03, v27;
	v28 =	vmul.f32 $1.241212160e+03, v28;
	v30 =	vand.u32 $0x7FFFFFFF, v30;
	[tilespmem:v18+s16+$0x0] =	vst.idx.add.f32.msk $0xffff, v2  }
0xf1: {  	v18 =	vmul.f32 $1.241212160e+03, v29;
	v29 =	vmul.f32 $1.241212160e+03, v30;
	v30 =	vand.u32 $0x7FFFFFFF, v31;
	[tilespmem:v17+s17+$0x0] =	vst.idx.add.f32.msk $0xffff, v2  }
0xf2: {  	v17 =	vtrunc.f32 v21;
	v21 =	vmul.f32 $1.241212160e+03, v30;
	v30 =	vand.u32 $0x7FFFFFFF, v32;
	[tilespmem:v19+s16+$0x0] =	vst.idx.add.f32.msk $0xffff, v2  }
0xf3: {  	v19 =	vtrunc.f32 v22;
	v22 =	vmul.f32 $1.241212160e+03, v30;
	v30 =	vand.u32 $0x7FFFFFFF, v33;
	[tilespmem:v20+s17+$0x0] =	vst.idx.add.f32.msk $0xffff, v2  }
0xf4: {  	v23 =	vtrunc.f32 v23;
	v20 =	vand.u32 $0x7FFFFFFF, v34;
	v30 =	vmul.f32 $1.241212160e+03, v30;
	[tilespmem:v16+s16+$0x0] =	vst.idx.add.f32.msk $0xffff, v2  }
0xf5: {  	v16 =	vmul.f32 $1.241212160e+03, v20;
	v20 =	vtrunc.f32 v24;
	[tilespmem:v11+s17+$0x0] =	vst.idx.add.f32.msk $0xffff, v2;
	v11 =	vmin.u32 v13, $0x1FFF  }
0xf6: {  	v7 =	vmin.u32 v7, $0x1FFF;
	v13 =	vtrunc.f32 v25;
	v24 =	vtrunc.f32 v26;
	[tilespmem:v15+s16+$0x0] =	vst.idx.add.f32.msk $0xffff, v2  }
0xf7: {  	v9 =	vmin.u32 v9, $0x1FFF;
	v15 =	vtrunc.f32 v16;
	v16 =	vtrunc.f32 v27;
	[tilespmem:v14+s17+$0x0] =	vst.idx.add.f32.msk $0xffff, v2  }
0xf8: {  	v8 =	vmin.u32 v8, $0x1FFF;
	v18 =	vtrunc.f32 v18;
	v25 =	vtrunc.f32 v28;
	[tilespmem:v12+s16+$0x0] =	vst.idx.add.f32.msk $0xffff, v2  }
0xf9: {  	v6 =	vmin.u32 v6, $0x1FFF;
	v21 =	vtrunc.f32 v21;
	v26 =	vtrunc.f32 v29;
	[tilespmem:v10+s17+$0x0] =	vst.idx.add.f32.msk $0xffff, v2  }
0xfa: {  	v5 =	vmin.u32 v5, $0x1FFF;
	v22 =	vtrunc.f32 v22;
	v27 =	vtrunc.f32 v30;
	[tilespmem:v11+s16+$0x0] =	vst.idx.add.f32.msk $0xffff, v2  }
0xfb: {  	v17 =	vcvt.f32.s32 v17;
	v28 =	vcvt.f32.s32 v15;
	[tilespmem:v7+s17+$0x0] =	vst.idx.add.f32.msk $0xffff, v2  }
0xfc: {  	v19 =	vcvt.f32.s32 v19;
	v11 =	vcvt.f32.s32 v23;
	[tilespmem:v9+s16+$0x0] =	vst.idx.add.f32.msk $0xffff, v2  }
0xfd: {  	v14 =	vcvt.f32.s32 v13;
	v15 =	vcvt.f32.s32 v20;
	vm11 =	vgt.s32 v28, $0x0;
	[tilespmem:v8+s17+$0x0] =	vst.idx.add.f32.msk $0xffff, v2  }
0xfe: {  	vm12 =	vgt.s32 v17, $0x0;
	v12 =	vcvt.f32.s32 v24;
	v10 =	vcvt.f32.s32 v16;
	[tilespmem:v6+s16+$0x0] =	vst.idx.add.f32.msk $0xffff, v2  }
0xff: {  	vm13 =	vgt.s32 v19, $0x0;
	v13 =	vcvt.f32.s32 v25;
	v7 =	vcvt.f32.s32 v18;
	[tilespmem:v5+s17+$0x0] =	vst.idx.add.f32.msk $0xffff, v2  }
0x100: {  	vm5 =	vgt.s32 v11, $0x0;
	v9 =	vcvt.f32.s32 v26;
	v8 =	vcvt.f32.s32 v21  }
.Ltmp4:
0x101: {  	vm9 =	vgt.s32 v15, $0x0;
	v6 =	vcvt.f32.s32 v22;
	v5 =	vcvt.f32.s32 v27;
	(pc) =	sbr.rel @p0 .LBB2_10-.Ltmp4, $4  }
0x102: {  	vm10 =	vgt.s32 v14, $0x0;
	vm8 =	vgt.s32 v12, $0x0;
	vm7 =	vgt.s32 v10, $0x0  }
0x103: {  	vm6 =	vgt.s32 v13, $0x0;
	vm4 =	vgt.s32 v7, $0x0;
	vm2 =	vgt.s32 v9, $0x0  }
0x104: {  	vm3 =	vgt.s32 v8, $0x0;
	vm1 =	vgt.s32 v6, $0x0;
	vm0 =	vgt.s32 v5, $0x0  }
0x105: {  	s8 =	sadd.s32 $0x80, s8;
	v17 =	vnsel vm12, $0x0, v17;
	v16 =	vnsel vm13, $0x0, v19;
	v18 =	vnsel vm11, $0x0, v28  }
0x106: {  	v18 =	vmin.u32 v18, $0x1FFF  }
0x107: {  	v16 =	vmin.u32 v16, $0x1FFF  }
0x108: {  	v17 =	vmin.u32 v17, $0x1FFF;
	v11 =	vnsel vm5, $0x0, v11  }
0x109: {  	v15 =	vnsel vm9, $0x0, v15;
	v11 =	vmin.u32 v11, $0x1FFF  }
0x10a: {  	v12 =	vnsel vm8, $0x0, v12;
	v15 =	vmin.u32 v15, $0x1FFF  }
0x10b: {  	v13 =	vnsel vm6, $0x0, v13;
	v12 =	vmin.u32 v12, $0x1FFF;
	[tilespmem:v18+s16+$0x0] =	vst.idx.add.f32.msk $0xffff, v2  }
0x10c: {  	v9 =	vnsel vm2, $0x0, v9;
	v63 =	vmin.u32 v13, $0x1FFF;
	[tilespmem:v16+s16+$0x0] =	vst.idx.add.f32.msk $0xffff, v2  }
0x10d: {  	v6 =	vnsel vm1, $0x0, v6;
	v9 =	vmin.u32 v9, $0x1FFF;
	[tilespmem:v17+s17+$0x0] =	vst.idx.add.f32.msk $0xffff, v2  }
0x10e: {  	v14 =	vnsel vm10, $0x0, v14;
	v6 =	vmin.u32 v6, $0x1FFF;
	[tilespmem:v11+s17+$0x0] =	vst.idx.add.f32.msk $0xffff, v2  }
0x10f: {  	v10 =	vnsel vm7, $0x0, v10;
	v14 =	vmin.u32 v14, $0x1FFF;
	[tilespmem:v15+s16+$0x0] =	vst.idx.add.f32.msk $0xffff, v2  }
0x110: {  	v7 =	vnsel vm4, $0x0, v7;
	v10 =	vmin.u32 v10, $0x1FFF;
	[tilespmem:v12+s16+$0x0] =	vst.idx.add.f32.msk $0xffff, v2  }
0x111: {  	v8 =	vnsel vm3, $0x0, v8;
	v7 =	vmin.u32 v7, $0x1FFF;
	[tilespmem:v63+s16+$0x0] =	vst.idx.add.f32.msk $0xffff, v2  }
0x112: {  	v5 =	vnsel vm0, $0x0, v5;
	s0 =	sadd.s32 $0x1, s0;
	v8 =	vmin.u32 v8, $0x1FFF;
	[tilespmem:v9+s16+$0x0] =	vst.idx.add.f32.msk $0xffff, v2  }
0x113: {  	v5 =	vmin.u32 v5, $0x1FFF;
	p0 =	sne.s32 s0, $0x8;
	[tilespmem:v6+s16+$0x0] =	vst.idx.add.f32.msk $0xffff, v2  }
.Ltmp5:
0x114: {  	[tilespmem:v14+s17+$0x0] =	vst.idx.add.f32.msk $0xffff, v2;
	(pc) =	sbr.rel @p0 .LBB2_7-.Ltmp5, $4  }
0x115: {  	[tilespmem:v10+s17+$0x0] =	vst.idx.add.f32.msk $0xffff, v2  }
0x116: {  	[tilespmem:v7+s17+$0x0] =	vst.idx.add.f32.msk $0xffff, v2  }
0x117: {  	[tilespmem:v8+s17+$0x0] =	vst.idx.add.f32.msk $0xffff, v2  }
0x118: {  	[tilespmem:v5+s17+$0x0] =	vst.idx.add.f32.msk $0xffff, v2  }
0x119: {  	s26 =	simm.f32 $0.0e+00;
	s2 =	simm.s32 $0x0;
	s12 =	simm.s32 $0x6000  }
0x11a: {  	s28 =	simm.f32 $0.0e+00;
	s29 =	simm.f32 $0.0e+00;
	s30 =	simm.f32 $0.0e+00  }
0x11b: {  	s31 =	simm.f32 $0.0e+00;
	s0 =	simm.f32 $0.0e+00;
	s1 =	simm.f32 $0.0e+00  }
0x11c: {  	s11 =	simm.f32 $0.0e+00;
	s10 =	simm.f32 $0.0e+00;
	s23 =	simm.f32 $0.0e+00  }
0x11d: {  	s24 =	simm.f32 $0.0e+00;
	s8 =	simm.f32 $0.0e+00;
	s9 =	simm.f32 $0.0e+00  }
0x11e: {  	s25 =	simm.f32 $0.0e+00;
	s21 =	simm.f32 $0.0e+00;
	s13 =	simm.f32 $0.0e+00  }
.LBB2_13:
0x11f: {  	v5 =	vld [tilespmem:s12+$0x0];
	_ =	sdelay $0x4  }
0x120: {  	(xrf2) =	vadd.scan.msk.f32 $0xffff, v5;
	_ =	sdelay $0x9  }
0x121: {  	v6, _, _ =	vpop (xrf2)  }
0x122: {  	s5 =	sadd.f32 $0.0e+00, s13;
	v5 =	vsub.f32 v6, v5;
	_ =	sdelay $0x1  }
0x123: {  	v5 =	vadd.f32 s5, v5;
	_ =	sdelay $0x1  }
0x124: {  	s22 =	sand.u32 $0x1F0, s2;
	[tilespmem:s12+$0x0] =	vst v5  }
0x125: {  	v5 =	vld [tilespmem:s22+$0x6200];
	_ =	sdelay $0x1  }
0x126: {  	v7 =	vld [tilespmem:s22+$0x6400];
	_ =	sdelay $0x1  }
0x127: {  	v8 =	vld [tilespmem:s22+$0x6600]  }
0x128: {  	(xrf2) =	vadd.scan.msk.f32 $0xffff, v5  }
0x129: {  	v9 =	vld [tilespmem:s22+$0x6800]  }
0x12a: {  	v10 =	vld [tilespmem:s22+$0x6A00];
	(xrf2) =	vadd.scan.msk.f32 $0xffff, v7;
	_ =	sdelay $0x1  }
0x12b: {  	(xrf2) =	vadd.scan.msk.f32 $0xffff, v8;
	_ =	sdelay $0x1  }
0x12c: {  	v11 =	vld [tilespmem:s22+$0x6C00];
	(xrf2) =	vadd.scan.msk.f32 $0xffff, v9  }
0x12d: {  	(v2sf) =	vpush v6, $0xF;
	v12 =	vld [tilespmem:s22+$0x6E00];
	(xrf2) =	vadd.scan.msk.f32 $0xffff, v10;
	_ =	sdelay $0x2  }
0x12e: {  	v6 =	vld [tilespmem:s22+$0x7000];
	v13, _, _ =	vpop (xrf2)  }
0x12f: {  	v14 =	vld [tilespmem:s22+$0x7200];
	(xrf2) =	vadd.scan.msk.f32 $0xffff, v11;
	(v2sf) =	vpush v13, $0xF  }
0x130: {  	v16 =	vld [tilespmem:s22+$0x7400];
	v15, _, _ =	vpop (xrf2);
	(xrf2) =	vadd.scan.msk.f32 $0xffff, v12  }
0x131: {  	(v2sf) =	vpush v15, $0xF  }
0x132: {  	v17, _, _ =	vpop (xrf2)  }
0x133: {  	(xrf2) =	vadd.scan.msk.f32 $0xffff, v6;
	(v2sf) =	vpush v17, $0xF  }
0x134: {  	v19, _, _ =	vpop (xrf2);
	(xrf2) =	vadd.scan.msk.f32 $0xffff, v14  }
0x135: {  	v18 =	vld [tilespmem:s22+$0x7600];
	v20, _, _ =	vpop (xrf2);
	(xrf2) =	vadd.scan.msk.f32 $0xffff, v16  }
0x136: {  	(v2sf) =	vpush v19, $0xF  }
0x137: {  	v22 =	vld [tilespmem:s22+$0x7800]  }
0x138: {  	v23 =	vld [tilespmem:s22+$0x7A00]  }
0x139: {  	v25 =	vld [tilespmem:s22+$0x7C00];
	(v2sf) =	vpush v20, $0xF;
	v21, _, _ =	vpop (xrf2)  }
0x13a: {  	v26 =	vld [tilespmem:s22+$0x7E00];
	s6 =	spop (v2sf);
	(xrf2) =	vadd.scan.msk.f32 $0xffff, v18;
	(v2sf) =	vpush v21, $0xF;
	v24, _, _ =	vpop (xrf2)  }
0x13b: {  	s13 =	sadd.f32 s6, s13;
	(v2sf) =	vpush v24, $0xF  }
0x13c: {  	s6 =	sadd.f32 $0.0e+00, s21;
	v5 =	vsub.f32 v13, v5;
	(xrf2) =	vadd.scan.msk.f32 $0xffff, v22  }
0x13d: {  	s3 =	sadd.f32 $0.0e+00, s9;
	v27, _, _ =	vpop (xrf2);
	(xrf2) =	vadd.scan.msk.f32 $0xffff, v23  }
0x13e: {  	v5 =	vadd.f32 s6, v5;
	s6 =	sadd.f32 $0.0e+00, s10;
	(v2sf) =	vpush v27, $0xF;
	v28, _, _ =	vpop (xrf2);
	(xrf2) =	vadd.scan.msk.f32 $0xffff, v25;
	s7 =	spop (v2sf)  }
0x13f: {  	v29, _, _ =	vpop (xrf2);
	(xrf2) =	vadd.scan.msk.f32 $0xffff, v26;
	s21 =	sadd.f32 s7, s21  }
0x140: {  	s14 =	spop (v2sf);
	s7 =	sadd.f32 $0.0e+00, s25  }
0x141: {  	s25 =	sadd.f32 s14, s25  }
0x142: {  	(v2sf) =	vpush v28, $0xF;
	s15 =	spop (v2sf);
	s14 =	sadd.f32 $0.0e+00, s8  }
0x143: {  	v7 =	vsub.f32 v15, v7;
	(v2sf) =	vpush v29, $0xF;
	s9 =	sadd.f32 s15, s9  }
0x144: {  	v9 =	vsub.f32 v19, v9;
	s15 =	sadd.f32 $0.0e+00, s24;
	v30, _, _ =	vpop (xrf2)  }
0x145: {  	s18 =	spop (v2sf);
	v7 =	vadd.f32 s7, v7;
	s7 =	sadd.f32 $0.0e+00, s11;
	(v2sf) =	vpush v30, $0xF  }
0x146: {  	v8 =	vsub.f32 v17, v8;
	[tilespmem:s22+$0x6200] =	vst v5;
	v5 =	vsub.f32 v20, v10;
	s8 =	sadd.f32 s18, s8;
	v31, _, _ =	vpop (xrf2)  }
0x147: {  	s18 =	sadd.f32 $0.0e+00, s23;
	v9 =	vadd.f32 s14, v9;
	v59, _, _ =	vpop (xrf2);
	(v2sf) =	vpush v31, $0xF  }
0x148: {  	s19 =	spop (v2sf);
	s14 =	sadd.f32 $0.0e+00, s1;
	v5 =	vadd.f32 s15, v5;
	v32, _, _ =	vpop (xrf2);
	(v2sf) =	vpush v59, $0xF  }
0x149: {  	s24 =	sadd.f32 s19, s24;
	[tilespmem:s22+$0x6400] =	vst v7;
	v7 =	vsub.f32 v21, v11;
	v60, _, _ =	vpop (xrf2);
	s4 =	spop (v2sf);
	(v2sf) =	vpush v32, $0xF  }
0x14a: {  	s15 =	sadd.f32 $0.0e+00, s31;
	[tilespmem:s22+$0x6A00] =	vst v5;
	v5 =	vsub.f32 v28, v14;
	s19 =	spop (v2sf);
	(v2sf) =	vpush v60, $0xF  }
0x14b: {  	v7 =	vadd.f32 s18, v7;
	s18 =	sadd.f32 $0.0e+00, s30  }
0x14c: {  	v8 =	vadd.f32 s3, v8;
	v5 =	vadd.f32 s14, v5;
	s14 =	sadd.f32 $0.0e+00, s26  }
0x14d: {  	v61 =	vsub.f32 v24, v12;
	s23 =	sadd.f32 s4, s23;
	s4 =	spop (v2sf)  }
0x14e: {  	[tilespmem:s22+$0x6600] =	vst v8;
	v6 =	vsub.f32 v27, v6;
	s11 =	sadd.f32 s4, s11  }
0x14f: {  	v8 =	vadd.f32 s6, v61;
	[tilespmem:s22+$0x6C00] =	vst v7;
	v7 =	vsub.f32 v29, v16;
	s4 =	sadd.f32 $0.0e+00, s0  }
0x150: {  	s10 =	sadd.f32 s19, s10  }
0x151: {  	[tilespmem:s22+$0x6E00] =	vst v8;
	v6 =	vadd.f32 s7, v6;
	s5 =	spop (v2sf);
	v7 =	vadd.f32 s4, v7;
	s4 =	sadd.f32 $0.0e+00, s28  }
0x152: {  	v62 =	vsub.f32 v30, v18;
	[tilespmem:s22+$0x6800] =	vst v9;
	s1 =	sadd.f32 s5, s1;
	s19 =	spop (v2sf)  }
0x153: {  	[tilespmem:s22+$0x7000] =	vst v6;
	v6 =	vsub.f32 v31, v22;
	s0 =	sadd.f32 s19, s0  }
0x154: {  	v8 =	vadd.f32 s15, v62;
	[tilespmem:s22+$0x7200] =	vst v5;
	v5 =	vsub.f32 v59, v23;
	s19 =	sadd.f32 $0.0e+00, s29;
	s6 =	spop (v2sf)  }
0x155: {  	p0 =	sne.s32 s2, $0x1F0;
	v6 =	vadd.f32 s18, v6;
	[tilespmem:s22+$0x7400] =	vst v7;
	v7 =	vsub.f32 v32, v25;
	s31 =	sadd.f32 s6, s31  }
.Ltmp6:
0x156: {  	[tilespmem:s22+$0x7600] =	vst v8;
	v63 =	vsub.f32 v60, v26;
	v5 =	vadd.f32 s19, v5;
	s7 =	spop (v2sf);
	(pc) =	sbr.rel @p0 .LBB2_13-.Ltmp6, $4  }
0x157: {  	[tilespmem:s22+$0x7800] =	vst v6;
	v6 =	vadd.f32 s4, v7;
	s30 =	sadd.f32 s7, s30;
	s15 =	spop (v2sf)  }
0x158: {  	[tilespmem:s22+$0x7A00] =	vst v5;
	v5 =	vadd.f32 s14, v63;
	s29 =	sadd.f32 s15, s29;
	s18 =	spop (v2sf)  }
0x159: {  	[tilespmem:s22+$0x7C00] =	vst v6;
	s28 =	sadd.f32 s18, s28;
	s19 =	spop (v2sf)  }
0x15a: {  	s2 =	sadd.s32 $0x10, s2;
	s12 =	sadd.s32 $0x10, s12;
	[tilespmem:s22+$0x7E00] =	vst v5;
	s26 =	sadd.f32 s19, s26  }
0x15b: {  	s12 =	simm.s32 $0x6230  }
0x15c: {  	v6 =	vld [tilespmem:s12+$0x0]  }
0x15d: {  	v8 =	vld [tilespmem:s12+$0xFFFFFFF0]  }
0x15e: {  	s2 =	sadd.f32 $0.0e+00, s13;
	s5 =	simm.s32 $0x0;
	v9 =	vld [tilespmem:s12+$0xFFFFFFE0]  }
0x15f: {  	s5 =	sand.u32 $0x1C0, s5  }
0x160: {  	v5 =	vmov s2;
	v10 =	vld [tilespmem:s5+$0x6200]  }
0x161: {  	s6 =	simm.s32 $0x6270;
	v11 =	vadd.f32 v6, v5  }
0x162: {  	v7 =	vld [tilespmem:s6+$0x0];
	v12 =	vadd.f32 v8, v5  }
0x163: {  	s7 =	simm.s32 $0x40;
	v6 =	vld [tilespmem:s6+$0xFFFFFFF0];
	v13 =	vadd.f32 v9, v5;
	[tilespmem:s12+$0x0] =	vst v11  }
0x164: {  	s22 =	sand.u32 $0x1C0, s7;
	v8 =	vld [tilespmem:s6+$0xFFFFFFE0];
	[tilespmem:s12+$0xFFFFFFF0] =	vst v12  }
0x165: {  	s13 =	simm.s32 $0x4;
	v9 =	vld [tilespmem:s22+$0x6200];
	v10 =	vadd.f32 v10, v5;
	[tilespmem:s12+$0xFFFFFFE0] =	vst v13;
	s12 =	simm.s32 $0x6270  }
.LBB2_15:
0x166: {  	s13 =	sadd.s32 $0x4, s13  }
0x167: {  	[tilespmem:s5+$0x6200] =	vst v10;
	s5 =	smov.u32 s22;
	p0 =	slt.u32 s13, $0x1C  }
.Ltmp7:
0x168: {  	s6 =	sadd.s32 $0x40, s6;
	v10 =	vadd.f32 v7, v5;
	(pc) =	sbr.rel @p0 .LBB2_15-.Ltmp7, $4  }
0x169: {  	v7 =	vld [tilespmem:s6+$0x0];
	v11 =	vadd.f32 v6, v5  }
0x16a: {  	s7 =	sadd.s32 $0x40, s7;
	v6 =	vld [tilespmem:s6+$0xFFFFFFF0];
	v12 =	vadd.f32 v8, v5;
	[tilespmem:s12+$0x0] =	vst v10  }
0x16b: {  	s22 =	sand.u32 $0x1C0, s7;
	v8 =	vld [tilespmem:s6+$0xFFFFFFE0];
	v10 =	vadd.f32 v9, v5;
	[tilespmem:s12+$0xFFFFFFF0] =	vst v11  }
0x16c: {  	v9 =	vld [tilespmem:s22+$0x6200];
	[tilespmem:s12+$0xFFFFFFE0] =	vst v12;
	s12 =	smov.u32 s6  }
0x16d: {  	_ = 	snop  }
0x16e: {  	v7 =	vadd.f32 v7, v5  }
0x16f: {  	[tilespmem:s5+$0x6200] =	vst v10;
	v6 =	vadd.f32 v6, v5  }
0x170: {  	v8 =	vadd.f32 v8, v5;
	[tilespmem:s12+$0x0] =	vst v7  }
0x171: {  	v5 =	vadd.f32 v9, v5;
	[tilespmem:s12+$0xFFFFFFF0] =	vst v6  }
0x172: {  	[tilespmem:s12+$0xFFFFFFE0] =	vst v8  }
0x173: {  	s19 =	simm.s32 $0x6430;
	[tilespmem:s22+$0x6200] =	vst v5  }
0x174: {  	v6 =	vld [tilespmem:s19+$0x0]  }
0x175: {  	v8 =	vld [tilespmem:s19+$0xFFFFFFF0]  }
0x176: {  	s2 =	sadd.f32 s21, s2;
	s22 =	simm.s32 $0x0;
	v9 =	vld [tilespmem:s19+$0xFFFFFFE0]  }
0x177: {  	s5 =	sand.u32 $0x1C0, s22  }
0x178: {  	v5 =	vmov s2;
	v10 =	vld [tilespmem:s5+$0x6400]  }
0x179: {  	s6 =	simm.s32 $0x6470;
	v11 =	vadd.f32 v6, v5  }
0x17a: {  	v7 =	vld [tilespmem:s6+$0x0];
	v12 =	vadd.f32 v8, v5  }
0x17b: {  	s7 =	simm.s32 $0x40;
	v6 =	vld [tilespmem:s6+$0xFFFFFFF0];
	v13 =	vadd.f32 v9, v5;
	[tilespmem:s19+$0x0] =	vst v11  }
0x17c: {  	s21 =	sand.u32 $0x1C0, s7;
	v8 =	vld [tilespmem:s6+$0xFFFFFFE0];
	[tilespmem:s19+$0xFFFFFFF0] =	vst v12  }
0x17d: {  	s13 =	simm.s32 $0x4;
	s12 =	simm.s32 $0x6470;
	v9 =	vld [tilespmem:s21+$0x6400];
	v10 =	vadd.f32 v10, v5;
	[tilespmem:s19+$0xFFFFFFE0] =	vst v13  }
.LBB2_17:
0x17e: {  	s13 =	sadd.s32 $0x4, s13  }
0x17f: {  	[tilespmem:s5+$0x6400] =	vst v10;
	s5 =	smov.u32 s21;
	p0 =	slt.u32 s13, $0x1C  }
.Ltmp8:
0x180: {  	s6 =	sadd.s32 $0x40, s6;
	v10 =	vadd.f32 v7, v5;
	(pc) =	sbr.rel @p0 .LBB2_17-.Ltmp8, $4  }
0x181: {  	v7 =	vld [tilespmem:s6+$0x0];
	v11 =	vadd.f32 v6, v5  }
0x182: {  	s7 =	sadd.s32 $0x40, s7;
	v6 =	vld [tilespmem:s6+$0xFFFFFFF0];
	v12 =	vadd.f32 v8, v5;
	[tilespmem:s12+$0x0] =	vst v10  }
0x183: {  	s21 =	sand.u32 $0x1C0, s7;
	v8 =	vld [tilespmem:s6+$0xFFFFFFE0];
	v10 =	vadd.f32 v9, v5;
	[tilespmem:s12+$0xFFFFFFF0] =	vst v11  }
0x184: {  	v9 =	vld [tilespmem:s21+$0x6400];
	[tilespmem:s12+$0xFFFFFFE0] =	vst v12;
	s12 =	smov.u32 s6  }
0x185: {  	_ = 	snop  }
0x186: {  	v7 =	vadd.f32 v7, v5  }
0x187: {  	[tilespmem:s5+$0x6400] =	vst v10;
	v6 =	vadd.f32 v6, v5  }
0x188: {  	v8 =	vadd.f32 v8, v5;
	[tilespmem:s12+$0x0] =	vst v7  }
0x189: {  	v5 =	vadd.f32 v9, v5;
	[tilespmem:s12+$0xFFFFFFF0] =	vst v6  }
0x18a: {  	[tilespmem:s12+$0xFFFFFFE0] =	vst v8  }
0x18b: {  	s22 =	simm.s32 $0x6630;
	[tilespmem:s21+$0x6400] =	vst v5  }
0x18c: {  	v6 =	vld [tilespmem:s22+$0x0]  }
0x18d: {  	v8 =	vld [tilespmem:s22+$0xFFFFFFF0]  }
0x18e: {  	s2 =	sadd.f32 s25, s2;
	s25 =	simm.s32 $0x0;
	v9 =	vld [tilespmem:s22+$0xFFFFFFE0]  }
0x18f: {  	s5 =	sand.u32 $0x1C0, s25  }
0x190: {  	v5 =	vmov s2;
	v10 =	vld [tilespmem:s5+$0x6600]  }
0x191: {  	s6 =	simm.s32 $0x6670;
	v11 =	vadd.f32 v6, v5  }
0x192: {  	v7 =	vld [tilespmem:s6+$0x0];
	v12 =	vadd.f32 v8, v5  }
0x193: {  	s7 =	simm.s32 $0x40;
	v6 =	vld [tilespmem:s6+$0xFFFFFFF0];
	v13 =	vadd.f32 v9, v5;
	[tilespmem:s22+$0x0] =	vst v11  }
0x194: {  	s21 =	sand.u32 $0x1C0, s7;
	v8 =	vld [tilespmem:s6+$0xFFFFFFE0];
	[tilespmem:s22+$0xFFFFFFF0] =	vst v12  }
0x195: {  	s13 =	simm.s32 $0x4;
	s12 =	simm.s32 $0x6670;
	v10 =	vadd.f32 v10, v5;
	v9 =	vld [tilespmem:s21+$0x6600];
	[tilespmem:s22+$0xFFFFFFE0] =	vst v13  }
.LBB2_19:
0x196: {  	s13 =	sadd.s32 $0x4, s13  }
0x197: {  	[tilespmem:s5+$0x6600] =	vst v10;
	s5 =	smov.u32 s21;
	p0 =	slt.u32 s13, $0x1C  }
.Ltmp9:
0x198: {  	s6 =	sadd.s32 $0x40, s6;
	v10 =	vadd.f32 v7, v5;
	(pc) =	sbr.rel @p0 .LBB2_19-.Ltmp9, $4  }
0x199: {  	v7 =	vld [tilespmem:s6+$0x0];
	v11 =	vadd.f32 v6, v5  }
0x19a: {  	s7 =	sadd.s32 $0x40, s7;
	v6 =	vld [tilespmem:s6+$0xFFFFFFF0];
	v12 =	vadd.f32 v8, v5;
	[tilespmem:s12+$0x0] =	vst v10  }
0x19b: {  	s21 =	sand.u32 $0x1C0, s7;
	v8 =	vld [tilespmem:s6+$0xFFFFFFE0];
	v10 =	vadd.f32 v9, v5;
	[tilespmem:s12+$0xFFFFFFF0] =	vst v11  }
0x19c: {  	v9 =	vld [tilespmem:s21+$0x6600];
	[tilespmem:s12+$0xFFFFFFE0] =	vst v12;
	s12 =	smov.u32 s6  }
0x19d: {  	_ = 	snop  }
0x19e: {  	v7 =	vadd.f32 v7, v5  }
0x19f: {  	[tilespmem:s5+$0x6600] =	vst v10;
	v6 =	vadd.f32 v6, v5  }
0x1a0: {  	v8 =	vadd.f32 v8, v5;
	[tilespmem:s12+$0x0] =	vst v7  }
0x1a1: {  	v5 =	vadd.f32 v9, v5;
	[tilespmem:s12+$0xFFFFFFF0] =	vst v6  }
0x1a2: {  	[tilespmem:s12+$0xFFFFFFE0] =	vst v8  }
0x1a3: {  	s22 =	simm.s32 $0x6830;
	[tilespmem:s21+$0x6600] =	vst v5  }
0x1a4: {  	v6 =	vld [tilespmem:s22+$0x0]  }
0x1a5: {  	v8 =	vld [tilespmem:s22+$0xFFFFFFF0]  }
0x1a6: {  	s2 =	sadd.f32 s9, s2;
	s25 =	simm.s32 $0x0;
	v9 =	vld [tilespmem:s22+$0xFFFFFFE0]  }
0x1a7: {  	s5 =	sand.u32 $0x1C0, s25  }
0x1a8: {  	v5 =	vmov s2;
	v10 =	vld [tilespmem:s5+$0x6800]  }
0x1a9: {  	s6 =	simm.s32 $0x6870;
	v11 =	vadd.f32 v6, v5  }
0x1aa: {  	v7 =	vld [tilespmem:s6+$0x0];
	v12 =	vadd.f32 v8, v5  }
0x1ab: {  	s7 =	simm.s32 $0x40;
	v6 =	vld [tilespmem:s6+$0xFFFFFFF0];
	v13 =	vadd.f32 v9, v5;
	[tilespmem:s22+$0x0] =	vst v11  }
0x1ac: {  	s13 =	sand.u32 $0x1C0, s7;
	v8 =	vld [tilespmem:s6+$0xFFFFFFE0];
	[tilespmem:s22+$0xFFFFFFF0] =	vst v12  }
0x1ad: {  	s9 =	simm.s32 $0x6870;
	s12 =	simm.s32 $0x4;
	v10 =	vadd.f32 v10, v5;
	v9 =	vld [tilespmem:s13+$0x6800];
	[tilespmem:s22+$0xFFFFFFE0] =	vst v13  }
.LBB2_21:
0x1ae: {  	s12 =	sadd.s32 $0x4, s12  }
0x1af: {  	[tilespmem:s5+$0x6800] =	vst v10;
	s5 =	smov.u32 s13;
	p0 =	slt.u32 s12, $0x1C  }
.Ltmp10:
0x1b0: {  	s6 =	sadd.s32 $0x40, s6;
	v10 =	vadd.f32 v7, v5;
	(pc) =	sbr.rel @p0 .LBB2_21-.Ltmp10, $4  }
0x1b1: {  	v7 =	vld [tilespmem:s6+$0x0];
	v11 =	vadd.f32 v6, v5  }
0x1b2: {  	s7 =	sadd.s32 $0x40, s7;
	v6 =	vld [tilespmem:s6+$0xFFFFFFF0];
	v12 =	vadd.f32 v8, v5;
	[tilespmem:s9+$0x0] =	vst v10  }
0x1b3: {  	s13 =	sand.u32 $0x1C0, s7;
	v8 =	vld [tilespmem:s6+$0xFFFFFFE0];
	v10 =	vadd.f32 v9, v5;
	[tilespmem:s9+$0xFFFFFFF0] =	vst v11  }
0x1b4: {  	v9 =	vld [tilespmem:s13+$0x6800];
	[tilespmem:s9+$0xFFFFFFE0] =	vst v12;
	s9 =	smov.u32 s6  }
0x1b5: {  	_ = 	snop  }
0x1b6: {  	v7 =	vadd.f32 v7, v5  }
0x1b7: {  	[tilespmem:s5+$0x6800] =	vst v10;
	v6 =	vadd.f32 v6, v5  }
0x1b8: {  	v8 =	vadd.f32 v8, v5;
	[tilespmem:s9+$0x0] =	vst v7  }
0x1b9: {  	v5 =	vadd.f32 v9, v5;
	[tilespmem:s9+$0xFFFFFFF0] =	vst v6  }
0x1ba: {  	[tilespmem:s9+$0xFFFFFFE0] =	vst v8  }
0x1bb: {  	s22 =	simm.s32 $0x6A30;
	[tilespmem:s13+$0x6800] =	vst v5  }
0x1bc: {  	v6 =	vld [tilespmem:s22+$0x0]  }
0x1bd: {  	v8 =	vld [tilespmem:s22+$0xFFFFFFF0]  }
0x1be: {  	s2 =	sadd.f32 s8, s2;
	s25 =	simm.s32 $0x0;
	v9 =	vld [tilespmem:s22+$0xFFFFFFE0]  }
0x1bf: {  	s5 =	sand.u32 $0x1C0, s25  }
0x1c0: {  	v5 =	vmov s2;
	v10 =	vld [tilespmem:s5+$0x6A00]  }
0x1c1: {  	s6 =	simm.s32 $0x6A70;
	v11 =	vadd.f32 v6, v5  }
0x1c2: {  	v7 =	vld [tilespmem:s6+$0x0];
	v12 =	vadd.f32 v8, v5  }
0x1c3: {  	s7 =	simm.s32 $0x40;
	v6 =	vld [tilespmem:s6+$0xFFFFFFF0];
	v13 =	vadd.f32 v9, v5;
	[tilespmem:s22+$0x0] =	vst v11  }
0x1c4: {  	s12 =	sand.u32 $0x1C0, s7;
	v8 =	vld [tilespmem:s6+$0xFFFFFFE0];
	[tilespmem:s22+$0xFFFFFFF0] =	vst v12  }
0x1c5: {  	s8 =	simm.s32 $0x6A70;
	s9 =	simm.s32 $0x4;
	v10 =	vadd.f32 v10, v5;
	v9 =	vld [tilespmem:s12+$0x6A00];
	[tilespmem:s22+$0xFFFFFFE0] =	vst v13  }
.LBB2_23:
0x1c6: {  	s9 =	sadd.s32 $0x4, s9  }
0x1c7: {  	[tilespmem:s5+$0x6A00] =	vst v10;
	s5 =	smov.u32 s12;
	p0 =	slt.u32 s9, $0x1C  }
.Ltmp11:
0x1c8: {  	s6 =	sadd.s32 $0x40, s6;
	v10 =	vadd.f32 v7, v5;
	(pc) =	sbr.rel @p0 .LBB2_23-.Ltmp11, $4  }
0x1c9: {  	v7 =	vld [tilespmem:s6+$0x0];
	v11 =	vadd.f32 v6, v5  }
0x1ca: {  	s7 =	sadd.s32 $0x40, s7;
	v6 =	vld [tilespmem:s6+$0xFFFFFFF0];
	v12 =	vadd.f32 v8, v5;
	[tilespmem:s8+$0x0] =	vst v10  }
0x1cb: {  	s12 =	sand.u32 $0x1C0, s7;
	v8 =	vld [tilespmem:s6+$0xFFFFFFE0];
	v10 =	vadd.f32 v9, v5;
	[tilespmem:s8+$0xFFFFFFF0] =	vst v11  }
0x1cc: {  	v9 =	vld [tilespmem:s12+$0x6A00];
	[tilespmem:s8+$0xFFFFFFE0] =	vst v12;
	s8 =	smov.u32 s6  }
0x1cd: {  	_ = 	snop  }
0x1ce: {  	v7 =	vadd.f32 v7, v5  }
0x1cf: {  	[tilespmem:s5+$0x6A00] =	vst v10;
	v6 =	vadd.f32 v6, v5  }
0x1d0: {  	v8 =	vadd.f32 v8, v5;
	[tilespmem:s8+$0x0] =	vst v7  }
0x1d1: {  	v5 =	vadd.f32 v9, v5;
	[tilespmem:s8+$0xFFFFFFF0] =	vst v6  }
0x1d2: {  	[tilespmem:s8+$0xFFFFFFE0] =	vst v8  }
0x1d3: {  	s2 =	sadd.f32 s24, s2;
	s24 =	simm.s32 $0x6C30;
	[tilespmem:s12+$0x6A00] =	vst v5  }
0x1d4: {  	v6 =	vld [tilespmem:s24+$0x0]  }
0x1d5: {  	v8 =	vld [tilespmem:s24+$0xFFFFFFF0]  }
0x1d6: {  	s25 =	simm.s32 $0x0;
	v9 =	vld [tilespmem:s24+$0xFFFFFFE0]  }
0x1d7: {  	s5 =	sand.u32 $0x1C0, s25  }
0x1d8: {  	v5 =	vmov s2;
	v10 =	vld [tilespmem:s5+$0x6C00]  }
0x1d9: {  	s6 =	simm.s32 $0x6C70;
	v11 =	vadd.f32 v6, v5  }
0x1da: {  	v7 =	vld [tilespmem:s6+$0x0];
	v12 =	vadd.f32 v8, v5  }
0x1db: {  	s7 =	simm.s32 $0x40;
	v6 =	vld [tilespmem:s6+$0xFFFFFFF0];
	v13 =	vadd.f32 v9, v5;
	[tilespmem:s24+$0x0] =	vst v11  }
0x1dc: {  	s12 =	sand.u32 $0x1C0, s7;
	v8 =	vld [tilespmem:s6+$0xFFFFFFE0];
	[tilespmem:s24+$0xFFFFFFF0] =	vst v12  }
0x1dd: {  	s9 =	simm.s32 $0x4;
	s8 =	simm.s32 $0x6C70;
	v10 =	vadd.f32 v10, v5;
	v9 =	vld [tilespmem:s12+$0x6C00];
	[tilespmem:s24+$0xFFFFFFE0] =	vst v13  }
.LBB2_25:
0x1de: {  	s9 =	sadd.s32 $0x4, s9  }
0x1df: {  	[tilespmem:s5+$0x6C00] =	vst v10;
	s5 =	smov.u32 s12;
	p0 =	slt.u32 s9, $0x1C  }
.Ltmp12:
0x1e0: {  	s6 =	sadd.s32 $0x40, s6;
	v10 =	vadd.f32 v7, v5;
	(pc) =	sbr.rel @p0 .LBB2_25-.Ltmp12, $4  }
0x1e1: {  	v7 =	vld [tilespmem:s6+$0x0];
	v11 =	vadd.f32 v6, v5  }
0x1e2: {  	s7 =	sadd.s32 $0x40, s7;
	v6 =	vld [tilespmem:s6+$0xFFFFFFF0];
	v12 =	vadd.f32 v8, v5;
	[tilespmem:s8+$0x0] =	vst v10  }
0x1e3: {  	s12 =	sand.u32 $0x1C0, s7;
	v8 =	vld [tilespmem:s6+$0xFFFFFFE0];
	v10 =	vadd.f32 v9, v5;
	[tilespmem:s8+$0xFFFFFFF0] =	vst v11  }
0x1e4: {  	v9 =	vld [tilespmem:s12+$0x6C00];
	[tilespmem:s8+$0xFFFFFFE0] =	vst v12;
	s8 =	smov.u32 s6  }
0x1e5: {  	_ = 	snop  }
0x1e6: {  	v7 =	vadd.f32 v7, v5  }
0x1e7: {  	[tilespmem:s5+$0x6C00] =	vst v10;
	v6 =	vadd.f32 v6, v5  }
0x1e8: {  	v8 =	vadd.f32 v8, v5;
	[tilespmem:s8+$0x0] =	vst v7  }
0x1e9: {  	v5 =	vadd.f32 v9, v5;
	[tilespmem:s8+$0xFFFFFFF0] =	vst v6  }
0x1ea: {  	[tilespmem:s8+$0xFFFFFFE0] =	vst v8  }
0x1eb: {  	s24 =	simm.s32 $0x6E30;
	[tilespmem:s12+$0x6C00] =	vst v5  }
0x1ec: {  	v6 =	vld [tilespmem:s24+$0x0]  }
0x1ed: {  	v8 =	vld [tilespmem:s24+$0xFFFFFFF0]  }
0x1ee: {  	s2 =	sadd.f32 s23, s2;
	s25 =	simm.s32 $0x0;
	v9 =	vld [tilespmem:s24+$0xFFFFFFE0]  }
0x1ef: {  	s5 =	sand.u32 $0x1C0, s25  }
0x1f0: {  	v5 =	vmov s2;
	v10 =	vld [tilespmem:s5+$0x6E00]  }
0x1f1: {  	s6 =	simm.s32 $0x6E70;
	v11 =	vadd.f32 v6, v5  }
0x1f2: {  	v7 =	vld [tilespmem:s6+$0x0];
	v12 =	vadd.f32 v8, v5  }
0x1f3: {  	s7 =	simm.s32 $0x40;
	v6 =	vld [tilespmem:s6+$0xFFFFFFF0];
	v13 =	vadd.f32 v9, v5;
	[tilespmem:s24+$0x0] =	vst v11  }
0x1f4: {  	s12 =	sand.u32 $0x1C0, s7;
	v8 =	vld [tilespmem:s6+$0xFFFFFFE0];
	[tilespmem:s24+$0xFFFFFFF0] =	vst v12  }
0x1f5: {  	s9 =	simm.s32 $0x4;
	s8 =	simm.s32 $0x6E70;
	v10 =	vadd.f32 v10, v5;
	v9 =	vld [tilespmem:s12+$0x6E00];
	[tilespmem:s24+$0xFFFFFFE0] =	vst v13  }
.LBB2_27:
0x1f6: {  	s9 =	sadd.s32 $0x4, s9  }
0x1f7: {  	[tilespmem:s5+$0x6E00] =	vst v10;
	s5 =	smov.u32 s12;
	p0 =	slt.u32 s9, $0x1C  }
.Ltmp13:
0x1f8: {  	s6 =	sadd.s32 $0x40, s6;
	v10 =	vadd.f32 v7, v5;
	(pc) =	sbr.rel @p0 .LBB2_27-.Ltmp13, $4  }
0x1f9: {  	v7 =	vld [tilespmem:s6+$0x0];
	v11 =	vadd.f32 v6, v5  }
0x1fa: {  	s7 =	sadd.s32 $0x40, s7;
	v6 =	vld [tilespmem:s6+$0xFFFFFFF0];
	v12 =	vadd.f32 v8, v5;
	[tilespmem:s8+$0x0] =	vst v10  }
0x1fb: {  	s12 =	sand.u32 $0x1C0, s7;
	v8 =	vld [tilespmem:s6+$0xFFFFFFE0];
	v10 =	vadd.f32 v9, v5;
	[tilespmem:s8+$0xFFFFFFF0] =	vst v11  }
0x1fc: {  	v9 =	vld [tilespmem:s12+$0x6E00];
	[tilespmem:s8+$0xFFFFFFE0] =	vst v12;
	s8 =	smov.u32 s6  }
0x1fd: {  	_ = 	snop  }
0x1fe: {  	v7 =	vadd.f32 v7, v5  }
0x1ff: {  	[tilespmem:s5+$0x6E00] =	vst v10;
	v6 =	vadd.f32 v6, v5  }
0x200: {  	v8 =	vadd.f32 v8, v5;
	[tilespmem:s8+$0x0] =	vst v7  }
0x201: {  	v5 =	vadd.f32 v9, v5;
	[tilespmem:s8+$0xFFFFFFF0] =	vst v6  }
0x202: {  	[tilespmem:s8+$0xFFFFFFE0] =	vst v8  }
0x203: {  	s24 =	simm.s32 $0x7030;
	[tilespmem:s12+$0x6E00] =	vst v5  }
0x204: {  	v6 =	vld [tilespmem:s24+$0x0]  }
0x205: {  	v8 =	vld [tilespmem:s24+$0xFFFFFFF0]  }
0x206: {  	s2 =	sadd.f32 s10, s2;
	s25 =	simm.s32 $0x0;
	v9 =	vld [tilespmem:s24+$0xFFFFFFE0]  }
0x207: {  	s5 =	sand.u32 $0x1C0, s25  }
0x208: {  	v5 =	vmov s2;
	v10 =	vld [tilespmem:s5+$0x7000]  }
0x209: {  	s6 =	simm.s32 $0x7070;
	v11 =	vadd.f32 v6, v5  }
0x20a: {  	v7 =	vld [tilespmem:s6+$0x0];
	v12 =	vadd.f32 v8, v5  }
0x20b: {  	s7 =	simm.s32 $0x40;
	v6 =	vld [tilespmem:s6+$0xFFFFFFF0];
	v13 =	vadd.f32 v9, v5;
	[tilespmem:s24+$0x0] =	vst v11  }
0x20c: {  	s10 =	sand.u32 $0x1C0, s7;
	v8 =	vld [tilespmem:s6+$0xFFFFFFE0];
	[tilespmem:s24+$0xFFFFFFF0] =	vst v12  }
0x20d: {  	s9 =	simm.s32 $0x4;
	s8 =	simm.s32 $0x7070;
	v10 =	vadd.f32 v10, v5;
	v9 =	vld [tilespmem:s10+$0x7000];
	[tilespmem:s24+$0xFFFFFFE0] =	vst v13  }
.LBB2_29:
0x20e: {  	s9 =	sadd.s32 $0x4, s9  }
0x20f: {  	[tilespmem:s5+$0x7000] =	vst v10;
	s5 =	smov.u32 s10;
	p0 =	slt.u32 s9, $0x1C  }
.Ltmp14:
0x210: {  	s6 =	sadd.s32 $0x40, s6;
	v10 =	vadd.f32 v7, v5;
	(pc) =	sbr.rel @p0 .LBB2_29-.Ltmp14, $4  }
0x211: {  	v7 =	vld [tilespmem:s6+$0x0];
	v11 =	vadd.f32 v6, v5  }
0x212: {  	s7 =	sadd.s32 $0x40, s7;
	v6 =	vld [tilespmem:s6+$0xFFFFFFF0];
	v12 =	vadd.f32 v8, v5;
	[tilespmem:s8+$0x0] =	vst v10  }
0x213: {  	s10 =	sand.u32 $0x1C0, s7;
	v8 =	vld [tilespmem:s6+$0xFFFFFFE0];
	v10 =	vadd.f32 v9, v5;
	[tilespmem:s8+$0xFFFFFFF0] =	vst v11  }
0x214: {  	v9 =	vld [tilespmem:s10+$0x7000];
	[tilespmem:s8+$0xFFFFFFE0] =	vst v12;
	s8 =	smov.u32 s6  }
0x215: {  	_ = 	snop  }
0x216: {  	v7 =	vadd.f32 v7, v5  }
0x217: {  	[tilespmem:s5+$0x7000] =	vst v10;
	v6 =	vadd.f32 v6, v5  }
0x218: {  	v8 =	vadd.f32 v8, v5;
	[tilespmem:s8+$0x0] =	vst v7  }
0x219: {  	v5 =	vadd.f32 v9, v5;
	[tilespmem:s8+$0xFFFFFFF0] =	vst v6  }
0x21a: {  	[tilespmem:s8+$0xFFFFFFE0] =	vst v8  }
0x21b: {  	s24 =	simm.s32 $0x7230;
	[tilespmem:s10+$0x7000] =	vst v5  }
0x21c: {  	v6 =	vld [tilespmem:s24+$0x0]  }
0x21d: {  	v8 =	vld [tilespmem:s24+$0xFFFFFFF0]  }
0x21e: {  	s2 =	sadd.f32 s11, s2;
	s25 =	simm.s32 $0x0;
	v9 =	vld [tilespmem:s24+$0xFFFFFFE0]  }
0x21f: {  	s5 =	sand.u32 $0x1C0, s25  }
0x220: {  	v5 =	vmov s2;
	v10 =	vld [tilespmem:s5+$0x7200]  }
0x221: {  	s6 =	simm.s32 $0x7270;
	v11 =	vadd.f32 v6, v5  }
0x222: {  	v7 =	vld [tilespmem:s6+$0x0];
	v12 =	vadd.f32 v8, v5  }
0x223: {  	s7 =	simm.s32 $0x40;
	v6 =	vld [tilespmem:s6+$0xFFFFFFF0];
	v13 =	vadd.f32 v9, v5;
	[tilespmem:s24+$0x0] =	vst v11  }
0x224: {  	s10 =	sand.u32 $0x1C0, s7;
	v8 =	vld [tilespmem:s6+$0xFFFFFFE0];
	[tilespmem:s24+$0xFFFFFFF0] =	vst v12  }
0x225: {  	s9 =	simm.s32 $0x4;
	s8 =	simm.s32 $0x7270;
	v10 =	vadd.f32 v10, v5;
	v9 =	vld [tilespmem:s10+$0x7200];
	[tilespmem:s24+$0xFFFFFFE0] =	vst v13  }
.LBB2_31:
0x226: {  	s9 =	sadd.s32 $0x4, s9  }
0x227: {  	[tilespmem:s5+$0x7200] =	vst v10;
	s5 =	smov.u32 s10;
	p0 =	slt.u32 s9, $0x1C  }
.Ltmp15:
0x228: {  	s6 =	sadd.s32 $0x40, s6;
	v10 =	vadd.f32 v7, v5;
	(pc) =	sbr.rel @p0 .LBB2_31-.Ltmp15, $4  }
0x229: {  	v7 =	vld [tilespmem:s6+$0x0];
	v11 =	vadd.f32 v6, v5  }
0x22a: {  	s7 =	sadd.s32 $0x40, s7;
	v6 =	vld [tilespmem:s6+$0xFFFFFFF0];
	v12 =	vadd.f32 v8, v5;
	[tilespmem:s8+$0x0] =	vst v10  }
0x22b: {  	s10 =	sand.u32 $0x1C0, s7;
	v8 =	vld [tilespmem:s6+$0xFFFFFFE0];
	v10 =	vadd.f32 v9, v5;
	[tilespmem:s8+$0xFFFFFFF0] =	vst v11  }
0x22c: {  	v9 =	vld [tilespmem:s10+$0x7200];
	[tilespmem:s8+$0xFFFFFFE0] =	vst v12;
	s8 =	smov.u32 s6  }
0x22d: {  	_ = 	snop  }
0x22e: {  	v7 =	vadd.f32 v7, v5  }
0x22f: {  	[tilespmem:s5+$0x7200] =	vst v10;
	v6 =	vadd.f32 v6, v5  }
0x230: {  	v8 =	vadd.f32 v8, v5;
	[tilespmem:s8+$0x0] =	vst v7  }
0x231: {  	v5 =	vadd.f32 v9, v5;
	[tilespmem:s8+$0xFFFFFFF0] =	vst v6  }
0x232: {  	[tilespmem:s8+$0xFFFFFFE0] =	vst v8  }
0x233: {  	s7 =	simm.s32 $0x7430;
	[tilespmem:s10+$0x7200] =	vst v5  }
0x234: {  	v6 =	vld [tilespmem:s7+$0x0]  }
0x235: {  	v8 =	vld [tilespmem:s7+$0xFFFFFFF0]  }
0x236: {  	s1 =	sadd.f32 s1, s2;
	s25 =	simm.s32 $0x0;
	v9 =	vld [tilespmem:s7+$0xFFFFFFE0]  }
0x237: {  	s2 =	sand.u32 $0x1C0, s25  }
0x238: {  	v5 =	vmov s1;
	v10 =	vld [tilespmem:s2+$0x7400]  }
0x239: {  	s5 =	simm.s32 $0x7470;
	v11 =	vadd.f32 v6, v5  }
0x23a: {  	v7 =	vld [tilespmem:s5+$0x0];
	v12 =	vadd.f32 v8, v5  }
0x23b: {  	s6 =	simm.s32 $0x40;
	v6 =	vld [tilespmem:s5+$0xFFFFFFF0];
	v13 =	vadd.f32 v9, v5;
	[tilespmem:s7+$0x0] =	vst v11  }
0x23c: {  	s9 =	sand.u32 $0x1C0, s6;
	v8 =	vld [tilespmem:s5+$0xFFFFFFE0];
	[tilespmem:s7+$0xFFFFFFF0] =	vst v12  }
0x23d: {  	s8 =	simm.s32 $0x4;
	v10 =	vadd.f32 v10, v5;
	v9 =	vld [tilespmem:s9+$0x7400];
	[tilespmem:s7+$0xFFFFFFE0] =	vst v13;
	s7 =	simm.s32 $0x7470  }
.LBB2_33:
0x23e: {  	s8 =	sadd.s32 $0x4, s8  }
0x23f: {  	[tilespmem:s2+$0x7400] =	vst v10;
	s2 =	smov.u32 s9;
	p0 =	slt.u32 s8, $0x1C  }
.Ltmp16:
0x240: {  	s5 =	sadd.s32 $0x40, s5;
	v10 =	vadd.f32 v7, v5;
	(pc) =	sbr.rel @p0 .LBB2_33-.Ltmp16, $4  }
0x241: {  	v7 =	vld [tilespmem:s5+$0x0];
	v11 =	vadd.f32 v6, v5  }
0x242: {  	s6 =	sadd.s32 $0x40, s6;
	v6 =	vld [tilespmem:s5+$0xFFFFFFF0];
	v12 =	vadd.f32 v8, v5;
	[tilespmem:s7+$0x0] =	vst v10  }
0x243: {  	s9 =	sand.u32 $0x1C0, s6;
	v8 =	vld [tilespmem:s5+$0xFFFFFFE0];
	v10 =	vadd.f32 v9, v5;
	[tilespmem:s7+$0xFFFFFFF0] =	vst v11  }
0x244: {  	v9 =	vld [tilespmem:s9+$0x7400];
	[tilespmem:s7+$0xFFFFFFE0] =	vst v12;
	s7 =	smov.u32 s5  }
0x245: {  	_ = 	snop  }
0x246: {  	v7 =	vadd.f32 v7, v5  }
0x247: {  	[tilespmem:s2+$0x7400] =	vst v10;
	v6 =	vadd.f32 v6, v5  }
0x248: {  	v8 =	vadd.f32 v8, v5;
	[tilespmem:s7+$0x0] =	vst v7  }
0x249: {  	v5 =	vadd.f32 v9, v5;
	[tilespmem:s7+$0xFFFFFFF0] =	vst v6  }
0x24a: {  	[tilespmem:s7+$0xFFFFFFE0] =	vst v8  }
0x24b: {  	s6 =	simm.s32 $0x7630;
	[tilespmem:s9+$0x7400] =	vst v5  }
0x24c: {  	v6 =	vld [tilespmem:s6+$0x0]  }
0x24d: {  	v8 =	vld [tilespmem:s6+$0xFFFFFFF0]  }
0x24e: {  	s0 =	sadd.f32 s0, s1;
	s25 =	simm.s32 $0x0;
	v9 =	vld [tilespmem:s6+$0xFFFFFFE0]  }
0x24f: {  	s1 =	sand.u32 $0x1C0, s25  }
0x250: {  	v5 =	vmov s0;
	v10 =	vld [tilespmem:s1+$0x7600]  }
0x251: {  	s2 =	simm.s32 $0x7670;
	v11 =	vadd.f32 v6, v5  }
0x252: {  	v7 =	vld [tilespmem:s2+$0x0];
	v12 =	vadd.f32 v8, v5  }
0x253: {  	s5 =	simm.s32 $0x40;
	v6 =	vld [tilespmem:s2+$0xFFFFFFF0];
	v13 =	vadd.f32 v9, v5;
	[tilespmem:s6+$0x0] =	vst v11  }
0x254: {  	s8 =	sand.u32 $0x1C0, s5;
	v8 =	vld [tilespmem:s2+$0xFFFFFFE0];
	[tilespmem:s6+$0xFFFFFFF0] =	vst v12  }
0x255: {  	s7 =	simm.s32 $0x4;
	v10 =	vadd.f32 v10, v5;
	v9 =	vld [tilespmem:s8+$0x7600];
	[tilespmem:s6+$0xFFFFFFE0] =	vst v13;
	s6 =	simm.s32 $0x7670  }
.LBB2_35:
0x256: {  	s7 =	sadd.s32 $0x4, s7  }
0x257: {  	[tilespmem:s1+$0x7600] =	vst v10;
	s1 =	smov.u32 s8;
	p0 =	slt.u32 s7, $0x1C  }
.Ltmp17:
0x258: {  	s2 =	sadd.s32 $0x40, s2;
	v10 =	vadd.f32 v7, v5;
	(pc) =	sbr.rel @p0 .LBB2_35-.Ltmp17, $4  }
0x259: {  	v7 =	vld [tilespmem:s2+$0x0];
	v11 =	vadd.f32 v6, v5  }
0x25a: {  	s5 =	sadd.s32 $0x40, s5;
	v6 =	vld [tilespmem:s2+$0xFFFFFFF0];
	v12 =	vadd.f32 v8, v5;
	[tilespmem:s6+$0x0] =	vst v10  }
0x25b: {  	s8 =	sand.u32 $0x1C0, s5;
	v8 =	vld [tilespmem:s2+$0xFFFFFFE0];
	v10 =	vadd.f32 v9, v5;
	[tilespmem:s6+$0xFFFFFFF0] =	vst v11  }
0x25c: {  	v9 =	vld [tilespmem:s8+$0x7600];
	[tilespmem:s6+$0xFFFFFFE0] =	vst v12;
	s6 =	smov.u32 s2  }
0x25d: {  	_ = 	snop  }
0x25e: {  	v7 =	vadd.f32 v7, v5  }
0x25f: {  	[tilespmem:s1+$0x7600] =	vst v10;
	v6 =	vadd.f32 v6, v5  }
0x260: {  	v8 =	vadd.f32 v8, v5;
	[tilespmem:s6+$0x0] =	vst v7  }
0x261: {  	v5 =	vadd.f32 v9, v5;
	[tilespmem:s6+$0xFFFFFFF0] =	vst v6  }
0x262: {  	[tilespmem:s6+$0xFFFFFFE0] =	vst v8  }
0x263: {  	s25 =	simm.s32 $0x7830;
	[tilespmem:s8+$0x7600] =	vst v5  }
0x264: {  	v6 =	vld [tilespmem:s25+$0x0]  }
0x265: {  	v8 =	vld [tilespmem:s25+$0xFFFFFFF0]  }
0x266: {  	s0 =	sadd.f32 s31, s0;
	s31 =	simm.s32 $0x0;
	v9 =	vld [tilespmem:s25+$0xFFFFFFE0]  }
0x267: {  	s1 =	sand.u32 $0x1C0, s31  }
0x268: {  	v5 =	vmov s0;
	v10 =	vld [tilespmem:s1+$0x7800]  }
0x269: {  	s2 =	simm.s32 $0x7870;
	v11 =	vadd.f32 v6, v5  }
0x26a: {  	v7 =	vld [tilespmem:s2+$0x0];
	v12 =	vadd.f32 v8, v5  }
0x26b: {  	s5 =	simm.s32 $0x40;
	v6 =	vld [tilespmem:s2+$0xFFFFFFF0];
	v13 =	vadd.f32 v9, v5;
	[tilespmem:s25+$0x0] =	vst v11  }
0x26c: {  	s8 =	sand.u32 $0x1C0, s5;
	v8 =	vld [tilespmem:s2+$0xFFFFFFE0];
	[tilespmem:s25+$0xFFFFFFF0] =	vst v12  }
0x26d: {  	s7 =	simm.s32 $0x4;
	s6 =	simm.s32 $0x7870;
	v10 =	vadd.f32 v10, v5;
	v9 =	vld [tilespmem:s8+$0x7800];
	[tilespmem:s25+$0xFFFFFFE0] =	vst v13  }
.LBB2_37:
0x26e: {  	s7 =	sadd.s32 $0x4, s7  }
0x26f: {  	[tilespmem:s1+$0x7800] =	vst v10;
	s1 =	smov.u32 s8;
	p0 =	slt.u32 s7, $0x1C  }
.Ltmp18:
0x270: {  	s2 =	sadd.s32 $0x40, s2;
	v10 =	vadd.f32 v7, v5;
	(pc) =	sbr.rel @p0 .LBB2_37-.Ltmp18, $4  }
0x271: {  	v7 =	vld [tilespmem:s2+$0x0];
	v11 =	vadd.f32 v6, v5  }
0x272: {  	s5 =	sadd.s32 $0x40, s5;
	v6 =	vld [tilespmem:s2+$0xFFFFFFF0];
	v12 =	vadd.f32 v8, v5;
	[tilespmem:s6+$0x0] =	vst v10  }
0x273: {  	s8 =	sand.u32 $0x1C0, s5;
	v8 =	vld [tilespmem:s2+$0xFFFFFFE0];
	v10 =	vadd.f32 v9, v5;
	[tilespmem:s6+$0xFFFFFFF0] =	vst v11  }
0x274: {  	v9 =	vld [tilespmem:s8+$0x7800];
	[tilespmem:s6+$0xFFFFFFE0] =	vst v12;
	s6 =	smov.u32 s2  }
0x275: {  	_ = 	snop  }
0x276: {  	v7 =	vadd.f32 v7, v5  }
0x277: {  	[tilespmem:s1+$0x7800] =	vst v10;
	v6 =	vadd.f32 v6, v5  }
0x278: {  	v8 =	vadd.f32 v8, v5;
	[tilespmem:s6+$0x0] =	vst v7  }
0x279: {  	v5 =	vadd.f32 v9, v5;
	[tilespmem:s6+$0xFFFFFFF0] =	vst v6  }
0x27a: {  	[tilespmem:s6+$0xFFFFFFE0] =	vst v8  }
0x27b: {  	s0 =	sadd.f32 s30, s0;
	s30 =	simm.s32 $0x7A30;
	[tilespmem:s8+$0x7800] =	vst v5  }
0x27c: {  	v6 =	vld [tilespmem:s30+$0x0]  }
0x27d: {  	v8 =	vld [tilespmem:s30+$0xFFFFFFF0]  }
0x27e: {  	s31 =	simm.s32 $0x0;
	v9 =	vld [tilespmem:s30+$0xFFFFFFE0]  }
0x27f: {  	s1 =	sand.u32 $0x1C0, s31  }
0x280: {  	v5 =	vmov s0;
	v10 =	vld [tilespmem:s1+$0x7A00]  }
0x281: {  	s2 =	simm.s32 $0x7A70;
	v11 =	vadd.f32 v6, v5  }
0x282: {  	v7 =	vld [tilespmem:s2+$0x0];
	v12 =	vadd.f32 v8, v5  }
0x283: {  	s5 =	simm.s32 $0x40;
	v6 =	vld [tilespmem:s2+$0xFFFFFFF0];
	v13 =	vadd.f32 v9, v5;
	[tilespmem:s30+$0x0] =	vst v11  }
0x284: {  	s8 =	sand.u32 $0x1C0, s5;
	v8 =	vld [tilespmem:s2+$0xFFFFFFE0];
	[tilespmem:s30+$0xFFFFFFF0] =	vst v12  }
0x285: {  	s7 =	simm.s32 $0x4;
	s6 =	simm.s32 $0x7A70;
	v10 =	vadd.f32 v10, v5;
	v9 =	vld [tilespmem:s8+$0x7A00];
	[tilespmem:s30+$0xFFFFFFE0] =	vst v13  }
.LBB2_39:
0x286: {  	s7 =	sadd.s32 $0x4, s7  }
0x287: {  	[tilespmem:s1+$0x7A00] =	vst v10;
	s1 =	smov.u32 s8;
	p0 =	slt.u32 s7, $0x1C  }
.Ltmp19:
0x288: {  	s2 =	sadd.s32 $0x40, s2;
	v10 =	vadd.f32 v7, v5;
	(pc) =	sbr.rel @p0 .LBB2_39-.Ltmp19, $4  }
0x289: {  	v7 =	vld [tilespmem:s2+$0x0];
	v11 =	vadd.f32 v6, v5  }
0x28a: {  	s5 =	sadd.s32 $0x40, s5;
	v6 =	vld [tilespmem:s2+$0xFFFFFFF0];
	v12 =	vadd.f32 v8, v5;
	[tilespmem:s6+$0x0] =	vst v10  }
0x28b: {  	s8 =	sand.u32 $0x1C0, s5;
	v8 =	vld [tilespmem:s2+$0xFFFFFFE0];
	v10 =	vadd.f32 v9, v5;
	[tilespmem:s6+$0xFFFFFFF0] =	vst v11  }
0x28c: {  	v9 =	vld [tilespmem:s8+$0x7A00];
	[tilespmem:s6+$0xFFFFFFE0] =	vst v12;
	s6 =	smov.u32 s2  }
0x28d: {  	_ = 	snop  }
0x28e: {  	v7 =	vadd.f32 v7, v5  }
0x28f: {  	[tilespmem:s1+$0x7A00] =	vst v10;
	v6 =	vadd.f32 v6, v5  }
0x290: {  	v8 =	vadd.f32 v8, v5;
	[tilespmem:s6+$0x0] =	vst v7  }
0x291: {  	v5 =	vadd.f32 v9, v5;
	[tilespmem:s6+$0xFFFFFFF0] =	vst v6  }
0x292: {  	[tilespmem:s6+$0xFFFFFFE0] =	vst v8  }
0x293: {  	s30 =	simm.s32 $0x7C30;
	[tilespmem:s8+$0x7A00] =	vst v5  }
0x294: {  	v6 =	vld [tilespmem:s30+$0x0]  }
0x295: {  	v8 =	vld [tilespmem:s30+$0xFFFFFFF0]  }
0x296: {  	s0 =	sadd.f32 s29, s0;
	s31 =	simm.s32 $0x0;
	v9 =	vld [tilespmem:s30+$0xFFFFFFE0]  }
0x297: {  	s1 =	sand.u32 $0x1C0, s31  }
0x298: {  	v5 =	vmov s0;
	v10 =	vld [tilespmem:s1+$0x7C00]  }
0x299: {  	s2 =	simm.s32 $0x7C70;
	v11 =	vadd.f32 v6, v5  }
0x29a: {  	v7 =	vld [tilespmem:s2+$0x0];
	v12 =	vadd.f32 v8, v5  }
0x29b: {  	s5 =	simm.s32 $0x40;
	v6 =	vld [tilespmem:s2+$0xFFFFFFF0];
	v13 =	vadd.f32 v9, v5;
	[tilespmem:s30+$0x0] =	vst v11  }
0x29c: {  	s8 =	sand.u32 $0x1C0, s5;
	v8 =	vld [tilespmem:s2+$0xFFFFFFE0];
	[tilespmem:s30+$0xFFFFFFF0] =	vst v12  }
0x29d: {  	s7 =	simm.s32 $0x4;
	s6 =	simm.s32 $0x7C70;
	v10 =	vadd.f32 v10, v5;
	v9 =	vld [tilespmem:s8+$0x7C00];
	[tilespmem:s30+$0xFFFFFFE0] =	vst v13  }
.LBB2_41:
0x29e: {  	s7 =	sadd.s32 $0x4, s7  }
0x29f: {  	[tilespmem:s1+$0x7C00] =	vst v10;
	s1 =	smov.u32 s8;
	p0 =	slt.u32 s7, $0x1C  }
.Ltmp20:
0x2a0: {  	s2 =	sadd.s32 $0x40, s2;
	v10 =	vadd.f32 v7, v5;
	(pc) =	sbr.rel @p0 .LBB2_41-.Ltmp20, $4  }
0x2a1: {  	v7 =	vld [tilespmem:s2+$0x0];
	v11 =	vadd.f32 v6, v5  }
0x2a2: {  	s5 =	sadd.s32 $0x40, s5;
	v6 =	vld [tilespmem:s2+$0xFFFFFFF0];
	v12 =	vadd.f32 v8, v5;
	[tilespmem:s6+$0x0] =	vst v10  }
0x2a3: {  	s8 =	sand.u32 $0x1C0, s5;
	v8 =	vld [tilespmem:s2+$0xFFFFFFE0];
	v10 =	vadd.f32 v9, v5;
	[tilespmem:s6+$0xFFFFFFF0] =	vst v11  }
0x2a4: {  	v9 =	vld [tilespmem:s8+$0x7C00];
	[tilespmem:s6+$0xFFFFFFE0] =	vst v12;
	s6 =	smov.u32 s2  }
0x2a5: {  	_ = 	snop  }
0x2a6: {  	v7 =	vadd.f32 v7, v5  }
0x2a7: {  	[tilespmem:s1+$0x7C00] =	vst v10;
	v6 =	vadd.f32 v6, v5  }
0x2a8: {  	v8 =	vadd.f32 v8, v5;
	[tilespmem:s6+$0x0] =	vst v7  }
0x2a9: {  	v5 =	vadd.f32 v9, v5;
	[tilespmem:s6+$0xFFFFFFF0] =	vst v6  }
0x2aa: {  	[tilespmem:s6+$0xFFFFFFE0] =	vst v8  }
0x2ab: {  	s5 =	simm.s32 $0x7E30;
	[tilespmem:s8+$0x7C00] =	vst v5  }
0x2ac: {  	v6 =	vld [tilespmem:s5+$0x0]  }
0x2ad: {  	v7 =	vld [tilespmem:s5+$0xFFFFFFF0]  }
0x2ae: {  	s0 =	sadd.f32 s28, s0;
	s31 =	simm.s32 $0x0;
	v9 =	vld [tilespmem:s5+$0xFFFFFFE0]  }
0x2af: {  	s1 =	sand.u32 $0x1C0, s31  }
0x2b0: {  	v5 =	vmov s0;
	v10 =	vld [tilespmem:s1+$0x7E00]  }
0x2b1: {  	s2 =	simm.s32 $0x7E70;
	v6 =	vadd.f32 v6, v5  }
0x2b2: {  	v8 =	vld [tilespmem:s2+$0x0];
	v11 =	vadd.f32 v7, v5  }
0x2b3: {  	s7 =	simm.s32 $0x40;
	v7 =	vld [tilespmem:s2+$0xFFFFFFF0];
	v12 =	vadd.f32 v9, v5;
	[tilespmem:s5+$0x0] =	vst v6  }
0x2b4: {  	s6 =	sand.u32 $0x1C0, s7;
	v9 =	vld [tilespmem:s2+$0xFFFFFFE0];
	[tilespmem:s5+$0xFFFFFFF0] =	vst v11  }
0x2b5: {  	s8 =	simm.s32 $0x4;
	v10 =	vadd.f32 v10, v5;
	v6 =	vld [tilespmem:s6+$0x7E00];
	[tilespmem:s5+$0xFFFFFFE0] =	vst v12;
	s5 =	simm.s32 $0x7E70  }
.LBB2_43:
0x2b6: {  	s8 =	sadd.s32 $0x4, s8  }
0x2b7: {  	[tilespmem:s1+$0x7E00] =	vst v10;
	s1 =	smov.u32 s6;
	p0 =	slt.u32 s8, $0x1C  }
.Ltmp21:
0x2b8: {  	s2 =	sadd.s32 $0x40, s2;
	v10 =	vadd.f32 v8, v5;
	(pc) =	sbr.rel @p0 .LBB2_43-.Ltmp21, $4  }
0x2b9: {  	v8 =	vld [tilespmem:s2+$0x0];
	v11 =	vadd.f32 v7, v5  }
0x2ba: {  	s7 =	sadd.s32 $0x40, s7;
	v7 =	vld [tilespmem:s2+$0xFFFFFFF0];
	v12 =	vadd.f32 v9, v5;
	[tilespmem:s5+$0x0] =	vst v10  }
0x2bb: {  	s6 =	sand.u32 $0x1C0, s7;
	v9 =	vld [tilespmem:s2+$0xFFFFFFE0];
	v10 =	vadd.f32 v6, v5;
	[tilespmem:s5+$0xFFFFFFF0] =	vst v11  }
0x2bc: {  	v6 =	vld [tilespmem:s6+$0x7E00];
	[tilespmem:s5+$0xFFFFFFE0] =	vst v12;
	s5 =	smov.u32 s2  }
0x2bd: {  	s0 =	sadd.f32 s26, s0  }
0x2be: {  	v8 =	vadd.f32 v8, v5  }
0x2bf: {  	[tilespmem:s1+$0x7E00] =	vst v10;
	s26 =	simm.f32 $0.0e+00;
	s2 =	simm.s32 $0x0;
	s12 =	simm.s32 $0x8080;
	v7 =	vadd.f32 v7, v5;
	v62 =	vmov s0  }
0x2c0: {  	s28 =	simm.f32 $0.0e+00;
	s29 =	simm.f32 $0.0e+00;
	s30 =	simm.f32 $0.0e+00;
	v9 =	vadd.f32 v9, v5;
	[tilespmem:s5+$0x0] =	vst v8;
	v63 =	vadd.f32 $0.0e+00, v62  }
0x2c1: {  	s31 =	simm.f32 $0.0e+00;
	s1 =	simm.f32 $0.0e+00;
	s11 =	simm.f32 $0.0e+00;
	v5 =	vadd.f32 v6, v5;
	[tilespmem:s5+$0xFFFFFFF0] =	vst v7  }
0x2c2: {  	s10 =	simm.f32 $0.0e+00;
	s23 =	simm.f32 $0.0e+00;
	s24 =	simm.f32 $0.0e+00;
	[tilespmem:s5+$0xFFFFFFE0] =	vst v9;
	v6 =	vbroadcast v63, $0x0  }
0x2c3: {  	s8 =	simm.f32 $0.0e+00;
	s9 =	simm.f32 $0.0e+00;
	s25 =	simm.f32 $0.0e+00;
	[tilespmem:s6+$0x7E00] =	vst v5  }
0x2c4: {  	s21 =	simm.f32 $0.0e+00;
	s13 =	simm.f32 $0.0e+00;
	s0 =	simm.f32 $0.0e+00;
	[tilespmem:$0x8000] =	vst v6  }
.LBB2_45:
0x2c5: {  	v5 =	vld [tilespmem:s12+$0x0];
	_ =	sdelay $0x4  }
0x2c6: {  	(xrf2) =	vadd.scan.msk.f32 $0xffff, v5;
	_ =	sdelay $0x9  }
0x2c7: {  	v6, _, _ =	vpop (xrf2)  }
0x2c8: {  	s3 =	sadd.f32 $0.0e+00, s13;
	v5 =	vsub.f32 v6, v5;
	_ =	sdelay $0x1  }
0x2c9: {  	v5 =	vadd.f32 s3, v5;
	_ =	sdelay $0x1  }
0x2ca: {  	s22 =	sand.u32 $0x1F0, s2;
	[tilespmem:s12+$0x0] =	vst v5  }
0x2cb: {  	v5 =	vld [tilespmem:s22+$0x8280]  }
0x2cc: {  	v7 =	vld [tilespmem:s22+$0x8480];
	_ =	sdelay $0x2  }
0x2cd: {  	v8 =	vld [tilespmem:s22+$0x8680]  }
0x2ce: {  	v9 =	vld [tilespmem:s22+$0x8880];
	(xrf2) =	vadd.scan.msk.f32 $0xffff, v5  }
0x2cf: {  	v10 =	vld [tilespmem:s22+$0x8A80];
	(xrf2) =	vadd.scan.msk.f32 $0xffff, v7;
	_ =	sdelay $0x2  }
0x2d0: {  	(xrf2) =	vadd.scan.msk.f32 $0xffff, v8  }
0x2d1: {  	v11 =	vld [tilespmem:s22+$0x8C80];
	(xrf2) =	vadd.scan.msk.f32 $0xffff, v9  }
0x2d2: {  	v12 =	vld [tilespmem:s22+$0x8E80];
	(xrf2) =	vadd.scan.msk.f32 $0xffff, v10  }
0x2d3: {  	(v2sf) =	vpush v6, $0xF;
	_ =	sdelay $0x1  }
0x2d4: {  	v6 =	vld [tilespmem:s22+$0x9080]  }
0x2d5: {  	v14 =	vld [tilespmem:s22+$0x9280];
	v13, _, _ =	vpop (xrf2);
	(xrf2) =	vadd.scan.msk.f32 $0xffff, v11  }
0x2d6: {  	v16 =	vld [tilespmem:s22+$0x9480];
	(v2sf) =	vpush v13, $0xF;
	v15, _, _ =	vpop (xrf2);
	(xrf2) =	vadd.scan.msk.f32 $0xffff, v12;
	_ =	sdelay $0x1  }
0x2d7: {  	(v2sf) =	vpush v15, $0xF  }
0x2d8: {  	v17, _, _ =	vpop (xrf2);
	(xrf2) =	vadd.scan.msk.f32 $0xffff, v6  }
0x2d9: {  	(v2sf) =	vpush v17, $0xF;
	v19, _, _ =	vpop (xrf2);
	(xrf2) =	vadd.scan.msk.f32 $0xffff, v14  }
0x2da: {  	v18 =	vld [tilespmem:s22+$0x9680];
	v20, _, _ =	vpop (xrf2);
	(xrf2) =	vadd.scan.msk.f32 $0xffff, v16  }
0x2db: {  	(v2sf) =	vpush v19, $0xF  }
0x2dc: {  	v22 =	vld [tilespmem:s22+$0x9880]  }
0x2dd: {  	v23 =	vld [tilespmem:s22+$0x9A80]  }
0x2de: {  	v25 =	vld [tilespmem:s22+$0x9C80];
	(v2sf) =	vpush v20, $0xF;
	v21, _, _ =	vpop (xrf2)  }
0x2df: {  	v26 =	vld [tilespmem:s22+$0x9E80];
	(xrf2) =	vadd.scan.msk.f32 $0xffff, v18;
	(v2sf) =	vpush v21, $0xF;
	v24, _, _ =	vpop (xrf2)  }
0x2e0: {  	s5 =	sadd.f32 $0.0e+00, s21;
	s6 =	spop (v2sf);
	(v2sf) =	vpush v24, $0xF  }
0x2e1: {  	s13 =	sadd.f32 s6, s13;
	v5 =	vsub.f32 v13, v5;
	(xrf2) =	vadd.scan.msk.f32 $0xffff, v22  }
0x2e2: {  	s6 =	sadd.f32 $0.0e+00, s25;
	v7 =	vsub.f32 v15, v7;
	v27, _, _ =	vpop (xrf2);
	(xrf2) =	vadd.scan.msk.f32 $0xffff, v23  }
0x2e3: {  	v5 =	vadd.f32 s5, v5;
	s5 =	sadd.f32 $0.0e+00, s10;
	(v2sf) =	vpush v27, $0xF;
	v28, _, _ =	vpop (xrf2);
	(xrf2) =	vadd.scan.msk.f32 $0xffff, v25  }
0x2e4: {  	v7 =	vadd.f32 s6, v7;
	s6 =	sadd.f32 $0.0e+00, s11;
	v29, _, _ =	vpop (xrf2);
	(xrf2) =	vadd.scan.msk.f32 $0xffff, v26;
	s7 =	spop (v2sf)  }
0x2e5: {  	s21 =	sadd.f32 s7, s21  }
0x2e6: {  	s14 =	spop (v2sf);
	s7 =	sadd.f32 $0.0e+00, s9  }
0x2e7: {  	(v2sf) =	vpush v28, $0xF;
	s25 =	sadd.f32 s14, s25  }
0x2e8: {  	(v2sf) =	vpush v29, $0xF;
	s15 =	spop (v2sf);
	s14 =	sadd.f32 $0.0e+00, s8  }
0x2e9: {  	s9 =	sadd.f32 s15, s9;
	v30, _, _ =	vpop (xrf2)  }
0x2ea: {  	v9 =	vsub.f32 v19, v9;
	s18 =	spop (v2sf);
	s15 =	sadd.f32 $0.0e+00, s24;
	(v2sf) =	vpush v30, $0xF  }
0x2eb: {  	[tilespmem:s22+$0x8280] =	vst v5;
	v5 =	vsub.f32 v20, v10;
	s8 =	sadd.f32 s18, s8;
	v31, _, _ =	vpop (xrf2)  }
0x2ec: {  	s18 =	sadd.f32 $0.0e+00, s23;
	v9 =	vadd.f32 s14, v9;
	v59, _, _ =	vpop (xrf2);
	(v2sf) =	vpush v31, $0xF  }
0x2ed: {  	s19 =	spop (v2sf);
	s14 =	sadd.f32 $0.0e+00, s1;
	v5 =	vadd.f32 s15, v5;
	v32, _, _ =	vpop (xrf2);
	(v2sf) =	vpush v59, $0xF  }
0x2ee: {  	[tilespmem:s22+$0x8480] =	vst v7;
	v7 =	vsub.f32 v21, v11;
	s24 =	sadd.f32 s19, s24;
	v60, _, _ =	vpop (xrf2);
	s4 =	spop (v2sf);
	(v2sf) =	vpush v32, $0xF  }
0x2ef: {  	s15 =	sadd.f32 $0.0e+00, s31;
	[tilespmem:s22+$0x8A80] =	vst v5;
	v5 =	vsub.f32 v28, v14;
	s19 =	spop (v2sf);
	(v2sf) =	vpush v60, $0xF  }
0x2f0: {  	v7 =	vadd.f32 s18, v7;
	s18 =	sadd.f32 $0.0e+00, s30  }
0x2f1: {  	v6 =	vsub.f32 v27, v6;
	v5 =	vadd.f32 s14, v5;
	s14 =	sadd.f32 $0.0e+00, s26  }
0x2f2: {  	v8 =	vsub.f32 v17, v8;
	s23 =	sadd.f32 s4, s23;
	s4 =	spop (v2sf)  }
0x2f3: {  	v61 =	vsub.f32 v24, v12;
	v6 =	vadd.f32 s6, v6;
	s11 =	sadd.f32 s4, s11  }
0x2f4: {  	v8 =	vadd.f32 s7, v8;
	[tilespmem:s22+$0x8C80] =	vst v7;
	v7 =	vsub.f32 v29, v16;
	s4 =	sadd.f32 $0.0e+00, s0  }
0x2f5: {  	[tilespmem:s22+$0x9080] =	vst v6;
	s10 =	sadd.f32 s19, s10  }
0x2f6: {  	[tilespmem:s22+$0x8680] =	vst v8;
	v8 =	vadd.f32 s5, v61;
	s7 =	spop (v2sf);
	v7 =	vadd.f32 s4, v7;
	s4 =	sadd.f32 $0.0e+00, s28  }
0x2f7: {  	v62 =	vsub.f32 v30, v18;
	[tilespmem:s22+$0x8880] =	vst v9;
	s1 =	sadd.f32 s7, s1;
	s19 =	spop (v2sf)  }
0x2f8: {  	v6 =	vsub.f32 v31, v22;
	[tilespmem:s22+$0x8E80] =	vst v8;
	s0 =	sadd.f32 s19, s0  }
0x2f9: {  	v8 =	vadd.f32 s15, v62;
	[tilespmem:s22+$0x9280] =	vst v5;
	v5 =	vsub.f32 v59, v23;
	s19 =	sadd.f32 $0.0e+00, s29;
	s5 =	spop (v2sf)  }
0x2fa: {  	p0 =	sne.s32 s2, $0x1F0;
	v6 =	vadd.f32 s18, v6;
	[tilespmem:s22+$0x9480] =	vst v7;
	v7 =	vsub.f32 v32, v25;
	s31 =	sadd.f32 s5, s31  }
.Ltmp22:
0x2fb: {  	[tilespmem:s22+$0x9680] =	vst v8;
	v63 =	vsub.f32 v60, v26;
	v5 =	vadd.f32 s19, v5;
	s7 =	spop (v2sf);
	(pc) =	sbr.rel @p0 .LBB2_45-.Ltmp22, $4  }
0x2fc: {  	[tilespmem:s22+$0x9880] =	vst v6;
	v6 =	vadd.f32 s4, v7;
	s30 =	sadd.f32 s7, s30;
	s15 =	spop (v2sf)  }
0x2fd: {  	[tilespmem:s22+$0x9A80] =	vst v5;
	v5 =	vadd.f32 s14, v63;
	s29 =	sadd.f32 s15, s29;
	s18 =	spop (v2sf)  }
0x2fe: {  	[tilespmem:s22+$0x9C80] =	vst v6;
	s28 =	sadd.f32 s18, s28;
	s19 =	spop (v2sf)  }
0x2ff: {  	s2 =	sadd.s32 $0x10, s2;
	s12 =	sadd.s32 $0x10, s12;
	[tilespmem:s22+$0x9E80] =	vst v5;
	s26 =	sadd.f32 s19, s26  }
0x300: {  	s12 =	simm.s32 $0x82B0  }
0x301: {  	v6 =	vld [tilespmem:s12+$0x0]  }
0x302: {  	v8 =	vld [tilespmem:s12+$0xFFFFFFF0]  }
0x303: {  	s2 =	sadd.f32 $0.0e+00, s13;
	s5 =	simm.s32 $0x0;
	v9 =	vld [tilespmem:s12+$0xFFFFFFE0]  }
0x304: {  	s5 =	sand.u32 $0x1C0, s5  }
0x305: {  	v5 =	vmov s2;
	v10 =	vld [tilespmem:s5+$0x8280]  }
0x306: {  	s6 =	simm.s32 $0x82F0;
	v11 =	vadd.f32 v6, v5  }
0x307: {  	v7 =	vld [tilespmem:s6+$0x0];
	v12 =	vadd.f32 v8, v5  }
0x308: {  	s7 =	simm.s32 $0x40;
	v6 =	vld [tilespmem:s6+$0xFFFFFFF0];
	v13 =	vadd.f32 v9, v5;
	[tilespmem:s12+$0x0] =	vst v11  }
0x309: {  	s22 =	sand.u32 $0x1C0, s7;
	v8 =	vld [tilespmem:s6+$0xFFFFFFE0];
	[tilespmem:s12+$0xFFFFFFF0] =	vst v12  }
0x30a: {  	s13 =	simm.s32 $0x4;
	v9 =	vld [tilespmem:s22+$0x8280];
	v10 =	vadd.f32 v10, v5;
	[tilespmem:s12+$0xFFFFFFE0] =	vst v13;
	s12 =	simm.s32 $0x82F0  }
.LBB2_47:
0x30b: {  	s13 =	sadd.s32 $0x4, s13  }
0x30c: {  	[tilespmem:s5+$0x8280] =	vst v10;
	s5 =	smov.u32 s22;
	p0 =	slt.u32 s13, $0x1C  }
.Ltmp23:
0x30d: {  	s6 =	sadd.s32 $0x40, s6;
	v10 =	vadd.f32 v7, v5;
	(pc) =	sbr.rel @p0 .LBB2_47-.Ltmp23, $4  }
0x30e: {  	v7 =	vld [tilespmem:s6+$0x0];
	v11 =	vadd.f32 v6, v5  }
0x30f: {  	s7 =	sadd.s32 $0x40, s7;
	v6 =	vld [tilespmem:s6+$0xFFFFFFF0];
	v12 =	vadd.f32 v8, v5;
	[tilespmem:s12+$0x0] =	vst v10  }
0x310: {  	s22 =	sand.u32 $0x1C0, s7;
	v8 =	vld [tilespmem:s6+$0xFFFFFFE0];
	v10 =	vadd.f32 v9, v5;
	[tilespmem:s12+$0xFFFFFFF0] =	vst v11  }
0x311: {  	v9 =	vld [tilespmem:s22+$0x8280];
	[tilespmem:s12+$0xFFFFFFE0] =	vst v12;
	s12 =	smov.u32 s6  }
0x312: {  	_ = 	snop  }
0x313: {  	v7 =	vadd.f32 v7, v5  }
0x314: {  	[tilespmem:s5+$0x8280] =	vst v10;
	v6 =	vadd.f32 v6, v5  }
0x315: {  	v8 =	vadd.f32 v8, v5;
	[tilespmem:s12+$0x0] =	vst v7  }
0x316: {  	v5 =	vadd.f32 v9, v5;
	[tilespmem:s12+$0xFFFFFFF0] =	vst v6  }
0x317: {  	[tilespmem:s12+$0xFFFFFFE0] =	vst v8  }
0x318: {  	s19 =	simm.s32 $0x84B0;
	[tilespmem:s22+$0x8280] =	vst v5  }
0x319: {  	v6 =	vld [tilespmem:s19+$0x0]  }
0x31a: {  	v8 =	vld [tilespmem:s19+$0xFFFFFFF0]  }
0x31b: {  	s2 =	sadd.f32 s21, s2;
	s22 =	simm.s32 $0x0;
	v9 =	vld [tilespmem:s19+$0xFFFFFFE0]  }
0x31c: {  	s5 =	sand.u32 $0x1C0, s22  }
0x31d: {  	v5 =	vmov s2;
	v10 =	vld [tilespmem:s5+$0x8480]  }
0x31e: {  	s6 =	simm.s32 $0x84F0;
	v11 =	vadd.f32 v6, v5  }
0x31f: {  	v7 =	vld [tilespmem:s6+$0x0];
	v12 =	vadd.f32 v8, v5  }
0x320: {  	s7 =	simm.s32 $0x40;
	v6 =	vld [tilespmem:s6+$0xFFFFFFF0];
	v13 =	vadd.f32 v9, v5;
	[tilespmem:s19+$0x0] =	vst v11  }
0x321: {  	s21 =	sand.u32 $0x1C0, s7;
	v8 =	vld [tilespmem:s6+$0xFFFFFFE0];
	[tilespmem:s19+$0xFFFFFFF0] =	vst v12  }
0x322: {  	s13 =	simm.s32 $0x4;
	s12 =	simm.s32 $0x84F0;
	v9 =	vld [tilespmem:s21+$0x8480];
	v10 =	vadd.f32 v10, v5;
	[tilespmem:s19+$0xFFFFFFE0] =	vst v13  }
.LBB2_49:
0x323: {  	s13 =	sadd.s32 $0x4, s13  }
0x324: {  	[tilespmem:s5+$0x8480] =	vst v10;
	s5 =	smov.u32 s21;
	p0 =	slt.u32 s13, $0x1C  }
.Ltmp24:
0x325: {  	s6 =	sadd.s32 $0x40, s6;
	v10 =	vadd.f32 v7, v5;
	(pc) =	sbr.rel @p0 .LBB2_49-.Ltmp24, $4  }
0x326: {  	v7 =	vld [tilespmem:s6+$0x0];
	v11 =	vadd.f32 v6, v5  }
0x327: {  	s7 =	sadd.s32 $0x40, s7;
	v6 =	vld [tilespmem:s6+$0xFFFFFFF0];
	v12 =	vadd.f32 v8, v5;
	[tilespmem:s12+$0x0] =	vst v10  }
0x328: {  	s21 =	sand.u32 $0x1C0, s7;
	v8 =	vld [tilespmem:s6+$0xFFFFFFE0];
	v10 =	vadd.f32 v9, v5;
	[tilespmem:s12+$0xFFFFFFF0] =	vst v11  }
0x329: {  	v9 =	vld [tilespmem:s21+$0x8480];
	[tilespmem:s12+$0xFFFFFFE0] =	vst v12;
	s12 =	smov.u32 s6  }
0x32a: {  	_ = 	snop  }
0x32b: {  	v7 =	vadd.f32 v7, v5  }
0x32c: {  	[tilespmem:s5+$0x8480] =	vst v10;
	v6 =	vadd.f32 v6, v5  }
0x32d: {  	v8 =	vadd.f32 v8, v5;
	[tilespmem:s12+$0x0] =	vst v7  }
0x32e: {  	v5 =	vadd.f32 v9, v5;
	[tilespmem:s12+$0xFFFFFFF0] =	vst v6  }
0x32f: {  	[tilespmem:s12+$0xFFFFFFE0] =	vst v8  }
0x330: {  	s22 =	simm.s32 $0x86B0;
	[tilespmem:s21+$0x8480] =	vst v5  }
0x331: {  	v6 =	vld [tilespmem:s22+$0x0]  }
0x332: {  	v8 =	vld [tilespmem:s22+$0xFFFFFFF0]  }
0x333: {  	s2 =	sadd.f32 s25, s2;
	s25 =	simm.s32 $0x0;
	v9 =	vld [tilespmem:s22+$0xFFFFFFE0]  }
0x334: {  	s5 =	sand.u32 $0x1C0, s25  }
0x335: {  	v5 =	vmov s2;
	v10 =	vld [tilespmem:s5+$0x8680]  }
0x336: {  	s6 =	simm.s32 $0x86F0;
	v11 =	vadd.f32 v6, v5  }
0x337: {  	v7 =	vld [tilespmem:s6+$0x0];
	v12 =	vadd.f32 v8, v5  }
0x338: {  	s7 =	simm.s32 $0x40;
	v6 =	vld [tilespmem:s6+$0xFFFFFFF0];
	v13 =	vadd.f32 v9, v5;
	[tilespmem:s22+$0x0] =	vst v11  }
0x339: {  	s21 =	sand.u32 $0x1C0, s7;
	v8 =	vld [tilespmem:s6+$0xFFFFFFE0];
	[tilespmem:s22+$0xFFFFFFF0] =	vst v12  }
0x33a: {  	s13 =	simm.s32 $0x4;
	s12 =	simm.s32 $0x86F0;
	v10 =	vadd.f32 v10, v5;
	v9 =	vld [tilespmem:s21+$0x8680];
	[tilespmem:s22+$0xFFFFFFE0] =	vst v13  }
.LBB2_51:
0x33b: {  	s13 =	sadd.s32 $0x4, s13  }
0x33c: {  	[tilespmem:s5+$0x8680] =	vst v10;
	s5 =	smov.u32 s21;
	p0 =	slt.u32 s13, $0x1C  }
.Ltmp25:
0x33d: {  	s6 =	sadd.s32 $0x40, s6;
	v10 =	vadd.f32 v7, v5;
	(pc) =	sbr.rel @p0 .LBB2_51-.Ltmp25, $4  }
0x33e: {  	v7 =	vld [tilespmem:s6+$0x0];
	v11 =	vadd.f32 v6, v5  }
0x33f: {  	s7 =	sadd.s32 $0x40, s7;
	v6 =	vld [tilespmem:s6+$0xFFFFFFF0];
	v12 =	vadd.f32 v8, v5;
	[tilespmem:s12+$0x0] =	vst v10  }
0x340: {  	s21 =	sand.u32 $0x1C0, s7;
	v8 =	vld [tilespmem:s6+$0xFFFFFFE0];
	v10 =	vadd.f32 v9, v5;
	[tilespmem:s12+$0xFFFFFFF0] =	vst v11  }
0x341: {  	v9 =	vld [tilespmem:s21+$0x8680];
	[tilespmem:s12+$0xFFFFFFE0] =	vst v12;
	s12 =	smov.u32 s6  }
0x342: {  	_ = 	snop  }
0x343: {  	v7 =	vadd.f32 v7, v5  }
0x344: {  	[tilespmem:s5+$0x8680] =	vst v10;
	v6 =	vadd.f32 v6, v5  }
0x345: {  	v8 =	vadd.f32 v8, v5;
	[tilespmem:s12+$0x0] =	vst v7  }
0x346: {  	v5 =	vadd.f32 v9, v5;
	[tilespmem:s12+$0xFFFFFFF0] =	vst v6  }
0x347: {  	[tilespmem:s12+$0xFFFFFFE0] =	vst v8  }
0x348: {  	s22 =	simm.s32 $0x88B0;
	[tilespmem:s21+$0x8680] =	vst v5  }
0x349: {  	v6 =	vld [tilespmem:s22+$0x0]  }
0x34a: {  	v8 =	vld [tilespmem:s22+$0xFFFFFFF0]  }
0x34b: {  	s2 =	sadd.f32 s9, s2;
	s25 =	simm.s32 $0x0;
	v9 =	vld [tilespmem:s22+$0xFFFFFFE0]  }
0x34c: {  	s5 =	sand.u32 $0x1C0, s25  }
0x34d: {  	v5 =	vmov s2;
	v10 =	vld [tilespmem:s5+$0x8880]  }
0x34e: {  	s6 =	simm.s32 $0x88F0;
	v11 =	vadd.f32 v6, v5  }
0x34f: {  	v7 =	vld [tilespmem:s6+$0x0];
	v12 =	vadd.f32 v8, v5  }
0x350: {  	s7 =	simm.s32 $0x40;
	v6 =	vld [tilespmem:s6+$0xFFFFFFF0];
	v13 =	vadd.f32 v9, v5;
	[tilespmem:s22+$0x0] =	vst v11  }
0x351: {  	s13 =	sand.u32 $0x1C0, s7;
	v8 =	vld [tilespmem:s6+$0xFFFFFFE0];
	[tilespmem:s22+$0xFFFFFFF0] =	vst v12  }
0x352: {  	s9 =	simm.s32 $0x88F0;
	s12 =	simm.s32 $0x4;
	v10 =	vadd.f32 v10, v5;
	v9 =	vld [tilespmem:s13+$0x8880];
	[tilespmem:s22+$0xFFFFFFE0] =	vst v13  }
.LBB2_53:
0x353: {  	s12 =	sadd.s32 $0x4, s12  }
0x354: {  	[tilespmem:s5+$0x8880] =	vst v10;
	s5 =	smov.u32 s13;
	p0 =	slt.u32 s12, $0x1C  }
.Ltmp26:
0x355: {  	s6 =	sadd.s32 $0x40, s6;
	v10 =	vadd.f32 v7, v5;
	(pc) =	sbr.rel @p0 .LBB2_53-.Ltmp26, $4  }
0x356: {  	v7 =	vld [tilespmem:s6+$0x0];
	v11 =	vadd.f32 v6, v5  }
0x357: {  	s7 =	sadd.s32 $0x40, s7;
	v6 =	vld [tilespmem:s6+$0xFFFFFFF0];
	v12 =	vadd.f32 v8, v5;
	[tilespmem:s9+$0x0] =	vst v10  }
0x358: {  	s13 =	sand.u32 $0x1C0, s7;
	v8 =	vld [tilespmem:s6+$0xFFFFFFE0];
	v10 =	vadd.f32 v9, v5;
	[tilespmem:s9+$0xFFFFFFF0] =	vst v11  }
0x359: {  	v9 =	vld [tilespmem:s13+$0x8880];
	[tilespmem:s9+$0xFFFFFFE0] =	vst v12;
	s9 =	smov.u32 s6  }
0x35a: {  	_ = 	snop  }
0x35b: {  	v7 =	vadd.f32 v7, v5  }
0x35c: {  	[tilespmem:s5+$0x8880] =	vst v10;
	v6 =	vadd.f32 v6, v5  }
0x35d: {  	v8 =	vadd.f32 v8, v5;
	[tilespmem:s9+$0x0] =	vst v7  }
0x35e: {  	v5 =	vadd.f32 v9, v5;
	[tilespmem:s9+$0xFFFFFFF0] =	vst v6  }
0x35f: {  	[tilespmem:s9+$0xFFFFFFE0] =	vst v8  }
0x360: {  	s22 =	simm.s32 $0x8AB0;
	[tilespmem:s13+$0x8880] =	vst v5  }
0x361: {  	v6 =	vld [tilespmem:s22+$0x0]  }
0x362: {  	v8 =	vld [tilespmem:s22+$0xFFFFFFF0]  }
0x363: {  	s2 =	sadd.f32 s8, s2;
	s25 =	simm.s32 $0x0;
	v9 =	vld [tilespmem:s22+$0xFFFFFFE0]  }
0x364: {  	s5 =	sand.u32 $0x1C0, s25  }
0x365: {  	v5 =	vmov s2;
	v10 =	vld [tilespmem:s5+$0x8A80]  }
0x366: {  	s6 =	simm.s32 $0x8AF0;
	v11 =	vadd.f32 v6, v5  }
0x367: {  	v7 =	vld [tilespmem:s6+$0x0];
	v12 =	vadd.f32 v8, v5  }
0x368: {  	s7 =	simm.s32 $0x40;
	v6 =	vld [tilespmem:s6+$0xFFFFFFF0];
	v13 =	vadd.f32 v9, v5;
	[tilespmem:s22+$0x0] =	vst v11  }
0x369: {  	s12 =	sand.u32 $0x1C0, s7;
	v8 =	vld [tilespmem:s6+$0xFFFFFFE0];
	[tilespmem:s22+$0xFFFFFFF0] =	vst v12  }
0x36a: {  	s8 =	simm.s32 $0x8AF0;
	s9 =	simm.s32 $0x4;
	v10 =	vadd.f32 v10, v5;
	v9 =	vld [tilespmem:s12+$0x8A80];
	[tilespmem:s22+$0xFFFFFFE0] =	vst v13  }
.LBB2_55:
0x36b: {  	s9 =	sadd.s32 $0x4, s9  }
0x36c: {  	[tilespmem:s5+$0x8A80] =	vst v10;
	s5 =	smov.u32 s12;
	p0 =	slt.u32 s9, $0x1C  }
.Ltmp27:
0x36d: {  	s6 =	sadd.s32 $0x40, s6;
	v10 =	vadd.f32 v7, v5;
	(pc) =	sbr.rel @p0 .LBB2_55-.Ltmp27, $4  }
0x36e: {  	v7 =	vld [tilespmem:s6+$0x0];
	v11 =	vadd.f32 v6, v5  }
0x36f: {  	s7 =	sadd.s32 $0x40, s7;
	v6 =	vld [tilespmem:s6+$0xFFFFFFF0];
	v12 =	vadd.f32 v8, v5;
	[tilespmem:s8+$0x0] =	vst v10  }
0x370: {  	s12 =	sand.u32 $0x1C0, s7;
	v8 =	vld [tilespmem:s6+$0xFFFFFFE0];
	v10 =	vadd.f32 v9, v5;
	[tilespmem:s8+$0xFFFFFFF0] =	vst v11  }
0x371: {  	v9 =	vld [tilespmem:s12+$0x8A80];
	[tilespmem:s8+$0xFFFFFFE0] =	vst v12;
	s8 =	smov.u32 s6  }
0x372: {  	_ = 	snop  }
0x373: {  	v7 =	vadd.f32 v7, v5  }
0x374: {  	[tilespmem:s5+$0x8A80] =	vst v10;
	v6 =	vadd.f32 v6, v5  }
0x375: {  	v8 =	vadd.f32 v8, v5;
	[tilespmem:s8+$0x0] =	vst v7  }
0x376: {  	v5 =	vadd.f32 v9, v5;
	[tilespmem:s8+$0xFFFFFFF0] =	vst v6  }
0x377: {  	[tilespmem:s8+$0xFFFFFFE0] =	vst v8  }
0x378: {  	s2 =	sadd.f32 s24, s2;
	s24 =	simm.s32 $0x8CB0;
	[tilespmem:s12+$0x8A80] =	vst v5  }
0x379: {  	v6 =	vld [tilespmem:s24+$0x0]  }
0x37a: {  	v8 =	vld [tilespmem:s24+$0xFFFFFFF0]  }
0x37b: {  	s25 =	simm.s32 $0x0;
	v9 =	vld [tilespmem:s24+$0xFFFFFFE0]  }
0x37c: {  	s5 =	sand.u32 $0x1C0, s25  }
0x37d: {  	v5 =	vmov s2;
	v10 =	vld [tilespmem:s5+$0x8C80]  }
0x37e: {  	s6 =	simm.s32 $0x8CF0;
	v11 =	vadd.f32 v6, v5  }
0x37f: {  	v7 =	vld [tilespmem:s6+$0x0];
	v12 =	vadd.f32 v8, v5  }
0x380: {  	s7 =	simm.s32 $0x40;
	v6 =	vld [tilespmem:s6+$0xFFFFFFF0];
	v13 =	vadd.f32 v9, v5;
	[tilespmem:s24+$0x0] =	vst v11  }
0x381: {  	s12 =	sand.u32 $0x1C0, s7;
	v8 =	vld [tilespmem:s6+$0xFFFFFFE0];
	[tilespmem:s24+$0xFFFFFFF0] =	vst v12  }
0x382: {  	s9 =	simm.s32 $0x4;
	s8 =	simm.s32 $0x8CF0;
	v10 =	vadd.f32 v10, v5;
	v9 =	vld [tilespmem:s12+$0x8C80];
	[tilespmem:s24+$0xFFFFFFE0] =	vst v13  }
.LBB2_57:
0x383: {  	s9 =	sadd.s32 $0x4, s9  }
0x384: {  	[tilespmem:s5+$0x8C80] =	vst v10;
	s5 =	smov.u32 s12;
	p0 =	slt.u32 s9, $0x1C  }
.Ltmp28:
0x385: {  	s6 =	sadd.s32 $0x40, s6;
	v10 =	vadd.f32 v7, v5;
	(pc) =	sbr.rel @p0 .LBB2_57-.Ltmp28, $4  }
0x386: {  	v7 =	vld [tilespmem:s6+$0x0];
	v11 =	vadd.f32 v6, v5  }
0x387: {  	s7 =	sadd.s32 $0x40, s7;
	v6 =	vld [tilespmem:s6+$0xFFFFFFF0];
	v12 =	vadd.f32 v8, v5;
	[tilespmem:s8+$0x0] =	vst v10  }
0x388: {  	s12 =	sand.u32 $0x1C0, s7;
	v8 =	vld [tilespmem:s6+$0xFFFFFFE0];
	v10 =	vadd.f32 v9, v5;
	[tilespmem:s8+$0xFFFFFFF0] =	vst v11  }
0x389: {  	v9 =	vld [tilespmem:s12+$0x8C80];
	[tilespmem:s8+$0xFFFFFFE0] =	vst v12;
	s8 =	smov.u32 s6  }
0x38a: {  	_ = 	snop  }
0x38b: {  	v7 =	vadd.f32 v7, v5  }
0x38c: {  	[tilespmem:s5+$0x8C80] =	vst v10;
	v6 =	vadd.f32 v6, v5  }
0x38d: {  	v8 =	vadd.f32 v8, v5;
	[tilespmem:s8+$0x0] =	vst v7  }
0x38e: {  	v5 =	vadd.f32 v9, v5;
	[tilespmem:s8+$0xFFFFFFF0] =	vst v6  }
0x38f: {  	[tilespmem:s8+$0xFFFFFFE0] =	vst v8  }
0x390: {  	s24 =	simm.s32 $0x8EB0;
	[tilespmem:s12+$0x8C80] =	vst v5  }
0x391: {  	v6 =	vld [tilespmem:s24+$0x0]  }
0x392: {  	v8 =	vld [tilespmem:s24+$0xFFFFFFF0]  }
0x393: {  	s2 =	sadd.f32 s23, s2;
	s25 =	simm.s32 $0x0;
	v9 =	vld [tilespmem:s24+$0xFFFFFFE0]  }
0x394: {  	s5 =	sand.u32 $0x1C0, s25  }
0x395: {  	v5 =	vmov s2;
	v10 =	vld [tilespmem:s5+$0x8E80]  }
0x396: {  	s6 =	simm.s32 $0x8EF0;
	v11 =	vadd.f32 v6, v5  }
0x397: {  	v7 =	vld [tilespmem:s6+$0x0];
	v12 =	vadd.f32 v8, v5  }
0x398: {  	s7 =	simm.s32 $0x40;
	v6 =	vld [tilespmem:s6+$0xFFFFFFF0];
	v13 =	vadd.f32 v9, v5;
	[tilespmem:s24+$0x0] =	vst v11  }
0x399: {  	s12 =	sand.u32 $0x1C0, s7;
	v8 =	vld [tilespmem:s6+$0xFFFFFFE0];
	[tilespmem:s24+$0xFFFFFFF0] =	vst v12  }
0x39a: {  	s9 =	simm.s32 $0x4;
	s8 =	simm.s32 $0x8EF0;
	v10 =	vadd.f32 v10, v5;
	v9 =	vld [tilespmem:s12+$0x8E80];
	[tilespmem:s24+$0xFFFFFFE0] =	vst v13  }
.LBB2_59:
0x39b: {  	s9 =	sadd.s32 $0x4, s9  }
0x39c: {  	[tilespmem:s5+$0x8E80] =	vst v10;
	s5 =	smov.u32 s12;
	p0 =	slt.u32 s9, $0x1C  }
.Ltmp29:
0x39d: {  	s6 =	sadd.s32 $0x40, s6;
	v10 =	vadd.f32 v7, v5;
	(pc) =	sbr.rel @p0 .LBB2_59-.Ltmp29, $4  }
0x39e: {  	v7 =	vld [tilespmem:s6+$0x0];
	v11 =	vadd.f32 v6, v5  }
0x39f: {  	s7 =	sadd.s32 $0x40, s7;
	v6 =	vld [tilespmem:s6+$0xFFFFFFF0];
	v12 =	vadd.f32 v8, v5;
	[tilespmem:s8+$0x0] =	vst v10  }
0x3a0: {  	s12 =	sand.u32 $0x1C0, s7;
	v8 =	vld [tilespmem:s6+$0xFFFFFFE0];
	v10 =	vadd.f32 v9, v5;
	[tilespmem:s8+$0xFFFFFFF0] =	vst v11  }
0x3a1: {  	v9 =	vld [tilespmem:s12+$0x8E80];
	[tilespmem:s8+$0xFFFFFFE0] =	vst v12;
	s8 =	smov.u32 s6  }
0x3a2: {  	_ = 	snop  }
0x3a3: {  	v7 =	vadd.f32 v7, v5  }
0x3a4: {  	[tilespmem:s5+$0x8E80] =	vst v10;
	v6 =	vadd.f32 v6, v5  }
0x3a5: {  	v8 =	vadd.f32 v8, v5;
	[tilespmem:s8+$0x0] =	vst v7  }
0x3a6: {  	v5 =	vadd.f32 v9, v5;
	[tilespmem:s8+$0xFFFFFFF0] =	vst v6  }
0x3a7: {  	[tilespmem:s8+$0xFFFFFFE0] =	vst v8  }
0x3a8: {  	s24 =	simm.s32 $0x90B0;
	[tilespmem:s12+$0x8E80] =	vst v5  }
0x3a9: {  	v6 =	vld [tilespmem:s24+$0x0]  }
0x3aa: {  	v8 =	vld [tilespmem:s24+$0xFFFFFFF0]  }
0x3ab: {  	s2 =	sadd.f32 s10, s2;
	s25 =	simm.s32 $0x0;
	v9 =	vld [tilespmem:s24+$0xFFFFFFE0]  }
0x3ac: {  	s5 =	sand.u32 $0x1C0, s25  }
0x3ad: {  	v5 =	vmov s2;
	v10 =	vld [tilespmem:s5+$0x9080]  }
0x3ae: {  	s6 =	simm.s32 $0x90F0;
	v11 =	vadd.f32 v6, v5  }
0x3af: {  	v7 =	vld [tilespmem:s6+$0x0];
	v12 =	vadd.f32 v8, v5  }
0x3b0: {  	s7 =	simm.s32 $0x40;
	v6 =	vld [tilespmem:s6+$0xFFFFFFF0];
	v13 =	vadd.f32 v9, v5;
	[tilespmem:s24+$0x0] =	vst v11  }
0x3b1: {  	s10 =	sand.u32 $0x1C0, s7;
	v8 =	vld [tilespmem:s6+$0xFFFFFFE0];
	[tilespmem:s24+$0xFFFFFFF0] =	vst v12  }
0x3b2: {  	s9 =	simm.s32 $0x4;
	s8 =	simm.s32 $0x90F0;
	v10 =	vadd.f32 v10, v5;
	v9 =	vld [tilespmem:s10+$0x9080];
	[tilespmem:s24+$0xFFFFFFE0] =	vst v13  }
.LBB2_61:
0x3b3: {  	s9 =	sadd.s32 $0x4, s9  }
0x3b4: {  	[tilespmem:s5+$0x9080] =	vst v10;
	s5 =	smov.u32 s10;
	p0 =	slt.u32 s9, $0x1C  }
.Ltmp30:
0x3b5: {  	s6 =	sadd.s32 $0x40, s6;
	v10 =	vadd.f32 v7, v5;
	(pc) =	sbr.rel @p0 .LBB2_61-.Ltmp30, $4  }
0x3b6: {  	v7 =	vld [tilespmem:s6+$0x0];
	v11 =	vadd.f32 v6, v5  }
0x3b7: {  	s7 =	sadd.s32 $0x40, s7;
	v6 =	vld [tilespmem:s6+$0xFFFFFFF0];
	v12 =	vadd.f32 v8, v5;
	[tilespmem:s8+$0x0] =	vst v10  }
0x3b8: {  	s10 =	sand.u32 $0x1C0, s7;
	v8 =	vld [tilespmem:s6+$0xFFFFFFE0];
	v10 =	vadd.f32 v9, v5;
	[tilespmem:s8+$0xFFFFFFF0] =	vst v11  }
0x3b9: {  	v9 =	vld [tilespmem:s10+$0x9080];
	[tilespmem:s8+$0xFFFFFFE0] =	vst v12;
	s8 =	smov.u32 s6  }
0x3ba: {  	_ = 	snop  }
0x3bb: {  	v7 =	vadd.f32 v7, v5  }
0x3bc: {  	[tilespmem:s5+$0x9080] =	vst v10;
	v6 =	vadd.f32 v6, v5  }
0x3bd: {  	v8 =	vadd.f32 v8, v5;
	[tilespmem:s8+$0x0] =	vst v7  }
0x3be: {  	v5 =	vadd.f32 v9, v5;
	[tilespmem:s8+$0xFFFFFFF0] =	vst v6  }
0x3bf: {  	[tilespmem:s8+$0xFFFFFFE0] =	vst v8  }
0x3c0: {  	s24 =	simm.s32 $0x92B0;
	[tilespmem:s10+$0x9080] =	vst v5  }
0x3c1: {  	v6 =	vld [tilespmem:s24+$0x0]  }
0x3c2: {  	v8 =	vld [tilespmem:s24+$0xFFFFFFF0]  }
0x3c3: {  	s2 =	sadd.f32 s11, s2;
	s25 =	simm.s32 $0x0;
	v9 =	vld [tilespmem:s24+$0xFFFFFFE0]  }
0x3c4: {  	s5 =	sand.u32 $0x1C0, s25  }
0x3c5: {  	v5 =	vmov s2;
	v10 =	vld [tilespmem:s5+$0x9280]  }
0x3c6: {  	s6 =	simm.s32 $0x92F0;
	v11 =	vadd.f32 v6, v5  }
0x3c7: {  	v7 =	vld [tilespmem:s6+$0x0];
	v12 =	vadd.f32 v8, v5  }
0x3c8: {  	s7 =	simm.s32 $0x40;
	v6 =	vld [tilespmem:s6+$0xFFFFFFF0];
	v13 =	vadd.f32 v9, v5;
	[tilespmem:s24+$0x0] =	vst v11  }
0x3c9: {  	s10 =	sand.u32 $0x1C0, s7;
	v8 =	vld [tilespmem:s6+$0xFFFFFFE0];
	[tilespmem:s24+$0xFFFFFFF0] =	vst v12  }
0x3ca: {  	s9 =	simm.s32 $0x4;
	s8 =	simm.s32 $0x92F0;
	v10 =	vadd.f32 v10, v5;
	v9 =	vld [tilespmem:s10+$0x9280];
	[tilespmem:s24+$0xFFFFFFE0] =	vst v13  }
.LBB2_63:
0x3cb: {  	s9 =	sadd.s32 $0x4, s9  }
0x3cc: {  	[tilespmem:s5+$0x9280] =	vst v10;
	s5 =	smov.u32 s10;
	p0 =	slt.u32 s9, $0x1C  }
.Ltmp31:
0x3cd: {  	s6 =	sadd.s32 $0x40, s6;
	v10 =	vadd.f32 v7, v5;
	(pc) =	sbr.rel @p0 .LBB2_63-.Ltmp31, $4  }
0x3ce: {  	v7 =	vld [tilespmem:s6+$0x0];
	v11 =	vadd.f32 v6, v5  }
0x3cf: {  	s7 =	sadd.s32 $0x40, s7;
	v6 =	vld [tilespmem:s6+$0xFFFFFFF0];
	v12 =	vadd.f32 v8, v5;
	[tilespmem:s8+$0x0] =	vst v10  }
0x3d0: {  	s10 =	sand.u32 $0x1C0, s7;
	v8 =	vld [tilespmem:s6+$0xFFFFFFE0];
	v10 =	vadd.f32 v9, v5;
	[tilespmem:s8+$0xFFFFFFF0] =	vst v11  }
0x3d1: {  	v9 =	vld [tilespmem:s10+$0x9280];
	[tilespmem:s8+$0xFFFFFFE0] =	vst v12;
	s8 =	smov.u32 s6  }
0x3d2: {  	_ = 	snop  }
0x3d3: {  	v7 =	vadd.f32 v7, v5  }
0x3d4: {  	[tilespmem:s5+$0x9280] =	vst v10;
	v6 =	vadd.f32 v6, v5  }
0x3d5: {  	v8 =	vadd.f32 v8, v5;
	[tilespmem:s8+$0x0] =	vst v7  }
0x3d6: {  	v5 =	vadd.f32 v9, v5;
	[tilespmem:s8+$0xFFFFFFF0] =	vst v6  }
0x3d7: {  	[tilespmem:s8+$0xFFFFFFE0] =	vst v8  }
0x3d8: {  	s7 =	simm.s32 $0x94B0;
	[tilespmem:s10+$0x9280] =	vst v5  }
0x3d9: {  	v6 =	vld [tilespmem:s7+$0x0]  }
0x3da: {  	v8 =	vld [tilespmem:s7+$0xFFFFFFF0]  }
0x3db: {  	s1 =	sadd.f32 s1, s2;
	s25 =	simm.s32 $0x0;
	v9 =	vld [tilespmem:s7+$0xFFFFFFE0]  }
0x3dc: {  	s2 =	sand.u32 $0x1C0, s25  }
0x3dd: {  	v5 =	vmov s1;
	v10 =	vld [tilespmem:s2+$0x9480]  }
0x3de: {  	s5 =	simm.s32 $0x94F0;
	v11 =	vadd.f32 v6, v5  }
0x3df: {  	v7 =	vld [tilespmem:s5+$0x0];
	v12 =	vadd.f32 v8, v5  }
0x3e0: {  	s6 =	simm.s32 $0x40;
	v6 =	vld [tilespmem:s5+$0xFFFFFFF0];
	v13 =	vadd.f32 v9, v5;
	[tilespmem:s7+$0x0] =	vst v11  }
0x3e1: {  	s9 =	sand.u32 $0x1C0, s6;
	v8 =	vld [tilespmem:s5+$0xFFFFFFE0];
	[tilespmem:s7+$0xFFFFFFF0] =	vst v12  }
0x3e2: {  	s8 =	simm.s32 $0x4;
	v10 =	vadd.f32 v10, v5;
	v9 =	vld [tilespmem:s9+$0x9480];
	[tilespmem:s7+$0xFFFFFFE0] =	vst v13;
	s7 =	simm.s32 $0x94F0  }
.LBB2_65:
0x3e3: {  	s8 =	sadd.s32 $0x4, s8  }
0x3e4: {  	[tilespmem:s2+$0x9480] =	vst v10;
	s2 =	smov.u32 s9;
	p0 =	slt.u32 s8, $0x1C  }
.Ltmp32:
0x3e5: {  	s5 =	sadd.s32 $0x40, s5;
	v10 =	vadd.f32 v7, v5;
	(pc) =	sbr.rel @p0 .LBB2_65-.Ltmp32, $4  }
0x3e6: {  	v7 =	vld [tilespmem:s5+$0x0];
	v11 =	vadd.f32 v6, v5  }
0x3e7: {  	s6 =	sadd.s32 $0x40, s6;
	v6 =	vld [tilespmem:s5+$0xFFFFFFF0];
	v12 =	vadd.f32 v8, v5;
	[tilespmem:s7+$0x0] =	vst v10  }
0x3e8: {  	s9 =	sand.u32 $0x1C0, s6;
	v8 =	vld [tilespmem:s5+$0xFFFFFFE0];
	v10 =	vadd.f32 v9, v5;
	[tilespmem:s7+$0xFFFFFFF0] =	vst v11  }
0x3e9: {  	v9 =	vld [tilespmem:s9+$0x9480];
	[tilespmem:s7+$0xFFFFFFE0] =	vst v12;
	s7 =	smov.u32 s5  }
0x3ea: {  	_ = 	snop  }
0x3eb: {  	v7 =	vadd.f32 v7, v5  }
0x3ec: {  	[tilespmem:s2+$0x9480] =	vst v10;
	v6 =	vadd.f32 v6, v5  }
0x3ed: {  	v8 =	vadd.f32 v8, v5;
	[tilespmem:s7+$0x0] =	vst v7  }
0x3ee: {  	v5 =	vadd.f32 v9, v5;
	[tilespmem:s7+$0xFFFFFFF0] =	vst v6  }
0x3ef: {  	[tilespmem:s7+$0xFFFFFFE0] =	vst v8  }
0x3f0: {  	s6 =	simm.s32 $0x96B0;
	[tilespmem:s9+$0x9480] =	vst v5  }
0x3f1: {  	v6 =	vld [tilespmem:s6+$0x0]  }
0x3f2: {  	v8 =	vld [tilespmem:s6+$0xFFFFFFF0]  }
0x3f3: {  	s0 =	sadd.f32 s0, s1;
	s25 =	simm.s32 $0x0;
	v9 =	vld [tilespmem:s6+$0xFFFFFFE0]  }
0x3f4: {  	s1 =	sand.u32 $0x1C0, s25  }
0x3f5: {  	v5 =	vmov s0;
	v10 =	vld [tilespmem:s1+$0x9680]  }
0x3f6: {  	s2 =	simm.s32 $0x96F0;
	v11 =	vadd.f32 v6, v5  }
0x3f7: {  	v7 =	vld [tilespmem:s2+$0x0];
	v12 =	vadd.f32 v8, v5  }
0x3f8: {  	s5 =	simm.s32 $0x40;
	v6 =	vld [tilespmem:s2+$0xFFFFFFF0];
	v13 =	vadd.f32 v9, v5;
	[tilespmem:s6+$0x0] =	vst v11  }
0x3f9: {  	s8 =	sand.u32 $0x1C0, s5;
	v8 =	vld [tilespmem:s2+$0xFFFFFFE0];
	[tilespmem:s6+$0xFFFFFFF0] =	vst v12  }
0x3fa: {  	s7 =	simm.s32 $0x4;
	v10 =	vadd.f32 v10, v5;
	v9 =	vld [tilespmem:s8+$0x9680];
	[tilespmem:s6+$0xFFFFFFE0] =	vst v13;
	s6 =	simm.s32 $0x96F0  }
.LBB2_67:
0x3fb: {  	s7 =	sadd.s32 $0x4, s7  }
0x3fc: {  	[tilespmem:s1+$0x9680] =	vst v10;
	s1 =	smov.u32 s8;
	p0 =	slt.u32 s7, $0x1C  }
.Ltmp33:
0x3fd: {  	s2 =	sadd.s32 $0x40, s2;
	v10 =	vadd.f32 v7, v5;
	(pc) =	sbr.rel @p0 .LBB2_67-.Ltmp33, $4  }
0x3fe: {  	v7 =	vld [tilespmem:s2+$0x0];
	v11 =	vadd.f32 v6, v5  }
0x3ff: {  	s5 =	sadd.s32 $0x40, s5;
	v6 =	vld [tilespmem:s2+$0xFFFFFFF0];
	v12 =	vadd.f32 v8, v5;
	[tilespmem:s6+$0x0] =	vst v10  }
0x400: {  	s8 =	sand.u32 $0x1C0, s5;
	v8 =	vld [tilespmem:s2+$0xFFFFFFE0];
	v10 =	vadd.f32 v9, v5;
	[tilespmem:s6+$0xFFFFFFF0] =	vst v11  }
0x401: {  	v9 =	vld [tilespmem:s8+$0x9680];
	[tilespmem:s6+$0xFFFFFFE0] =	vst v12;
	s6 =	smov.u32 s2  }
0x402: {  	_ = 	snop  }
0x403: {  	v7 =	vadd.f32 v7, v5  }
0x404: {  	[tilespmem:s1+$0x9680] =	vst v10;
	v6 =	vadd.f32 v6, v5  }
0x405: {  	v8 =	vadd.f32 v8, v5;
	[tilespmem:s6+$0x0] =	vst v7  }
0x406: {  	v5 =	vadd.f32 v9, v5;
	[tilespmem:s6+$0xFFFFFFF0] =	vst v6  }
0x407: {  	[tilespmem:s6+$0xFFFFFFE0] =	vst v8  }
0x408: {  	s25 =	simm.s32 $0x98B0;
	[tilespmem:s8+$0x9680] =	vst v5  }
0x409: {  	v6 =	vld [tilespmem:s25+$0x0]  }
0x40a: {  	v8 =	vld [tilespmem:s25+$0xFFFFFFF0]  }
0x40b: {  	s0 =	sadd.f32 s31, s0;
	s31 =	simm.s32 $0x0;
	v9 =	vld [tilespmem:s25+$0xFFFFFFE0]  }
0x40c: {  	s1 =	sand.u32 $0x1C0, s31  }
0x40d: {  	v5 =	vmov s0;
	v10 =	vld [tilespmem:s1+$0x9880]  }
0x40e: {  	s2 =	simm.s32 $0x98F0;
	v11 =	vadd.f32 v6, v5  }
0x40f: {  	v7 =	vld [tilespmem:s2+$0x0];
	v12 =	vadd.f32 v8, v5  }
0x410: {  	s5 =	simm.s32 $0x40;
	v6 =	vld [tilespmem:s2+$0xFFFFFFF0];
	v13 =	vadd.f32 v9, v5;
	[tilespmem:s25+$0x0] =	vst v11  }
0x411: {  	s8 =	sand.u32 $0x1C0, s5;
	v8 =	vld [tilespmem:s2+$0xFFFFFFE0];
	[tilespmem:s25+$0xFFFFFFF0] =	vst v12  }
0x412: {  	s7 =	simm.s32 $0x4;
	s6 =	simm.s32 $0x98F0;
	v10 =	vadd.f32 v10, v5;
	v9 =	vld [tilespmem:s8+$0x9880];
	[tilespmem:s25+$0xFFFFFFE0] =	vst v13  }
.LBB2_69:
0x413: {  	s7 =	sadd.s32 $0x4, s7  }
0x414: {  	[tilespmem:s1+$0x9880] =	vst v10;
	s1 =	smov.u32 s8;
	p0 =	slt.u32 s7, $0x1C  }
.Ltmp34:
0x415: {  	s2 =	sadd.s32 $0x40, s2;
	v10 =	vadd.f32 v7, v5;
	(pc) =	sbr.rel @p0 .LBB2_69-.Ltmp34, $4  }
0x416: {  	v7 =	vld [tilespmem:s2+$0x0];
	v11 =	vadd.f32 v6, v5  }
0x417: {  	s5 =	sadd.s32 $0x40, s5;
	v6 =	vld [tilespmem:s2+$0xFFFFFFF0];
	v12 =	vadd.f32 v8, v5;
	[tilespmem:s6+$0x0] =	vst v10  }
0x418: {  	s8 =	sand.u32 $0x1C0, s5;
	v8 =	vld [tilespmem:s2+$0xFFFFFFE0];
	v10 =	vadd.f32 v9, v5;
	[tilespmem:s6+$0xFFFFFFF0] =	vst v11  }
0x419: {  	v9 =	vld [tilespmem:s8+$0x9880];
	[tilespmem:s6+$0xFFFFFFE0] =	vst v12;
	s6 =	smov.u32 s2  }
0x41a: {  	_ = 	snop  }
0x41b: {  	v7 =	vadd.f32 v7, v5  }
0x41c: {  	[tilespmem:s1+$0x9880] =	vst v10;
	v6 =	vadd.f32 v6, v5  }
0x41d: {  	v8 =	vadd.f32 v8, v5;
	[tilespmem:s6+$0x0] =	vst v7  }
0x41e: {  	v5 =	vadd.f32 v9, v5;
	[tilespmem:s6+$0xFFFFFFF0] =	vst v6  }
0x41f: {  	[tilespmem:s6+$0xFFFFFFE0] =	vst v8  }
0x420: {  	s0 =	sadd.f32 s30, s0;
	s30 =	simm.s32 $0x9AB0;
	[tilespmem:s8+$0x9880] =	vst v5  }
0x421: {  	v6 =	vld [tilespmem:s30+$0x0]  }
0x422: {  	v8 =	vld [tilespmem:s30+$0xFFFFFFF0]  }
0x423: {  	s31 =	simm.s32 $0x0;
	v9 =	vld [tilespmem:s30+$0xFFFFFFE0]  }
0x424: {  	s1 =	sand.u32 $0x1C0, s31  }
0x425: {  	v5 =	vmov s0;
	v10 =	vld [tilespmem:s1+$0x9A80]  }
0x426: {  	s2 =	simm.s32 $0x9AF0;
	v11 =	vadd.f32 v6, v5  }
0x427: {  	v7 =	vld [tilespmem:s2+$0x0];
	v12 =	vadd.f32 v8, v5  }
0x428: {  	s5 =	simm.s32 $0x40;
	v6 =	vld [tilespmem:s2+$0xFFFFFFF0];
	v13 =	vadd.f32 v9, v5;
	[tilespmem:s30+$0x0] =	vst v11  }
0x429: {  	s8 =	sand.u32 $0x1C0, s5;
	v8 =	vld [tilespmem:s2+$0xFFFFFFE0];
	[tilespmem:s30+$0xFFFFFFF0] =	vst v12  }
0x42a: {  	s7 =	simm.s32 $0x4;
	s6 =	simm.s32 $0x9AF0;
	v10 =	vadd.f32 v10, v5;
	v9 =	vld [tilespmem:s8+$0x9A80];
	[tilespmem:s30+$0xFFFFFFE0] =	vst v13  }
.LBB2_71:
0x42b: {  	s7 =	sadd.s32 $0x4, s7  }
0x42c: {  	[tilespmem:s1+$0x9A80] =	vst v10;
	s1 =	smov.u32 s8;
	p0 =	slt.u32 s7, $0x1C  }
.Ltmp35:
0x42d: {  	s2 =	sadd.s32 $0x40, s2;
	v10 =	vadd.f32 v7, v5;
	(pc) =	sbr.rel @p0 .LBB2_71-.Ltmp35, $4  }
0x42e: {  	v7 =	vld [tilespmem:s2+$0x0];
	v11 =	vadd.f32 v6, v5  }
0x42f: {  	s5 =	sadd.s32 $0x40, s5;
	v6 =	vld [tilespmem:s2+$0xFFFFFFF0];
	v12 =	vadd.f32 v8, v5;
	[tilespmem:s6+$0x0] =	vst v10  }
0x430: {  	s8 =	sand.u32 $0x1C0, s5;
	v8 =	vld [tilespmem:s2+$0xFFFFFFE0];
	v10 =	vadd.f32 v9, v5;
	[tilespmem:s6+$0xFFFFFFF0] =	vst v11  }
0x431: {  	v9 =	vld [tilespmem:s8+$0x9A80];
	[tilespmem:s6+$0xFFFFFFE0] =	vst v12;
	s6 =	smov.u32 s2  }
0x432: {  	_ = 	snop  }
0x433: {  	v7 =	vadd.f32 v7, v5  }
0x434: {  	[tilespmem:s1+$0x9A80] =	vst v10;
	v6 =	vadd.f32 v6, v5  }
0x435: {  	v8 =	vadd.f32 v8, v5;
	[tilespmem:s6+$0x0] =	vst v7  }
0x436: {  	v5 =	vadd.f32 v9, v5;
	[tilespmem:s6+$0xFFFFFFF0] =	vst v6  }
0x437: {  	[tilespmem:s6+$0xFFFFFFE0] =	vst v8  }
0x438: {  	s30 =	simm.s32 $0x9CB0;
	[tilespmem:s8+$0x9A80] =	vst v5  }
0x439: {  	v6 =	vld [tilespmem:s30+$0x0]  }
0x43a: {  	v8 =	vld [tilespmem:s30+$0xFFFFFFF0]  }
0x43b: {  	s0 =	sadd.f32 s29, s0;
	s31 =	simm.s32 $0x0;
	v9 =	vld [tilespmem:s30+$0xFFFFFFE0]  }
0x43c: {  	s1 =	sand.u32 $0x1C0, s31  }
0x43d: {  	v5 =	vmov s0;
	v10 =	vld [tilespmem:s1+$0x9C80]  }
0x43e: {  	s2 =	simm.s32 $0x9CF0;
	v11 =	vadd.f32 v6, v5  }
0x43f: {  	v7 =	vld [tilespmem:s2+$0x0];
	v12 =	vadd.f32 v8, v5  }
0x440: {  	s5 =	simm.s32 $0x40;
	v6 =	vld [tilespmem:s2+$0xFFFFFFF0];
	v13 =	vadd.f32 v9, v5;
	[tilespmem:s30+$0x0] =	vst v11  }
0x441: {  	s8 =	sand.u32 $0x1C0, s5;
	v8 =	vld [tilespmem:s2+$0xFFFFFFE0];
	[tilespmem:s30+$0xFFFFFFF0] =	vst v12  }
0x442: {  	s7 =	simm.s32 $0x4;
	s6 =	simm.s32 $0x9CF0;
	v10 =	vadd.f32 v10, v5;
	v9 =	vld [tilespmem:s8+$0x9C80];
	[tilespmem:s30+$0xFFFFFFE0] =	vst v13  }
.LBB2_73:
0x443: {  	s7 =	sadd.s32 $0x4, s7  }
0x444: {  	[tilespmem:s1+$0x9C80] =	vst v10;
	s1 =	smov.u32 s8;
	p0 =	slt.u32 s7, $0x1C  }
.Ltmp36:
0x445: {  	s2 =	sadd.s32 $0x40, s2;
	v10 =	vadd.f32 v7, v5;
	(pc) =	sbr.rel @p0 .LBB2_73-.Ltmp36, $4  }
0x446: {  	v7 =	vld [tilespmem:s2+$0x0];
	v11 =	vadd.f32 v6, v5  }
0x447: {  	s5 =	sadd.s32 $0x40, s5;
	v6 =	vld [tilespmem:s2+$0xFFFFFFF0];
	v12 =	vadd.f32 v8, v5;
	[tilespmem:s6+$0x0] =	vst v10  }
0x448: {  	s8 =	sand.u32 $0x1C0, s5;
	v8 =	vld [tilespmem:s2+$0xFFFFFFE0];
	v10 =	vadd.f32 v9, v5;
	[tilespmem:s6+$0xFFFFFFF0] =	vst v11  }
0x449: {  	v9 =	vld [tilespmem:s8+$0x9C80];
	[tilespmem:s6+$0xFFFFFFE0] =	vst v12;
	s6 =	smov.u32 s2  }
0x44a: {  	_ = 	snop  }
0x44b: {  	v7 =	vadd.f32 v7, v5  }
0x44c: {  	[tilespmem:s1+$0x9C80] =	vst v10;
	v6 =	vadd.f32 v6, v5  }
0x44d: {  	v8 =	vadd.f32 v8, v5;
	[tilespmem:s6+$0x0] =	vst v7  }
0x44e: {  	v5 =	vadd.f32 v9, v5;
	[tilespmem:s6+$0xFFFFFFF0] =	vst v6  }
0x44f: {  	[tilespmem:s6+$0xFFFFFFE0] =	vst v8  }
0x450: {  	s5 =	simm.s32 $0x9EB0;
	[tilespmem:s8+$0x9C80] =	vst v5  }
0x451: {  	v6 =	vld [tilespmem:s5+$0x0]  }
0x452: {  	v8 =	vld [tilespmem:s5+$0xFFFFFFF0]  }
0x453: {  	s0 =	sadd.f32 s28, s0;
	s31 =	simm.s32 $0x0;
	v9 =	vld [tilespmem:s5+$0xFFFFFFE0]  }
0x454: {  	s1 =	sand.u32 $0x1C0, s31  }
0x455: {  	v5 =	vmov s0;
	v10 =	vld [tilespmem:s1+$0x9E80]  }
0x456: {  	s2 =	simm.s32 $0x9EF0;
	v11 =	vadd.f32 v6, v5  }
0x457: {  	v7 =	vld [tilespmem:s2+$0x0];
	v8 =	vadd.f32 v8, v5  }
0x458: {  	s6 =	simm.s32 $0x40;
	v6 =	vld [tilespmem:s2+$0xFFFFFFF0];
	v12 =	vadd.f32 v9, v5;
	[tilespmem:s5+$0x0] =	vst v11  }
0x459: {  	s7 =	sand.u32 $0x1C0, s6;
	v9 =	vld [tilespmem:s2+$0xFFFFFFE0];
	[tilespmem:s5+$0xFFFFFFF0] =	vst v8  }
0x45a: {  	s8 =	simm.s32 $0x4;
	v10 =	vadd.f32 v10, v5;
	v8 =	vld [tilespmem:s7+$0x9E80];
	[tilespmem:s5+$0xFFFFFFE0] =	vst v12;
	s5 =	simm.s32 $0x9EF0  }
.LBB2_75:
0x45b: {  	s8 =	sadd.s32 $0x4, s8  }
0x45c: {  	[tilespmem:s1+$0x9E80] =	vst v10;
	s1 =	smov.u32 s7;
	p0 =	slt.u32 s8, $0x1C  }
.Ltmp37:
0x45d: {  	s2 =	sadd.s32 $0x40, s2;
	v10 =	vadd.f32 v7, v5;
	(pc) =	sbr.rel @p0 .LBB2_75-.Ltmp37, $4  }
0x45e: {  	v7 =	vld [tilespmem:s2+$0x0];
	v11 =	vadd.f32 v6, v5  }
0x45f: {  	s6 =	sadd.s32 $0x40, s6;
	v6 =	vld [tilespmem:s2+$0xFFFFFFF0];
	v12 =	vadd.f32 v9, v5;
	[tilespmem:s5+$0x0] =	vst v10  }
0x460: {  	s7 =	sand.u32 $0x1C0, s6;
	v9 =	vld [tilespmem:s2+$0xFFFFFFE0];
	v10 =	vadd.f32 v8, v5;
	[tilespmem:s5+$0xFFFFFFF0] =	vst v11  }
0x461: {  	v8 =	vld [tilespmem:s7+$0x9E80];
	[tilespmem:s5+$0xFFFFFFE0] =	vst v12;
	s5 =	smov.u32 s2  }
0x462: {  	s0 =	sadd.f32 s26, s0  }
0x463: {  	v7 =	vadd.f32 v7, v5  }
0x464: {  	[tilespmem:s1+$0x9E80] =	vst v10;
	v6 =	vadd.f32 v6, v5;
	v10 =	vmov s0  }
0x465: {  	v9 =	vadd.f32 v9, v5;
	[tilespmem:s5+$0x0] =	vst v7;
	v7 =	vadd.f32 $0.0e+00, v10  }
0x466: {  	v5 =	vadd.f32 v8, v5;
	[tilespmem:s5+$0xFFFFFFF0] =	vst v6  }
0x467: {  	[tilespmem:s5+$0xFFFFFFE0] =	vst v9;
	v6 =	vbroadcast v7, $0x0  }
0x468: {  	[tilespmem:s7+$0x9E80] =	vst v5  }
0x469: {  	s30 =	simm.s32 $0x8090;
	[tilespmem:$0xA080] =	vst v6  }
0x46a: {  	v5 =	vld [tilespmem:s30+$0x0];
	_ =	sdelay $0x1  }
0x46b: {  	v7 =	vld [tilespmem:s30+$0xFFFFFFF0];
	_ =	sdelay $0x2  }
0x46c: {  	v8 =	vtrunc.f32 v5  }
0x46d: {  	s31 =	simm.s32 $0x80B0;
	v8 =	vcvt.f32.s32 v8  }
0x46e: {  	v6 =	vld [tilespmem:s31+$0x0];
	v9 =	vtrunc.f32 v7  }
0x46f: {  	v9 =	vcvt.f32.s32 v9;
	vm0 =	vgt.s32 v8, $0x0  }
0x470: {  	vm1 =	vlt.f32 v7, $6.553600000e+04;
	v7 =	vnsel vm0, $0x0, v8;
	vm0 =	vlt.f32 v5, $6.553600000e+04;
	v8 =	vld [tilespmem:s31+$0xFFFFFFF0]  }
0x471: {  	vm2 =	vgt.s32 v9, $0x0;
	v5 =	vmin.u32 v7, $0xFFFF  }
0x472: {  	vm1 =	vmmov vm1;
	v7 =	vnsel vm2, $0x0, v9  }
0x473: {  	v9 =	vtrunc.f32 v6;
	v7 =	vmin.u32 v7, $0xFFFF  }
0x474: {  	s2 =	simm.s32 $0x80D0;
	s0 =	simm.s32 $0x2;
	v9 =	vcvt.f32.s32 v9  }
.LBB2_77:
0x475: {  	v10 =	vld [tilespmem:s2+$0x0];
	s0 =	sadd.s32 $0x2, s0;
	v11 =	vtrunc.f32 v8;
	vm2 =	vlt.f32 v8, $6.553600000e+04;
	s1 =	simm.s32 $0xA100  }
0x476: {  	p0 =	slt.u32 s0, $0x1FE;
	v11 =	vcvt.f32.s32 v11;
	vm3 =	vgt.s32 v9, $0x0;
	[tilespmem:v5+s1+$0x0] =	vst.idx.add.s32.msk vm0, v3  }
.Ltmp38:
0x477: {  	vm0 =	vlt.f32 v6, $6.553600000e+04;
	v8 =	vld [tilespmem:s2+$0xFFFFFFF0];
	v5 =	vnsel vm3, $0x0, v9;
	(pc) =	sbr.rel @p0 .LBB2_77-.Ltmp38, $4  }
0x478: {  	vm3 =	vgt.s32 v11, $0x0;
	v5 =	vmin.u32 v5, $0xFFFF;
	[tilespmem:v7+s1+$0x0] =	vst.idx.add.s32.msk vm1, v3;
	vm1 =	vmmov vm2  }
0x479: {  	v11 =	vnsel vm3, $0x0, v11  }
0x47a: {  	v9 =	vtrunc.f32 v10;
	v7 =	vmin.u32 v11, $0xFFFF;
	v6 =	vmov v10  }
0x47b: {  	s2 =	sadd.s32 $0x20, s2;
	v9 =	vcvt.f32.s32 v9  }
0x47c: {  	v10 =	vtrunc.f32 v8  }
0x47d: {  	v10 =	vcvt.f32.s32 v10  }
0x47e: {  	vm2 =	vlt.f32 v8, $6.553600000e+04;
	vm3 =	vgt.s32 v9, $0x0  }
0x47f: {  	vm15 =	vlt.f32 v6, $6.553600000e+04;
	v52 =	vnsel vm3, $0x0, v9;
	vm4 =	vgt.s32 v10, $0x0  }
0x480: {  	vm2 =	vmmov vm2;
	v8 =	vmin.u32 v52, $0xFFFF;
	v6 =	vnsel vm4, $0x0, v10  }
0x481: {  	v6 =	vmin.u32 v6, $0xFFFF;
	_ =	sdelay $0x1  }
0x482: {  	[tilespmem:v5+s1+$0x0] =	vst.idx.add.s32.msk vm0, v3  }
0x483: {  	[tilespmem:v7+s1+$0x0] =	vst.idx.add.s32.msk vm1, v3  }
0x484: {  	[tilespmem:v8+s1+$0x0] =	vst.idx.add.s32.msk vm15, v3  }
0x485: {  	[tilespmem:v6+s1+$0x0] =	vst.idx.add.s32.msk vm2, v3  }
0x486: {  	v5 =	vld [tilespmem:s1+$0x0];
	_ =	sdelay $0x4  }
0x487: {  	(xrf0) =	vadd.scan.msk.s32 $0xffff, v5;
	_ =	sdelay $0x5  }
0x488: {  	s5 =	simm.s32 $0xFFFFFFFF;
	v5, _, _ =	vpop (xrf0)  }
0x489: {  	s0 =	simm.s32 $0x0;
	v6 =	vadd.s32 s5, v5  }
0x48a: {  	s9 =	sand.u32 $0xFF0, s0;
	[tilespmem:s1+$0x0] =	vst v6  }
0x48b: {  	v6 =	vld [tilespmem:s9+$0xB100]  }
0x48c: {  	v7 =	vld [tilespmem:s9+$0xC100];
	_ =	sdelay $0x3  }
0x48d: {  	(xrf0) =	vadd.scan.msk.s32 $0xffff, v6  }
0x48e: {  	v6 =	vld [tilespmem:s9+$0xD100];
	(xrf0) =	vadd.scan.msk.s32 $0xffff, v7  }
0x48f: {  	v7 =	vld [tilespmem:s9+$0xE100]  }
0x490: {  	v8 =	vld [tilespmem:s9+$0xF100]  }
0x491: {  	(v2sf) =	vpush v5, $0xF;
	v53 =	vld [tilespmem:s9+$0x10100]  }
0x492: {  	v5 =	vld [tilespmem:s9+$0x11100]  }
0x493: {  	v54 =	vld [tilespmem:s9+$0x12100];
	(xrf0) =	vadd.scan.msk.s32 $0xffff, v6;
	v6, _, _ =	vpop (xrf0)  }
0x494: {  	v11 =	vld [tilespmem:s9+$0x13100];
	(xrf0) =	vadd.scan.msk.s32 $0xffff, v7;
	(v2sf) =	vpush v6, $0xF;
	v7, _, _ =	vpop (xrf0)  }
0x495: {  	v12 =	vld [tilespmem:s9+$0x14100];
	(xrf0) =	vadd.scan.msk.s32 $0xffff, v8;
	(v2sf) =	vpush v7, $0xF  }
0x496: {  	v55 =	vld [tilespmem:s9+$0x15100];
	(xrf0) =	vadd.scan.msk.s32 $0xffff, v53  }
0x497: {  	v56 =	vld [tilespmem:s9+$0x16100];
	(xrf0) =	vadd.scan.msk.s32 $0xffff, v5  }
0x498: {  	v5 =	vadd.s32 s5, v6;
	v6 =	vld [tilespmem:s9+$0x17100];
	(xrf0) =	vadd.scan.msk.s32 $0xffff, v54  }
0x499: {  	[tilespmem:s9+$0xB100] =	vst v5;
	v5 =	vadd.s32 s5, v7;
	v7 =	vld [tilespmem:s9+$0x18100];
	v57, _, _ =	vpop (xrf0);
	(xrf0) =	vadd.scan.msk.s32 $0xffff, v11  }
0x49a: {  	v58 =	vld [tilespmem:s9+$0x19100];
	[tilespmem:s9+$0xC100] =	vst v5;
	v5 =	vadd.s32 s5, v57;
	v13, _, _ =	vpop (xrf0);
	(xrf0) =	vadd.scan.msk.s32 $0xffff, v12  }
0x49b: {  	(v2sf) =	vpush v57, $0xF;
	[tilespmem:s9+$0xD100] =	vst v5;
	v5 =	vadd.s32 s5, v13;
	v59, _, _ =	vpop (xrf0);
	(xrf0) =	vadd.scan.msk.s32 $0xffff, v55  }
0x49c: {  	(v2sf) =	vpush v13, $0xF;
	[tilespmem:s9+$0xE100] =	vst v5;
	v5 =	vadd.s32 s5, v59;
	v60, _, _ =	vpop (xrf0);
	(xrf0) =	vadd.scan.msk.s32 $0xffff, v56  }
0x49d: {  	(v2sf) =	vpush v59, $0xF;
	[tilespmem:s9+$0xF100] =	vst v5;
	v5 =	vadd.s32 s5, v60;
	v61, _, _ =	vpop (xrf0);
	(xrf0) =	vadd.scan.msk.s32 $0xffff, v6  }
0x49e: {  	(v2sf) =	vpush v60, $0xF;
	[tilespmem:s9+$0x10100] =	vst v5;
	v5 =	vadd.s32 s5, v61;
	v6, _, _ =	vpop (xrf0);
	(xrf0) =	vadd.scan.msk.s32 $0xffff, v7  }
0x49f: {  	(v2sf) =	vpush v61, $0xF;
	[tilespmem:s9+$0x11100] =	vst v5;
	v5 =	vadd.s32 s5, v6;
	v7, _, _ =	vpop (xrf0);
	(xrf0) =	vadd.scan.msk.s32 $0xffff, v58  }
0x4a0: {  	s26 =	spop (v2sf);
	(v2sf) =	vpush v6, $0xF;
	[tilespmem:s9+$0x12100] =	vst v5;
	v5 =	vadd.s32 s5, v7;
	v62, _, _ =	vpop (xrf0)  }
0x4a1: {  	(v2sf) =	vpush v7, $0xF;
	[tilespmem:s9+$0x13100] =	vst v5;
	v5 =	vadd.s32 s5, v62;
	v6, _, _ =	vpop (xrf0)  }
0x4a2: {  	s12 =	simm.s32 $0x10;
	s13 =	simm.s32 $0xA110;
	(v2sf) =	vpush v62, $0xF;
	[tilespmem:s9+$0x14100] =	vst v5;
	v5 =	vadd.s32 s5, v6;
	v7, _, _ =	vpop (xrf0)  }
0x4a3: {  	s2 =	simm.s32 $0x20;
	s30 =	simm.s32 $0x0;
	[tilespmem:s9+$0x15100] =	vst v5;
	v5 =	vadd.s32 s5, v7;
	v63, _, _ =	vpop (xrf0);
	s3 =	spop (v2sf);
	(v2sf) =	vpush v6, $0xF  }
0x4a4: {  	s31 =	simm.s32 $0x0;
	s21 =	simm.s32 $0x0;
	[tilespmem:s9+$0x16100] =	vst v5;
	v5 =	vadd.s32 s5, v63;
	v6, _, _ =	vpop (xrf0);
	s6 =	spop (v2sf);
	(v2sf) =	vpush v7, $0xF  }
0x4a5: {  	s22 =	simm.s32 $0x0;
	s28 =	simm.s32 $0x0;
	s29 =	simm.s32 $0x0;
	[tilespmem:s9+$0x17100] =	vst v5;
	v5 =	vadd.s32 s5, v6;
	v7, _, _ =	vpop (xrf0);
	(v2sf) =	vpush v63, $0xF  }
0x4a6: {  	s24 =	simm.s32 $0x0;
	s25 =	simm.s32 $0x0;
	s10 =	simm.s32 $0x0;
	[tilespmem:s9+$0x18100] =	vst v5;
	v5 =	vadd.s32 s5, v7;
	(v2sf) =	vpush v6, $0xF  }
0x4a7: {  	s23 =	simm.s32 $0x0;
	s11 =	simm.s32 $0x0;
	s1 =	sadd.s32 $0x0, s26;
	[tilespmem:s9+$0x19100] =	vst v5;
	(v2sf) =	vpush v7, $0xF  }
0x4a8: {  	s26 =	simm.s32 $0x0;
	s8 =	sadd.s32 $0x0, s3;
	s9 =	simm.s32 $0x0;
	v5 =	vld [tilespmem:s13+$0x0]  }
.LBB2_79:
0x4a9: {  	p0 =	sne.s32 s2, $0xFF0;
	s7 =	sadd.s32 $0xFFFFFFFF, s8;
	s0 =	sadd.s32 s0, s6  }
0x4aa: {  	s3 =	spop (v2sf)  }
0x4ab: {  	s30 =	sadd.s32 s30, s3;
	s3 =	spop (v2sf)  }
0x4ac: {  	s31 =	sadd.s32 s31, s3;
	s3 =	spop (v2sf)  }
0x4ad: {  	(xrf0) =	vadd.scan.msk.s32 $0xffff, v5;
	s21 =	sadd.s32 s21, s3;
	s3 =	spop (v2sf)  }
0x4ae: {  	s26 =	sadd.s32 s26, s3;
	s3 =	spop (v2sf)  }
0x4af: {  	s22 =	sadd.s32 s22, s3;
	s3 =	spop (v2sf)  }
0x4b0: {  	s28 =	sadd.s32 s28, s3;
	s3 =	spop (v2sf)  }
0x4b1: {  	s29 =	sadd.s32 s29, s3;
	s3 =	spop (v2sf)  }
0x4b2: {  	s24 =	sadd.s32 s24, s3;
	s3 =	spop (v2sf)  }
0x4b3: {  	s5 =	sadd.s32 $0xFFFFFFFF, s1;
	v5, _, _ =	vpop (xrf0);
	s25 =	sadd.s32 s25, s3;
	s3 =	spop (v2sf)  }
0x4b4: {  	v6 =	vadd.s32 s5, v5;
	(v2sf) =	vpush v5, $0xF;
	s10 =	sadd.s32 s10, s3;
	s3 =	spop (v2sf)  }
0x4b5: {  	s5 =	sand.u32 $0xFF0, s12;
	[tilespmem:s13+$0x0] =	vst v6;
	s23 =	sadd.s32 s23, s3;
	s3 =	spop (v2sf)  }
0x4b6: {  	s12 =	smov.u32 s2;
	v5 =	vld [tilespmem:s5+$0xB100];
	s11 =	sadd.s32 s11, s3;
	s3 =	spop (v2sf)  }
0x4b7: {  	v6 =	vld [tilespmem:s5+$0xC100];
	s9 =	sadd.s32 s9, s3  }
0x4b8: {  	v7 =	vld [tilespmem:s5+$0xD100]  }
0x4b9: {  	v8 =	vld [tilespmem:s5+$0xE100]  }
0x4ba: {  	v9 =	vld [tilespmem:s5+$0xF100]  }
0x4bb: {  	v10 =	vld [tilespmem:s5+$0x10100];
	(xrf0) =	vadd.scan.msk.s32 $0xffff, v5  }
0x4bc: {  	v5 =	vld [tilespmem:s5+$0x11100];
	(xrf0) =	vadd.scan.msk.s32 $0xffff, v6  }
0x4bd: {  	v6 =	vld [tilespmem:s5+$0x12100];
	(xrf0) =	vadd.scan.msk.s32 $0xffff, v7  }
0x4be: {  	v7 =	vld [tilespmem:s5+$0x13100];
	(xrf0) =	vadd.scan.msk.s32 $0xffff, v8  }
0x4bf: {  	v8 =	vld [tilespmem:s5+$0x14100];
	(xrf0) =	vadd.scan.msk.s32 $0xffff, v9  }
0x4c0: {  	v9 =	vld [tilespmem:s5+$0x15100];
	(xrf0) =	vadd.scan.msk.s32 $0xffff, v10  }
0x4c1: {  	v10 =	vld [tilespmem:s5+$0x16100];
	v11, _, _ =	vpop (xrf0);
	(xrf0) =	vadd.scan.msk.s32 $0xffff, v5  }
0x4c2: {  	s3 =	sadd.s32 $0xFFFFFFFF, s0;
	v5 =	vadd.s32 s7, v11;
	v12 =	vld [tilespmem:s5+$0x17100];
	(v2sf) =	vpush v11, $0xF;
	v11, _, _ =	vpop (xrf0);
	(xrf0) =	vadd.scan.msk.s32 $0xffff, v6  }
0x4c3: {  	[tilespmem:s5+$0xB100] =	vst v5;
	v5 =	vadd.s32 s3, v11;
	s3 =	sadd.s32 $0xFFFFFFFF, s30;
	v6 =	vld [tilespmem:s5+$0x18100];
	s6 =	spop (v2sf);
	(v2sf) =	vpush v11, $0xF;
	v11, _, _ =	vpop (xrf0);
	(xrf0) =	vadd.scan.msk.s32 $0xffff, v7  }
0x4c4: {  	s1 =	sadd.s32 s1, s6;
	[tilespmem:s5+$0xC100] =	vst v5;
	v5 =	vadd.s32 s3, v11;
	s3 =	sadd.s32 $0xFFFFFFFF, s31;
	v7 =	vld [tilespmem:s5+$0x19100];
	v13, _, _ =	vpop (xrf0);
	(xrf0) =	vadd.scan.msk.s32 $0xffff, v8  }
0x4c5: {  	[tilespmem:s5+$0xD100] =	vst v5;
	v5 =	vadd.s32 s3, v13;
	s3 =	sadd.s32 $0xFFFFFFFF, s21;
	(v2sf) =	vpush v11, $0xF;
	v8, _, _ =	vpop (xrf0);
	(xrf0) =	vadd.scan.msk.s32 $0xffff, v9  }
0x4c6: {  	[tilespmem:s5+$0xE100] =	vst v5;
	v5 =	vadd.s32 s3, v8;
	s3 =	sadd.s32 $0xFFFFFFFF, s26;
	(v2sf) =	vpush v13, $0xF;
	v9, _, _ =	vpop (xrf0);
	(xrf0) =	vadd.scan.msk.s32 $0xffff, v10  }
0x4c7: {  	[tilespmem:s5+$0xF100] =	vst v5;
	v5 =	vadd.s32 s3, v9;
	s3 =	sadd.s32 $0xFFFFFFFF, s22;
	(v2sf) =	vpush v8, $0xF;
	v8, _, _ =	vpop (xrf0);
	(xrf0) =	vadd.scan.msk.s32 $0xffff, v12  }
0x4c8: {  	[tilespmem:s5+$0x10100] =	vst v5;
	v5 =	vadd.s32 s3, v8;
	s3 =	sadd.s32 $0xFFFFFFFF, s28;
	(v2sf) =	vpush v9, $0xF;
	v9, _, _ =	vpop (xrf0);
	(xrf0) =	vadd.scan.msk.s32 $0xffff, v6  }
0x4c9: {  	[tilespmem:s5+$0x11100] =	vst v5;
	v5 =	vadd.s32 s3, v9;
	s3 =	sadd.s32 $0xFFFFFFFF, s29;
	(v2sf) =	vpush v8, $0xF;
	v6, _, _ =	vpop (xrf0);
	(xrf0) =	vadd.scan.msk.s32 $0xffff, v7  }
0x4ca: {  	[tilespmem:s5+$0x12100] =	vst v5;
	v5 =	vadd.s32 s3, v6;
	s3 =	sadd.s32 $0xFFFFFFFF, s24;
	(v2sf) =	vpush v9, $0xF;
	v7, _, _ =	vpop (xrf0)  }
0x4cb: {  	[tilespmem:s5+$0x13100] =	vst v5;
	v5 =	vadd.s32 s3, v7;
	s3 =	sadd.s32 $0xFFFFFFFF, s25;
	(v2sf) =	vpush v6, $0xF;
	v6, _, _ =	vpop (xrf0)  }
0x4cc: {  	[tilespmem:s5+$0x14100] =	vst v5;
	v5 =	vadd.s32 s3, v6;
	s3 =	sadd.s32 $0xFFFFFFFF, s10;
	(v2sf) =	vpush v7, $0xF;
	v7, _, _ =	vpop (xrf0)  }
0x4cd: {  	[tilespmem:s5+$0x15100] =	vst v5;
	v5 =	vadd.s32 s3, v7;
	s3 =	sadd.s32 $0xFFFFFFFF, s23;
	(v2sf) =	vpush v6, $0xF;
	v6, _, _ =	vpop (xrf0)  }
.Ltmp39:
0x4ce: {  	[tilespmem:s5+$0x16100] =	vst v5;
	v5 =	vadd.s32 s3, v6;
	s3 =	sadd.s32 $0xFFFFFFFF, s11;
	(v2sf) =	vpush v7, $0xF;
	v7, _, _ =	vpop (xrf0);
	(pc) =	sbr.rel @p0 .LBB2_79-.Ltmp39, $4  }
0x4cf: {  	[tilespmem:s5+$0x17100] =	vst v5;
	v5 =	vadd.s32 s3, v7;
	s3 =	sadd.s32 $0xFFFFFFFF, s9;
	(v2sf) =	vpush v6, $0xF;
	v6, _, _ =	vpop (xrf0)  }
0x4d0: {  	[tilespmem:s5+$0x18100] =	vst v5;
	v5 =	vadd.s32 s3, v6;
	(v2sf) =	vpush v7, $0xF  }
0x4d1: {  	s13 =	sadd.s32 $0x10, s13;
	[tilespmem:s5+$0x19100] =	vst v5;
	s3 =	spop (v2sf);
	(v2sf) =	vpush v6, $0xF  }
0x4d2: {  	s2 =	sadd.s32 $0x10, s2;
	v5 =	vld [tilespmem:s13+$0x0];
	s8 =	sadd.s32 s8, s3;
	s6 =	spop (v2sf)  }
0x4d3: {  	_ =	sdelay $0x3  }
0x4d4: {  	(xrf0) =	vadd.scan.msk.s32 $0xffff, v5;
	_ =	sdelay $0x5  }
0x4d5: {  	s2 =	sadd.s32 $0xFFFFFFFF, s1;
	v5, _, _ =	vpop (xrf0)  }
0x4d6: {  	v6 =	vadd.s32 s2, v5  }
0x4d7: {  	s12 =	sand.u32 $0xFF0, s12;
	[tilespmem:s13+$0x0] =	vst v6  }
0x4d8: {  	v6 =	vld [tilespmem:s12+$0xB100]  }
0x4d9: {  	v7 =	vld [tilespmem:s12+$0xC100];
	_ =	sdelay $0x1  }
0x4da: {  	v8 =	vld [tilespmem:s12+$0xD100]  }
0x4db: {  	v9 =	vld [tilespmem:s12+$0xE100]  }
0x4dc: {  	v10 =	vld [tilespmem:s12+$0xF100];
	(xrf0) =	vadd.scan.msk.s32 $0xffff, v6  }
0x4dd: {  	v11 =	vld [tilespmem:s12+$0x10100];
	(xrf0) =	vadd.scan.msk.s32 $0xffff, v7  }
0x4de: {  	v6 =	vld [tilespmem:s12+$0x11100]  }
0x4df: {  	v7 =	vld [tilespmem:s12+$0x12100];
	(xrf0) =	vadd.scan.msk.s32 $0xffff, v8  }
0x4e0: {  	v8 =	vld [tilespmem:s12+$0x13100];
	(xrf0) =	vadd.scan.msk.s32 $0xffff, v9  }
0x4e1: {  	v9 =	vld [tilespmem:s12+$0x14100];
	(xrf0) =	vadd.scan.msk.s32 $0xffff, v10  }
0x4e2: {  	(v2sf) =	vpush v5, $0xF;
	s2 =	spop (v2sf);
	v5 =	vld [tilespmem:s12+$0x15100];
	(xrf0) =	vadd.scan.msk.s32 $0xffff, v11;
	v11, _, _ =	vpop (xrf0)  }
0x4e3: {  	s3 =	spop (v2sf);
	v10 =	vld [tilespmem:s12+$0x16100];
	(xrf0) =	vadd.scan.msk.s32 $0xffff, v6;
	(v2sf) =	vpush v11, $0xF;
	v12, _, _ =	vpop (xrf0)  }
0x4e4: {  	s5 =	spop (v2sf);
	v6 =	vld [tilespmem:s12+$0x17100];
	(xrf0) =	vadd.scan.msk.s32 $0xffff, v7;
	(v2sf) =	vpush v12, $0xF  }
0x4e5: {  	s7 =	spop (v2sf);
	v13, _, _ =	vpop (xrf0);
	(xrf0) =	vadd.scan.msk.s32 $0xffff, v8  }
0x4e6: {  	s13 =	spop (v2sf);
	v7 =	vld [tilespmem:s12+$0x18100];
	v8, _, _ =	vpop (xrf0);
	(xrf0) =	vadd.scan.msk.s32 $0xffff, v9;
	(v2sf) =	vpush v13, $0xF  }
0x4e7: {  	s14 =	spop (v2sf);
	v9 =	vld [tilespmem:s12+$0x19100];
	v14, _, _ =	vpop (xrf0);
	(xrf0) =	vadd.scan.msk.s32 $0xffff, v5;
	(v2sf) =	vpush v8, $0xF  }
0x4e8: {  	s15 =	spop (v2sf);
	v5, _, _ =	vpop (xrf0);
	(xrf0) =	vadd.scan.msk.s32 $0xffff, v10;
	(v2sf) =	vpush v14, $0xF  }
0x4e9: {  	s4 =	sadd.s32 s0, s6;
	s2 =	sadd.s32 s30, s2;
	s18 =	spop (v2sf);
	v10, _, _ =	vpop (xrf0);
	(xrf0) =	vadd.scan.msk.s32 $0xffff, v6;
	(v2sf) =	vpush v5, $0xF  }
0x4ea: {  	s3 =	sadd.s32 s31, s3;
	s21 =	sadd.s32 s21, s5;
	s19 =	spop (v2sf);
	v6, _, _ =	vpop (xrf0);
	(v2sf) =	vpush v10, $0xF  }
0x4eb: {  	s31 =	sadd.s32 s26, s7;
	s30 =	sadd.s32 s22, s13;
	s0 =	spop (v2sf);
	(xrf0) =	vadd.scan.msk.s32 $0xffff, v7;
	v7, _, _ =	vpop (xrf0);
	(v2sf) =	vpush v6, $0xF  }
0x4ec: {  	s6 =	sadd.s32 s24, s18;
	s24 =	sadd.s32 $0xFFFFFFFF, s8;
	s5 =	spop (v2sf);
	(xrf0) =	vadd.scan.msk.s32 $0xffff, v9;
	v9, _, _ =	vpop (xrf0);
	(v2sf) =	vpush v7, $0xF  }
0x4ed: {  	s7 =	sadd.s32 s25, s19;
	s25 =	sadd.s32 s23, s5;
	s23 =	sadd.s32 $0xFFFFFFFF, s4;
	v11 =	vadd.s32 s24, v11;
	v15, _, _ =	vpop (xrf0);
	(v2sf) =	vpush v9, $0xF  }
0x4ee: {  	s13 =	sadd.s32 $0xFFFFFFFF, s3;
	s26 =	spop (v2sf);
	s24 =	sadd.s32 $0xFFFFFFFF, s2;
	[tilespmem:s12+$0xB100] =	vst v11;
	v11 =	vadd.s32 s23, v12;
	v16, _, _ =	vpop (xrf0);
	(v2sf) =	vpush v15, $0xF  }
0x4ef: {  	s28 =	sadd.s32 s28, s14;
	s14 =	sadd.s32 s29, s15;
	s15 =	spop (v2sf);
	[tilespmem:s12+$0xC100] =	vst v11;
	v11 =	vadd.s32 s24, v13;
	v17, _, _ =	vpop (xrf0);
	(v2sf) =	vpush v16, $0xF  }
0x4f0: {  	s26 =	sadd.s32 s11, s26;
	s11 =	sadd.s32 s9, s15;
	s15 =	sadd.s32 $0xFFFFFFFF, s21;
	[tilespmem:s12+$0xD100] =	vst v11;
	v8 =	vadd.s32 s13, v8;
	(v2sf) =	vpush v17, $0xF  }
0x4f1: {  	s19 =	sadd.s32 $0xFFFFFFFF, s31;
	s18 =	spop (v2sf);
	[tilespmem:s12+$0xE100] =	vst v8;
	v8 =	vadd.s32 s15, v14  }
0x4f2: {  	s22 =	sadd.s32 s10, s0;
	s23 =	sadd.s32 $0xFFFFFFFF, s30;
	[tilespmem:s12+$0xF100] =	vst v8;
	v5 =	vadd.s32 s19, v5;
	s10 =	spop (v2sf)  }
0x4f3: {  	s24 =	sadd.s32 $0xFFFFFFFF, s28;
	[tilespmem:s12+$0x10100] =	vst v5;
	v5 =	vadd.s32 s23, v10;
	s9 =	spop (v2sf)  }
0x4f4: {  	[tilespmem:s12+$0x11100] =	vst v5;
	v5 =	vadd.s32 s24, v6;
	v18, _, _ =	vpop (xrf0);
	s4 =	sadd.s32 s4, s9;
	s9 =	sadd.s32 $0xFFFFFFFF, s14  }
0x4f5: {  	s5 =	sadd.s32 s1, s18;
	s19 =	sadd.s32 $0xFFFFFFFF, s6;
	[tilespmem:s12+$0x12100] =	vst v5;
	(v2sf) =	vpush v18, $0xF;
	s1 =	spop (v2sf);
	v5 =	vadd.s32 s9, v7  }
0x4f6: {  	s24 =	sadd.s32 $0xFFFFFFFF, s7;
	v19, _, _ =	vpop (xrf0);
	s18 =	spop (v2sf);
	[tilespmem:s12+$0x13100] =	vst v5;
	v5 =	vadd.s32 s19, v9  }
0x4f7: {  	(v2sf) =	vpush v19, $0xF;
	s13 =	sadd.s32 s8, s10;
	s8 =	spop (v2sf);
	s19 =	sadd.s32 $0xFFFFFFFF, s22;
	[tilespmem:s12+$0x14100] =	vst v5;
	v5 =	vadd.s32 s24, v15  }
0x4f8: {  	s15 =	spop (v2sf);
	s9 =	sadd.s32 s21, s8;
	s21 =	sadd.s32 $0xFFFFFFFF, s25;
	[tilespmem:s12+$0x15100] =	vst v5;
	v5 =	vadd.s32 s19, v16  }
0x4f9: {  	s1 =	sadd.s32 s2, s1;
	s2 =	spop (v2sf);
	s19 =	sadd.s32 $0xFFFFFFFF, s26;
	v6 =	vadd.s32 s21, v17;
	[tilespmem:s12+$0x16100] =	vst v5  }
0x4fa: {  	s0 =	sadd.s32 $0xFFFFFFFF, s11;
	s23 =	spop (v2sf);
	v5 =	vadd.s32 s19, v18;
	[tilespmem:s12+$0x17100] =	vst v6  }
0x4fb: {  	s29 =	sadd.s32 s3, s18;
	s18 =	spop (v2sf);
	[tilespmem:s12+$0x18100] =	vst v5;
	v5 =	vadd.s32 s0, v19  }
0x4fc: {  	s8 =	sadd.s32 s31, s15;
	s19 =	simm.s32 $0xB130;
	s15 =	spop (v2sf);
	[tilespmem:s12+$0x19100] =	vst v5  }
0x4fd: {  	s24 =	sadd.s32 s30, s2;
	s2 =	spop (v2sf);
	v6 =	vld [tilespmem:s19+$0x0]  }
0x4fe: {  	v7 =	vld [tilespmem:s19+$0xFFFFFFF0];
	s3 =	spop (v2sf)  }
0x4ff: {  	v8 =	vld [tilespmem:s19+$0xFFFFFFE0];
	s21 =	spop (v2sf)  }
0x500: {  	s23 =	sadd.s32 s28, s23;
	s28 =	sadd.s32 s25, s21;
	s25 =	simm.s32 $0x0  }
0x501: {  	v5 =	vmov s5;
	s11 =	sadd.s32 s6, s15;
	s6 =	sadd.s32 s7, s2;
	s7 =	sand.u32 $0xFC0, s25  }
0x502: {  	v9 =	vld [tilespmem:s7+$0xB100];
	v10 =	vadd.s32 v5, v6  }
0x503: {  	s31 =	simm.s32 $0x5000;
	s10 =	sadd.s32 s14, s18;
	s12 =	simm.s32 $0xB170;
	v11 =	vadd.s32 v5, v7;
	[tilespmem:s19+$0x0] =	vst v10  }
0x504: {  	s0 =	sadd.s32 s22, s3;
	s22 =	simm.s32 $0x40;
	s15 =	spop (v2sf);
	v10 =	vadd.s32 v5, v8;
	[tilespmem:s19+$0xFFFFFFF0] =	vst v11  }
0x505: {  	s30 =	sand.u32 $0xFC0, s22;
	s21 =	simm.s32 $0xB170;
	s26 =	sadd.s32 s26, s15;
	v6 =	vld [tilespmem:s12+$0x0];
	[tilespmem:s19+$0xFFFFFFE0] =	vst v10  }
0x506: {  	s25 =	simm.s32 $0x4;
	s18 =	spop (v2sf);
	v7 =	vld [tilespmem:s12+$0xFFFFFFF0];
	s14 =	rddreg [dreg:$0x7]  }
0x507: {  	v8 =	vld [tilespmem:s12+$0xFFFFFFE0];
	s18 =	simm.s32 $0x1000;
	s19 =	simm.s32 $0x2000;
	s15 =	rddreg [dreg:$0x8];
	v9 =	vadd.s32 v5, v9  }
.LBB2_81:
0x508: {  	s25 =	sadd.s32 $0x4, s25  }
0x509: {  	v10 =	vld [tilespmem:s30+$0xB100];
	[tilespmem:s7+$0xB100] =	vst v9;
	s7 =	smov.u32 s30;
	p0 =	slt.u32 s25, $0xFC  }
.Ltmp40:
0x50a: {  	(pc) =	sbr.rel @p0 .LBB2_81-.Ltmp40, $4  }
0x50b: {  	s12 =	sadd.s32 $0x40, s12;
	v9 =	vadd.s32 v5, v6  }
0x50c: {  	v6 =	vld [tilespmem:s12+$0x0];
	v11 =	vadd.s32 v5, v7;
	[tilespmem:s21+$0x0] =	vst v9  }
0x50d: {  	s22 =	sadd.s32 $0x40, s22;
	v7 =	vld [tilespmem:s12+$0xFFFFFFF0];
	v12 =	vadd.s32 v5, v8;
	[tilespmem:s21+$0xFFFFFFF0] =	vst v11  }
0x50e: {  	s30 =	sand.u32 $0xFC0, s22;
	v8 =	vld [tilespmem:s12+$0xFFFFFFE0];
	v9 =	vadd.s32 v5, v10;
	[tilespmem:s21+$0xFFFFFFE0] =	vst v12;
	s21 =	smov.u32 s12  }
0x50f: {  	v10 =	vld [tilespmem:s30+$0xB100];
	_ =	sdelay $0x1  }
0x510: {  	[tilespmem:s7+$0xB100] =	vst v9;
	v6 =	vadd.s32 v5, v6  }
0x511: {  	v7 =	vadd.s32 v5, v7;
	[tilespmem:s21+$0x0] =	vst v6  }
0x512: {  	v6 =	vadd.s32 v5, v8;
	[tilespmem:s21+$0xFFFFFFF0] =	vst v7  }
0x513: {  	v5 =	vadd.s32 v5, v10;
	[tilespmem:s21+$0xFFFFFFE0] =	vst v6  }
0x514: {  	s3 =	simm.s32 $0xC130;
	[tilespmem:s30+$0xB100] =	vst v5  }
0x515: {  	v6 =	vld [tilespmem:s3+$0x0]  }
0x516: {  	s25 =	simm.s32 $0x0;
	v7 =	vld [tilespmem:s3+$0xFFFFFFF0]  }
0x517: {  	s7 =	sand.u32 $0xFC0, s25;
	v8 =	vld [tilespmem:s3+$0xFFFFFFE0]  }
0x518: {  	s5 =	sadd.s32 s5, s13;
	v9 =	vld [tilespmem:s7+$0xC100]  }
0x519: {  	v5 =	vmov s5  }
0x51a: {  	s12 =	simm.s32 $0xC170;
	v10 =	vadd.s32 v5, v6  }
0x51b: {  	v6 =	vld [tilespmem:s12+$0x0];
	v11 =	vadd.s32 v5, v7;
	[tilespmem:s3+$0x0] =	vst v10  }
0x51c: {  	s22 =	simm.s32 $0x4;
	s21 =	simm.s32 $0x40;
	v7 =	vld [tilespmem:s12+$0xFFFFFFF0];
	v10 =	vadd.s32 v5, v8;
	[tilespmem:s3+$0xFFFFFFF0] =	vst v11  }
0x51d: {  	s13 =	simm.s32 $0xC170;
	s30 =	simm.s32 $0x4000;
	s25 =	sand.u32 $0xFC0, s21;
	v9 =	vadd.s32 v5, v9;
	v8 =	vld [tilespmem:s12+$0xFFFFFFE0];
	[tilespmem:s3+$0xFFFFFFE0] =	vst v10  }
.LBB2_83:
0x51e: {  	s22 =	sadd.s32 $0x4, s22  }
0x51f: {  	v10 =	vld [tilespmem:s25+$0xC100];
	[tilespmem:s7+$0xC100] =	vst v9;
	s7 =	smov.u32 s25;
	p0 =	slt.u32 s22, $0xFC  }
.Ltmp41:
0x520: {  	(pc) =	sbr.rel @p0 .LBB2_83-.Ltmp41, $4  }
0x521: {  	s12 =	sadd.s32 $0x40, s12;
	v9 =	vadd.s32 v5, v6  }
0x522: {  	v6 =	vld [tilespmem:s12+$0x0];
	v11 =	vadd.s32 v5, v7;
	[tilespmem:s13+$0x0] =	vst v9  }
0x523: {  	s21 =	sadd.s32 $0x40, s21;
	v7 =	vld [tilespmem:s12+$0xFFFFFFF0];
	v12 =	vadd.s32 v5, v8;
	[tilespmem:s13+$0xFFFFFFF0] =	vst v11  }
0x524: {  	s25 =	sand.u32 $0xFC0, s21;
	v8 =	vld [tilespmem:s12+$0xFFFFFFE0];
	v9 =	vadd.s32 v5, v10;
	[tilespmem:s13+$0xFFFFFFE0] =	vst v12;
	s13 =	smov.u32 s12  }
0x525: {  	v10 =	vld [tilespmem:s25+$0xC100];
	_ =	sdelay $0x1  }
0x526: {  	[tilespmem:s7+$0xC100] =	vst v9;
	v6 =	vadd.s32 v5, v6  }
0x527: {  	v7 =	vadd.s32 v5, v7;
	[tilespmem:s13+$0x0] =	vst v6  }
0x528: {  	v6 =	vadd.s32 v5, v8;
	[tilespmem:s13+$0xFFFFFFF0] =	vst v7  }
0x529: {  	v5 =	vadd.s32 v5, v10;
	[tilespmem:s13+$0xFFFFFFE0] =	vst v6  }
0x52a: {  	s12 =	simm.s32 $0xD130;
	[tilespmem:s25+$0xC100] =	vst v5  }
0x52b: {  	v6 =	vld [tilespmem:s12+$0x0]  }
0x52c: {  	s22 =	simm.s32 $0x0;
	v7 =	vld [tilespmem:s12+$0xFFFFFFF0]  }
0x52d: {  	s2 =	sadd.s32 s4, s5;
	s5 =	sand.u32 $0xFC0, s22;
	v8 =	vld [tilespmem:s12+$0xFFFFFFE0]  }
0x52e: {  	v9 =	vld [tilespmem:s5+$0xD100]  }
0x52f: {  	v5 =	vmov s2  }
0x530: {  	s7 =	simm.s32 $0xD170;
	v10 =	vadd.s32 v5, v6  }
0x531: {  	v6 =	vld [tilespmem:s7+$0x0];
	v11 =	vadd.s32 v5, v7;
	[tilespmem:s12+$0x0] =	vst v10  }
0x532: {  	s21 =	simm.s32 $0x4;
	s13 =	simm.s32 $0x40;
	v7 =	vld [tilespmem:s7+$0xFFFFFFF0];
	v10 =	vadd.s32 v5, v8;
	[tilespmem:s12+$0xFFFFFFF0] =	vst v11  }
0x533: {  	s25 =	simm.s32 $0x3;
	s22 =	sand.u32 $0xFC0, s13;
	v9 =	vadd.s32 v5, v9;
	v8 =	vld [tilespmem:s7+$0xFFFFFFE0];
	[tilespmem:s12+$0xFFFFFFE0] =	vst v10;
	s12 =	simm.s32 $0xD170  }
.LBB2_85:
0x534: {  	s21 =	sadd.s32 $0x4, s21  }
0x535: {  	v10 =	vld [tilespmem:s22+$0xD100];
	[tilespmem:s5+$0xD100] =	vst v9;
	s5 =	smov.u32 s22;
	p0 =	slt.u32 s21, $0xFC  }
.Ltmp42:
0x536: {  	(pc) =	sbr.rel @p0 .LBB2_85-.Ltmp42, $4  }
0x537: {  	s7 =	sadd.s32 $0x40, s7;
	v9 =	vadd.s32 v5, v6  }
0x538: {  	v6 =	vld [tilespmem:s7+$0x0];
	v11 =	vadd.s32 v5, v7;
	[tilespmem:s12+$0x0] =	vst v9  }
0x539: {  	s13 =	sadd.s32 $0x40, s13;
	v7 =	vld [tilespmem:s7+$0xFFFFFFF0];
	v12 =	vadd.s32 v5, v8;
	[tilespmem:s12+$0xFFFFFFF0] =	vst v11  }
0x53a: {  	s22 =	sand.u32 $0xFC0, s13;
	v8 =	vld [tilespmem:s7+$0xFFFFFFE0];
	v9 =	vadd.s32 v5, v10;
	[tilespmem:s12+$0xFFFFFFE0] =	vst v12;
	s12 =	smov.u32 s7  }
0x53b: {  	v10 =	vld [tilespmem:s22+$0xD100];
	_ =	sdelay $0x1  }
0x53c: {  	[tilespmem:s5+$0xD100] =	vst v9;
	v6 =	vadd.s32 v5, v6  }
0x53d: {  	v7 =	vadd.s32 v5, v7;
	[tilespmem:s12+$0x0] =	vst v6  }
0x53e: {  	v6 =	vadd.s32 v5, v8;
	[tilespmem:s12+$0xFFFFFFF0] =	vst v7  }
0x53f: {  	v5 =	vadd.s32 v5, v10;
	[tilespmem:s12+$0xFFFFFFE0] =	vst v6  }
0x540: {  	s7 =	simm.s32 $0xE130;
	[tilespmem:s22+$0xD100] =	vst v5  }
0x541: {  	v6 =	vld [tilespmem:s7+$0x0]  }
0x542: {  	s21 =	simm.s32 $0x0;
	v7 =	vld [tilespmem:s7+$0xFFFFFFF0]  }
0x543: {  	s2 =	sadd.s32 s1, s2;
	s1 =	sand.u32 $0xFC0, s21;
	v8 =	vld [tilespmem:s7+$0xFFFFFFE0]  }
0x544: {  	v9 =	vld [tilespmem:s1+$0xE100]  }
0x545: {  	v5 =	vmov s2  }
0x546: {  	s5 =	simm.s32 $0xE170;
	v10 =	vadd.s32 v5, v6  }
0x547: {  	v6 =	vld [tilespmem:s5+$0x0];
	v11 =	vadd.s32 v5, v7;
	[tilespmem:s7+$0x0] =	vst v10  }
0x548: {  	s13 =	simm.s32 $0x4;
	s12 =	simm.s32 $0x40;
	v7 =	vld [tilespmem:s5+$0xFFFFFFF0];
	v10 =	vadd.s32 v5, v8;
	[tilespmem:s7+$0xFFFFFFF0] =	vst v11  }
0x549: {  	s22 =	simm.s32 $0x1;
	s21 =	sand.u32 $0xFC0, s12;
	v9 =	vadd.s32 v5, v9;
	v8 =	vld [tilespmem:s5+$0xFFFFFFE0];
	[tilespmem:s7+$0xFFFFFFE0] =	vst v10;
	s7 =	simm.s32 $0xE170  }
.LBB2_87:
0x54a: {  	s13 =	sadd.s32 $0x4, s13  }
0x54b: {  	v10 =	vld [tilespmem:s21+$0xE100];
	[tilespmem:s1+$0xE100] =	vst v9;
	s1 =	smov.u32 s21;
	p0 =	slt.u32 s13, $0xFC  }
.Ltmp43:
0x54c: {  	(pc) =	sbr.rel @p0 .LBB2_87-.Ltmp43, $4  }
0x54d: {  	s5 =	sadd.s32 $0x40, s5;
	v9 =	vadd.s32 v5, v6  }
0x54e: {  	v6 =	vld [tilespmem:s5+$0x0];
	v11 =	vadd.s32 v5, v7;
	[tilespmem:s7+$0x0] =	vst v9  }
0x54f: {  	s12 =	sadd.s32 $0x40, s12;
	v7 =	vld [tilespmem:s5+$0xFFFFFFF0];
	v12 =	vadd.s32 v5, v8;
	[tilespmem:s7+$0xFFFFFFF0] =	vst v11  }
0x550: {  	s21 =	sand.u32 $0xFC0, s12;
	v8 =	vld [tilespmem:s5+$0xFFFFFFE0];
	v9 =	vadd.s32 v5, v10;
	[tilespmem:s7+$0xFFFFFFE0] =	vst v12;
	s7 =	smov.u32 s5  }
0x551: {  	v10 =	vld [tilespmem:s21+$0xE100];
	_ =	sdelay $0x1  }
0x552: {  	[tilespmem:s1+$0xE100] =	vst v9;
	v6 =	vadd.s32 v5, v6  }
0x553: {  	v7 =	vadd.s32 v5, v7;
	[tilespmem:s7+$0x0] =	vst v6  }
0x554: {  	v6 =	vadd.s32 v5, v8;
	[tilespmem:s7+$0xFFFFFFF0] =	vst v7  }
0x555: {  	v5 =	vadd.s32 v5, v10;
	[tilespmem:s7+$0xFFFFFFE0] =	vst v6  }
0x556: {  	s4 =	simm.s32 $0xF130;
	[tilespmem:s21+$0xE100] =	vst v5  }
0x557: {  	v6 =	vld [tilespmem:s4+$0x0]  }
0x558: {  	s21 =	simm.s32 $0x0;
	v7 =	vld [tilespmem:s4+$0xFFFFFFF0]  }
0x559: {  	s1 =	sand.u32 $0xFC0, s21;
	v8 =	vld [tilespmem:s4+$0xFFFFFFE0]  }
0x55a: {  	s2 =	sadd.s32 s29, s2;
	v9 =	vld [tilespmem:s1+$0xF100]  }
0x55b: {  	v5 =	vmov s2  }
0x55c: {  	s5 =	simm.s32 $0xF170;
	v10 =	vadd.s32 v5, v6  }
0x55d: {  	v6 =	vld [tilespmem:s5+$0x0];
	v11 =	vadd.s32 v5, v7;
	[tilespmem:s4+$0x0] =	vst v10  }
0x55e: {  	s12 =	simm.s32 $0x40;
	s13 =	simm.s32 $0x4;
	v7 =	vld [tilespmem:s5+$0xFFFFFFF0];
	v10 =	vadd.s32 v5, v8;
	[tilespmem:s4+$0xFFFFFFF0] =	vst v11  }
0x55f: {  	s29 =	simm.s32 $0x4;
	s7 =	simm.s32 $0xF170;
	s21 =	sand.u32 $0xFC0, s12;
	v8 =	vld [tilespmem:s5+$0xFFFFFFE0];
	v9 =	vadd.s32 v5, v9;
	[tilespmem:s4+$0xFFFFFFE0] =	vst v10  }
.LBB2_89:
0x560: {  	s13 =	sadd.s32 $0x4, s13  }
0x561: {  	v10 =	vld [tilespmem:s21+$0xF100];
	[tilespmem:s1+$0xF100] =	vst v9;
	s1 =	smov.u32 s21;
	p0 =	slt.u32 s13, $0xFC  }
.Ltmp44:
0x562: {  	(pc) =	sbr.rel @p0 .LBB2_89-.Ltmp44, $4  }
0x563: {  	s5 =	sadd.s32 $0x40, s5;
	v9 =	vadd.s32 v5, v6  }
0x564: {  	v6 =	vld [tilespmem:s5+$0x0];
	v11 =	vadd.s32 v5, v7;
	[tilespmem:s7+$0x0] =	vst v9  }
0x565: {  	s12 =	sadd.s32 $0x40, s12;
	v7 =	vld [tilespmem:s5+$0xFFFFFFF0];
	v12 =	vadd.s32 v5, v8;
	[tilespmem:s7+$0xFFFFFFF0] =	vst v11  }
0x566: {  	s21 =	sand.u32 $0xFC0, s12;
	v8 =	vld [tilespmem:s5+$0xFFFFFFE0];
	v9 =	vadd.s32 v5, v10;
	[tilespmem:s7+$0xFFFFFFE0] =	vst v12;
	s7 =	smov.u32 s5  }
0x567: {  	v10 =	vld [tilespmem:s21+$0xF100];
	_ =	sdelay $0x1  }
0x568: {  	[tilespmem:s1+$0xF100] =	vst v9;
	v6 =	vadd.s32 v5, v6  }
0x569: {  	v7 =	vadd.s32 v5, v7;
	[tilespmem:s7+$0x0] =	vst v6  }
0x56a: {  	v6 =	vadd.s32 v5, v8;
	[tilespmem:s7+$0xFFFFFFF0] =	vst v7  }
0x56b: {  	v5 =	vadd.s32 v5, v10;
	[tilespmem:s7+$0xFFFFFFE0] =	vst v6  }
0x56c: {  	s4 =	simm.s32 $0x10130;
	[tilespmem:s21+$0xF100] =	vst v5  }
0x56d: {  	v6 =	vld [tilespmem:s4+$0x0]  }
0x56e: {  	s13 =	simm.s32 $0x0;
	v7 =	vld [tilespmem:s4+$0xFFFFFFF0]  }
0x56f: {  	s1 =	sand.u32 $0xFC0, s13;
	v8 =	vld [tilespmem:s4+$0xFFFFFFE0]  }
0x570: {  	s2 =	sadd.s32 s9, s2;
	v9 =	vld [tilespmem:s1+$0x10100]  }
0x571: {  	v5 =	vmov s2  }
0x572: {  	s5 =	simm.s32 $0x10170;
	v10 =	vadd.s32 v5, v6  }
0x573: {  	v6 =	vld [tilespmem:s5+$0x0];
	v11 =	vadd.s32 v5, v7;
	[tilespmem:s4+$0x0] =	vst v10  }
0x574: {  	s9 =	simm.s32 $0x40;
	s12 =	simm.s32 $0x4;
	v7 =	vld [tilespmem:s5+$0xFFFFFFF0];
	v10 =	vadd.s32 v5, v8;
	[tilespmem:s4+$0xFFFFFFF0] =	vst v11  }
0x575: {  	s13 =	sand.u32 $0xFC0, s9;
	s7 =	simm.s32 $0x10170;
	s21 =	simm.s32 $0x3000;
	v9 =	vadd.s32 v5, v9;
	v8 =	vld [tilespmem:s5+$0xFFFFFFE0];
	[tilespmem:s4+$0xFFFFFFE0] =	vst v10  }
.LBB2_91:
0x576: {  	s12 =	sadd.s32 $0x4, s12  }
0x577: {  	v10 =	vld [tilespmem:s13+$0x10100];
	[tilespmem:s1+$0x10100] =	vst v9;
	s1 =	smov.u32 s13;
	p0 =	slt.u32 s12, $0xFC  }
.Ltmp45:
0x578: {  	(pc) =	sbr.rel @p0 .LBB2_91-.Ltmp45, $4  }
0x579: {  	s5 =	sadd.s32 $0x40, s5;
	v9 =	vadd.s32 v5, v6  }
0x57a: {  	v6 =	vld [tilespmem:s5+$0x0];
	v11 =	vadd.s32 v5, v7;
	[tilespmem:s7+$0x0] =	vst v9  }
0x57b: {  	s9 =	sadd.s32 $0x40, s9;
	v7 =	vld [tilespmem:s5+$0xFFFFFFF0];
	v12 =	vadd.s32 v5, v8;
	[tilespmem:s7+$0xFFFFFFF0] =	vst v11  }
0x57c: {  	s13 =	sand.u32 $0xFC0, s9;
	v8 =	vld [tilespmem:s5+$0xFFFFFFE0];
	v9 =	vadd.s32 v5, v10;
	[tilespmem:s7+$0xFFFFFFE0] =	vst v12;
	s7 =	smov.u32 s5  }
0x57d: {  	v10 =	vld [tilespmem:s13+$0x10100];
	_ =	sdelay $0x1  }
0x57e: {  	[tilespmem:s1+$0x10100] =	vst v9;
	v6 =	vadd.s32 v5, v6  }
0x57f: {  	v7 =	vadd.s32 v5, v7;
	[tilespmem:s7+$0x0] =	vst v6  }
0x580: {  	v6 =	vadd.s32 v5, v8;
	[tilespmem:s7+$0xFFFFFFF0] =	vst v7  }
0x581: {  	v5 =	vadd.s32 v5, v10;
	[tilespmem:s7+$0xFFFFFFE0] =	vst v6  }
0x582: {  	s4 =	simm.s32 $0x11130;
	[tilespmem:s13+$0x10100] =	vst v5  }
0x583: {  	v6 =	vld [tilespmem:s4+$0x0]  }
0x584: {  	s12 =	simm.s32 $0x0;
	v7 =	vld [tilespmem:s4+$0xFFFFFFF0]  }
0x585: {  	s1 =	sand.u32 $0xFC0, s12;
	v8 =	vld [tilespmem:s4+$0xFFFFFFE0]  }
0x586: {  	s2 =	sadd.s32 s8, s2;
	v9 =	vld [tilespmem:s1+$0x11100]  }
0x587: {  	v5 =	vmov s2  }
0x588: {  	s5 =	simm.s32 $0x11170;
	v10 =	vadd.s32 v5, v6  }
0x589: {  	s13 =	rddreg [dreg:$0x6];
	v6 =	vld [tilespmem:s5+$0x0];
	v11 =	vadd.s32 v5, v7;
	[tilespmem:s4+$0x0] =	vst v10  }
0x58a: {  	s8 =	simm.s32 $0x40;
	v7 =	vld [tilespmem:s5+$0xFFFFFFF0];
	v10 =	vadd.s32 v5, v8;
	[tilespmem:s4+$0xFFFFFFF0] =	vst v11  }
0x58b: {  	s9 =	simm.s32 $0x4;
	s12 =	sand.u32 $0xFC0, s8;
	s7 =	simm.s32 $0x11170;
	v9 =	vadd.s32 v5, v9;
	v8 =	vld [tilespmem:s5+$0xFFFFFFE0];
	[tilespmem:s4+$0xFFFFFFE0] =	vst v10  }
.LBB2_93:
0x58c: {  	s9 =	sadd.s32 $0x4, s9  }
0x58d: {  	v10 =	vld [tilespmem:s12+$0x11100];
	[tilespmem:s1+$0x11100] =	vst v9;
	s1 =	smov.u32 s12;
	p0 =	slt.u32 s9, $0xFC  }
.Ltmp46:
0x58e: {  	(pc) =	sbr.rel @p0 .LBB2_93-.Ltmp46, $4  }
0x58f: {  	s5 =	sadd.s32 $0x40, s5;
	v9 =	vadd.s32 v5, v6  }
0x590: {  	v6 =	vld [tilespmem:s5+$0x0];
	v11 =	vadd.s32 v5, v7;
	[tilespmem:s7+$0x0] =	vst v9  }
0x591: {  	s8 =	sadd.s32 $0x40, s8;
	v7 =	vld [tilespmem:s5+$0xFFFFFFF0];
	v12 =	vadd.s32 v5, v8;
	[tilespmem:s7+$0xFFFFFFF0] =	vst v11  }
0x592: {  	s12 =	sand.u32 $0xFC0, s8;
	v8 =	vld [tilespmem:s5+$0xFFFFFFE0];
	v9 =	vadd.s32 v5, v10;
	[tilespmem:s7+$0xFFFFFFE0] =	vst v12;
	s7 =	smov.u32 s5  }
0x593: {  	v10 =	vld [tilespmem:s12+$0x11100];
	_ =	sdelay $0x1  }
0x594: {  	[tilespmem:s1+$0x11100] =	vst v9;
	v6 =	vadd.s32 v5, v6  }
0x595: {  	v7 =	vadd.s32 v5, v7;
	[tilespmem:s7+$0x0] =	vst v6  }
0x596: {  	v6 =	vadd.s32 v5, v8;
	[tilespmem:s7+$0xFFFFFFF0] =	vst v7  }
0x597: {  	v5 =	vadd.s32 v5, v10;
	[tilespmem:s7+$0xFFFFFFE0] =	vst v6  }
0x598: {  	s4 =	simm.s32 $0x12130;
	[tilespmem:s12+$0x11100] =	vst v5  }
0x599: {  	v6 =	vld [tilespmem:s4+$0x0]  }
0x59a: {  	s2 =	sadd.s32 s24, s2;
	s24 =	simm.s32 $0x0;
	v7 =	vld [tilespmem:s4+$0xFFFFFFF0]  }
0x59b: {  	s1 =	sand.u32 $0xFC0, s24;
	v8 =	vld [tilespmem:s4+$0xFFFFFFE0]  }
0x59c: {  	v9 =	vld [tilespmem:s1+$0x12100]  }
0x59d: {  	v5 =	vmov s2  }
0x59e: {  	s5 =	simm.s32 $0x12170;
	v10 =	vadd.s32 v5, v6  }
0x59f: {  	v6 =	vld [tilespmem:s5+$0x0];
	v11 =	vadd.s32 v5, v7;
	[tilespmem:s4+$0x0] =	vst v10  }
0x5a0: {  	s8 =	simm.s32 $0x40;
	s9 =	simm.s32 $0x4;
	v7 =	vld [tilespmem:s5+$0xFFFFFFF0];
	v10 =	vadd.s32 v5, v8;
	[tilespmem:s4+$0xFFFFFFF0] =	vst v11  }
0x5a1: {  	s24 =	simm.s32 $0x2;
	s7 =	simm.s32 $0x12170;
	s12 =	sand.u32 $0xFC0, s8;
	v9 =	vadd.s32 v5, v9;
	v8 =	vld [tilespmem:s5+$0xFFFFFFE0];
	[tilespmem:s4+$0xFFFFFFE0] =	vst v10  }
.LBB2_95:
0x5a2: {  	s9 =	sadd.s32 $0x4, s9  }
0x5a3: {  	v10 =	vld [tilespmem:s12+$0x12100];
	[tilespmem:s1+$0x12100] =	vst v9;
	s1 =	smov.u32 s12;
	p0 =	slt.u32 s9, $0xFC  }
.Ltmp47:
0x5a4: {  	(pc) =	sbr.rel @p0 .LBB2_95-.Ltmp47, $4  }
0x5a5: {  	s5 =	sadd.s32 $0x40, s5;
	v9 =	vadd.s32 v5, v6  }
0x5a6: {  	v6 =	vld [tilespmem:s5+$0x0];
	v11 =	vadd.s32 v5, v7;
	[tilespmem:s7+$0x0] =	vst v9  }
0x5a7: {  	s8 =	sadd.s32 $0x40, s8;
	v7 =	vld [tilespmem:s5+$0xFFFFFFF0];
	v12 =	vadd.s32 v5, v8;
	[tilespmem:s7+$0xFFFFFFF0] =	vst v11  }
0x5a8: {  	s12 =	sand.u32 $0xFC0, s8;
	v8 =	vld [tilespmem:s5+$0xFFFFFFE0];
	v9 =	vadd.s32 v5, v10;
	[tilespmem:s7+$0xFFFFFFE0] =	vst v12;
	s7 =	smov.u32 s5  }
0x5a9: {  	v10 =	vld [tilespmem:s12+$0x12100];
	_ =	sdelay $0x1  }
0x5aa: {  	[tilespmem:s1+$0x12100] =	vst v9;
	v6 =	vadd.s32 v5, v6  }
0x5ab: {  	v7 =	vadd.s32 v5, v7;
	[tilespmem:s7+$0x0] =	vst v6  }
0x5ac: {  	v6 =	vadd.s32 v5, v8;
	[tilespmem:s7+$0xFFFFFFF0] =	vst v7  }
0x5ad: {  	v5 =	vadd.s32 v5, v10;
	[tilespmem:s7+$0xFFFFFFE0] =	vst v6  }
0x5ae: {  	s4 =	simm.s32 $0x13130;
	[tilespmem:s12+$0x12100] =	vst v5  }
0x5af: {  	v6 =	vld [tilespmem:s4+$0x0]  }
0x5b0: {  	s2 =	sadd.s32 s23, s2;
	s23 =	simm.s32 $0x0;
	v7 =	vld [tilespmem:s4+$0xFFFFFFF0]  }
0x5b1: {  	s1 =	sand.u32 $0xFC0, s23;
	v8 =	vld [tilespmem:s4+$0xFFFFFFE0]  }
0x5b2: {  	v9 =	vld [tilespmem:s1+$0x13100]  }
0x5b3: {  	v5 =	vmov s2  }
0x5b4: {  	s5 =	simm.s32 $0x13170;
	v10 =	vadd.s32 v5, v6  }
0x5b5: {  	v6 =	vld [tilespmem:s5+$0x0];
	v11 =	vadd.s32 v5, v7;
	[tilespmem:s4+$0x0] =	vst v10  }
0x5b6: {  	s8 =	simm.s32 $0x40;
	v7 =	vld [tilespmem:s5+$0xFFFFFFF0];
	v10 =	vadd.s32 v5, v8;
	[tilespmem:s4+$0xFFFFFFF0] =	vst v11  }
0x5b7: {  	s9 =	simm.s32 $0x4;
	s7 =	simm.s32 $0x13170;
	s12 =	sand.u32 $0xFC0, s8;
	v9 =	vadd.s32 v5, v9;
	v8 =	vld [tilespmem:s5+$0xFFFFFFE0];
	[tilespmem:s4+$0xFFFFFFE0] =	vst v10  }
.LBB2_97:
0x5b8: {  	s9 =	sadd.s32 $0x4, s9  }
0x5b9: {  	v10 =	vld [tilespmem:s12+$0x13100];
	[tilespmem:s1+$0x13100] =	vst v9;
	s1 =	smov.u32 s12;
	p0 =	slt.u32 s9, $0xFC  }
.Ltmp48:
0x5ba: {  	(pc) =	sbr.rel @p0 .LBB2_97-.Ltmp48, $4  }
0x5bb: {  	s5 =	sadd.s32 $0x40, s5;
	v9 =	vadd.s32 v5, v6  }
0x5bc: {  	v6 =	vld [tilespmem:s5+$0x0];
	v11 =	vadd.s32 v5, v7;
	[tilespmem:s7+$0x0] =	vst v9  }
0x5bd: {  	s8 =	sadd.s32 $0x40, s8;
	v7 =	vld [tilespmem:s5+$0xFFFFFFF0];
	v12 =	vadd.s32 v5, v8;
	[tilespmem:s7+$0xFFFFFFF0] =	vst v11  }
0x5be: {  	s12 =	sand.u32 $0xFC0, s8;
	v8 =	vld [tilespmem:s5+$0xFFFFFFE0];
	v9 =	vadd.s32 v5, v10;
	[tilespmem:s7+$0xFFFFFFE0] =	vst v12;
	s7 =	smov.u32 s5  }
0x5bf: {  	v10 =	vld [tilespmem:s12+$0x13100];
	_ =	sdelay $0x1  }
0x5c0: {  	[tilespmem:s1+$0x13100] =	vst v9;
	v6 =	vadd.s32 v5, v6  }
0x5c1: {  	v7 =	vadd.s32 v5, v7;
	[tilespmem:s7+$0x0] =	vst v6  }
0x5c2: {  	v6 =	vadd.s32 v5, v8;
	[tilespmem:s7+$0xFFFFFFF0] =	vst v7  }
0x5c3: {  	v5 =	vadd.s32 v5, v10;
	[tilespmem:s7+$0xFFFFFFE0] =	vst v6  }
0x5c4: {  	s4 =	simm.s32 $0x14130;
	[tilespmem:s12+$0x13100] =	vst v5  }
0x5c5: {  	v6 =	vld [tilespmem:s4+$0x0]  }
0x5c6: {  	s23 =	simm.s32 $0x0;
	v7 =	vld [tilespmem:s4+$0xFFFFFFF0]  }
0x5c7: {  	s1 =	sand.u32 $0xFC0, s23;
	v8 =	vld [tilespmem:s4+$0xFFFFFFE0]  }
0x5c8: {  	s2 =	sadd.s32 s10, s2;
	v9 =	vld [tilespmem:s1+$0x14100]  }
0x5c9: {  	v5 =	vmov s2  }
0x5ca: {  	s5 =	simm.s32 $0x14170;
	v10 =	vadd.s32 v5, v6  }
0x5cb: {  	s12 =	rddreg [dreg:$0x5];
	v6 =	vld [tilespmem:s5+$0x0];
	v11 =	vadd.s32 v5, v7;
	[tilespmem:s4+$0x0] =	vst v10  }
0x5cc: {  	s8 =	simm.s32 $0x40;
	v7 =	vld [tilespmem:s5+$0xFFFFFFF0];
	v10 =	vadd.s32 v5, v8;
	[tilespmem:s4+$0xFFFFFFF0] =	vst v11  }
0x5cd: {  	s9 =	simm.s32 $0x4;
	s10 =	sand.u32 $0xFC0, s8;
	s7 =	simm.s32 $0x14170;
	v9 =	vadd.s32 v5, v9;
	v8 =	vld [tilespmem:s5+$0xFFFFFFE0];
	[tilespmem:s4+$0xFFFFFFE0] =	vst v10  }
.LBB2_99:
0x5ce: {  	s9 =	sadd.s32 $0x4, s9  }
0x5cf: {  	v10 =	vld [tilespmem:s10+$0x14100];
	[tilespmem:s1+$0x14100] =	vst v9;
	s1 =	smov.u32 s10;
	p0 =	slt.u32 s9, $0xFC  }
.Ltmp49:
0x5d0: {  	(pc) =	sbr.rel @p0 .LBB2_99-.Ltmp49, $4  }
0x5d1: {  	s5 =	sadd.s32 $0x40, s5;
	v9 =	vadd.s32 v5, v6  }
0x5d2: {  	v6 =	vld [tilespmem:s5+$0x0];
	v11 =	vadd.s32 v5, v7;
	[tilespmem:s7+$0x0] =	vst v9  }
0x5d3: {  	s8 =	sadd.s32 $0x40, s8;
	v7 =	vld [tilespmem:s5+$0xFFFFFFF0];
	v12 =	vadd.s32 v5, v8;
	[tilespmem:s7+$0xFFFFFFF0] =	vst v11  }
0x5d4: {  	s10 =	sand.u32 $0xFC0, s8;
	v8 =	vld [tilespmem:s5+$0xFFFFFFE0];
	v9 =	vadd.s32 v5, v10;
	[tilespmem:s7+$0xFFFFFFE0] =	vst v12;
	s7 =	smov.u32 s5  }
0x5d5: {  	v10 =	vld [tilespmem:s10+$0x14100];
	_ =	sdelay $0x1  }
0x5d6: {  	[tilespmem:s1+$0x14100] =	vst v9;
	v6 =	vadd.s32 v5, v6  }
0x5d7: {  	v7 =	vadd.s32 v5, v7;
	[tilespmem:s7+$0x0] =	vst v6  }
0x5d8: {  	v6 =	vadd.s32 v5, v8;
	[tilespmem:s7+$0xFFFFFFF0] =	vst v7  }
0x5d9: {  	v5 =	vadd.s32 v5, v10;
	[tilespmem:s7+$0xFFFFFFE0] =	vst v6  }
0x5da: {  	s2 =	sadd.s32 s11, s2;
	s11 =	simm.s32 $0x15130;
	[tilespmem:s10+$0x14100] =	vst v5  }
0x5db: {  	v6 =	vld [tilespmem:s11+$0x0]  }
0x5dc: {  	s23 =	simm.s32 $0x0;
	v7 =	vld [tilespmem:s11+$0xFFFFFFF0]  }
0x5dd: {  	s1 =	sand.u32 $0xFC0, s23;
	v8 =	vld [tilespmem:s11+$0xFFFFFFE0]  }
0x5de: {  	v9 =	vld [tilespmem:s1+$0x15100]  }
0x5df: {  	v5 =	vmov s2  }
0x5e0: {  	s5 =	simm.s32 $0x15170;
	v10 =	vadd.s32 v5, v6  }
0x5e1: {  	v6 =	vld [tilespmem:s5+$0x0];
	v11 =	vadd.s32 v5, v7;
	[tilespmem:s11+$0x0] =	vst v10  }
0x5e2: {  	s8 =	simm.s32 $0x40;
	v7 =	vld [tilespmem:s5+$0xFFFFFFF0];
	v10 =	vadd.s32 v5, v8;
	[tilespmem:s11+$0xFFFFFFF0] =	vst v11  }
0x5e3: {  	s9 =	simm.s32 $0x4;
	s7 =	simm.s32 $0x15170;
	s10 =	sand.u32 $0xFC0, s8;
	v9 =	vadd.s32 v5, v9;
	v8 =	vld [tilespmem:s5+$0xFFFFFFE0];
	[tilespmem:s11+$0xFFFFFFE0] =	vst v10  }
.LBB2_101:
0x5e4: {  	s9 =	sadd.s32 $0x4, s9  }
0x5e5: {  	v10 =	vld [tilespmem:s10+$0x15100];
	[tilespmem:s1+$0x15100] =	vst v9;
	s1 =	smov.u32 s10;
	p0 =	slt.u32 s9, $0xFC  }
.Ltmp50:
0x5e6: {  	(pc) =	sbr.rel @p0 .LBB2_101-.Ltmp50, $4  }
0x5e7: {  	s5 =	sadd.s32 $0x40, s5;
	v9 =	vadd.s32 v5, v6  }
0x5e8: {  	v6 =	vld [tilespmem:s5+$0x0];
	v11 =	vadd.s32 v5, v7;
	[tilespmem:s7+$0x0] =	vst v9  }
0x5e9: {  	s8 =	sadd.s32 $0x40, s8;
	v7 =	vld [tilespmem:s5+$0xFFFFFFF0];
	v12 =	vadd.s32 v5, v8;
	[tilespmem:s7+$0xFFFFFFF0] =	vst v11  }
0x5ea: {  	s10 =	sand.u32 $0xFC0, s8;
	v8 =	vld [tilespmem:s5+$0xFFFFFFE0];
	v9 =	vadd.s32 v5, v10;
	[tilespmem:s7+$0xFFFFFFE0] =	vst v12;
	s7 =	smov.u32 s5  }
0x5eb: {  	v10 =	vld [tilespmem:s10+$0x15100];
	_ =	sdelay $0x1  }
0x5ec: {  	[tilespmem:s1+$0x15100] =	vst v9;
	v6 =	vadd.s32 v5, v6  }
0x5ed: {  	v7 =	vadd.s32 v5, v7;
	[tilespmem:s7+$0x0] =	vst v6  }
0x5ee: {  	v6 =	vadd.s32 v5, v8;
	[tilespmem:s7+$0xFFFFFFF0] =	vst v7  }
0x5ef: {  	v5 =	vadd.s32 v5, v10;
	[tilespmem:s7+$0xFFFFFFE0] =	vst v6  }
0x5f0: {  	s11 =	simm.s32 $0x16130;
	[tilespmem:s10+$0x15100] =	vst v5  }
0x5f1: {  	v6 =	vld [tilespmem:s11+$0x0]  }
0x5f2: {  	s23 =	simm.s32 $0x0;
	v7 =	vld [tilespmem:s11+$0xFFFFFFF0]  }
0x5f3: {  	s1 =	sadd.s32 s6, s2;
	s2 =	sand.u32 $0xFC0, s23;
	v8 =	vld [tilespmem:s11+$0xFFFFFFE0]  }
0x5f4: {  	v9 =	vld [tilespmem:s2+$0x16100]  }
0x5f5: {  	v5 =	vmov s1  }
0x5f6: {  	s5 =	simm.s32 $0x16170;
	v10 =	vadd.s32 v5, v6  }
0x5f7: {  	v6 =	vld [tilespmem:s5+$0x0];
	v11 =	vadd.s32 v5, v7;
	[tilespmem:s11+$0x0] =	vst v10  }
0x5f8: {  	s7 =	simm.s32 $0x40;
	v7 =	vld [tilespmem:s5+$0xFFFFFFF0];
	v10 =	vadd.s32 v5, v8;
	[tilespmem:s11+$0xFFFFFFF0] =	vst v11  }
0x5f9: {  	s8 =	simm.s32 $0x4;
	s6 =	simm.s32 $0x16170;
	s9 =	sand.u32 $0xFC0, s7;
	v9 =	vadd.s32 v5, v9;
	v8 =	vld [tilespmem:s5+$0xFFFFFFE0];
	[tilespmem:s11+$0xFFFFFFE0] =	vst v10  }
.LBB2_103:
0x5fa: {  	s8 =	sadd.s32 $0x4, s8  }
0x5fb: {  	v10 =	vld [tilespmem:s9+$0x16100];
	[tilespmem:s2+$0x16100] =	vst v9;
	s2 =	smov.u32 s9;
	p0 =	slt.u32 s8, $0xFC  }
.Ltmp51:
0x5fc: {  	(pc) =	sbr.rel @p0 .LBB2_103-.Ltmp51, $4  }
0x5fd: {  	s5 =	sadd.s32 $0x40, s5;
	v9 =	vadd.s32 v5, v6  }
0x5fe: {  	v6 =	vld [tilespmem:s5+$0x0];
	v11 =	vadd.s32 v5, v7;
	[tilespmem:s6+$0x0] =	vst v9  }
0x5ff: {  	s7 =	sadd.s32 $0x40, s7;
	v7 =	vld [tilespmem:s5+$0xFFFFFFF0];
	v12 =	vadd.s32 v5, v8;
	[tilespmem:s6+$0xFFFFFFF0] =	vst v11  }
0x600: {  	s9 =	sand.u32 $0xFC0, s7;
	v8 =	vld [tilespmem:s5+$0xFFFFFFE0];
	v9 =	vadd.s32 v5, v10;
	[tilespmem:s6+$0xFFFFFFE0] =	vst v12;
	s6 =	smov.u32 s5  }
0x601: {  	v10 =	vld [tilespmem:s9+$0x16100];
	_ =	sdelay $0x1  }
0x602: {  	[tilespmem:s2+$0x16100] =	vst v9;
	v6 =	vadd.s32 v5, v6  }
0x603: {  	v7 =	vadd.s32 v5, v7;
	[tilespmem:s6+$0x0] =	vst v6  }
0x604: {  	v6 =	vadd.s32 v5, v8;
	[tilespmem:s6+$0xFFFFFFF0] =	vst v7  }
0x605: {  	v5 =	vadd.s32 v5, v10;
	[tilespmem:s6+$0xFFFFFFE0] =	vst v6  }
0x606: {  	s5 =	simm.s32 $0x17130;
	[tilespmem:s9+$0x16100] =	vst v5  }
0x607: {  	v6 =	vld [tilespmem:s5+$0x0]  }
0x608: {  	s23 =	simm.s32 $0x0;
	v7 =	vld [tilespmem:s5+$0xFFFFFFF0]  }
0x609: {  	s0 =	sadd.s32 s0, s1;
	s1 =	sand.u32 $0xFC0, s23;
	v8 =	vld [tilespmem:s5+$0xFFFFFFE0]  }
0x60a: {  	v9 =	vld [tilespmem:s1+$0x17100]  }
0x60b: {  	v5 =	vmov s0  }
0x60c: {  	s2 =	simm.s32 $0x17170;
	v10 =	vadd.s32 v5, v6  }
0x60d: {  	v6 =	vld [tilespmem:s2+$0x0];
	v11 =	vadd.s32 v5, v7;
	[tilespmem:s5+$0x0] =	vst v10  }
0x60e: {  	s6 =	simm.s32 $0x40;
	v7 =	vld [tilespmem:s2+$0xFFFFFFF0];
	v10 =	vadd.s32 v5, v8;
	[tilespmem:s5+$0xFFFFFFF0] =	vst v11  }
0x60f: {  	s7 =	simm.s32 $0x4;
	s8 =	sand.u32 $0xFC0, s6;
	v9 =	vadd.s32 v5, v9;
	v8 =	vld [tilespmem:s2+$0xFFFFFFE0];
	[tilespmem:s5+$0xFFFFFFE0] =	vst v10;
	s5 =	simm.s32 $0x17170  }
.LBB2_105:
0x610: {  	s7 =	sadd.s32 $0x4, s7  }
0x611: {  	v10 =	vld [tilespmem:s8+$0x17100];
	[tilespmem:s1+$0x17100] =	vst v9;
	s1 =	smov.u32 s8;
	p0 =	slt.u32 s7, $0xFC  }
.Ltmp52:
0x612: {  	(pc) =	sbr.rel @p0 .LBB2_105-.Ltmp52, $4  }
0x613: {  	s2 =	sadd.s32 $0x40, s2;
	v9 =	vadd.s32 v5, v6  }
0x614: {  	v6 =	vld [tilespmem:s2+$0x0];
	v11 =	vadd.s32 v5, v7;
	[tilespmem:s5+$0x0] =	vst v9  }
0x615: {  	s6 =	sadd.s32 $0x40, s6;
	v7 =	vld [tilespmem:s2+$0xFFFFFFF0];
	v12 =	vadd.s32 v5, v8;
	[tilespmem:s5+$0xFFFFFFF0] =	vst v11  }
0x616: {  	s8 =	sand.u32 $0xFC0, s6;
	v8 =	vld [tilespmem:s2+$0xFFFFFFE0];
	v9 =	vadd.s32 v5, v10;
	[tilespmem:s5+$0xFFFFFFE0] =	vst v12;
	s5 =	smov.u32 s2  }
0x617: {  	v10 =	vld [tilespmem:s8+$0x17100];
	_ =	sdelay $0x1  }
0x618: {  	[tilespmem:s1+$0x17100] =	vst v9;
	v6 =	vadd.s32 v5, v6  }
0x619: {  	v7 =	vadd.s32 v5, v7;
	[tilespmem:s5+$0x0] =	vst v6  }
0x61a: {  	v6 =	vadd.s32 v5, v8;
	[tilespmem:s5+$0xFFFFFFF0] =	vst v7  }
0x61b: {  	v5 =	vadd.s32 v5, v10;
	[tilespmem:s5+$0xFFFFFFE0] =	vst v6  }
0x61c: {  	s23 =	simm.s32 $0x18130;
	[tilespmem:s8+$0x17100] =	vst v5  }
0x61d: {  	v6 =	vld [tilespmem:s23+$0x0]  }
0x61e: {  	s0 =	sadd.s32 s28, s0;
	s28 =	simm.s32 $0x0;
	v7 =	vld [tilespmem:s23+$0xFFFFFFF0]  }
0x61f: {  	s1 =	sand.u32 $0xFC0, s28;
	v8 =	vld [tilespmem:s23+$0xFFFFFFE0]  }
0x620: {  	v9 =	vld [tilespmem:s1+$0x18100]  }
0x621: {  	v5 =	vmov s0  }
0x622: {  	s2 =	simm.s32 $0x18170;
	v10 =	vadd.s32 v5, v6  }
0x623: {  	v6 =	vld [tilespmem:s2+$0x0];
	v11 =	vadd.s32 v5, v7;
	[tilespmem:s23+$0x0] =	vst v10  }
0x624: {  	s6 =	simm.s32 $0x40;
	v7 =	vld [tilespmem:s2+$0xFFFFFFF0];
	v10 =	vadd.s32 v5, v8;
	[tilespmem:s23+$0xFFFFFFF0] =	vst v11  }
0x625: {  	s7 =	simm.s32 $0x4;
	s5 =	simm.s32 $0x18170;
	s8 =	sand.u32 $0xFC0, s6;
	v9 =	vadd.s32 v5, v9;
	v8 =	vld [tilespmem:s2+$0xFFFFFFE0];
	[tilespmem:s23+$0xFFFFFFE0] =	vst v10  }
.LBB2_107:
0x626: {  	s7 =	sadd.s32 $0x4, s7  }
0x627: {  	v10 =	vld [tilespmem:s8+$0x18100];
	[tilespmem:s1+$0x18100] =	vst v9;
	s1 =	smov.u32 s8;
	p0 =	slt.u32 s7, $0xFC  }
.Ltmp53:
0x628: {  	(pc) =	sbr.rel @p0 .LBB2_107-.Ltmp53, $4  }
0x629: {  	s2 =	sadd.s32 $0x40, s2;
	v9 =	vadd.s32 v5, v6  }
0x62a: {  	v6 =	vld [tilespmem:s2+$0x0];
	v11 =	vadd.s32 v5, v7;
	[tilespmem:s5+$0x0] =	vst v9  }
0x62b: {  	s6 =	sadd.s32 $0x40, s6;
	v7 =	vld [tilespmem:s2+$0xFFFFFFF0];
	v12 =	vadd.s32 v5, v8;
	[tilespmem:s5+$0xFFFFFFF0] =	vst v11  }
0x62c: {  	s8 =	sand.u32 $0xFC0, s6;
	v8 =	vld [tilespmem:s2+$0xFFFFFFE0];
	v9 =	vadd.s32 v5, v10;
	[tilespmem:s5+$0xFFFFFFE0] =	vst v12;
	s5 =	smov.u32 s2  }
0x62d: {  	v10 =	vld [tilespmem:s8+$0x18100];
	_ =	sdelay $0x1  }
0x62e: {  	[tilespmem:s1+$0x18100] =	vst v9;
	v6 =	vadd.s32 v5, v6  }
0x62f: {  	v7 =	vadd.s32 v5, v7;
	[tilespmem:s5+$0x0] =	vst v6  }
0x630: {  	v6 =	vadd.s32 v5, v8;
	[tilespmem:s5+$0xFFFFFFF0] =	vst v7  }
0x631: {  	v5 =	vadd.s32 v5, v10;
	[tilespmem:s5+$0xFFFFFFE0] =	vst v6  }
0x632: {  	s2 =	simm.s32 $0x19130;
	[tilespmem:s8+$0x18100] =	vst v5  }
0x633: {  	v6 =	vld [tilespmem:s2+$0x0]  }
0x634: {  	s0 =	sadd.s32 s26, s0;
	s28 =	simm.s32 $0x0;
	v7 =	vld [tilespmem:s2+$0xFFFFFFF0]  }
0x635: {  	v5 =	vmov s0;
	s0 =	sand.u32 $0xFC0, s28;
	v8 =	vld [tilespmem:s2+$0xFFFFFFE0]  }
0x636: {  	v9 =	vld [tilespmem:s0+$0x19100];
	_ =	sdelay $0x1  }
0x637: {  	s1 =	simm.s32 $0x19170;
	v10 =	vadd.s32 v5, v6  }
0x638: {  	v6 =	vld [tilespmem:s1+$0x0];
	v11 =	vadd.s32 v5, v7;
	[tilespmem:s2+$0x0] =	vst v10  }
0x639: {  	s6 =	simm.s32 $0x40;
	v7 =	vld [tilespmem:s1+$0xFFFFFFF0];
	v10 =	vadd.s32 v5, v8;
	[tilespmem:s2+$0xFFFFFFF0] =	vst v11  }
0x63a: {  	s7 =	simm.s32 $0x4;
	s5 =	simm.s32 $0x19170;
	s8 =	sand.u32 $0xFC0, s6;
	v9 =	vadd.s32 v5, v9;
	v8 =	vld [tilespmem:s1+$0xFFFFFFE0];
	[tilespmem:s2+$0xFFFFFFE0] =	vst v10  }
.LBB2_109:
0x63b: {  	s7 =	sadd.s32 $0x4, s7  }
0x63c: {  	v10 =	vld [tilespmem:s8+$0x19100];
	[tilespmem:s0+$0x19100] =	vst v9;
	s2 =	simm.s32 $0x30;
	p0 =	slt.u32 s7, $0xFC  }
.Ltmp54:
0x63d: {  	s0 =	smov.u32 s8;
	(pc) =	sbr.rel @p0 .LBB2_109-.Ltmp54, $4  }
0x63e: {  	s1 =	sadd.s32 $0x40, s1;
	v9 =	vadd.s32 v5, v6  }
0x63f: {  	v6 =	vld [tilespmem:s1+$0x0];
	v11 =	vadd.s32 v5, v7;
	[tilespmem:s5+$0x0] =	vst v9  }
0x640: {  	s6 =	sadd.s32 $0x40, s6;
	v7 =	vld [tilespmem:s1+$0xFFFFFFF0];
	v12 =	vadd.s32 v5, v8;
	[tilespmem:s5+$0xFFFFFFF0] =	vst v11  }
0x641: {  	s8 =	sand.u32 $0xFC0, s6;
	v8 =	vld [tilespmem:s1+$0xFFFFFFE0];
	v9 =	vadd.s32 v5, v10;
	[tilespmem:s5+$0xFFFFFFE0] =	vst v12;
	s5 =	smov.u32 s1  }
0x642: {  	v10 =	vld [tilespmem:s8+$0x19100];
	_ =	sdelay $0x1  }
0x643: {  	[tilespmem:s0+$0x19100] =	vst v9;
	v6 =	vadd.s32 v5, v6  }
0x644: {  	v7 =	vadd.s32 v5, v7;
	[tilespmem:s5+$0x0] =	vst v6  }
0x645: {  	v6 =	vadd.s32 v5, v8;
	[tilespmem:s5+$0xFFFFFFF0] =	vst v7  }
0x646: {  	v5 =	vadd.s32 v5, v10;
	[tilespmem:s5+$0xFFFFFFE0] =	vst v6  }
0x647: {  	s1 =	simm.s32 $0xA120;
	[tilespmem:s8+$0x19100] =	vst v5  }
0x648: {  	v5 =	vld [tilespmem:s1+$0x10];
	_ =	sdelay $0x4  }
0x649: {  	v6 =	vld [tilespmem:s1+$0xFFFFFFE0];
	v8 =	vadd.s32 $0x1, v5  }
0x64a: {  	v7 =	vld [tilespmem:s1+$0xFFFFFFF0];
	_ =	sdelay $0x1  }
0x64b: {  	v11 =	vld [tilespmem:s1+$0x0]  }
0x64c: {  	v12 =	vld.idx.msk [tilespmem:v5+s17+$0x0], $0xffff  }
0x64d: {  	s0 =	simm.s32 $0xA160;
	v9 =	vadd.s32 $0x1, v6;
	v8 =	vld.idx.msk [tilespmem:v8+s17+$0x0], $0xffff  }
0x64e: {  	v18 =	vld [tilespmem:s0+$0x10];
	v10 =	vadd.s32 $0x1, v7  }
0x64f: {  	v17 =	vld [tilespmem:s0+$0xFFFFFFE0]  }
0x650: {  	v15 =	vld.idx.msk [tilespmem:v6+s17+$0x0], $0xffff  }
0x651: {  	v16 =	vld.idx.msk [tilespmem:v7+s17+$0x0], $0xffff  }
0x652: {  	v9 =	vld.idx.msk [tilespmem:v9+s17+$0x0], $0xffff;
	v8 =	vsub.f32 v8, v12  }
0x653: {  	v10 =	vld.idx.msk [tilespmem:v10+s17+$0x0], $0xffff  }
0x654: {  	v19 =	vld [tilespmem:s0+$0xFFFFFFF0];
	v13 =	vadd.s32 $0x1, v11;
	v8 =	vmax.f32 v8, $1.000000000e+00  }
0x655: {  	s4 =	simm.s32 $0x20;
	(erf) = vrcp.f32 v8  }
0x656: {  	s4 =	scvt.s32.f32 s4;
	v14 =	vadd.s32 $0x1, v18  }
0x657: {  	v20 =	vld [tilespmem:s0+$0x0];
	v8 =	vsub.f32 v9, v15  }
0x658: {  	v29 =	vadd.f32 s4, v4;
	v21 =	vld.idx.msk [tilespmem:v11+s17+$0x0], $0xffff;
	v10 =	vsub.f32 v10, v16  }
0x659: {  	s2 =	scvt.s32.f32 s2;
	s7 =	simm.s32 $0x40;
	v22 =	vadd.s32 $0x1, v17;
	v23 =	vadd.s32 $0x1, v19;
	v9 =	vld.idx.msk [tilespmem:v13+s17+$0x0], $0xffff;
	v8 =	vmax.f32 v8, $1.000000000e+00  }
0x65a: {  	s4 =	scvt.s32.f32 s7;
	v24 =	vcvt.s32.f32 v6;
	v25 =	vld.idx.msk [tilespmem:v18+s17+$0x0], $0xffff;
	v6 =	vmax.f32 v10, $1.000000000e+00;
	(erf) = vrcp.f32 v8  }
0x65b: {  	v10 =	vcvt.s32.f32 v7;
	v7 =	vld.idx.msk [tilespmem:v14+s17+$0x0], $0xffff;
	(erf) = vrcp.f32 v6;
	v6 =	vadd.f32 s2, v4  }
0x65c: {  	v35 =	vadd.f32 s4, v4  }
0x65d: {  	s3 =	simm.s32 $0x0;
	v11 =	vcvt.s32.f32 v11;
	v5 =	vcvt.s32.f32 v5;
	v6 =	vsub.f32 v6, v12  }
0x65e: {  	s28 =	simm.s32 $0x10;
	s3 =	scvt.s32.f32 s3;
	v18 =	vcvt.s32.f32 v18;
	v22 =	vld.idx.msk [tilespmem:v22+s17+$0x0], $0xffff;
	v14 =	vcvt.s32.f32 v19;
	v9 =	vsub.f32 v9, v21;
	v27 =	vpop (erf)  }
0x65f: {  	v26 =	vadd.s32 $0x1, v20;
	v23 =	vld.idx.msk [tilespmem:v23+s17+$0x0], $0xffff;
	v13 =	vcvt.s32.f32 v17;
	s2 =	scvt.s32.f32 s28;
	v6 =	vmul.f32 v27, v6  }
0x660: {  	s8 =	simm.s32 $0xA1A0;
	v7 =	vsub.f32 v7, v25;
	v12 =	vadd.f32 s3, v4;
	v9 =	vmax.f32 v9, $1.000000000e+00;
	v27 =	vld.idx.msk [tilespmem:v17+s17+$0x0], $0xffff  }
0x661: {  	s5 =	simm.s32 $0x70;
	v28 =	vadd.f32 s2, v4;
	(erf) = vrcp.f32 v9;
	v17 =	vld [tilespmem:s8+$0x10];
	v6 =	vmax.f32 v6, $0.0e+00  }
0x662: {  	s6 =	simm.s32 $0x50;
	v8 =	vcvt.s32.f32 v20;
	s2 =	scvt.s32.f32 s5;
	v12 =	vsub.f32 v12, v15;
	v9 =	vld.idx.msk [tilespmem:v19+s17+$0x0], $0xffff;
	v6 =	vmin.f32 v6, $1.000000000e+00  }
0x663: {  	s3 =	scvt.s32.f32 s6;
	v16 =	vsub.f32 v28, v16;
	v19 =	vld [tilespmem:s8+$0xFFFFFFE0];
	v15 =	vpop (erf);
	v5 =	vadd.f32 v5, v6;
	v6 =	vmax.f32 v7, $1.000000000e+00  }
0x664: {  	v33 =	vadd.f32 s2, v4;
	v12 =	vmul.f32 v15, v12;
	v7 =	vpop (erf);
	(erf) = vrcp.f32 v6  }
0x665: {  	v28 =	vld [tilespmem:s8+$0x0];
	v34 =	vadd.f32 s3, v4;
	v15 =	vsub.f32 v29, v21;
	v7 =	vmul.f32 v7, v16  }
0x666: {  	v6 =	vmax.f32 v12, $0.0e+00;
	v12 =	vsub.f32 v22, v27;
	v22 =	vld.idx.msk [tilespmem:v26+s17+$0x0], $0xffff;
	v26 =	vadd.s32 $0x1, v17  }
0x667: {  	s9 =	simm.s32 $0x60;
	s11 =	simm.s32 $0x90;
	v21 =	vld [tilespmem:s8+$0xFFFFFFF0];
	v29 =	vmul.f32 $8.056640510e-04, v5;
	v5 =	vsub.f32 v23, v9;
	v7 =	vmax.f32 v7, $0.0e+00  }
0x668: {  	s10 =	scvt.s32.f32 s9;
	s9 =	simm.s32 $0xA1E0;
	v20 =	vld.idx.msk [tilespmem:v20+s17+$0x0], $0xffff;
	s3 =	scvt.s32.f32 s11;
	v16 =	vmin.f32 v6, $1.000000000e+00;
	v6 =	vmax.f32 v12, $1.000000000e+00;
	v12 =	vadd.s32 $0x1, v19  }
0x669: {  	v59 =	vld [tilespmem:s9+$0xFFFFFFE0];
	v25 =	vsub.f32 v33, v25;
	(erf) = vrcp.f32 v6;
	v6 =	vmax.f32 v5, $1.000000000e+00  }
0x66a: {  	v37 =	vadd.f32 s3, v4;
	v23 =	vmin.f32 v7, $1.000000000e+00;
	v32 =	vld.idx.msk [tilespmem:v17+s17+$0x0], $0xffff;
	v7 =	vpop (erf);
	(erf) = vrcp.f32 v6  }
0x66b: {  	v31 =	vadd.s32 $0x1, v28;
	v57 =	vsub.f32 v34, v9;
	v5 =	vcvt.s32.f32 v19;
	v19 =	vld.idx.msk [tilespmem:v19+s17+$0x0], $0xffff  }
0x66c: {  	v27 =	vsub.f32 v35, v27;
	v9 =	vadd.f32 s10, v4;
	v30 =	vadd.s32 $0x1, v21;
	v26 =	vld.idx.msk [tilespmem:v26+s17+$0x0], $0xffff  }
0x66d: {  	v16 =	vadd.f32 v24, v16;
	v6 =	vcvt.s32.f32 v21;
	v22 =	vsub.f32 v22, v20;
	v12 =	vld.idx.msk [tilespmem:v12+s17+$0x0], $0xffff;
	v58 =	vpop (erf)  }
0x66e: {  	v10 =	vadd.f32 v10, v23;
	v15 =	vmul.f32 v7, v15;
	v25 =	vmul.f32 v58, v25  }
0x66f: {  	v20 =	vsub.f32 v9, v20;
	v7 =	vcvt.s32.f32 v28;
	v22 =	vmax.f32 v22, $1.000000000e+00  }
0x670: {  	v21 =	vld.idx.msk [tilespmem:v21+s17+$0x0], $0xffff;
	v15 =	vmax.f32 v15, $0.0e+00;
	(erf) = vrcp.f32 v22;
	v22 =	vmax.f32 v25, $0.0e+00  }
0x671: {  	v30 =	vld.idx.msk [tilespmem:v30+s17+$0x0], $0xffff;
	v15 =	vmin.f32 v15, $1.000000000e+00;
	v24 =	vsub.f32 v26, v32;
	v22 =	vmin.f32 v22, $1.000000000e+00  }
0x672: {  	v9 =	vld [tilespmem:s9+$0x10];
	v26 =	vadd.s32 $0x1, v59;
	v12 =	vsub.f32 v12, v19;
	v25 =	vpop (erf);
	v22 =	vadd.f32 v18, v22  }
0x673: {  	v60 =	vld [tilespmem:s9+$0xFFFFFFF0];
	v23 =	vmul.f32 v25, v27;
	v18 =	vpop (erf);
	v27 =	vmul.f32 $8.056640510e-04, v16;
	v16 =	vmax.f32 v24, $1.000000000e+00  }
0x674: {  	v28 =	vld.idx.msk [tilespmem:v28+s17+$0x0], $0xffff;
	v24 =	vadd.f32 v11, v15;
	v11 =	vmul.f32 v18, v57;
	(erf) = vrcp.f32 v16  }
0x675: {  	s26 =	simm.s32 $0x80;
	v15 =	vmul.f32 $8.056640510e-04, v10;
	v18 =	vld [tilespmem:s9+$0x0];
	v61 =	vmul.f32 $8.056640510e-04, v22;
	v10 =	vmax.f32 v23, $0.0e+00  }
0x676: {  	s28 =	simm.s32 $0xA0;
	s5 =	scvt.s32.f32 s26;
	v22 =	vld.idx.msk [tilespmem:v31+s17+$0x0], $0xffff;
	v16 =	vsub.f32 v30, v21;
	v31 =	vmin.f32 v10, $1.000000000e+00;
	v10 =	vmax.f32 v11, $0.0e+00  }
0x677: {  	s2 =	simm.s32 $0xB0;
	s3 =	scvt.s32.f32 s28;
	v11 =	vadd.s32 $0x1, v9;
	v30 =	vmin.f32 v10, $1.000000000e+00;
	v10 =	vmax.f32 v12, $1.000000000e+00  }
0x678: {  	v38 =	vadd.f32 s5, v4;
	s23 =	scvt.s32.f32 s2;
	v16 =	vmax.f32 v16, $1.000000000e+00;
	(erf) = vrcp.f32 v10  }
0x679: {  	v62 =	vadd.f32 s3, v4;
	v17 =	vcvt.s32.f32 v17;
	v23 =	vpop (erf);
	(erf) = vrcp.f32 v16  }
0x67a: {  	v12 =	vadd.s32 $0x1, v60;
	v10 =	vadd.f32 s23, v4;
	v20 =	vmul.f32 v23, v20;
	v16 =	vld.idx.msk [tilespmem:v9+s17+$0x0], $0xffff  }
0x67b: {  	v24 =	vmul.f32 $8.056640510e-04, v24;
	v36 =	vadd.s32 $0x1, v18;
	v39 =	vsub.f32 v22, v28;
	v22 =	vld.idx.msk [tilespmem:v26+s17+$0x0], $0xffff  }
0x67c: {  	[tilespmem:s1+$0xFFFFFFE0] =	vst v27;
	v26 =	vsub.f32 v38, v19;
	v32 =	vsub.f32 v10, v32;
	v20 =	vmax.f32 v20, $0.0e+00;
	v25 =	vld.idx.msk [tilespmem:v11+s17+$0x0], $0xffff  }
0x67d: {  	[tilespmem:s1+$0xFFFFFFF0] =	vst v15;
	v15 =	vld.idx.msk [tilespmem:v59+s17+$0x0], $0xffff;
	v63 =	vmax.f32 v39, $1.000000000e+00;
	v27 =	vmin.f32 v20, $1.000000000e+00;
	v20 =	vsub.f32 v62, v28;
	v19 =	vpop (erf)  }
0x67e: {  	[tilespmem:s1+$0x10] =	vst v29;
	v28 =	vadd.f32 v13, v31;
	v13 =	vld.idx.msk [tilespmem:v60+s17+$0x0], $0xffff;
	(erf) = vrcp.f32 v63;
	v29 =	vmul.f32 v19, v32  }
0x67f: {  	v23 =	vsub.f32 v37, v21;
	v14 =	vadd.f32 v14, v30;
	v10 =	vcvt.s32.f32 v59;
	v21 =	vld.idx.msk [tilespmem:v12+s17+$0x0], $0xffff  }
0x680: {  	s5 =	simm.s32 $0xC;
	s10 =	simm.s32 $0xA220;
	[tilespmem:s0+$0x10] =	vst v61;
	v11 =	vcvt.s32.f32 v60;
	v12 =	vcvt.s32.f32 v18;
	v19 =	vld.idx.msk [tilespmem:v36+s17+$0x0], $0xffff;
	v29 =	vmax.f32 v29, $0.0e+00  }
.LBB2_111:
0x681: {  	v30 =	vld [tilespmem:s10+$0x10];
	s5 =	sadd.s32 $0x4, s5;
	v25 =	vsub.f32 v25, v16;
	v29 =	vmin.f32 v29, $1.000000000e+00;
	v31 =	vpop (erf);
	v32 =	vadd.f32 v8, v27;
	[tilespmem:s1+$0x0] =	vst v24;
	s1 =	smov.u32 s0;
	s0 =	smov.u32 s8  }
0x682: {  	v27 =	vmul.f32 $8.056640510e-04, v28;
	s8 =	smov.u32 s9;
	s9 =	smov.u32 s10;
	v24 =	vld [tilespmem:s10+$0xFFFFFFE0];
	p0 =	slt.u32 s5, $0xFFC;
	v33 =	vmul.f32 v31, v26;
	v17 =	vadd.f32 v17, v29;
	v26 =	vpop (erf)  }
0x683: {  	v31 =	vmovc v6;
	v6 =	vmovc v11;
	v29 =	vld [tilespmem:s10+$0xFFFFFFF0];
	v25 =	vmax.f32 v25, $1.000000000e+00;
	v23 =	vmul.f32 v26, v23;
	v26 =	vmul.f32 $8.056640510e-04, v14  }
0x684: {  	v8 =	vmovc v7;
	v7 =	vmovc v12;
	v11 =	vld [tilespmem:s10+$0x0];
	(erf) = vrcp.f32 v25;
	v25 =	vmax.f32 v33, $0.0e+00;
	v17 =	vmul.f32 $8.056640510e-04, v17;
	[tilespmem:s1+$0xFFFFFFE0] =	vst v27  }
0x685: {  	v14 =	vmovc v16;
	v12 =	vsub.f32 v22, v15;
	v28 =	vld.idx.msk [tilespmem:v18+s17+$0x0], $0xffff;
	v33 =	vmin.f32 v25, $1.000000000e+00;
	v23 =	vmax.f32 v23, $0.0e+00;
	[tilespmem:s1+$0xFFFFFFF0] =	vst v26  }
0x686: {  	v16 =	vsub.f32 v21, v13;
	v22 =	vadd.s32 $0x1, v30;
	v34 =	vmin.f32 v23, $1.000000000e+00;
	[tilespmem:s0+$0x10] =	vst v17  }
0x687: {  	s2 =	sadd.s32 $0x40, s2;
	v12 =	vmax.f32 v12, $1.000000000e+00;
	v17 =	vadd.s32 $0x1, v24;
	v35 =	vcvt.s32.f32 v24;
	v18 =	vpop (erf)  }
0x688: {  	s3 =	sadd.s32 $0xFFFFFFE0, s2;
	s4 =	sadd.s32 $0xFFFFFFF0, s2;
	s6 =	scvt.s32.f32 s2;
	v16 =	vmax.f32 v16, $1.000000000e+00;
	v21 =	vadd.s32 $0x1, v29;
	(erf) = vrcp.f32 v12  }
0x689: {  	s7 =	sadd.s32 $0xFFFFFFD0, s2;
	s3 =	scvt.s32.f32 s3;
	s4 =	scvt.s32.f32 s4;
	v20 =	vmul.f32 v18, v20;
	v26 =	vadd.s32 $0x1, v11;
	(erf) = vrcp.f32 v16;
	v18 =	vmovc v11  }
0x68a: {  	s7 =	scvt.s32.f32 s7;
	v23 =	vadd.f32 s6, v4;
	v11 =	vcvt.s32.f32 v29;
	v12 =	vcvt.s32.f32 v18;
	v16 =	vld.idx.msk [tilespmem:v30+s17+$0x0], $0xffff  }
0x68b: {  	v37 =	vadd.f32 s3, v4;
	v19 =	vsub.f32 v19, v28;
	v20 =	vmax.f32 v20, $0.0e+00;
	v25 =	vld.idx.msk [tilespmem:v22+s17+$0x0], $0xffff  }
.Ltmp55:
0x68c: {  	v14 =	vsub.f32 v23, v14;
	v27 =	vmin.f32 v20, $1.000000000e+00;
	v22 =	vld.idx.msk [tilespmem:v17+s17+$0x0], $0xffff;
	v17 =	vadd.f32 s7, v4;
	(pc) =	sbr.rel @p0 .LBB2_111-.Ltmp55, $4  }
0x68d: {  	v23 =	vsub.f32 v37, v13;
	v13 =	vadd.f32 s4, v4;
	v20 =	vmax.f32 v19, $1.000000000e+00;
	v21 =	vld.idx.msk [tilespmem:v21+s17+$0x0], $0xffff;
	v36 =	vpop (erf)  }
0x68e: {  	v19 =	vld.idx.msk [tilespmem:v26+s17+$0x0], $0xffff;
	v26 =	vsub.f32 v17, v15;
	v14 =	vmul.f32 v36, v14;
	(erf) = vrcp.f32 v20  }
0x68f: {  	v20 =	vsub.f32 v13, v28;
	v28 =	vadd.f32 v5, v33;
	v5 =	vmovc v10;
	v15 =	vld.idx.msk [tilespmem:v24+s17+$0x0], $0xffff;
	v24 =	vmul.f32 $8.056640510e-04, v32  }
0x690: {  	s10 =	sadd.s32 $0x40, s10;
	v17 =	vcvt.s32.f32 v9;
	v9 =	vmovc v30;
	v10 =	vmovc v35;
	v13 =	vld.idx.msk [tilespmem:v29+s17+$0x0], $0xffff;
	v29 =	vmax.f32 v14, $0.0e+00;
	v14 =	vadd.f32 v31, v34  }
0x691: {  	_ =	sdelay $0x3  }
0x692: {  	v25 =	vsub.f32 v25, v16;
	v18 =	vld.idx.msk [tilespmem:v18+s17+$0x0], $0xffff;
	_ =	sdelay $0x1  }
0x693: {  	v29 =	vmin.f32 v29, $1.000000000e+00;
	v25 =	vmax.f32 v25, $1.000000000e+00  }
0x694: {  	v30 =	vpop (erf);
	v8 =	vadd.f32 v8, v27;
	(erf) = vrcp.f32 v25;
	v22 =	vsub.f32 v22, v15  }
0x695: {  	v44 =	vmul.f32 $8.056640510e-04, v28;
	v9 =	vcvt.s32.f32 v9;
	v21 =	vsub.f32 v21, v13  }
0x696: {  	s2 =	sadd.s32 $0x40, s2;
	v42 =	vmul.f32 v30, v26;
	v22 =	vmax.f32 v22, $1.000000000e+00;
	v19 =	vsub.f32 v19, v18  }
0x697: {  	v17 =	vadd.f32 v17, v29;
	v43 =	vpop (erf);
	s3 =	scvt.s32.f32 s2;
	s4 =	sadd.s32 $0xFFFFFFE0, s2;
	v21 =	vmax.f32 v21, $1.000000000e+00;
	(erf) = vrcp.f32 v22  }
0x698: {  	v14 =	vmul.f32 $8.056640510e-04, v14;
	s28 =	sadd.s32 $0xFFFFFFD0, s2;
	s2 =	sadd.s32 $0xFFFFFFF0, s2;
	s4 =	scvt.s32.f32 s4;
	(erf) = vrcp.f32 v21;
	v19 =	vmax.f32 v19, $1.000000000e+00  }
0x699: {  	v45 =	vmul.f32 v43, v23;
	s2 =	scvt.s32.f32 s2;
	v47 =	vadd.f32 s3, v4;
	s3 =	scvt.s32.f32 s28;
	v46 =	vpop (erf);
	(erf) = vrcp.f32 v19  }
0x69a: {  	v8 =	vmul.f32 $8.056640510e-04, v8;
	v48 =	vmax.f32 v42, $0.0e+00;
	v50 =	vadd.f32 s4, v4  }
0x69b: {  	v17 =	vmul.f32 $8.056640510e-04, v17;
	v54 =	vadd.f32 s2, v4;
	v51 =	vadd.f32 s3, v4  }
0x69c: {  	v49 =	vmax.f32 v45, $0.0e+00;
	v52 =	vsub.f32 v47, v16;
	v55 =	vsub.f32 v50, v13  }
0x69d: {  	v18 =	vsub.f32 v54, v18;
	v20 =	vmul.f32 v46, v20;
	v21 =	vmin.f32 v49, $1.000000000e+00;
	v53 =	vpop (erf)  }
0x69e: {  	v19 =	vmin.f32 v48, $1.000000000e+00;
	v6 =	vadd.f32 v6, v21;
	v16 =	vmul.f32 v53, v52  }
0x69f: {  	v56 =	vsub.f32 v51, v15;
	v20 =	vmax.f32 v20, $0.0e+00;
	v5 =	vadd.f32 v5, v19  }
0x6a0: {  	[tilespmem:s1+$0x0] =	vst v24;
	v20 =	vmin.f32 v20, $1.000000000e+00;
	v6 =	vmul.f32 $8.056640510e-04, v6;
	v16 =	vmax.f32 v16, $0.0e+00;
	v57 =	vpop (erf)  }
0x6a1: {  	[tilespmem:s0+$0xFFFFFFE0] =	vst v44;
	v7 =	vadd.f32 v7, v20;
	v16 =	vmin.f32 v16, $1.000000000e+00;
	v15 =	vmul.f32 v57, v56;
	v58 =	vpop (erf)  }
0x6a2: {  	[tilespmem:s0+$0xFFFFFFF0] =	vst v14;
	v5 =	vmul.f32 $8.056640510e-04, v5;
	v9 =	vadd.f32 v9, v16;
	v13 =	vmul.f32 v58, v55;
	v59 =	vpop (erf)  }
0x6a3: {  	[tilespmem:s0+$0x0] =	vst v8;
	v7 =	vmul.f32 $8.056640510e-04, v7;
	v15 =	vmax.f32 v15, $0.0e+00;
	v14 =	vmul.f32 v59, v18  }
0x6a4: {  	[tilespmem:s8+$0x10] =	vst v17;
	v60 =	vmul.f32 $8.056640510e-04, v9;
	v61 =	vmin.f32 v15, $1.000000000e+00;
	v13 =	vmax.f32 v13, $0.0e+00  }
0x6a5: {  	[tilespmem:s8+$0xFFFFFFE0] =	vst v5;
	v5 =	vmin.f32 v13, $1.000000000e+00;
	v62 =	vmax.f32 v14, $0.0e+00;
	v9 =	vadd.f32 v10, v61  }
0x6a6: {  	[tilespmem:s8+$0xFFFFFFF0] =	vst v6;
	v6 =	vmin.f32 v62, $1.000000000e+00;
	v5 =	vadd.f32 v11, v5  }
0x6a7: {  	[tilespmem:s8+$0x0] =	vst v7;
	v6 =	vadd.f32 v12, v6;
	v63 =	vmul.f32 $8.056640510e-04, v9  }
0x6a8: {  	[tilespmem:s9+$0x10] =	vst v60;
	v5 =	vmul.f32 $8.056640510e-04, v5  }
0x6a9: {  	[tilespmem:s9+$0xFFFFFFE0] =	vst v63;
	v6 =	vmul.f32 $8.056640510e-04, v6  }
0x6aa: {  	[tilespmem:s9+$0xFFFFFFF0] =	vst v5  }
0x6ab: {  	s26 =	simm.s32 $0x0;
	s4 =	rddreg [dreg:$0x0];
	[tilespmem:s9+$0x0] =	vst v6  }
0x6ac: {  	[tilespmem:s26], [sflag:$0x1] =	stream.linear.gather [hbm4b:s15+s26], $0x1000, $0x38;
	[tilespmem:$0x1A100] =	vst v63  }
0x6ad: {  	s7 =	rddreg [dreg:$0x3]  }
0x6ae: {  	s6 =	simm.s32 $0x0;
	s5 =	rddreg [dreg:$0x4]  }
0x6af: {  	[tilespmem:s18], [sflag:$0x2] =	stream.linear.gather [hbm4b:s14+s26], $0x1000, $0x38;
	[tilespmem:$0x1A100] =	vst v63  }
.LBB2_113:
0x6b0: {  	s0 =	sshll.u32 s26, $0xD  }
0x6b1: {  	s1 =	sor.u32 s0, s12  }
0x6b2: {  	s1 =	sshrl.u32 s1, $0x3  }
0x6b3: {  	s28 =	sor.u32 $0x200, s1  }
0x6b4: {  	s2 =	sadd.s32 s4, s28  }
0x6b5: {  	[tilespmem:s19], [sflag:$0x3] =	stream.linear.gather [hbm4b:s2+s6], $0x1000, $0x38;
	[tilespmem:$0x1A100] =	vst v63  }
0x6b6: {  	s11 =	sadd.s32 s7, s28  }
0x6b7: {  	[tilespmem:s21], [sflag:$0x4] =	stream.linear.gather [hbm4b:s11+s6], $0x1000, $0x38;
	[tilespmem:$0x1A100] =	vst v63  }
0x6b8: {  	_ =	swait.ge [sflag:s22], $0x1000  }
0x6b9: {  	[sflag:s22] =	ssyncset.done $0x0  }
0x6ba: {  	[sflag:s22] =	ssyncadd.s32 $0xFFFFF000  }
0x6bb: {  	_ =	swait.ge [sflag:s24], $0x1000  }
0x6bc: {  	p0 =	seq.s32 s26, $0x0;
	[sflag:s24] =	ssyncset.done $0x0  }
0x6bd: {  	s2 =	simm.s32 @!p0 $0x5;
	[sflag:s24] =	ssyncadd.s32 $0xFFFFF000  }
0x6be: {  	_ =	swait.ge @!p0 [sflag:s2], $0x1000  }
0x6bf: {  	[sflag:s2] =	ssyncset.done @!p0 $0x0  }
0x6c0: {  	s3 =	simm.s32 $0x40;
	[sflag:s2] =	ssyncadd.s32 @!p0 $0xFFFFF000  }
0x6c1: {  	s23 =	simm.s32 $0x1040;
	v5 =	vld [tilespmem:s3+$0x10]  }
0x6c2: {  	v6 =	vld [tilespmem:s23+$0xFFFFFFC0]  }
0x6c3: {  	v7 =	vld [tilespmem:s3+$0xFFFFFFC0]  }
0x6c4: {  	v8 =	vld [tilespmem:s23+$0x30]  }
0x6c5: {  	v9 =	vld [tilespmem:s23+$0xFFFFFFF0]  }
0x6c6: {  	v10 =	vld [tilespmem:s23+$0x0]  }
0x6c7: {  	v11 =	vld [tilespmem:s23+$0x20]  }
0x6c8: {  	v14 =	vld [tilespmem:s3+$0xFFFFFFE0]  }
0x6c9: {  	v15 =	vld [tilespmem:s3+$0x20]  }
0x6ca: {  	v16 =	vld [tilespmem:s3+$0xFFFFFFF0];
	_ =	sdelay $0x1  }
0x6cb: {  	vm7 =	vlt.f32 v6, $0.0e+00;
	vm1 =	vlt.f32 v10, $0.0e+00  }
0x6cc: {  	v13 =	vld [tilespmem:s3+$0x30];
	v6 =	vand.u32 $0x7FFFFFFF, v5;
	vm0 =	vlt.f32 v11, $0.0e+00;
	vm2 =	vlt.f32 v8, $0.0e+00  }
0x6cd: {  	v12 =	vld [tilespmem:s3+$0x0];
	v8 =	vand.u32 $0x7FFFFFFF, v7;
	vm8 =	vlt.f32 v7, $0.0e+00;
	v7 =	vand.u32 $0x7FFFFFFF, v14  }
0x6ce: {  	vm5 =	vlt.f32 v9, $0.0e+00;
	v10 =	vand.u32 $0x7FFFFFFF, v15;
	v18 =	vand.u32 $0x7FFFFFFF, v16  }
0x6cf: {  	vm4 =	vlt.f32 v16, $0.0e+00;
	vm6 =	vlt.f32 v14, $0.0e+00;
	v11 =	vmul.f32 $1.241212160e+03, v6  }
0x6d0: {  	vm3 =	vlt.f32 v15, $0.0e+00;
	v18 =	vmul.f32 $1.241212160e+03, v18;
	v14 =	vmul.f32 $1.241212160e+03, v8  }
0x6d1: {  	v6 =	vand.u32 $0x7FFFFFFF, v13;
	v19 =	vmul.f32 $1.241212160e+03, v7;
	v21 =	vmul.f32 $1.241212160e+03, v10  }
0x6d2: {  	v16 =	vmul.f32 $1.241212160e+03, v6;
	v6 =	vand.u32 $0x7FFFFFFF, v12;
	v17 =	vtrunc.f32 v11  }
0x6d3: {  	v9 =	vld [tilespmem:s23+$0xFFFFFFE0];
	vm7 =	vmxor vm8, vm7;
	v8 =	vtrunc.f32 v18;
	v15 =	vmul.f32 $1.241212160e+03, v6  }
0x6d4: {  	vm5 =	vmxor vm4, vm5;
	v7 =	vtrunc.f32 v14;
	v20 =	vtrunc.f32 v19  }
0x6d5: {  	vm0 =	vmxor vm3, vm0;
	v23 =	vtrunc.f32 v21;
	v8 =	vcvt.f32.s32 v8  }
0x6d6: {  	v6 =	vsel vm7, $0x3F4F1BBD, v2;
	v17 =	vcvt.f32.s32 v17;
	v10 =	vtrunc.f32 v16  }
0x6d7: {  	v7 =	vcvt.f32.s32 v7;
	v20 =	vcvt.f32.s32 v20;
	v26 =	vxor.u32 $0x80000000, v6  }
0x6d8: {  	v23 =	vcvt.f32.s32 v23;
	vm11 =	vlt.f32 v9, $0.0e+00;
	v6 =	vsel vm8, v26, v6  }
0x6d9: {  	v10 =	vcvt.f32.s32 v10;
	vm7 =	vmxor vm6, vm11;
	vm9 =	vgt.s32 v8, $0x0  }
0x6da: {  	v9 =	vld [tilespmem:s3+$0xFFFFFFD0];
	vm12 =	vgt.s32 v7, $0x0;
	vm13 =	vgt.s32 v20, $0x0;
	vm10 =	vgt.s32 v17, $0x0  }
0x6db: {  	vm14 =	vgt.s32 v23, $0x0;
	v8 =	vnsel vm9, $0x0, v8;
	v25 =	vnsel vm12, $0x0, v7  }
0x6dc: {  	v7 =	vtrunc.f32 v15;
	v20 =	vnsel vm13, $0x0, v20;
	v17 =	vnsel vm10, $0x0, v17  }
0x6dd: {  	vm15 =	vgt.s32 v10, $0x0;
	v23 =	vnsel vm14, $0x0, v23;
	v8 =	vmin.u32 v8, $0x1FFF  }
0x6de: {  	v26 =	vld [tilespmem:s23+$0xFFFFFFD0];
	v7 =	vcvt.f32.s32 v7;
	v10 =	vnsel vm15, $0x0, v10;
	v20 =	vmin.u32 v20, $0x1FFF  }
0x6df: {  	v23 =	vmin.u32 v23, $0x1FFF;
	v25 =	vmin.u32 v25, $0x1FFF;
	v24 =	vand.u32 $0x7FFFFFFF, v9  }
0x6e0: {  	v22 =	vadd.s32 $0x1, v8;
	v10 =	vmin.u32 v10, $0x1FFF;
	v24 =	vmul.f32 $1.241212160e+03, v24  }
0x6e1: {  	v29 =	vadd.s32 $0x1, v20;
	v32 =	vadd.s32 $0x1, v23;
	vm8 =	vlt.f32 v9, $0.0e+00  }
0x6e2: {  	v9 =	vmin.u32 v17, $0x1FFF;
	vm12 =	vgt.s32 v7, $0x0;
	v27 =	vtrunc.f32 v24  }
0x6e3: {  	vm14 =	vlt.f32 v26, $0.0e+00;
	v7 =	vnsel vm12, $0x0, v7;
	v17 =	vcvt.f32.s32 v27  }
0x6e4: {  	v26 =	vadd.s32 $0x1, v9;
	vm15 =	vmxor vm8, vm14;
	v28 =	vld.idx.msk [tilespmem:v8+s16+$0x0], $0xffff;
	v27 =	vcvt.s32.f32 v8  }
0x6e5: {  	v30 =	vmin.u32 v7, $0x1FFF;
	v7 =	vcvt.s32.f32 v10;
	v38 =	vld.idx.msk [tilespmem:v23+s16+$0x0], $0xffff;
	vm13 =	vgt.s32 v17, $0x0  }
0x6e6: {  	v22 =	vld.idx.msk [tilespmem:v22+s16+$0x0], $0xffff;
	v18 =	vsub.f32 v18, v27;
	v27 =	vadd.s32 $0x1, v10;
	v17 =	vnsel vm13, $0x0, v17  }
0x6e7: {  	v35 =	vsel vm15, $0x3F4F1BBD, v2;
	v23 =	vcvt.s32.f32 v23;
	v36 =	vld.idx.msk [tilespmem:v10+s16+$0x0], $0xffff;
	v17 =	vmin.u32 v17, $0x1FFF  }
0x6e8: {  	v8 =	vsel vm7, $0x3F4F1BBD, v2;
	v16 =	vsub.f32 v16, v7;
	v29 =	vld.idx.msk [tilespmem:v29+s16+$0x0], $0xffff;
	v34 =	vadd.s32 $0x1, v17  }
0x6e9: {  	v7 =	vxor.u32 $0x80000000, v35;
	v31 =	vld.idx.msk [tilespmem:v9+s16+$0x0], $0xffff;
	v9 =	vcvt.s32.f32 v9;
	v10 =	vxor.u32 $0x80000000, v8  }
0x6ea: {  	v7 =	vsel vm8, v7, v35;
	v26 =	vld.idx.msk [tilespmem:v26+s16+$0x0], $0xffff;
	v8 =	vsel vm6, v10, v8;
	v10 =	vsel vm5, $0x3F4F1BBD, v2  }
0x6eb: {  	v60 =	vsub.f32 v11, v9;
	v9 =	vcvt.s32.f32 v20;
	v11 =	vsel vm0, $0x3F4F1BBD, v2;
	v27 =	vld.idx.msk [tilespmem:v27+s16+$0x0], $0xffff  }
0x6ec: {  	vm0 =	vlt.f32 v13, $0.0e+00;
	v13 =	vcvt.s32.f32 v30;
	v37 =	vcvt.s32.f32 v17;
	v17 =	vld.idx.msk [tilespmem:v17+s16+$0x0], $0xffff  }
0x6ed: {  	v59 =	vxor.u32 $0x80000000, v10;
	v61 =	vxor.u32 $0x80000000, v11;
	vm2 =	vmxor vm0, vm2;
	v34 =	vld.idx.msk [tilespmem:v34+s16+$0x0], $0xffff  }
0x6ee: {  	v32 =	vld.idx.msk [tilespmem:v32+s16+$0x0], $0xffff;
	v10 =	vsel vm4, v59, v10;
	v19 =	vsub.f32 v19, v9;
	v9 =	vsel vm3, v61, v11  }
0x6ef: {  	v20 =	vld.idx.msk [tilespmem:v20+s16+$0x0], $0xffff;
	v13 =	vsub.f32 v15, v13;
	v15 =	vsub.f32 v21, v23;
	v21 =	vadd.s32 $0x1, v30  }
0x6f0: {  	v22 =	vsub.f32 v22, v28;
	v11 =	vsel vm2, $0x3F4F1BBD, v2;
	v23 =	vsub.f32 v27, v36  }
0x6f1: {  	vm2 =	vlt.f32 v12, $0.0e+00;
	v24 =	vsub.f32 v24, v37;
	v26 =	vsub.f32 v26, v31  }
0x6f2: {  	v33 =	vld [tilespmem:s23+$0x10];
	v18 =	vmul.f32 v18, v22;
	v22 =	vmul.f32 v16, v23;
	v12 =	vsub.f32 v34, v17  }
0x6f3: {  	v23 =	vmul.f32 v60, v26;
	v16 =	vsub.f32 v32, v38;
	v26 =	vcvt.s32.f32 v25  }
0x6f4: {  	v62 =	vsub.f32 v29, v20;
	v18 =	vadd.f32 v18, v28;
	v12 =	vmul.f32 v24, v12  }
0x6f5: {  	v27 =	vadd.s32 $0x1, v25;
	v15 =	vmul.f32 v15, v16;
	v16 =	vsub.f32 v14, v26  }
0x6f6: {  	v14 =	vtrunc.f32 v18;
	v18 =	vmul.f32 v19, v62;
	v17 =	vadd.f32 v12, v17  }
0x6f7: {  	vm3 =	vlt.f32 v33, $0.0e+00;
	v23 =	vadd.f32 v23, v31;
	v24 =	vadd.f32 v15, v38;
	v15 =	vld.idx.msk [tilespmem:v25+s16+$0x0], $0xffff  }
0x6f8: {  	v19 =	vcvt.f32.s32 v14;
	v26 =	vadd.f32 v18, v20;
	v18 =	vld.idx.msk [tilespmem:v30+s16+$0x0], $0xffff;
	v17 =	vtrunc.f32 v17  }
0x6f9: {  	vm1 =	vmxor vm2, vm1;
	v25 =	vcvt.f32.s32 v17;
	v17 =	vtrunc.f32 v23;
	v23 =	vld.idx.msk [tilespmem:v21+s16+$0x0], $0xffff  }
0x6fa: {  	v20 =	vadd.f32 v22, v36;
	v22 =	vld.idx.msk [tilespmem:v27+s16+$0x0], $0xffff;
	v12 =	vsel vm1, $0x3F4F1BBD, v2;
	vm1 =	vgt.s32 v19, $0x0  }
0x6fb: {  	v14 =	vxor.u32 $0x80000000, v12;
	v63 =	vtrunc.f32 v24;
	v19 =	vnsel vm1, $0x0, v19  }
0x6fc: {  	s9 =	simm.s32 $0x4040;
	s10 =	simm.s32 $0x0;
	v24 =	vtrunc.f32 v26;
	v19 =	vmin.u32 v19, $0xFFFF;
	vm4 =	vgt.s32 v25, $0x0  }
0x6fd: {  	s8 =	simm.s32 $0x4040;
	s11 =	simm.s32 $0xC0;
	s23 =	simm.s32 $0x10C0;
	v17 =	vcvt.f32.s32 v17;
	v21 =	vnsel vm4, $0x0, v25;
	v25 =	vcvt.f32.s32 v63  }
.LBB2_114:
0x6fe: {  	v26 =	vld [tilespmem:s11+$0x10];
	s10 =	sadd.s32 $0x8, s10;
	v21 =	vmin.u32 v21, $0xFFFF;
	v24 =	vcvt.f32.s32 v24;
	v23 =	vsub.f32 v23, v18;
	s9 =	sadd.s32 $0x80, s9  }
0x6ff: {  	v22 =	vsub.f32 v22, v15;
	v20 =	vtrunc.f32 v20;
	v27 =	vld [tilespmem:s23+$0xFFFFFFC0];
	p1 =	slt.u32 s10, $0xF8;
	vm1 =	vgt.s32 v25, $0x0  }
0x700: {  	vm4 =	vlt.f32 v5, $0.0e+00;
	v28 =	vld [tilespmem:s11+$0xFFFFFFC0];
	v13 =	vmul.f32 v13, v23;
	v5 =	vnsel vm1, $0x0, v25  }
0x701: {  	v16 =	vmul.f32 v16, v22;
	vm1 =	vmxor vm4, vm3;
	v23 =	vld [tilespmem:s23+$0x30];
	v22 =	vmin.u32 v5, $0xFFFF  }
0x702: {  	v29 =	vsel vm2, v14, v12;
	v14 =	vcvt.f32.s32 v20;
	v12 =	vsel vm1, $0x3F4F1BBD, v2;
	v25 =	vld [tilespmem:s23+$0xFFFFFFF0]  }
0x703: {  	v15 =	vadd.f32 v16, v15;
	v13 =	vadd.f32 v13, v18;
	v16 =	vxor.u32 $0x80000000, v12;
	v5 =	vmovc v26  }
0x704: {  	vm1 =	vgt.s32 v24, $0x0;
	vm2 =	vgt.s32 v14, $0x0;
	v20 =	vsel vm4, v16, v12;
	v19 =	vld.idx.msk [tilespmem:v19+s20+$0x0], $0xffff  }
0x705: {  	v14 =	vnsel vm2, $0x0, v14;
	v15 =	vtrunc.f32 v15;
	v13 =	vtrunc.f32 v13;
	v12 =	vld [tilespmem:s23+$0x0]  }
0x706: {  	v26 =	vmin.u32 v14, $0xFFFF;
	vm7 =	vlt.f32 v27, $0.0e+00;
	v18 =	vcvt.f32.s32 v13;
	v16 =	vld [tilespmem:s23+$0x20]  }
0x707: {  	v14 =	vcvt.f32.s32 v15;
	v15 =	vnsel vm1, $0x0, v24;
	v24 =	vxor.u32 $0x80000000, v11;
	v13 =	vld [tilespmem:s11+$0x30]  }
0x708: {  	vm2 =	vgt.s32 v17, $0x0;
	v24 =	vsel vm0, v24, v11;
	vm1 =	vgt.s32 v18, $0x0;
	v27 =	vld [tilespmem:s11+$0xFFFFFFE0]  }
0x709: {  	v31 =	vmin.u32 v15, $0xFFFF;
	v15 =	vnsel vm2, $0x0, v17;
	v11 =	vnsel vm1, $0x0, v18;
	v30 =	vld [tilespmem:s11+$0x20]  }
0x70a: {  	v15 =	vmin.u32 v15, $0xFFFF;
	v32 =	vmin.u32 v11, $0xFFFF;
	v17 =	vld [tilespmem:s11+$0xFFFFFFF0];
	vm1 =	vlt.f32 v12, $0.0e+00  }
0x70b: {  	vm2 =	vlt.f32 v23, $0.0e+00;
	v11 =	vand.u32 $0x7FFFFFFF, v5;
	v12 =	vld [tilespmem:s11+$0x0];
	vm0 =	vlt.f32 v16, $0.0e+00  }
0x70c: {  	vm3 =	vgt.s32 v14, $0x0;
	v11 =	vmul.f32 $1.241212160e+03, v11;
	v16 =	vand.u32 $0x7FFFFFFF, v13  }
0x70d: {  	vm8 =	vlt.f32 v28, $0.0e+00;
	v23 =	vand.u32 $0x7FFFFFFF, v28;
	v28 =	vnsel vm3, $0x0, v14  }
0x70e: {  	vm5 =	vlt.f32 v25, $0.0e+00;
	v34 =	vand.u32 $0x7FFFFFFF, v27;
	v33 =	vld [tilespmem:s23+$0xFFFFFFE0];
	v25 =	vand.u32 $0x7FFFFFFF, v30  }
0x70f: {  	v35 =	vtrunc.f32 v11;
	v18 =	vmul.f32 $1.241212160e+03, v16;
	vm4 =	vlt.f32 v17, $0.0e+00;
	v36 =	vld.idx.msk [tilespmem:v15+s20+$0x0], $0xffff  }
0x710: {  	v10 =	vmul.f32 v19, v10;
	vm6 =	vlt.f32 v27, $0.0e+00;
	v14 =	vand.u32 $0x7FFFFFFF, v17;
	v19 =	vld.idx.msk [tilespmem:v22+s20+$0x0], $0xffff  }
0x711: {  	vm3 =	vlt.f32 v30, $0.0e+00;
	v22 =	vmul.f32 $1.241212160e+03, v14;
	v15 =	vand.u32 $0x7FFFFFFF, v12;
	v27 =	vld.idx.msk [tilespmem:v32+s20+$0x0], $0xffff  }
0x712: {  	vm7 =	vmxor vm8, vm7;
	v14 =	vmul.f32 $1.241212160e+03, v23;
	v15 =	vmul.f32 $1.241212160e+03, v15;
	v23 =	vld.idx.msk [tilespmem:v31+s20+$0x0], $0xffff;
	[tilespmem:s8+$0xFFFFFFF0] =	vst v10  }
0x713: {  	v28 =	vmin.u32 v28, $0xFFFF;
	v10 =	vsel vm7, $0x3F4F1BBD, v2;
	v17 =	vtrunc.f32 v22;
	v21 =	vld.idx.msk [tilespmem:v21+s20+$0x0], $0xffff  }
0x714: {  	v16 =	vmul.f32 $1.241212160e+03, v34;
	vm7 =	vlt.f32 v33, $0.0e+00;
	v30 =	vcvt.f32.s32 v17;
	v26 =	vld.idx.msk [tilespmem:v26+s20+$0x0], $0xffff  }
0x715: {  	v31 =	vtrunc.f32 v14;
	v33 =	vcvt.f32.s32 v35;
	vm7 =	vmxor vm6, vm7;
	v32 =	vld [tilespmem:s11+$0xFFFFFFD0]  }
0x716: {  	v34 =	vtrunc.f32 v16;
	v17 =	vmul.f32 $1.241212160e+03, v25;
	vm9 =	vgt.s32 v30, $0x0  }
0x717: {  	v9 =	vmul.f32 v19, v9;
	v25 =	vnsel vm9, $0x0, v30;
	v30 =	vtrunc.f32 v18  }
0x718: {  	v19 =	vcvt.f32.s32 v31;
	v27 =	vmul.f32 v27, v29;
	v25 =	vmin.u32 v25, $0x1FFF;
	v28 =	vld.idx.msk [tilespmem:v28+s20+$0x0], $0xffff  }
0x719: {  	v20 =	vmul.f32 v36, v20;
	v31 =	vtrunc.f32 v17;
	v29 =	vadd.s32 $0x1, v25;
	[tilespmem:s8+$0x20] =	vst v9  }
0x71a: {  	v31 =	vcvt.f32.s32 v31;
	vm9 =	vgt.s32 v19, $0x0;
	v9 =	vcvt.f32.s32 v34;
	[tilespmem:s8+$0x0] =	vst v27  }
0x71b: {  	v8 =	vmul.f32 v23, v8;
	v27 =	vand.u32 $0x7FFFFFFF, v32;
	[tilespmem:s8+$0x10] =	vst v20;
	v20 =	vmul.f32 v26, v24  }
0x71c: {  	v23 =	vtrunc.f32 v15;
	v19 =	vnsel vm9, $0x0, v19;
	vm9 =	vgt.s32 v9, $0x0  }
0x71d: {  	vm10 =	vgt.s32 v33, $0x0;
	v7 =	vmul.f32 v21, v7;
	v24 =	vmul.f32 $1.241212160e+03, v27;
	[tilespmem:s8+$0x30] =	vst v20  }
0x71e: {  	v9 =	vnsel vm9, $0x0, v9;
	v20 =	vxor.u32 $0x80000000, v10;
	v26 =	vmul.f32 v28, v6;
	v21 =	vld.idx.msk [tilespmem:v25+s16+$0x0], $0xffff;
	[tilespmem:s8+$0xFFFFFFE0] =	vst v8  }
0x71f: {  	v6 =	vsel vm8, v20, v10;
	v8 =	vnsel vm10, $0x0, v33;
	v10 =	vcvt.f32.s32 v30;
	[tilespmem:s8+$0xFFFFFFD0] =	vst v7  }
0x720: {  	v23 =	vcvt.f32.s32 v23;
	v20 =	vtrunc.f32 v24;
	vm8 =	vlt.f32 v32, $0.0e+00;
	v7 =	vld [tilespmem:s23+$0xFFFFFFD0];
	[tilespmem:s8+$0xFFFFFFC0] =	vst v26;
	s8 =	smov.u32 s9  }
0x721: {  	vm9 =	vgt.s32 v31, $0x0;
	v8 =	vmin.u32 v8, $0x1FFF;
	vm10 =	vgt.s32 v10, $0x0  }
0x722: {  	v25 =	vcvt.s32.f32 v25;
	v20 =	vcvt.f32.s32 v20;
	v10 =	vnsel vm10, $0x0, v10  }
0x723: {  	v26 =	vnsel vm9, $0x0, v31;
	vm10 =	vgt.s32 v23, $0x0;
	v10 =	vmin.u32 v10, $0x1FFF  }
0x724: {  	v22 =	vsub.f32 v22, v25;
	vm9 =	vgt.s32 v20, $0x0;
	v23 =	vnsel vm10, $0x0, v23  }
0x725: {  	v27 =	vadd.s32 $0x1, v10;
	vm10 =	vlt.f32 v7, $0.0e+00;
	v25 =	vld.idx.msk [tilespmem:v29+s16+$0x0], $0xffff;
	v7 =	vadd.s32 $0x1, v8  }
0x726: {  	v9 =	vmin.u32 v9, $0x1FFF;
	v26 =	vmin.u32 v26, $0x1FFF;
	v20 =	vnsel vm9, $0x0, v20  }
0x727: {  	v19 =	vmin.u32 v19, $0x1FFF;
	v20 =	vmin.u32 v20, $0x1FFF;
	vm9 =	vmxor vm8, vm10;
	v28 =	vld.idx.msk [tilespmem:v8+s16+$0x0], $0xffff  }
0x728: {  	v23 =	vmin.u32 v23, $0x1FFF;
	v31 =	vcvt.s32.f32 v10;
	v29 =	vadd.s32 $0x1, v9;
	v30 =	vld [tilespmem:s23+$0x10]  }
0x729: {  	v32 =	vsel vm7, $0x3F4F1BBD, v2;
	v33 =	vcvt.s32.f32 v8;
	v34 =	vadd.s32 $0x1, v26;
	v35 =	vld.idx.msk [tilespmem:v10+s16+$0x0], $0xffff  }
0x72a: {  	v36 =	vadd.s32 $0x1, v20;
	v18 =	vsub.f32 v18, v31;
	v10 =	vsel vm9, $0x3F4F1BBD, v2;
	v37 =	vld.idx.msk [tilespmem:v7+s16+$0x0], $0xffff  }
0x72b: {  	vm5 =	vmxor vm4, vm5;
	v8 =	vxor.u32 $0x80000000, v32;
	v7 =	vxor.u32 $0x80000000, v10;
	v31 =	vld.idx.msk [tilespmem:v26+s16+$0x0], $0xffff  }
0x72c: {  	v38 =	vcvt.s32.f32 v20;
	v8 =	vsel vm6, v8, v32;
	v32 =	vsel vm5, $0x3F4F1BBD, v2;
	v20 =	vld.idx.msk [tilespmem:v20+s16+$0x0], $0xffff  }
0x72d: {  	vm0 =	vmxor vm3, vm0;
	v7 =	vsel vm8, v7, v10;
	v10 =	vxor.u32 $0x80000000, v32;
	v27 =	vld.idx.msk [tilespmem:v27+s16+$0x0], $0xffff  }
0x72e: {  	v24 =	vsub.f32 v24, v38;
	v10 =	vsel vm4, v10, v32;
	v32 =	vsub.f32 v11, v33;
	v29 =	vld.idx.msk [tilespmem:v29+s16+$0x0], $0xffff  }
0x72f: {  	v11 =	vcvt.s32.f32 v9;
	v33 =	vld.idx.msk [tilespmem:v36+s16+$0x0], $0xffff;
	v36 =	vsel vm0, $0x3F4F1BBD, v2;
	vm0 =	vlt.f32 v13, $0.0e+00  }
0x730: {  	v26 =	vcvt.s32.f32 v26;
	v13 =	vcvt.s32.f32 v23;
	v34 =	vld.idx.msk [tilespmem:v34+s16+$0x0], $0xffff;
	v38 =	vxor.u32 $0x80000000, v36  }
0x731: {  	v39 =	vsub.f32 v16, v11;
	vm2 =	vmxor vm0, vm2;
	v40 =	vld.idx.msk [tilespmem:v9+s16+$0x0], $0xffff;
	v9 =	vsel vm3, v38, v36  }
0x732: {  	v13 =	vsub.f32 v15, v13;
	v36 =	vadd.s32 $0x1, v23;
	v15 =	vsub.f32 v17, v26  }
0x733: {  	v16 =	vsub.f32 v25, v21;
	v11 =	vsel vm2, $0x3F4F1BBD, v2;
	v17 =	vsub.f32 v27, v35  }
0x734: {  	v25 =	vadd.s32 $0x1, v19;
	v26 =	vsub.f32 v37, v28;
	vm3 =	vlt.f32 v30, $0.0e+00  }
0x735: {  	v16 =	vmul.f32 v22, v16;
	vm2 =	vlt.f32 v12, $0.0e+00;
	v17 =	vmul.f32 v18, v17  }
0x736: {  	v22 =	vmul.f32 v32, v26;
	v12 =	vsub.f32 v33, v20;
	v18 =	vsub.f32 v34, v31  }
0x737: {  	v21 =	vadd.f32 v16, v21;
	v26 =	vcvt.s32.f32 v19;
	v27 =	vsub.f32 v29, v40  }
0x738: {  	vm1 =	vmxor vm2, vm1;
	v12 =	vmul.f32 v24, v12;
	v24 =	vmul.f32 v15, v18  }
0x739: {  	v16 =	vsub.f32 v14, v26;
	v18 =	vtrunc.f32 v21;
	v14 =	vmul.f32 v39, v27;
	v15 =	vld.idx.msk [tilespmem:v19+s16+$0x0], $0xffff  }
0x73a: {  	v26 =	vadd.f32 v22, v28;
	v21 =	vcvt.f32.s32 v18;
	v19 =	vadd.f32 v12, v20;
	v18 =	vld.idx.msk [tilespmem:v23+s16+$0x0], $0xffff  }
0x73b: {  	v12 =	vsel vm1, $0x3F4F1BBD, v2;
	v24 =	vadd.f32 v24, v31;
	v27 =	vadd.f32 v14, v40;
	v23 =	vld.idx.msk [tilespmem:v36+s16+$0x0], $0xffff  }
.Ltmp56:
0x73c: {  	v20 =	vadd.f32 v17, v35;
	v14 =	vxor.u32 $0x80000000, v12;
	v19 =	vtrunc.f32 v19;
	v22 =	vld.idx.msk [tilespmem:v25+s16+$0x0], $0xffff;
	(pc) =	sbr.rel @p1 .LBB2_114-.Ltmp56, $4  }
0x73d: {  	v19 =	vcvt.f32.s32 v19;
	v25 =	vtrunc.f32 v24  }
0x73e: {  	v17 =	vtrunc.f32 v26;
	vm1 =	vgt.s32 v21, $0x0;
	v24 =	vtrunc.f32 v27  }
0x73f: {  	v17 =	vcvt.f32.s32 v17;
	v26 =	vnsel vm1, $0x0, v21;
	vm4 =	vgt.s32 v19, $0x0  }
0x740: {  	s11 =	sadd.s32 $0x80, s11;
	s23 =	sadd.s32 $0x80, s23;
	v25 =	vcvt.f32.s32 v25;
	v21 =	vnsel vm4, $0x0, v19;
	v19 =	vmin.u32 v26, $0xFFFF  }
0x741: {  	v23 =	vsub.f32 v23, v18  }
0x742: {  	v22 =	vsub.f32 v22, v15  }
0x743: {  	v20 =	vtrunc.f32 v20;
	vm1 =	vgt.s32 v25, $0x0;
	v13 =	vmul.f32 v13, v23  }
0x744: {  	v20 =	vcvt.f32.s32 v20;
	v23 =	vnsel vm1, $0x0, v25;
	v16 =	vmul.f32 v16, v22  }
0x745: {  	vm6 =	vgt.s32 v17, $0x0;
	v22 =	vmin.u32 v23, $0xFFFF;
	v13 =	vadd.f32 v13, v18  }
0x746: {  	vm5 =	vgt.s32 v20, $0x0;
	v18 =	vcvt.f32.s32 v24;
	v15 =	vadd.f32 v16, v15  }
0x747: {  	v16 =	vnsel vm6, $0x0, v17;
	v17 =	vnsel vm5, $0x0, v20;
	v13 =	vtrunc.f32 v13  }
0x748: {  	v16 =	vmin.u32 v16, $0xFFFF;
	v15 =	vtrunc.f32 v15;
	v13 =	vcvt.f32.s32 v13  }
0x749: {  	v17 =	vmin.u32 v17, $0xFFFF;
	vm1 =	vgt.s32 v18, $0x0;
	v15 =	vcvt.f32.s32 v15  }
0x74a: {  	v19 =	vld.idx.msk [tilespmem:v19+s20+$0x0], $0xffff;
	v20 =	vmin.u32 v21, $0xFFFF;
	v18 =	vnsel vm1, $0x0, v18;
	vm4 =	vgt.s32 v13, $0x0  }
0x74b: {  	v18 =	vmin.u32 v18, $0xFFFF;
	vm1 =	vgt.s32 v15, $0x0;
	v13 =	vnsel vm4, $0x0, v13  }
0x74c: {  	v21 =	vld.idx.msk [tilespmem:v22+s20+$0x0], $0xffff;
	v15 =	vnsel vm1, $0x0, v15;
	v13 =	vmin.u32 v13, $0xFFFF  }
0x74d: {  	vm1 =	vlt.f32 v5, $0.0e+00;
	v5 =	vld.idx.msk [tilespmem:v16+s20+$0x0], $0xffff;
	v15 =	vmin.u32 v15, $0xFFFF  }
0x74e: {  	v16 =	vld.idx.msk [tilespmem:v17+s20+$0x0], $0xffff;
	vm3 =	vmxor vm1, vm3  }
0x74f: {  	v10 =	vmul.f32 v19, v10;
	v19 =	vld.idx.msk [tilespmem:v20+s20+$0x0], $0xffff;
	v17 =	vsel vm3, $0x3F4F1BBD, v2  }
0x750: {  	v12 =	vsel vm2, v14, v12;
	v18 =	vld.idx.msk [tilespmem:v18+s20+$0x0], $0xffff;
	v14 =	vxor.u32 $0x80000000, v17  }
0x751: {  	v9 =	vmul.f32 v21, v9;
	v14 =	vsel vm1, v14, v17;
	v17 =	vxor.u32 $0x80000000, v11;
	v13 =	vld.idx.msk [tilespmem:v13+s20+$0x0], $0xffff  }
0x752: {  	[tilespmem:s8+$0xFFFFFFF0] =	vst v10;
	v11 =	vsel vm0, v17, v11;
	v5 =	vmul.f32 v5, v14;
	v10 =	vld.idx.msk [tilespmem:v15+s20+$0x0], $0xffff  }
0x753: {  	[tilespmem:s8+$0x20] =	vst v9;
	v9 =	vmul.f32 v16, v11  }
0x754: {  	[tilespmem:s8+$0x10] =	vst v5;
	v5 =	vmul.f32 v19, v7  }
0x755: {  	v8 =	vmul.f32 v18, v8;
	[tilespmem:s8+$0x30] =	vst v9  }
0x756: {  	[tilespmem:s8+$0xFFFFFFD0] =	vst v5;
	v12 =	vmul.f32 v13, v12  }
0x757: {  	p1 =	seq.s32 s26, $0x7;
	[tilespmem:s8+$0xFFFFFFE0] =	vst v8;
	v6 =	vmul.f32 v10, v6  }
0x758: {  	s0 =	sadd.s32 @!p1 s0, s13;
	[tilespmem:s8+$0x0] =	vst v12  }
0x759: {  	s1 =	sadd.s32 s5, s1;
	s0 =	sshrl.u32 @!p1 s0, $0x3;
	[tilespmem:s8+$0xFFFFFFC0] =	vst v6  }
0x75a: {  	[hbm4b:s1+s6] =	stream.linear.scatter [tilespmem:s30], [sflag:$0x5], $0x1000, $0x38;
	[tilespmem:$0x1A100] =	vst v63  }
0x75b: {  	s2 =	simm.s32 @!p1 $0x0;
	s1 =	sadd.s32 @!p1 s4, s0  }
0x75c: {  	[tilespmem:s2], [sflag:$0x1] =	stream.linear.gather @!p1 [hbm4b:s1+s2], $0x1000, $0x38;
	[tilespmem:$0x1A100] =	vst v63  }
0x75d: {  	s0 =	sadd.s32 @!p1 s7, s0;
	s1 =	simm.s32 @!p1 $0x1000  }
0x75e: {  	[tilespmem:s1], [sflag:$0x2] =	stream.linear.gather @!p1 [hbm4b:s0+s2], $0x1000, $0x38;
	[tilespmem:$0x1A100] =	vst v63  }
0x75f: {  	_ =	swait.ge [sflag:s25], $0x1000  }
0x760: {  	[sflag:s25] =	ssyncset.done $0x0  }
0x761: {  	[sflag:s25] =	ssyncadd.s32 $0xFFFFF000  }
0x762: {  	_ =	swait.ge [sflag:s29], $0x1000  }
0x763: {  	[sflag:s29] =	ssyncset.done $0x0  }
0x764: {  	s0 =	simm.s32 @!p0 $0x6;
	[sflag:s29] =	ssyncadd.s32 $0xFFFFF000  }
0x765: {  	_ =	swait.ge @!p0 [sflag:s0], $0x1000  }
0x766: {  	[sflag:s0] =	ssyncset.done @!p0 $0x0  }
0x767: {  	s11 =	simm.s32 $0x2040;
	[sflag:s0] =	ssyncadd.s32 @!p0 $0xFFFFF000  }
0x768: {  	s23 =	simm.s32 $0x3040;
	v5 =	vld [tilespmem:s11+$0x10]  }
0x769: {  	v6 =	vld [tilespmem:s23+$0xFFFFFFC0]  }
0x76a: {  	v7 =	vld [tilespmem:s11+$0xFFFFFFC0]  }
0x76b: {  	v8 =	vld [tilespmem:s23+$0x30]  }
0x76c: {  	v9 =	vld [tilespmem:s23+$0xFFFFFFF0]  }
0x76d: {  	v10 =	vld [tilespmem:s23+$0x0]  }
0x76e: {  	v11 =	vld [tilespmem:s23+$0x20]  }
0x76f: {  	v14 =	vld [tilespmem:s11+$0xFFFFFFE0]  }
0x770: {  	v15 =	vld [tilespmem:s11+$0x20]  }
0x771: {  	v16 =	vld [tilespmem:s11+$0xFFFFFFF0];
	_ =	sdelay $0x1  }
0x772: {  	vm7 =	vlt.f32 v6, $0.0e+00;
	vm1 =	vlt.f32 v10, $0.0e+00  }
0x773: {  	v13 =	vld [tilespmem:s11+$0x30];
	v6 =	vand.u32 $0x7FFFFFFF, v5;
	vm0 =	vlt.f32 v11, $0.0e+00;
	vm2 =	vlt.f32 v8, $0.0e+00  }
0x774: {  	v12 =	vld [tilespmem:s11+$0x0];
	v8 =	vand.u32 $0x7FFFFFFF, v7;
	vm8 =	vlt.f32 v7, $0.0e+00;
	v7 =	vand.u32 $0x7FFFFFFF, v14  }
0x775: {  	vm5 =	vlt.f32 v9, $0.0e+00;
	v10 =	vand.u32 $0x7FFFFFFF, v15;
	v18 =	vand.u32 $0x7FFFFFFF, v16  }
0x776: {  	vm4 =	vlt.f32 v16, $0.0e+00;
	vm6 =	vlt.f32 v14, $0.0e+00;
	v11 =	vmul.f32 $1.241212160e+03, v6  }
0x777: {  	vm3 =	vlt.f32 v15, $0.0e+00;
	v18 =	vmul.f32 $1.241212160e+03, v18;
	v14 =	vmul.f32 $1.241212160e+03, v8  }
0x778: {  	v6 =	vand.u32 $0x7FFFFFFF, v13;
	v19 =	vmul.f32 $1.241212160e+03, v7;
	v21 =	vmul.f32 $1.241212160e+03, v10  }
0x779: {  	v16 =	vmul.f32 $1.241212160e+03, v6;
	v6 =	vand.u32 $0x7FFFFFFF, v12;
	v17 =	vtrunc.f32 v11  }
0x77a: {  	v9 =	vld [tilespmem:s23+$0xFFFFFFE0];
	vm7 =	vmxor vm8, vm7;
	v8 =	vtrunc.f32 v18;
	v15 =	vmul.f32 $1.241212160e+03, v6  }
0x77b: {  	vm5 =	vmxor vm4, vm5;
	v7 =	vtrunc.f32 v14;
	v20 =	vtrunc.f32 v19  }
0x77c: {  	vm0 =	vmxor vm3, vm0;
	v23 =	vtrunc.f32 v21;
	v8 =	vcvt.f32.s32 v8  }
0x77d: {  	v6 =	vsel vm7, $0x3F4F1BBD, v2;
	v17 =	vcvt.f32.s32 v17;
	v10 =	vtrunc.f32 v16  }
0x77e: {  	v7 =	vcvt.f32.s32 v7;
	v20 =	vcvt.f32.s32 v20;
	v26 =	vxor.u32 $0x80000000, v6  }
0x77f: {  	v23 =	vcvt.f32.s32 v23;
	vm11 =	vlt.f32 v9, $0.0e+00;
	v6 =	vsel vm8, v26, v6  }
0x780: {  	v10 =	vcvt.f32.s32 v10;
	vm7 =	vmxor vm6, vm11;
	vm9 =	vgt.s32 v8, $0x0  }
0x781: {  	v9 =	vld [tilespmem:s11+$0xFFFFFFD0];
	vm12 =	vgt.s32 v7, $0x0;
	vm13 =	vgt.s32 v20, $0x0;
	vm10 =	vgt.s32 v17, $0x0  }
0x782: {  	vm14 =	vgt.s32 v23, $0x0;
	v8 =	vnsel vm9, $0x0, v8;
	v25 =	vnsel vm12, $0x0, v7  }
0x783: {  	v7 =	vtrunc.f32 v15;
	v20 =	vnsel vm13, $0x0, v20;
	v17 =	vnsel vm10, $0x0, v17  }
0x784: {  	vm15 =	vgt.s32 v10, $0x0;
	v23 =	vnsel vm14, $0x0, v23;
	v8 =	vmin.u32 v8, $0x1FFF  }
0x785: {  	v26 =	vld [tilespmem:s23+$0xFFFFFFD0];
	v7 =	vcvt.f32.s32 v7;
	v10 =	vnsel vm15, $0x0, v10;
	v20 =	vmin.u32 v20, $0x1FFF  }
0x786: {  	v23 =	vmin.u32 v23, $0x1FFF;
	v25 =	vmin.u32 v25, $0x1FFF;
	v24 =	vand.u32 $0x7FFFFFFF, v9  }
0x787: {  	v22 =	vadd.s32 $0x1, v8;
	v10 =	vmin.u32 v10, $0x1FFF;
	v24 =	vmul.f32 $1.241212160e+03, v24  }
0x788: {  	v29 =	vadd.s32 $0x1, v20;
	v32 =	vadd.s32 $0x1, v23;
	vm8 =	vlt.f32 v9, $0.0e+00  }
0x789: {  	v9 =	vmin.u32 v17, $0x1FFF;
	vm12 =	vgt.s32 v7, $0x0;
	v27 =	vtrunc.f32 v24  }
0x78a: {  	vm14 =	vlt.f32 v26, $0.0e+00;
	v7 =	vnsel vm12, $0x0, v7;
	v17 =	vcvt.f32.s32 v27  }
0x78b: {  	v26 =	vadd.s32 $0x1, v9;
	vm15 =	vmxor vm8, vm14;
	v28 =	vld.idx.msk [tilespmem:v8+s16+$0x0], $0xffff;
	v27 =	vcvt.s32.f32 v8  }
0x78c: {  	v30 =	vmin.u32 v7, $0x1FFF;
	v7 =	vcvt.s32.f32 v10;
	v38 =	vld.idx.msk [tilespmem:v23+s16+$0x0], $0xffff;
	vm13 =	vgt.s32 v17, $0x0  }
0x78d: {  	v22 =	vld.idx.msk [tilespmem:v22+s16+$0x0], $0xffff;
	v18 =	vsub.f32 v18, v27;
	v27 =	vadd.s32 $0x1, v10;
	v17 =	vnsel vm13, $0x0, v17  }
0x78e: {  	v35 =	vsel vm15, $0x3F4F1BBD, v2;
	v23 =	vcvt.s32.f32 v23;
	v36 =	vld.idx.msk [tilespmem:v10+s16+$0x0], $0xffff;
	v17 =	vmin.u32 v17, $0x1FFF  }
0x78f: {  	v8 =	vsel vm7, $0x3F4F1BBD, v2;
	v16 =	vsub.f32 v16, v7;
	v29 =	vld.idx.msk [tilespmem:v29+s16+$0x0], $0xffff;
	v34 =	vadd.s32 $0x1, v17  }
0x790: {  	v7 =	vxor.u32 $0x80000000, v35;
	v31 =	vld.idx.msk [tilespmem:v9+s16+$0x0], $0xffff;
	v9 =	vcvt.s32.f32 v9;
	v10 =	vxor.u32 $0x80000000, v8  }
0x791: {  	v7 =	vsel vm8, v7, v35;
	v26 =	vld.idx.msk [tilespmem:v26+s16+$0x0], $0xffff;
	v8 =	vsel vm6, v10, v8;
	v10 =	vsel vm5, $0x3F4F1BBD, v2  }
0x792: {  	v60 =	vsub.f32 v11, v9;
	v9 =	vcvt.s32.f32 v20;
	v11 =	vsel vm0, $0x3F4F1BBD, v2;
	v27 =	vld.idx.msk [tilespmem:v27+s16+$0x0], $0xffff  }
0x793: {  	vm0 =	vlt.f32 v13, $0.0e+00;
	v13 =	vcvt.s32.f32 v30;
	v37 =	vcvt.s32.f32 v17;
	v17 =	vld.idx.msk [tilespmem:v17+s16+$0x0], $0xffff  }
0x794: {  	v59 =	vxor.u32 $0x80000000, v10;
	v61 =	vxor.u32 $0x80000000, v11;
	vm2 =	vmxor vm0, vm2;
	v34 =	vld.idx.msk [tilespmem:v34+s16+$0x0], $0xffff  }
0x795: {  	v32 =	vld.idx.msk [tilespmem:v32+s16+$0x0], $0xffff;
	v10 =	vsel vm4, v59, v10;
	v19 =	vsub.f32 v19, v9;
	v9 =	vsel vm3, v61, v11  }
0x796: {  	v20 =	vld.idx.msk [tilespmem:v20+s16+$0x0], $0xffff;
	v13 =	vsub.f32 v15, v13;
	v15 =	vsub.f32 v21, v23;
	v21 =	vadd.s32 $0x1, v30  }
0x797: {  	v22 =	vsub.f32 v22, v28;
	v11 =	vsel vm2, $0x3F4F1BBD, v2;
	v23 =	vsub.f32 v27, v36  }
0x798: {  	vm2 =	vlt.f32 v12, $0.0e+00;
	v24 =	vsub.f32 v24, v37;
	v26 =	vsub.f32 v26, v31  }
0x799: {  	v33 =	vld [tilespmem:s23+$0x10];
	v18 =	vmul.f32 v18, v22;
	v22 =	vmul.f32 v16, v23;
	v12 =	vsub.f32 v34, v17  }
0x79a: {  	v23 =	vmul.f32 v60, v26;
	v16 =	vsub.f32 v32, v38;
	v26 =	vcvt.s32.f32 v25  }
0x79b: {  	v62 =	vsub.f32 v29, v20;
	v18 =	vadd.f32 v18, v28;
	v12 =	vmul.f32 v24, v12  }
0x79c: {  	v27 =	vadd.s32 $0x1, v25;
	v15 =	vmul.f32 v15, v16;
	v16 =	vsub.f32 v14, v26  }
0x79d: {  	v14 =	vtrunc.f32 v18;
	v18 =	vmul.f32 v19, v62;
	v17 =	vadd.f32 v12, v17  }
0x79e: {  	vm3 =	vlt.f32 v33, $0.0e+00;
	v23 =	vadd.f32 v23, v31;
	v24 =	vadd.f32 v15, v38;
	v15 =	vld.idx.msk [tilespmem:v25+s16+$0x0], $0xffff  }
0x79f: {  	v19 =	vcvt.f32.s32 v14;
	v26 =	vadd.f32 v18, v20;
	v18 =	vld.idx.msk [tilespmem:v30+s16+$0x0], $0xffff;
	v17 =	vtrunc.f32 v17  }
0x7a0: {  	vm1 =	vmxor vm2, vm1;
	v25 =	vcvt.f32.s32 v17;
	v17 =	vtrunc.f32 v23;
	v23 =	vld.idx.msk [tilespmem:v21+s16+$0x0], $0xffff  }
0x7a1: {  	v12 =	vsel vm1, $0x3F4F1BBD, v2;
	vm1 =	vgt.s32 v19, $0x0;
	v63 =	vtrunc.f32 v24;
	v24 =	vld.idx.msk [tilespmem:v27+s16+$0x0], $0xffff  }
0x7a2: {  	v20 =	vadd.f32 v22, v36;
	v14 =	vxor.u32 $0x80000000, v12;
	v19 =	vnsel vm1, $0x0, v19  }
0x7a3: {  	s9 =	simm.s32 $0x20C0;
	s10 =	simm.s32 $0x30C0;
	v22 =	vtrunc.f32 v26;
	v19 =	vmin.u32 v19, $0xFFFF;
	vm4 =	vgt.s32 v25, $0x0  }
0x7a4: {  	s8 =	simm.s32 $0x0;
	s1 =	simm.s32 $0x5040;
	s0 =	simm.s32 $0x5040;
	v17 =	vcvt.f32.s32 v17;
	v21 =	vnsel vm4, $0x0, v25;
	v25 =	vcvt.f32.s32 v63  }
.LBB2_116:
0x7a5: {  	v26 =	vld [tilespmem:s9+$0x10];
	s8 =	sadd.s32 $0x8, s8;
	v21 =	vmin.u32 v21, $0xFFFF;
	v22 =	vcvt.f32.s32 v22;
	v23 =	vsub.f32 v23, v18;
	s1 =	sadd.s32 $0x80, s1  }
0x7a6: {  	v24 =	vsub.f32 v24, v15;
	v20 =	vtrunc.f32 v20;
	v27 =	vld [tilespmem:s10+$0xFFFFFFC0];
	p0 =	slt.u32 s8, $0xF8;
	vm1 =	vgt.s32 v25, $0x0  }
0x7a7: {  	vm4 =	vlt.f32 v5, $0.0e+00;
	v28 =	vld [tilespmem:s9+$0xFFFFFFC0];
	v13 =	vmul.f32 v13, v23;
	v5 =	vnsel vm1, $0x0, v25  }
0x7a8: {  	v16 =	vmul.f32 v16, v24;
	vm1 =	vmxor vm4, vm3;
	v23 =	vld [tilespmem:s10+$0x30];
	v24 =	vmin.u32 v5, $0xFFFF  }
0x7a9: {  	v29 =	vsel vm2, v14, v12;
	v14 =	vcvt.f32.s32 v20;
	v12 =	vsel vm1, $0x3F4F1BBD, v2;
	v25 =	vld [tilespmem:s10+$0xFFFFFFF0]  }
0x7aa: {  	v15 =	vadd.f32 v16, v15;
	v13 =	vadd.f32 v13, v18;
	v16 =	vxor.u32 $0x80000000, v12;
	v5 =	vmovc v26  }
0x7ab: {  	vm1 =	vgt.s32 v22, $0x0;
	vm2 =	vgt.s32 v14, $0x0;
	v20 =	vsel vm4, v16, v12;
	v19 =	vld.idx.msk [tilespmem:v19+s20+$0x0], $0xffff  }
0x7ac: {  	v14 =	vnsel vm2, $0x0, v14;
	v15 =	vtrunc.f32 v15;
	v13 =	vtrunc.f32 v13;
	v12 =	vld [tilespmem:s10+$0x0]  }
0x7ad: {  	v26 =	vmin.u32 v14, $0xFFFF;
	vm7 =	vlt.f32 v27, $0.0e+00;
	v18 =	vcvt.f32.s32 v13;
	v16 =	vld [tilespmem:s10+$0x20]  }
0x7ae: {  	v14 =	vcvt.f32.s32 v15;
	v15 =	vnsel vm1, $0x0, v22;
	v22 =	vxor.u32 $0x80000000, v11;
	v13 =	vld [tilespmem:s9+$0x30]  }
0x7af: {  	vm2 =	vgt.s32 v17, $0x0;
	v22 =	vsel vm0, v22, v11;
	vm1 =	vgt.s32 v18, $0x0;
	v27 =	vld [tilespmem:s9+$0xFFFFFFE0]  }
0x7b0: {  	v31 =	vmin.u32 v15, $0xFFFF;
	v15 =	vnsel vm2, $0x0, v17;
	v11 =	vnsel vm1, $0x0, v18;
	v30 =	vld [tilespmem:s9+$0x20]  }
0x7b1: {  	v15 =	vmin.u32 v15, $0xFFFF;
	v32 =	vmin.u32 v11, $0xFFFF;
	v17 =	vld [tilespmem:s9+$0xFFFFFFF0];
	vm1 =	vlt.f32 v12, $0.0e+00  }
0x7b2: {  	vm2 =	vlt.f32 v23, $0.0e+00;
	v11 =	vand.u32 $0x7FFFFFFF, v5;
	v12 =	vld [tilespmem:s9+$0x0];
	vm0 =	vlt.f32 v16, $0.0e+00  }
0x7b3: {  	vm3 =	vgt.s32 v14, $0x0;
	v11 =	vmul.f32 $1.241212160e+03, v11;
	v16 =	vand.u32 $0x7FFFFFFF, v13  }
0x7b4: {  	vm8 =	vlt.f32 v28, $0.0e+00;
	v23 =	vand.u32 $0x7FFFFFFF, v28;
	v28 =	vnsel vm3, $0x0, v14  }
0x7b5: {  	vm5 =	vlt.f32 v25, $0.0e+00;
	v34 =	vand.u32 $0x7FFFFFFF, v27;
	v33 =	vld [tilespmem:s10+$0xFFFFFFE0];
	v25 =	vand.u32 $0x7FFFFFFF, v30  }
0x7b6: {  	v35 =	vtrunc.f32 v11;
	v18 =	vmul.f32 $1.241212160e+03, v16;
	vm4 =	vlt.f32 v17, $0.0e+00;
	v36 =	vld.idx.msk [tilespmem:v15+s20+$0x0], $0xffff  }
0x7b7: {  	v10 =	vmul.f32 v19, v10;
	vm6 =	vlt.f32 v27, $0.0e+00;
	v14 =	vand.u32 $0x7FFFFFFF, v17;
	v19 =	vld.idx.msk [tilespmem:v24+s20+$0x0], $0xffff  }
0x7b8: {  	vm3 =	vlt.f32 v30, $0.0e+00;
	v24 =	vmul.f32 $1.241212160e+03, v14;
	v15 =	vand.u32 $0x7FFFFFFF, v12;
	v27 =	vld.idx.msk [tilespmem:v32+s20+$0x0], $0xffff  }
0x7b9: {  	vm7 =	vmxor vm8, vm7;
	v14 =	vmul.f32 $1.241212160e+03, v23;
	v15 =	vmul.f32 $1.241212160e+03, v15;
	v23 =	vld.idx.msk [tilespmem:v31+s20+$0x0], $0xffff;
	[tilespmem:s0+$0xFFFFFFF0] =	vst v10  }
0x7ba: {  	v28 =	vmin.u32 v28, $0xFFFF;
	v10 =	vsel vm7, $0x3F4F1BBD, v2;
	v17 =	vtrunc.f32 v24;
	v21 =	vld.idx.msk [tilespmem:v21+s20+$0x0], $0xffff  }
0x7bb: {  	v16 =	vmul.f32 $1.241212160e+03, v34;
	vm7 =	vlt.f32 v33, $0.0e+00;
	v30 =	vcvt.f32.s32 v17;
	v26 =	vld.idx.msk [tilespmem:v26+s20+$0x0], $0xffff  }
0x7bc: {  	v31 =	vtrunc.f32 v14;
	v33 =	vcvt.f32.s32 v35;
	vm7 =	vmxor vm6, vm7;
	v32 =	vld [tilespmem:s9+$0xFFFFFFD0]  }
0x7bd: {  	v34 =	vtrunc.f32 v16;
	v17 =	vmul.f32 $1.241212160e+03, v25;
	vm9 =	vgt.s32 v30, $0x0  }
0x7be: {  	v9 =	vmul.f32 v19, v9;
	v25 =	vnsel vm9, $0x0, v30;
	v30 =	vtrunc.f32 v18  }
0x7bf: {  	v19 =	vcvt.f32.s32 v31;
	v27 =	vmul.f32 v27, v29;
	v25 =	vmin.u32 v25, $0x1FFF;
	v28 =	vld.idx.msk [tilespmem:v28+s20+$0x0], $0xffff  }
0x7c0: {  	v20 =	vmul.f32 v36, v20;
	v31 =	vtrunc.f32 v17;
	v29 =	vadd.s32 $0x1, v25;
	[tilespmem:s0+$0x20] =	vst v9  }
0x7c1: {  	v31 =	vcvt.f32.s32 v31;
	vm9 =	vgt.s32 v19, $0x0;
	v9 =	vcvt.f32.s32 v34;
	[tilespmem:s0+$0x0] =	vst v27  }
0x7c2: {  	v8 =	vmul.f32 v23, v8;
	v27 =	vand.u32 $0x7FFFFFFF, v32;
	[tilespmem:s0+$0x10] =	vst v20;
	v20 =	vmul.f32 v26, v22  }
0x7c3: {  	v19 =	vnsel vm9, $0x0, v19;
	vm9 =	vgt.s32 v9, $0x0;
	v22 =	vtrunc.f32 v15  }
0x7c4: {  	vm10 =	vgt.s32 v33, $0x0;
	v7 =	vmul.f32 v21, v7;
	v23 =	vmul.f32 $1.241212160e+03, v27;
	[tilespmem:s0+$0x30] =	vst v20  }
0x7c5: {  	v9 =	vnsel vm9, $0x0, v9;
	v20 =	vxor.u32 $0x80000000, v10;
	v26 =	vmul.f32 v28, v6;
	v21 =	vld.idx.msk [tilespmem:v25+s16+$0x0], $0xffff;
	[tilespmem:s0+$0xFFFFFFE0] =	vst v8  }
0x7c6: {  	v6 =	vsel vm8, v20, v10;
	v8 =	vnsel vm10, $0x0, v33;
	v10 =	vcvt.f32.s32 v30;
	[tilespmem:s0+$0xFFFFFFD0] =	vst v7  }
0x7c7: {  	v22 =	vcvt.f32.s32 v22;
	v20 =	vtrunc.f32 v23;
	vm8 =	vlt.f32 v32, $0.0e+00;
	v7 =	vld [tilespmem:s10+$0xFFFFFFD0];
	[tilespmem:s0+$0xFFFFFFC0] =	vst v26;
	s0 =	smov.u32 s1  }
0x7c8: {  	vm9 =	vgt.s32 v31, $0x0;
	v8 =	vmin.u32 v8, $0x1FFF;
	vm10 =	vgt.s32 v10, $0x0  }
0x7c9: {  	v25 =	vcvt.s32.f32 v25;
	v20 =	vcvt.f32.s32 v20;
	v10 =	vnsel vm10, $0x0, v10  }
0x7ca: {  	v26 =	vnsel vm9, $0x0, v31;
	vm10 =	vgt.s32 v22, $0x0;
	v10 =	vmin.u32 v10, $0x1FFF  }
0x7cb: {  	v24 =	vsub.f32 v24, v25;
	vm9 =	vgt.s32 v20, $0x0;
	v22 =	vnsel vm10, $0x0, v22  }
0x7cc: {  	v27 =	vadd.s32 $0x1, v10;
	vm10 =	vlt.f32 v7, $0.0e+00;
	v25 =	vld.idx.msk [tilespmem:v29+s16+$0x0], $0xffff;
	v7 =	vadd.s32 $0x1, v8  }
0x7cd: {  	v9 =	vmin.u32 v9, $0x1FFF;
	v26 =	vmin.u32 v26, $0x1FFF;
	v20 =	vnsel vm9, $0x0, v20  }
0x7ce: {  	v19 =	vmin.u32 v19, $0x1FFF;
	v20 =	vmin.u32 v20, $0x1FFF;
	vm9 =	vmxor vm8, vm10;
	v28 =	vld.idx.msk [tilespmem:v8+s16+$0x0], $0xffff  }
0x7cf: {  	v22 =	vmin.u32 v22, $0x1FFF;
	v31 =	vcvt.s32.f32 v10;
	v29 =	vadd.s32 $0x1, v9;
	v30 =	vld [tilespmem:s10+$0x10]  }
0x7d0: {  	v32 =	vsel vm7, $0x3F4F1BBD, v2;
	v33 =	vcvt.s32.f32 v8;
	v34 =	vadd.s32 $0x1, v26;
	v35 =	vld.idx.msk [tilespmem:v10+s16+$0x0], $0xffff  }
0x7d1: {  	v36 =	vadd.s32 $0x1, v20;
	v18 =	vsub.f32 v18, v31;
	v10 =	vsel vm9, $0x3F4F1BBD, v2;
	v37 =	vld.idx.msk [tilespmem:v7+s16+$0x0], $0xffff  }
0x7d2: {  	vm5 =	vmxor vm4, vm5;
	v8 =	vxor.u32 $0x80000000, v32;
	v7 =	vxor.u32 $0x80000000, v10;
	v31 =	vld.idx.msk [tilespmem:v26+s16+$0x0], $0xffff  }
0x7d3: {  	v38 =	vcvt.s32.f32 v20;
	v8 =	vsel vm6, v8, v32;
	v32 =	vsel vm5, $0x3F4F1BBD, v2;
	v20 =	vld.idx.msk [tilespmem:v20+s16+$0x0], $0xffff  }
0x7d4: {  	vm0 =	vmxor vm3, vm0;
	v7 =	vsel vm8, v7, v10;
	v10 =	vxor.u32 $0x80000000, v32;
	v27 =	vld.idx.msk [tilespmem:v27+s16+$0x0], $0xffff  }
0x7d5: {  	v23 =	vsub.f32 v23, v38;
	v10 =	vsel vm4, v10, v32;
	v32 =	vsub.f32 v11, v33;
	v29 =	vld.idx.msk [tilespmem:v29+s16+$0x0], $0xffff  }
0x7d6: {  	v11 =	vcvt.s32.f32 v9;
	v33 =	vld.idx.msk [tilespmem:v36+s16+$0x0], $0xffff;
	v36 =	vsel vm0, $0x3F4F1BBD, v2;
	vm0 =	vlt.f32 v13, $0.0e+00  }
0x7d7: {  	v26 =	vcvt.s32.f32 v26;
	v13 =	vcvt.s32.f32 v22;
	v34 =	vld.idx.msk [tilespmem:v34+s16+$0x0], $0xffff;
	v38 =	vxor.u32 $0x80000000, v36  }
0x7d8: {  	v39 =	vsub.f32 v16, v11;
	vm2 =	vmxor vm0, vm2;
	v40 =	vld.idx.msk [tilespmem:v9+s16+$0x0], $0xffff;
	v9 =	vsel vm3, v38, v36  }
0x7d9: {  	v13 =	vsub.f32 v15, v13;
	v36 =	vadd.s32 $0x1, v22;
	v15 =	vsub.f32 v17, v26  }
0x7da: {  	v16 =	vsub.f32 v25, v21;
	v11 =	vsel vm2, $0x3F4F1BBD, v2;
	v17 =	vsub.f32 v27, v35  }
0x7db: {  	v25 =	vadd.s32 $0x1, v19;
	v26 =	vsub.f32 v37, v28;
	vm3 =	vlt.f32 v30, $0.0e+00  }
0x7dc: {  	v16 =	vmul.f32 v24, v16;
	vm2 =	vlt.f32 v12, $0.0e+00;
	v17 =	vmul.f32 v18, v17  }
0x7dd: {  	v24 =	vmul.f32 v32, v26;
	v12 =	vsub.f32 v33, v20;
	v18 =	vsub.f32 v34, v31  }
0x7de: {  	v21 =	vadd.f32 v16, v21;
	v26 =	vcvt.s32.f32 v19;
	v27 =	vsub.f32 v29, v40  }
0x7df: {  	vm1 =	vmxor vm2, vm1;
	v12 =	vmul.f32 v23, v12;
	v29 =	vmul.f32 v15, v18  }
0x7e0: {  	v16 =	vsub.f32 v14, v26;
	v18 =	vtrunc.f32 v21;
	v14 =	vmul.f32 v39, v27;
	v15 =	vld.idx.msk [tilespmem:v19+s16+$0x0], $0xffff  }
0x7e1: {  	v26 =	vadd.f32 v24, v28;
	v21 =	vcvt.f32.s32 v18;
	v19 =	vadd.f32 v12, v20;
	v18 =	vld.idx.msk [tilespmem:v22+s16+$0x0], $0xffff  }
0x7e2: {  	v12 =	vsel vm1, $0x3F4F1BBD, v2;
	v27 =	vadd.f32 v29, v31;
	v22 =	vadd.f32 v14, v40;
	v23 =	vld.idx.msk [tilespmem:v36+s16+$0x0], $0xffff  }
.Ltmp57:
0x7e3: {  	v20 =	vadd.f32 v17, v35;
	v14 =	vxor.u32 $0x80000000, v12;
	v19 =	vtrunc.f32 v19;
	v24 =	vld.idx.msk [tilespmem:v25+s16+$0x0], $0xffff;
	(pc) =	sbr.rel @p0 .LBB2_116-.Ltmp57, $4  }
0x7e4: {  	v19 =	vcvt.f32.s32 v19;
	v25 =	vtrunc.f32 v27  }
0x7e5: {  	v17 =	vtrunc.f32 v26;
	vm1 =	vgt.s32 v21, $0x0;
	v22 =	vtrunc.f32 v22  }
0x7e6: {  	v17 =	vcvt.f32.s32 v17;
	v26 =	vnsel vm1, $0x0, v21;
	vm4 =	vgt.s32 v19, $0x0  }
0x7e7: {  	s9 =	sadd.s32 $0x80, s9;
	s10 =	sadd.s32 $0x80, s10;
	v25 =	vcvt.f32.s32 v25;
	v21 =	vnsel vm4, $0x0, v19;
	v19 =	vmin.u32 v26, $0xFFFF  }
0x7e8: {  	v23 =	vsub.f32 v23, v18  }
0x7e9: {  	v48 =	vsub.f32 v24, v15;
	v20 =	vtrunc.f32 v20  }
0x7ea: {  	v50 =	vcvt.f32.s32 v22;
	vm4 =	vgt.s32 v17, $0x0;
	v13 =	vmul.f32 v13, v23  }
0x7eb: {  	vm1 =	vgt.s32 v25, $0x0;
	v20 =	vcvt.f32.s32 v20;
	v16 =	vmul.f32 v16, v48  }
0x7ec: {  	v53 =	vnsel vm4, $0x0, v17;
	v49 =	vnsel vm1, $0x0, v25;
	v13 =	vadd.f32 v13, v18  }
0x7ed: {  	vm12 =	vgt.s32 v50, $0x0;
	vm13 =	vgt.s32 v20, $0x0;
	v52 =	vadd.f32 v16, v15  }
0x7ee: {  	v51 =	vmin.u32 v49, $0xFFFF;
	v54 =	vnsel vm13, $0x0, v20;
	v13 =	vtrunc.f32 v13  }
0x7ef: {  	v16 =	vmin.u32 v53, $0xFFFF;
	v15 =	vtrunc.f32 v52;
	v13 =	vcvt.f32.s32 v13  }
0x7f0: {  	v18 =	vnsel vm12, $0x0, v50;
	v17 =	vmin.u32 v54, $0xFFFF;
	v15 =	vcvt.f32.s32 v15  }
0x7f1: {  	v18 =	vmin.u32 v18, $0xFFFF;
	vm11 =	vgt.s32 v13, $0x0  }
0x7f2: {  	v19 =	vld.idx.msk [tilespmem:v19+s20+$0x0], $0xffff;
	v55 =	vmin.u32 v21, $0xFFFF;
	vm14 =	vgt.s32 v15, $0x0;
	v13 =	vnsel vm11, $0x0, v13  }
0x7f3: {  	v56 =	vld.idx.msk [tilespmem:v51+s20+$0x0], $0xffff;
	v15 =	vnsel vm14, $0x0, v15;
	v13 =	vmin.u32 v13, $0xFFFF  }
0x7f4: {  	vm15 =	vlt.f32 v5, $0.0e+00;
	v5 =	vld.idx.msk [tilespmem:v16+s20+$0x0], $0xffff;
	v15 =	vmin.u32 v15, $0xFFFF  }
0x7f5: {  	vm3 =	vmxor vm15, vm3;
	v57 =	vld.idx.msk [tilespmem:v17+s20+$0x0], $0xffff  }
0x7f6: {  	v58 =	vsel vm3, $0x3F4F1BBD, v2;
	v18 =	vld.idx.msk [tilespmem:v18+s20+$0x0], $0xffff  }
0x7f7: {  	v12 =	vsel vm2, v14, v12;
	v59 =	vxor.u32 $0x80000000, v58;
	v10 =	vmul.f32 v19, v10;
	v60 =	vld.idx.msk [tilespmem:v55+s20+$0x0], $0xffff  }
0x7f8: {  	v61 =	vxor.u32 $0x80000000, v11;
	v14 =	vsel vm15, v59, v58;
	v9 =	vmul.f32 v56, v9;
	v13 =	vld.idx.msk [tilespmem:v13+s20+$0x0], $0xffff  }
0x7f9: {  	v11 =	vsel vm0, v61, v11;
	[tilespmem:s0+$0xFFFFFFF0] =	vst v10;
	v5 =	vmul.f32 v5, v14;
	v62 =	vld.idx.msk [tilespmem:v15+s20+$0x0], $0xffff  }
0x7fa: {  	[tilespmem:s0+$0x20] =	vst v9;
	v63 =	vmul.f32 v57, v11  }
0x7fb: {  	s26 =	sadd.s32 $0x1, s26;
	v8 =	vmul.f32 v18, v8;
	[tilespmem:s0+$0x10] =	vst v5  }
0x7fc: {  	p0 =	sne.s32 s26, $0x8;
	v5 =	vmul.f32 v60, v7;
	[tilespmem:s0+$0x30] =	vst v63  }
.Ltmp58:
0x7fd: {  	[tilespmem:s0+$0xFFFFFFE0] =	vst v8;
	v12 =	vmul.f32 v13, v12;
	(pc) =	sbr.rel @p0 .LBB2_113-.Ltmp58, $4  }
0x7fe: {  	[tilespmem:s0+$0xFFFFFFD0] =	vst v5;
	v6 =	vmul.f32 v62, v6  }
0x7ff: {  	[tilespmem:s0+$0x0] =	vst v12  }
0x800: {  	s28 =	sadd.s32 s5, s28;
	[tilespmem:s0+$0xFFFFFFC0] =	vst v6  }
0x801: {  	[hbm4b:s28+s6] =	stream.linear.scatter [tilespmem:s31], [sflag:$0x6], $0x1000, $0x38;
	[tilespmem:$0x1A100] =	vst v63  }
0x802: {  	s0 =	simm.s32 $0x5  }
0x803: {  	_ =	swait.ge [sflag:s0], $0x1000  }
0x804: {  	[sflag:s0] =	ssyncset.done $0x0  }
0x805: {  	s1 =	simm.s32 $0x6;
	[sflag:s0] =	ssyncadd.s32 $0xFFFFF000  }
0x806: {  	_ =	swait.ge [sflag:s1], $0x1000  }
0x807: {  	s2 =	rddreg [dreg:$0xa]  }
0x808: {  	s31 =	rddreg [dreg:$0x9];
	s2 =	sadd.s32 $0x1, s2  }
0x809: {  	p0 =	sne.s32 s2, s31  }
.Ltmp59:
0x80a: {  	_ = 	snop;
	(pc) =	sbr.rel @p0 .LBB2_2-.Ltmp59, $3  }
0x80b: {  	_ =	sdelay $0x1  }
0x80c: {  	[sflag:s1] =	ssyncset.done $0x0  }
0x80d: {  	[sflag:s1] =	ssyncadd.s32 $0xFFFFF000  }
.LBB2_119:
0x80e: {  	_ =	sfence.sel $0x180000  }
0x80f: {  	[bflag:$0x0] =	sbarrier.arrive $0xFFFF  }
0x810: {  	_ =	strace $0x90000047  }
0x811: {  	s0 =	stileid.u32;
	[bflag:$0x2] =	sbarrier.arrive $0xFFFF  }
0x812: {  	p0 =	sne.s32 s0, $0x0;
	s0 =	rddreg [dreg:$0x2]  }
0x813: {  	s0 =	sadd.s32 @!p0 $0x100000, s0  }
0x814: {  	[sflag:s0] =	ssyncadd.tile.s32 @!p0 $0x1;
	_ =	shalt  }
.Lfunc_end2:
_tile_overlayer_lowered:
.L_overlay_start_2:
0x815: {  	(tag) =	ssettag $0x2  }
0x816: {  	s0 =	rddreg [dreg:$0x0];
	s2 =	stileid.u32  }
0x817: {  	s1 =	rddreg [dreg:$0x1];
	p0 =	sne.s32 s2, $0x0  }
0x818: {  	s3 =	rddreg [dreg:$0x2];
	[bflag:$0x3] =	sbarrier.arrive $0xFFFF;
	s2 =	simm.s32 @!p0 $0x1C07  }
0x819: {  	[timem:s3], [sflag:s2] =	dma.local @!p0 [hbm:s0], s1  }
0x81a: {  	s0 =	simm.s32 @!p0 $0x7  }
0x81b: {  	_ =	swait.ge @!p0 [sflag:s0], s1  }
0x81c: {  	s1 =	ssub.s32 @!p0 $0x0, s1;
	[sflag:s0] =	ssyncset.done @!p0 $0x0  }
0x81d: {  	[sflag:s0] =	ssyncadd.s32 @!p0 s1  }
0x81e: {  	[bflag:$0x3] =	sbarrier.arrive $0xFFFF  }
0x81f: {  	_ =	shalt  }

</sc_bundles>
